<compile_context>
chip_gen: v7x
topology: tpu7x:2x2x1
jax: 0.10.2.dev20260603
libtpu: 0.0.44.dev20260713+nightly
codegen_flags: <defaults>
</compile_context>

<pallas_src>
import jax
import jax.numpy as jnp
from jax import lax
from jax.experimental import pallas as pl
from jax.experimental.pallas import tpu as pltpu
from jax.experimental.pallas import tpu_sc as plsc

L = 16
TOPK = 64
CAP = 768


def _make_sc_kernel(B, N):
    NC, NS = 2, 16
    NW = NC * NS
    ROWS = B // NW
    NCHUNK = N // L

    mesh = plsc.VectorSubcoreMesh(core_axis_name="c", subcore_axis_name="s")

    def body(x_hbm, fc_hbm, fv_hbm, z_hbm, sh_hbm, out_hbm,
             xb, fcb, fvb, zb, shb, candv, candi, ov, oi, threshr, tmp):
        cc = lax.axis_index("c")
        ss = lax.axis_index("s")
        wid = ss * NC + cc
        pltpu.sync_copy(fv_hbm, fvb)
        pltpu.sync_copy(z_hbm, zb)
        pltpu.sync_copy(sh_hbm, shb)
        fvv = fvb[...]
        zv = zb[...]
        sv = shb[...]
        iota = lax.iota(jnp.int32, L)

        def popcount(mask):
            return plsc.all_reduce_population_count(mask)[0]

        def key_to_fsplat(kk):
            kv = jnp.broadcast_to(kk, (L,))
            bits = jnp.where(kv >= jnp.uint32(0x80000000),
                             kv & jnp.uint32(0x7FFFFFFF), ~kv)
            return plsc.bitcast(bits, jnp.float32)

        def count_lt(fsplat, nc):
            nv = (nc + (L - 1)) // L
            def cbody(j, acc):
                v = candv[pl.ds(j * L, L)]
                valid = (iota + j * L) < nc
                return acc + plsc.all_reduce_population_count(
                    (v < fsplat) & valid)
            acc = lax.fori_loop(0, nv, cbody, jnp.zeros((L,), jnp.int32))
            return acc[0]

        def select64(nc):
            def bbody(_, lohi):
                lo, hi = lohi
                mid = lo + (hi - lo) // jnp.uint32(2)
                c = count_lt(key_to_fsplat(mid), nc)
                p = c >= TOPK
                return (jnp.where(p, lo, mid + jnp.uint32(1)),
                        jnp.where(p, mid, hi))
            lo, _hi = lax.fori_loop(
                0, 32, bbody,
                (jnp.uint32(0x00800000), jnp.uint32(0xFF7FFFFF)))
            fKv = key_to_fsplat(lo - jnp.uint32(1))
            nv = (nc + (L - 1)) // L

            def gbody(j, pos):
                v = candv[pl.ds(j * L, L)]
                ii = candi[pl.ds(j * L, L)]
                valid = (iota + j * L) < nc
                cm = (v < fKv) & valid
                plsc.store_compressed(ov.at[pl.ds(pos, L)], v, mask=cm)
                plsc.store_compressed(oi.at[pl.ds(pos, L)], ii, mask=cm)
                return pos + popcount(cm)
            pos = lax.fori_loop(0, nv, gbody, jnp.int32(0))

            def ebody(j, pos):
                v = candv[pl.ds(j * L, L)]
                ii = candi[pl.ds(j * L, L)]
                valid = (iota + j * L) < nc
                cm = (v == fKv) & valid
                plsc.store_compressed(ov.at[pl.ds(pos, L)], v, mask=cm)
                plsc.store_compressed(oi.at[pl.ds(pos, L)], ii, mask=cm)
                return pos + popcount(cm)
            lax.fori_loop(0, nv, ebody, pos)
            return fKv

        def sort64():
            for kk in (2, 4, 8, 16, 32, 64):
                js = kk // 2
                while js >= 1:
                    nvs, nis = [], []
                    for r in range(4):
                        p = iota + r * L
                        av = ov[pl.ds(r * L, L)]
                        ai = oi[pl.ds(r * L, L)]
                        perm = p ^ js
                        bv = plsc.load_gather(ov, [perm])
                        bi = plsc.load_gather(oi, [perm])
                        b_lt = (bv < av) | ((bv == av) & (bi < ai))
                        descv = (p & kk) != 0
                        lower = (p & js) == 0
                        keep_min = lower != descv
                        take_b = keep_min == b_lt
                        nvs.append(jnp.where(take_b, bv, av))
                        nis.append(jnp.where(take_b, bi, ai))
                    for r in range(4):
                        ov[pl.ds(r * L, L)] = nvs[r]
                        oi[pl.ds(r * L, L)] = nis[r]
                    js //= 2

        def do_row(rr, _):
            row = wid * ROWS + rr
            pltpu.sync_copy(x_hbm.at[row], xb)
            pltpu.sync_copy(fc_hbm.at[row], fcb)
            G = 32

            def group(gg, carry):
                nc, threshv = carry
                gbase = gg * (G * L)
                avs, cms = [], []
                for u in range(G):
                    base = gbase + u * L
                    xv = xb[pl.ds(base, L)]
                    fcv = fcb[pl.ds(base, L)]
                    av = xv + jnp.where(fcv == fvv, zv, sv)
                    cms.append(av < threshv)
                    avs.append(av)
                cnts = [popcount(cms[u]) for u in range(G)]
                offs = [nc]
                for u in range(1, G):
                    offs.append(offs[u - 1] + cnts[u - 1])
                for u in range(G):
                    plsc.store_compressed(candv.at[pl.ds(offs[u], L)],
                                          avs[u], mask=cms[u])
                    plsc.store_compressed(candi.at[pl.ds(offs[u], L)],
                                          iota + (gbase + u * L),
                                          mask=cms[u])
                nc2 = offs[G - 1] + cnts[G - 1]

                def do_compact():
                    fKv = select64(nc2)
                    for r in range(4):
                        candv[pl.ds(r * L, L)] = ov[pl.ds(r * L, L)]
                        candi[pl.ds(r * L, L)] = oi[pl.ds(r * L, L)]
                    return (jnp.int32(TOPK), fKv)

                return lax.cond(nc2 > CAP - G * L, do_compact,
                                lambda: (nc2, threshv))

            nc, _t = lax.fori_loop(
                0, NCHUNK // G, group,
                (jnp.int32(0), jnp.full((L,), jnp.inf, jnp.float32)))
            select64(nc)
            sort64()
            pltpu.sync_copy(oi.at[pl.ds(0, TOPK)],
                            out_hbm.at[pl.ds(row * TOPK, TOPK)])
            return _

        lax.fori_loop(0, ROWS, do_row, 0)

    return pl.kernel(
        body,
        out_type=jax.ShapeDtypeStruct((B * TOPK,), jnp.int32),
        mesh=mesh,
        compiler_params=pltpu.CompilerParams(needs_layout_passes=False),
        scratch_types=[
            pltpu.VMEM((N,), jnp.float32),
            pltpu.VMEM((N,), jnp.int32),
            pltpu.VMEM((L,), jnp.int32),
            pltpu.VMEM((L,), jnp.float32),
            pltpu.VMEM((L,), jnp.float32),
            pltpu.VMEM((CAP,), jnp.float32),
            pltpu.VMEM((CAP,), jnp.int32),
            pltpu.VMEM((CAP + L,), jnp.float32),
            pltpu.VMEM((CAP + L,), jnp.int32),
            pltpu.VMEM((L,), jnp.float32),
            pltpu.VMEM((L,), jnp.int32),
        ],
    )


def _adjust_body(x_ref, fc_ref, fv_ref, z_ref, shim_ref, o_ref):
    fv = fv_ref[0, 0]
    z = z_ref[0, 0]
    s = shim_ref[0, 0]
    o_ref[...] = x_ref[...] + jnp.where(fc_ref[...] == fv, z, s)


def _adjust(x, filterColumn, filterValue, z, shim):
    B, N = x.shape
    RB = 8
    return pl.pallas_call(
        _adjust_body,
        grid=(B // RB,),
        in_specs=[
            pl.BlockSpec((RB, N), lambda i: (i, 0)),
            pl.BlockSpec((RB, N), lambda i: (i, 0)),
            pl.BlockSpec((1, 1), lambda i: (0, 0), memory_space=pltpu.SMEM),
            pl.BlockSpec((1, 1), lambda i: (0, 0), memory_space=pltpu.SMEM),
            pl.BlockSpec((1, 1), lambda i: (0, 0), memory_space=pltpu.SMEM),
        ],
        out_specs=pl.BlockSpec((RB, N), lambda i: (i, 0)),
        out_shape=jax.ShapeDtypeStruct((B, N), jnp.float32),
    )(x, filterColumn,
      jnp.asarray(filterValue, jnp.int32).reshape(1, 1),
      z.reshape(1, 1), shim.reshape(1, 1))


def kernel(x, filterColumn, filterValue, z, shim, k):
    B, N = x.shape
    fv16 = jnp.broadcast_to(jnp.asarray(filterValue, jnp.int32), (L,))
    z16 = jnp.broadcast_to(z.astype(jnp.float32), (L,))
    sh16 = jnp.broadcast_to(shim.astype(jnp.float32), (L,))
    idx = _make_sc_kernel(B, N)(x, filterColumn, fv16, z16,
                                sh16).reshape(B, TOPK)
    return idx + (jnp.asarray(k, dtype=idx.dtype) - TOPK)

# --- scband reference (transcript-rebuilt; emitter-appended) ---
"""Pipeline reference for scband-filtered-top-kmodel-50886772523396 (READ-ONLY COPY).

The authoritative reference and input builder live on the scoring server;
editing this copy changes nothing except your own understanding.
"""

import jax, jax.numpy as jnp
import numpy as np


def setup_inputs(seed: int = 0) -> dict:
    key = jax.random.key(seed)
    k1, k2, k3, k4 = jax.random.split(key, 4)
    B, N = 128, 32768
    x = jax.random.normal(k1, (B, N), dtype=jnp.float32)
    # int32 used in jax (x64 disabled by default); semantics identical for equality compare
    filterColumn = jax.random.randint(k2, (B, N), 0, 10, dtype=jnp.int32)
    z = jax.random.normal(k3, (1,), dtype=jnp.float32)
    shim = jax.random.normal(k4, (1,), dtype=jnp.float32)
    filterValue = 5
    k = 64
    return {"x": x, "filterColumn": filterColumn, "filterValue": filterValue, "z": z, "shim": shim, "k": k}


def reference(x, filterColumn, filterValue, z, shim, k):
    # adjusted = x + where(filterColumn == filterValue, z, shim)
    adjusted = x + jnp.where(filterColumn == filterValue, z, shim)
    # torch.topk(..., largest=False) -> k smallest values; emulate via top_k of negated scores
    static_k = 64
    _, topk_indices = jax.lax.top_k(-adjusted, static_k)
    topk_indices = topk_indices + (jnp.asarray(k, dtype=topk_indices.dtype) - static_k)
    return topk_indices

if __name__ == "__main__":
    import jax
    _d = setup_inputs()
    print(jax.jit(kernel)(*tuple(_d.values())))

</pallas_src>

<mosaic_0001>
#map = affine_map<(d0, d1) -> (0, 0)>
#map1 = affine_map<(d0, d1) -> (0)>
module attributes {stable_mosaic.version = 14 : i64} {
  func.func @body(%arg0: i32, %arg1: i32, %arg2: memref<128x32768xf32, #tpu.memory_space<hbm>>, %arg3: memref<128x32768xi32, #tpu.memory_space<hbm>>, %arg4: memref<16xi32, #tpu.memory_space<hbm>>, %arg5: memref<16xf32, #tpu.memory_space<hbm>>, %arg6: memref<16xf32, #tpu.memory_space<hbm>>, %arg7: memref<8192xi32, #tpu.memory_space<hbm>>, %arg8: memref<32768xf32, #tpu.memory_space<vmem>>, %arg9: memref<32768xi32, #tpu.memory_space<vmem>>, %arg10: memref<16xi32, #tpu.memory_space<vmem>>, %arg11: memref<16xf32, #tpu.memory_space<vmem>>, %arg12: memref<16xf32, #tpu.memory_space<vmem>>, %arg13: memref<768xf32, #tpu.memory_space<vmem>>, %arg14: memref<768xi32, #tpu.memory_space<vmem>>, %arg15: memref<784xf32, #tpu.memory_space<vmem>>, %arg16: memref<784xi32, #tpu.memory_space<vmem>>, %arg17: memref<16xf32, #tpu.memory_space<vmem>>, %arg18: memref<16xi32, #tpu.memory_space<vmem>>) attributes {dimension_semantics = [#tpu.dimension_semantics<core_parallel>, #tpu.dimension_semantics<subcore_parallel>], iteration_bounds = array<i64: 2, 16>, scalar_prefetch = 0 : i64, scratch_operands = 11 : i64, tpu.core_type = #tpu.core_type<sc_vector_subcore>, window_params = [{transform_indices = #map}, {transform_indices = #map}, {transform_indices = #map1}, {transform_indices = #map1}, {transform_indices = #map1}, {transform_indices = #map1}]} {
    %mul3A = arith.constant 2 : i32
    %mul3A_0 = arith.muli %arg1, %mul3A : i32
    %add3A = arith.addi %mul3A_0, %arg0 : i32
    "tpu.region"() ({
      %run_scoped3A = tpu.sem_alloc : memref<!tpu.dma_semaphore, #tpu.memory_space<semaphore_mem>>
      tpu.enqueue_dma source(%arg4 : memref<16xi32, #tpu.memory_space<hbm>>) target(%arg10 : memref<16xi32, #tpu.memory_space<vmem>>) target_semaphore(%run_scoped3A : memref<!tpu.dma_semaphore, #tpu.memory_space<semaphore_mem>>)
      tpu.wait_dma2 semaphore(%run_scoped3A : memref<!tpu.dma_semaphore, #tpu.memory_space<semaphore_mem>>) src(%arg4 : memref<16xi32, #tpu.memory_space<hbm>>) dst(%arg10 : memref<16xi32, #tpu.memory_space<vmem>>)
      tpu.yield
    }) : () -> ()
    "tpu.region"() ({
      %run_scoped3A = tpu.sem_alloc : memref<!tpu.dma_semaphore, #tpu.memory_space<semaphore_mem>>
      tpu.enqueue_dma source(%arg5 : memref<16xf32, #tpu.memory_space<hbm>>) target(%arg11 : memref<16xf32, #tpu.memory_space<vmem>>) target_semaphore(%run_scoped3A : memref<!tpu.dma_semaphore, #tpu.memory_space<semaphore_mem>>)
      tpu.wait_dma2 semaphore(%run_scoped3A : memref<!tpu.dma_semaphore, #tpu.memory_space<semaphore_mem>>) src(%arg5 : memref<16xf32, #tpu.memory_space<hbm>>) dst(%arg11 : memref<16xf32, #tpu.memory_space<vmem>>)
      tpu.yield
    }) : () -> ()
    "tpu.region"() ({
      %run_scoped3A = tpu.sem_alloc : memref<!tpu.dma_semaphore, #tpu.memory_space<semaphore_mem>>
      tpu.enqueue_dma source(%arg6 : memref<16xf32, #tpu.memory_space<hbm>>) target(%arg12 : memref<16xf32, #tpu.memory_space<vmem>>) target_semaphore(%run_scoped3A : memref<!tpu.dma_semaphore, #tpu.memory_space<semaphore_mem>>)
      tpu.wait_dma2 semaphore(%run_scoped3A : memref<!tpu.dma_semaphore, #tpu.memory_space<semaphore_mem>>) src(%arg6 : memref<16xf32, #tpu.memory_space<hbm>>) dst(%arg12 : memref<16xf32, #tpu.memory_space<vmem>>)
      tpu.yield
    }) : () -> ()
    %get3A = arith.constant 0 : index
    %get3A_1 = tpu.vector_load %arg10[%get3A] {strides = array<i32>} : memref<16xi32, #tpu.memory_space<vmem>>, vector<16xi32>,
    %get3A_2 = arith.constant 0 : index
    %get3A_3 = tpu.vector_load %arg11[%get3A_2] {strides = array<i32>} : memref<16xf32, #tpu.memory_space<vmem>>, vector<16xf32>,
    %get3A_4 = arith.constant 0 : index
    %get3A_5 = tpu.vector_load %arg12[%get3A_4] {strides = array<i32>} : memref<16xf32, #tpu.memory_space<vmem>>, vector<16xf32>,
    %iota3A = tpu.iota {dimensions = array<i32: 0>} : vector<16xi32>
    %scan3A = arith.constant 0 : i32
    %scan3A_6 = arith.constant 0 : i32
    %scan3A_7 = arith.constant 4 : i32
    %scan3A_8 = arith.addi %scan3A_6, %scan3A_7 : i32
    %scan3A_9 = arith.constant 1 : i32
    scf.for %scan3A_11 = %scan3A_6 to %scan3A_8 step %scan3A_9  : i32 {
      %mul3A_12 = arith.constant 4 : i32
      %mul3A_13 = arith.muli %add3A, %mul3A_12 : i32
      %add3A_14 = arith.addi %mul3A_13, %scan3A_11 : i32
      "tpu.region"() ({
        %run_scoped3A = tpu.sem_alloc : memref<!tpu.dma_semaphore, #tpu.memory_space<semaphore_mem>>
        %dma_start3A = arith.constant 0 : i32
        %dma_start3A_3353 = tpu.memref_slice %arg2[%add3A_14, %dma_start3A] : memref<128x32768xf32, #tpu.memory_space<hbm>> -> memref<1x32768xf32, #tpu.memory_space<hbm>>
        %dma_start3A_3354 = tpu.memref_squeeze %dma_start3A_3353 : memref<1x32768xf32, #tpu.memory_space<hbm>> -> memref<32768xf32, #tpu.memory_space<hbm>>
        %dma_start3A_3355 = arith.constant 0 : i32
        %dma_start3A_3356 = tpu.memref_slice %arg2[%add3A_14, %dma_start3A_3355] : memref<128x32768xf32, #tpu.memory_space<hbm>> -> memref<1x32768xf32, #tpu.memory_space<hbm>>
        %dma_start3A_3357 = tpu.memref_squeeze %dma_start3A_3356 : memref<1x32768xf32, #tpu.memory_space<hbm>> -> memref<32768xf32, #tpu.memory_space<hbm>>
        tpu.enqueue_dma source(%dma_start3A_3357 : memref<32768xf32, #tpu.memory_space<hbm>>) target(%arg8 : memref<32768xf32, #tpu.memory_space<vmem>>) target_semaphore(%run_scoped3A : memref<!tpu.dma_semaphore, #tpu.memory_space<semaphore_mem>>)
        %dma_wait3A = arith.constant 0 : i32
        %dma_wait3A_3358 = tpu.memref_slice %arg2[%add3A_14, %dma_wait3A] : memref<128x32768xf32, #tpu.memory_space<hbm>> -> memref<1x32768xf32, #tpu.memory_space<hbm>>
        %dma_wait3A_3359 = tpu.memref_squeeze %dma_wait3A_3358 : memref<1x32768xf32, #tpu.memory_space<hbm>> -> memref<32768xf32, #tpu.memory_space<hbm>>
        %dma_wait3A_3360 = arith.constant 0 : i32
        %dma_wait3A_3361 = tpu.memref_slice %arg2[%add3A_14, %dma_wait3A_3360] : memref<128x32768xf32, #tpu.memory_space<hbm>> -> memref<1x32768xf32, #tpu.memory_space<hbm>>
        %dma_wait3A_3362 = tpu.memref_squeeze %dma_wait3A_3361 : memref<1x32768xf32, #tpu.memory_space<hbm>> -> memref<32768xf32, #tpu.memory_space<hbm>>
        tpu.wait_dma2 semaphore(%run_scoped3A : memref<!tpu.dma_semaphore, #tpu.memory_space<semaphore_mem>>) src(%dma_wait3A_3362 : memref<32768xf32, #tpu.memory_space<hbm>>) dst(%arg8 : memref<32768xf32, #tpu.memory_space<vmem>>)
        tpu.yield
      }) : () -> ()
      "tpu.region"() ({
        %run_scoped3A = tpu.sem_alloc : memref<!tpu.dma_semaphore, #tpu.memory_space<semaphore_mem>>
        %dma_start3A = arith.constant 0 : i32
        %dma_start3A_3353 = tpu.memref_slice %arg3[%add3A_14, %dma_start3A] : memref<128x32768xi32, #tpu.memory_space<hbm>> -> memref<1x32768xi32, #tpu.memory_space<hbm>>
        %dma_start3A_3354 = tpu.memref_squeeze %dma_start3A_3353 : memref<1x32768xi32, #tpu.memory_space<hbm>> -> memref<32768xi32, #tpu.memory_space<hbm>>
        %dma_start3A_3355 = arith.constant 0 : i32
        %dma_start3A_3356 = tpu.memref_slice %arg3[%add3A_14, %dma_start3A_3355] : memref<128x32768xi32, #tpu.memory_space<hbm>> -> memref<1x32768xi32, #tpu.memory_space<hbm>>
        %dma_start3A_3357 = tpu.memref_squeeze %dma_start3A_3356 : memref<1x32768xi32, #tpu.memory_space<hbm>> -> memref<32768xi32, #tpu.memory_space<hbm>>
        tpu.enqueue_dma source(%dma_start3A_3357 : memref<32768xi32, #tpu.memory_space<hbm>>) target(%arg9 : memref<32768xi32, #tpu.memory_space<vmem>>) target_semaphore(%run_scoped3A : memref<!tpu.dma_semaphore, #tpu.memory_space<semaphore_mem>>)
        %dma_wait3A = arith.constant 0 : i32
        %dma_wait3A_3358 = tpu.memref_slice %arg3[%add3A_14, %dma_wait3A] : memref<128x32768xi32, #tpu.memory_space<hbm>> -> memref<1x32768xi32, #tpu.memory_space<hbm>>
        %dma_wait3A_3359 = tpu.memref_squeeze %dma_wait3A_3358 : memref<1x32768xi32, #tpu.memory_space<hbm>> -> memref<32768xi32, #tpu.memory_space<hbm>>
        %dma_wait3A_3360 = arith.constant 0 : i32
        %dma_wait3A_3361 = tpu.memref_slice %arg3[%add3A_14, %dma_wait3A_3360] : memref<128x32768xi32, #tpu.memory_space<hbm>> -> memref<1x32768xi32, #tpu.memory_space<hbm>>
        %dma_wait3A_3362 = tpu.memref_squeeze %dma_wait3A_3361 : memref<1x32768xi32, #tpu.memory_space<hbm>> -> memref<32768xi32, #tpu.memory_space<hbm>>
        tpu.wait_dma2 semaphore(%run_scoped3A : memref<!tpu.dma_semaphore, #tpu.memory_space<semaphore_mem>>) src(%dma_wait3A_3362 : memref<32768xi32, #tpu.memory_space<hbm>>) dst(%arg9 : memref<32768xi32, #tpu.memory_space<vmem>>)
        tpu.yield
      }) : () -> ()
      %broadcast_in_dim3A = arith.constant 0x7F800000 : f32
      %broadcast_in_dim3A_15 = vector.broadcast %broadcast_in_dim3A : f32 to vector<16xf32>
      %scan3A_16 = arith.constant 0 : i32
      %scan3A_17 = arith.constant 0 : i32
      %scan3A_18 = arith.constant 64 : i32
      %scan3A_19 = arith.addi %scan3A_17, %scan3A_18 : i32
      %scan3A_20 = arith.constant 1 : i32
      %scan3A_21:2 = scf.for %scan3A_3353 = %scan3A_17 to %scan3A_19 step %scan3A_20 iter_args(%scan3A_3354 = %scan3A_16, %scan3A_3355 = %broadcast_in_dim3A_15) -> (i32, vector<16xf32>)  : i32 {
        %mul3A_3356 = arith.constant 512 : i32
        %mul3A_3357 = arith.muli %scan3A_3353, %mul3A_3356 : i32
        %add3A_3358 = arith.constant 0 : i32
        %add3A_3359 = arith.addi %mul3A_3357, %add3A_3358 : i32
        %get3A_3360 = arith.index_cast %add3A_3359 : i32 to index
        %get3A_3361 = tpu.vector_load %arg8[%get3A_3360] {strides = array<i32>} : memref<32768xf32, #tpu.memory_space<vmem>>, vector<16xf32>,
        %get3A_3362 = arith.index_cast %add3A_3359 : i32 to index
        %get3A_3363 = tpu.vector_load %arg9[%get3A_3362] {strides = array<i32>} : memref<32768xi32, #tpu.memory_space<vmem>>, vector<16xi32>,
        %eq3A_3364 = arith.cmpi eq, %get3A_3363, %get3A_1 : vector<16xi32>
        %select_n3A_3365 = arith.select %eq3A_3364, %get3A_3, %get3A_5 : vector<16xi1>, vector<16xf32>
        %add3A_3366 = arith.addf %get3A_3361, %select_n3A_3365 : vector<16xf32>
        %lt3A_3367 = arith.cmpf olt, %add3A_3366, %scan3A_3355 : vector<16xf32>
        %add3A_3368 = arith.constant 16 : i32
        %add3A_3369 = arith.addi %mul3A_3357, %add3A_3368 : i32
        %get3A_3370 = arith.index_cast %add3A_3369 : i32 to index
        %get3A_3371 = tpu.vector_load %arg8[%get3A_3370] {strides = array<i32>} : memref<32768xf32, #tpu.memory_space<vmem>>, vector<16xf32>,
        %get3A_3372 = arith.index_cast %add3A_3369 : i32 to index
        %get3A_3373 = tpu.vector_load %arg9[%get3A_3372] {strides = array<i32>} : memref<32768xi32, #tpu.memory_space<vmem>>, vector<16xi32>,
        %eq3A_3374 = arith.cmpi eq, %get3A_3373, %get3A_1 : vector<16xi32>
        %select_n3A_3375 = arith.select %eq3A_3374, %get3A_3, %get3A_5 : vector<16xi1>, vector<16xf32>
        %add3A_3376 = arith.addf %get3A_3371, %select_n3A_3375 : vector<16xf32>
        %lt3A_3377 = arith.cmpf olt, %add3A_3376, %scan3A_3355 : vector<16xf32>
        %add3A_3378 = arith.constant 32 : i32
        %add3A_3379 = arith.addi %mul3A_3357, %add3A_3378 : i32
        %get3A_3380 = arith.index_cast %add3A_3379 : i32 to index
        %get3A_3381 = tpu.vector_load %arg8[%get3A_3380] {strides = array<i32>} : memref<32768xf32, #tpu.memory_space<vmem>>, vector<16xf32>,
        %get3A_3382 = arith.index_cast %add3A_3379 : i32 to index
        %get3A_3383 = tpu.vector_load %arg9[%get3A_3382] {strides = array<i32>} : memref<32768xi32, #tpu.memory_space<vmem>>, vector<16xi32>,
        %eq3A_3384 = arith.cmpi eq, %get3A_3383, %get3A_1 : vector<16xi32>
        %select_n3A_3385 = arith.select %eq3A_3384, %get3A_3, %get3A_5 : vector<16xi1>, vector<16xf32>
        %add3A_3386 = arith.addf %get3A_3381, %select_n3A_3385 : vector<16xf32>
        %lt3A_3387 = arith.cmpf olt, %add3A_3386, %scan3A_3355 : vector<16xf32>
        %add3A_3388 = arith.constant 48 : i32
        %add3A_3389 = arith.addi %mul3A_3357, %add3A_3388 : i32
        %get3A_3390 = arith.index_cast %add3A_3389 : i32 to index
        %get3A_3391 = tpu.vector_load %arg8[%get3A_3390] {strides = array<i32>} : memref<32768xf32, #tpu.memory_space<vmem>>, vector<16xf32>,
        %get3A_3392 = arith.index_cast %add3A_3389 : i32 to index
        %get3A_3393 = tpu.vector_load %arg9[%get3A_3392] {strides = array<i32>} : memref<32768xi32, #tpu.memory_space<vmem>>, vector<16xi32>,
        %eq3A_3394 = arith.cmpi eq, %get3A_3393, %get3A_1 : vector<16xi32>
        %select_n3A_3395 = arith.select %eq3A_3394, %get3A_3, %get3A_5 : vector<16xi1>, vector<16xf32>
        %add3A_3396 = arith.addf %get3A_3391, %select_n3A_3395 : vector<16xf32>
        %lt3A_3397 = arith.cmpf olt, %add3A_3396, %scan3A_3355 : vector<16xf32>
        %add3A_3398 = arith.constant 64 : i32
        %add3A_3399 = arith.addi %mul3A_3357, %add3A_3398 : i32
        %get3A_3400 = arith.index_cast %add3A_3399 : i32 to index
        %get3A_3401 = tpu.vector_load %arg8[%get3A_3400] {strides = array<i32>} : memref<32768xf32, #tpu.memory_space<vmem>>, vector<16xf32>,
        %get3A_3402 = arith.index_cast %add3A_3399 : i32 to index
        %get3A_3403 = tpu.vector_load %arg9[%get3A_3402] {strides = array<i32>} : memref<32768xi32, #tpu.memory_space<vmem>>, vector<16xi32>,
        %eq3A_3404 = arith.cmpi eq, %get3A_3403, %get3A_1 : vector<16xi32>
        %select_n3A_3405 = arith.select %eq3A_3404, %get3A_3, %get3A_5 : vector<16xi1>, vector<16xf32>
        %add3A_3406 = arith.addf %get3A_3401, %select_n3A_3405 : vector<16xf32>
        %lt3A_3407 = arith.cmpf olt, %add3A_3406, %scan3A_3355 : vector<16xf32>
        %add3A_3408 = arith.constant 80 : i32
        %add3A_3409 = arith.addi %mul3A_3357, %add3A_3408 : i32
        %get3A_3410 = arith.index_cast %add3A_3409 : i32 to index
        %get3A_3411 = tpu.vector_load %arg8[%get3A_3410] {strides = array<i32>} : memref<32768xf32, #tpu.memory_space<vmem>>, vector<16xf32>,
        %get3A_3412 = arith.index_cast %add3A_3409 : i32 to index
        %get3A_3413 = tpu.vector_load %arg9[%get3A_3412] {strides = array<i32>} : memref<32768xi32, #tpu.memory_space<vmem>>, vector<16xi32>,
        %eq3A_3414 = arith.cmpi eq, %get3A_3413, %get3A_1 : vector<16xi32>
        %select_n3A_3415 = arith.select %eq3A_3414, %get3A_3, %get3A_5 : vector<16xi1>, vector<16xf32>
        %add3A_3416 = arith.addf %get3A_3411, %select_n3A_3415 : vector<16xf32>
        %lt3A_3417 = arith.cmpf olt, %add3A_3416, %scan3A_3355 : vector<16xf32>
        %add3A_3418 = arith.constant 96 : i32
        %add3A_3419 = arith.addi %mul3A_3357, %add3A_3418 : i32
        %get3A_3420 = arith.index_cast %add3A_3419 : i32 to index
        %get3A_3421 = tpu.vector_load %arg8[%get3A_3420] {strides = array<i32>} : memref<32768xf32, #tpu.memory_space<vmem>>, vector<16xf32>,
        %get3A_3422 = arith.index_cast %add3A_3419 : i32 to index
        %get3A_3423 = tpu.vector_load %arg9[%get3A_3422] {strides = array<i32>} : memref<32768xi32, #tpu.memory_space<vmem>>, vector<16xi32>,
        %eq3A_3424 = arith.cmpi eq, %get3A_3423, %get3A_1 : vector<16xi32>
        %select_n3A_3425 = arith.select %eq3A_3424, %get3A_3, %get3A_5 : vector<16xi1>, vector<16xf32>
        %add3A_3426 = arith.addf %get3A_3421, %select_n3A_3425 : vector<16xf32>
        %lt3A_3427 = arith.cmpf olt, %add3A_3426, %scan3A_3355 : vector<16xf32>
        %add3A_3428 = arith.constant 112 : i32
        %add3A_3429 = arith.addi %mul3A_3357, %add3A_3428 : i32
        %get3A_3430 = arith.index_cast %add3A_3429 : i32 to index
        %get3A_3431 = tpu.vector_load %arg8[%get3A_3430] {strides = array<i32>} : memref<32768xf32, #tpu.memory_space<vmem>>, vector<16xf32>,
        %get3A_3432 = arith.index_cast %add3A_3429 : i32 to index
        %get3A_3433 = tpu.vector_load %arg9[%get3A_3432] {strides = array<i32>} : memref<32768xi32, #tpu.memory_space<vmem>>, vector<16xi32>,
        %eq3A_3434 = arith.cmpi eq, %get3A_3433, %get3A_1 : vector<16xi32>
        %select_n3A_3435 = arith.select %eq3A_3434, %get3A_3, %get3A_5 : vector<16xi1>, vector<16xf32>
        %add3A_3436 = arith.addf %get3A_3431, %select_n3A_3435 : vector<16xf32>
        %lt3A_3437 = arith.cmpf olt, %add3A_3436, %scan3A_3355 : vector<16xf32>
        %add3A_3438 = arith.constant 128 : i32
        %add3A_3439 = arith.addi %mul3A_3357, %add3A_3438 : i32
        %get3A_3440 = arith.index_cast %add3A_3439 : i32 to index
        %get3A_3441 = tpu.vector_load %arg8[%get3A_3440] {strides = array<i32>} : memref<32768xf32, #tpu.memory_space<vmem>>, vector<16xf32>,
        %get3A_3442 = arith.index_cast %add3A_3439 : i32 to index
        %get3A_3443 = tpu.vector_load %arg9[%get3A_3442] {strides = array<i32>} : memref<32768xi32, #tpu.memory_space<vmem>>, vector<16xi32>,
        %eq3A_3444 = arith.cmpi eq, %get3A_3443, %get3A_1 : vector<16xi32>
        %select_n3A_3445 = arith.select %eq3A_3444, %get3A_3, %get3A_5 : vector<16xi1>, vector<16xf32>
        %add3A_3446 = arith.addf %get3A_3441, %select_n3A_3445 : vector<16xf32>
        %lt3A_3447 = arith.cmpf olt, %add3A_3446, %scan3A_3355 : vector<16xf32>
        %add3A_3448 = arith.constant 144 : i32
        %add3A_3449 = arith.addi %mul3A_3357, %add3A_3448 : i32
        %get3A_3450 = arith.index_cast %add3A_3449 : i32 to index
        %get3A_3451 = tpu.vector_load %arg8[%get3A_3450] {strides = array<i32>} : memref<32768xf32, #tpu.memory_space<vmem>>, vector<16xf32>,
        %get3A_3452 = arith.index_cast %add3A_3449 : i32 to index
        %get3A_3453 = tpu.vector_load %arg9[%get3A_3452] {strides = array<i32>} : memref<32768xi32, #tpu.memory_space<vmem>>, vector<16xi32>,
        %eq3A_3454 = arith.cmpi eq, %get3A_3453, %get3A_1 : vector<16xi32>
        %select_n3A_3455 = arith.select %eq3A_3454, %get3A_3, %get3A_5 : vector<16xi1>, vector<16xf32>
        %add3A_3456 = arith.addf %get3A_3451, %select_n3A_3455 : vector<16xf32>
        %lt3A_3457 = arith.cmpf olt, %add3A_3456, %scan3A_3355 : vector<16xf32>
        %add3A_3458 = arith.constant 160 : i32
        %add3A_3459 = arith.addi %mul3A_3357, %add3A_3458 : i32
        %get3A_3460 = arith.index_cast %add3A_3459 : i32 to index
        %get3A_3461 = tpu.vector_load %arg8[%get3A_3460] {strides = array<i32>} : memref<32768xf32, #tpu.memory_space<vmem>>, vector<16xf32>,
        %get3A_3462 = arith.index_cast %add3A_3459 : i32 to index
        %get3A_3463 = tpu.vector_load %arg9[%get3A_3462] {strides = array<i32>} : memref<32768xi32, #tpu.memory_space<vmem>>, vector<16xi32>,
        %eq3A_3464 = arith.cmpi eq, %get3A_3463, %get3A_1 : vector<16xi32>
        %select_n3A_3465 = arith.select %eq3A_3464, %get3A_3, %get3A_5 : vector<16xi1>, vector<16xf32>
        %add3A_3466 = arith.addf %get3A_3461, %select_n3A_3465 : vector<16xf32>
        %lt3A_3467 = arith.cmpf olt, %add3A_3466, %scan3A_3355 : vector<16xf32>
        %add3A_3468 = arith.constant 176 : i32
        %add3A_3469 = arith.addi %mul3A_3357, %add3A_3468 : i32
        %get3A_3470 = arith.index_cast %add3A_3469 : i32 to index
        %get3A_3471 = tpu.vector_load %arg8[%get3A_3470] {strides = array<i32>} : memref<32768xf32, #tpu.memory_space<vmem>>, vector<16xf32>,
        %get3A_3472 = arith.index_cast %add3A_3469 : i32 to index
        %get3A_3473 = tpu.vector_load %arg9[%get3A_3472] {strides = array<i32>} : memref<32768xi32, #tpu.memory_space<vmem>>, vector<16xi32>,
        %eq3A_3474 = arith.cmpi eq, %get3A_3473, %get3A_1 : vector<16xi32>
        %select_n3A_3475 = arith.select %eq3A_3474, %get3A_3, %get3A_5 : vector<16xi1>, vector<16xf32>
        %add3A_3476 = arith.addf %get3A_3471, %select_n3A_3475 : vector<16xf32>
        %lt3A_3477 = arith.cmpf olt, %add3A_3476, %scan3A_3355 : vector<16xf32>
        %add3A_3478 = arith.constant 192 : i32
        %add3A_3479 = arith.addi %mul3A_3357, %add3A_3478 : i32
        %get3A_3480 = arith.index_cast %add3A_3479 : i32 to index
        %get3A_3481 = tpu.vector_load %arg8[%get3A_3480] {strides = array<i32>} : memref<32768xf32, #tpu.memory_space<vmem>>, vector<16xf32>,
        %get3A_3482 = arith.index_cast %add3A_3479 : i32 to index
        %get3A_3483 = tpu.vector_load %arg9[%get3A_3482] {strides = array<i32>} : memref<32768xi32, #tpu.memory_space<vmem>>, vector<16xi32>,
        %eq3A_3484 = arith.cmpi eq, %get3A_3483, %get3A_1 : vector<16xi32>
        %select_n3A_3485 = arith.select %eq3A_3484, %get3A_3, %get3A_5 : vector<16xi1>, vector<16xf32>
        %add3A_3486 = arith.addf %get3A_3481, %select_n3A_3485 : vector<16xf32>
        %lt3A_3487 = arith.cmpf olt, %add3A_3486, %scan3A_3355 : vector<16xf32>
        %add3A_3488 = arith.constant 208 : i32
        %add3A_3489 = arith.addi %mul3A_3357, %add3A_3488 : i32
        %get3A_3490 = arith.index_cast %add3A_3489 : i32 to index
        %get3A_3491 = tpu.vector_load %arg8[%get3A_3490] {strides = array<i32>} : memref<32768xf32, #tpu.memory_space<vmem>>, vector<16xf32>,
        %get3A_3492 = arith.index_cast %add3A_3489 : i32 to index
        %get3A_3493 = tpu.vector_load %arg9[%get3A_3492] {strides = array<i32>} : memref<32768xi32, #tpu.memory_space<vmem>>, vector<16xi32>,
        %eq3A_3494 = arith.cmpi eq, %get3A_3493, %get3A_1 : vector<16xi32>
        %select_n3A_3495 = arith.select %eq3A_3494, %get3A_3, %get3A_5 : vector<16xi1>, vector<16xf32>
        %add3A_3496 = arith.addf %get3A_3491, %select_n3A_3495 : vector<16xf32>
        %lt3A_3497 = arith.cmpf olt, %add3A_3496, %scan3A_3355 : vector<16xf32>
        %add3A_3498 = arith.constant 224 : i32
        %add3A_3499 = arith.addi %mul3A_3357, %add3A_3498 : i32
        %get3A_3500 = arith.index_cast %add3A_3499 : i32 to index
        %get3A_3501 = tpu.vector_load %arg8[%get3A_3500] {strides = array<i32>} : memref<32768xf32, #tpu.memory_space<vmem>>, vector<16xf32>,
        %get3A_3502 = arith.index_cast %add3A_3499 : i32 to index
        %get3A_3503 = tpu.vector_load %arg9[%get3A_3502] {strides = array<i32>} : memref<32768xi32, #tpu.memory_space<vmem>>, vector<16xi32>,
        %eq3A_3504 = arith.cmpi eq, %get3A_3503, %get3A_1 : vector<16xi32>
        %select_n3A_3505 = arith.select %eq3A_3504, %get3A_3, %get3A_5 : vector<16xi1>, vector<16xf32>
        %add3A_3506 = arith.addf %get3A_3501, %select_n3A_3505 : vector<16xf32>
        %lt3A_3507 = arith.cmpf olt, %add3A_3506, %scan3A_3355 : vector<16xf32>
        %add3A_3508 = arith.constant 240 : i32
        %add3A_3509 = arith.addi %mul3A_3357, %add3A_3508 : i32
        %get3A_3510 = arith.index_cast %add3A_3509 : i32 to index
        %get3A_3511 = tpu.vector_load %arg8[%get3A_3510] {strides = array<i32>} : memref<32768xf32, #tpu.memory_space<vmem>>, vector<16xf32>,
        %get3A_3512 = arith.index_cast %add3A_3509 : i32 to index
        %get3A_3513 = tpu.vector_load %arg9[%get3A_3512] {strides = array<i32>} : memref<32768xi32, #tpu.memory_space<vmem>>, vector<16xi32>,
        %eq3A_3514 = arith.cmpi eq, %get3A_3513, %get3A_1 : vector<16xi32>
        %select_n3A_3515 = arith.select %eq3A_3514, %get3A_3, %get3A_5 : vector<16xi1>, vector<16xf32>
        %add3A_3516 = arith.addf %get3A_3511, %select_n3A_3515 : vector<16xf32>
        %lt3A_3517 = arith.cmpf olt, %add3A_3516, %scan3A_3355 : vector<16xf32>
        %add3A_3518 = arith.constant 256 : i32
        %add3A_3519 = arith.addi %mul3A_3357, %add3A_3518 : i32
        %get3A_3520 = arith.index_cast %add3A_3519 : i32 to index
        %get3A_3521 = tpu.vector_load %arg8[%get3A_3520] {strides = array<i32>} : memref<32768xf32, #tpu.memory_space<vmem>>, vector<16xf32>,
        %get3A_3522 = arith.index_cast %add3A_3519 : i32 to index
        %get3A_3523 = tpu.vector_load %arg9[%get3A_3522] {strides = array<i32>} : memref<32768xi32, #tpu.memory_space<vmem>>, vector<16xi32>,
        %eq3A_3524 = arith.cmpi eq, %get3A_3523, %get3A_1 : vector<16xi32>
        %select_n3A_3525 = arith.select %eq3A_3524, %get3A_3, %get3A_5 : vector<16xi1>, vector<16xf32>
        %add3A_3526 = arith.addf %get3A_3521, %select_n3A_3525 : vector<16xf32>
        %lt3A_3527 = arith.cmpf olt, %add3A_3526, %scan3A_3355 : vector<16xf32>
        %add3A_3528 = arith.constant 272 : i32
        %add3A_3529 = arith.addi %mul3A_3357, %add3A_3528 : i32
        %get3A_3530 = arith.index_cast %add3A_3529 : i32 to index
        %get3A_3531 = tpu.vector_load %arg8[%get3A_3530] {strides = array<i32>} : memref<32768xf32, #tpu.memory_space<vmem>>, vector<16xf32>,
        %get3A_3532 = arith.index_cast %add3A_3529 : i32 to index
        %get3A_3533 = tpu.vector_load %arg9[%get3A_3532] {strides = array<i32>} : memref<32768xi32, #tpu.memory_space<vmem>>, vector<16xi32>,
        %eq3A_3534 = arith.cmpi eq, %get3A_3533, %get3A_1 : vector<16xi32>
        %select_n3A_3535 = arith.select %eq3A_3534, %get3A_3, %get3A_5 : vector<16xi1>, vector<16xf32>
        %add3A_3536 = arith.addf %get3A_3531, %select_n3A_3535 : vector<16xf32>
        %lt3A_3537 = arith.cmpf olt, %add3A_3536, %scan3A_3355 : vector<16xf32>
        %add3A_3538 = arith.constant 288 : i32
        %add3A_3539 = arith.addi %mul3A_3357, %add3A_3538 : i32
        %get3A_3540 = arith.index_cast %add3A_3539 : i32 to index
        %get3A_3541 = tpu.vector_load %arg8[%get3A_3540] {strides = array<i32>} : memref<32768xf32, #tpu.memory_space<vmem>>, vector<16xf32>,
        %get3A_3542 = arith.index_cast %add3A_3539 : i32 to index
        %get3A_3543 = tpu.vector_load %arg9[%get3A_3542] {strides = array<i32>} : memref<32768xi32, #tpu.memory_space<vmem>>, vector<16xi32>,
        %eq3A_3544 = arith.cmpi eq, %get3A_3543, %get3A_1 : vector<16xi32>
        %select_n3A_3545 = arith.select %eq3A_3544, %get3A_3, %get3A_5 : vector<16xi1>, vector<16xf32>
        %add3A_3546 = arith.addf %get3A_3541, %select_n3A_3545 : vector<16xf32>
        %lt3A_3547 = arith.cmpf olt, %add3A_3546, %scan3A_3355 : vector<16xf32>
        %add3A_3548 = arith.constant 304 : i32
        %add3A_3549 = arith.addi %mul3A_3357, %add3A_3548 : i32
        %get3A_3550 = arith.index_cast %add3A_3549 : i32 to index
        %get3A_3551 = tpu.vector_load %arg8[%get3A_3550] {strides = array<i32>} : memref<32768xf32, #tpu.memory_space<vmem>>, vector<16xf32>,
        %get3A_3552 = arith.index_cast %add3A_3549 : i32 to index
        %get3A_3553 = tpu.vector_load %arg9[%get3A_3552] {strides = array<i32>} : memref<32768xi32, #tpu.memory_space<vmem>>, vector<16xi32>,
        %eq3A_3554 = arith.cmpi eq, %get3A_3553, %get3A_1 : vector<16xi32>
        %select_n3A_3555 = arith.select %eq3A_3554, %get3A_3, %get3A_5 : vector<16xi1>, vector<16xf32>
        %add3A_3556 = arith.addf %get3A_3551, %select_n3A_3555 : vector<16xf32>
        %lt3A_3557 = arith.cmpf olt, %add3A_3556, %scan3A_3355 : vector<16xf32>
        %add3A_3558 = arith.constant 320 : i32
        %add3A_3559 = arith.addi %mul3A_3357, %add3A_3558 : i32
        %get3A_3560 = arith.index_cast %add3A_3559 : i32 to index
        %get3A_3561 = tpu.vector_load %arg8[%get3A_3560] {strides = array<i32>} : memref<32768xf32, #tpu.memory_space<vmem>>, vector<16xf32>,
        %get3A_3562 = arith.index_cast %add3A_3559 : i32 to index
        %get3A_3563 = tpu.vector_load %arg9[%get3A_3562] {strides = array<i32>} : memref<32768xi32, #tpu.memory_space<vmem>>, vector<16xi32>,
        %eq3A_3564 = arith.cmpi eq, %get3A_3563, %get3A_1 : vector<16xi32>
        %select_n3A_3565 = arith.select %eq3A_3564, %get3A_3, %get3A_5 : vector<16xi1>, vector<16xf32>
        %add3A_3566 = arith.addf %get3A_3561, %select_n3A_3565 : vector<16xf32>
        %lt3A_3567 = arith.cmpf olt, %add3A_3566, %scan3A_3355 : vector<16xf32>
        %add3A_3568 = arith.constant 336 : i32
        %add3A_3569 = arith.addi %mul3A_3357, %add3A_3568 : i32
        %get3A_3570 = arith.index_cast %add3A_3569 : i32 to index
        %get3A_3571 = tpu.vector_load %arg8[%get3A_3570] {strides = array<i32>} : memref<32768xf32, #tpu.memory_space<vmem>>, vector<16xf32>,
        %get3A_3572 = arith.index_cast %add3A_3569 : i32 to index
        %get3A_3573 = tpu.vector_load %arg9[%get3A_3572] {strides = array<i32>} : memref<32768xi32, #tpu.memory_space<vmem>>, vector<16xi32>,
        %eq3A_3574 = arith.cmpi eq, %get3A_3573, %get3A_1 : vector<16xi32>
        %select_n3A_3575 = arith.select %eq3A_3574, %get3A_3, %get3A_5 : vector<16xi1>, vector<16xf32>
        %add3A_3576 = arith.addf %get3A_3571, %select_n3A_3575 : vector<16xf32>
        %lt3A_3577 = arith.cmpf olt, %add3A_3576, %scan3A_3355 : vector<16xf32>
        %add3A_3578 = arith.constant 352 : i32
        %add3A_3579 = arith.addi %mul3A_3357, %add3A_3578 : i32
        %get3A_3580 = arith.index_cast %add3A_3579 : i32 to index
        %get3A_3581 = tpu.vector_load %arg8[%get3A_3580] {strides = array<i32>} : memref<32768xf32, #tpu.memory_space<vmem>>, vector<16xf32>,
        %get3A_3582 = arith.index_cast %add3A_3579 : i32 to index
        %get3A_3583 = tpu.vector_load %arg9[%get3A_3582] {strides = array<i32>} : memref<32768xi32, #tpu.memory_space<vmem>>, vector<16xi32>,
        %eq3A_3584 = arith.cmpi eq, %get3A_3583, %get3A_1 : vector<16xi32>
        %select_n3A_3585 = arith.select %eq3A_3584, %get3A_3, %get3A_5 : vector<16xi1>, vector<16xf32>
        %add3A_3586 = arith.addf %get3A_3581, %select_n3A_3585 : vector<16xf32>
        %lt3A_3587 = arith.cmpf olt, %add3A_3586, %scan3A_3355 : vector<16xf32>
        %add3A_3588 = arith.constant 368 : i32
        %add3A_3589 = arith.addi %mul3A_3357, %add3A_3588 : i32
        %get3A_3590 = arith.index_cast %add3A_3589 : i32 to index
        %get3A_3591 = tpu.vector_load %arg8[%get3A_3590] {strides = array<i32>} : memref<32768xf32, #tpu.memory_space<vmem>>, vector<16xf32>,
        %get3A_3592 = arith.index_cast %add3A_3589 : i32 to index
        %get3A_3593 = tpu.vector_load %arg9[%get3A_3592] {strides = array<i32>} : memref<32768xi32, #tpu.memory_space<vmem>>, vector<16xi32>,
        %eq3A_3594 = arith.cmpi eq, %get3A_3593, %get3A_1 : vector<16xi32>
        %select_n3A_3595 = arith.select %eq3A_3594, %get3A_3, %get3A_5 : vector<16xi1>, vector<16xf32>
        %add3A_3596 = arith.addf %get3A_3591, %select_n3A_3595 : vector<16xf32>
        %lt3A_3597 = arith.cmpf olt, %add3A_3596, %scan3A_3355 : vector<16xf32>
        %add3A_3598 = arith.constant 384 : i32
        %add3A_3599 = arith.addi %mul3A_3357, %add3A_3598 : i32
        %get3A_3600 = arith.index_cast %add3A_3599 : i32 to index
        %get3A_3601 = tpu.vector_load %arg8[%get3A_3600] {strides = array<i32>} : memref<32768xf32, #tpu.memory_space<vmem>>, vector<16xf32>,
        %get3A_3602 = arith.index_cast %add3A_3599 : i32 to index
        %get3A_3603 = tpu.vector_load %arg9[%get3A_3602] {strides = array<i32>} : memref<32768xi32, #tpu.memory_space<vmem>>, vector<16xi32>,
        %eq3A_3604 = arith.cmpi eq, %get3A_3603, %get3A_1 : vector<16xi32>
        %select_n3A_3605 = arith.select %eq3A_3604, %get3A_3, %get3A_5 : vector<16xi1>, vector<16xf32>
        %add3A_3606 = arith.addf %get3A_3601, %select_n3A_3605 : vector<16xf32>
        %lt3A_3607 = arith.cmpf olt, %add3A_3606, %scan3A_3355 : vector<16xf32>
        %add3A_3608 = arith.constant 400 : i32
        %add3A_3609 = arith.addi %mul3A_3357, %add3A_3608 : i32
        %get3A_3610 = arith.index_cast %add3A_3609 : i32 to index
        %get3A_3611 = tpu.vector_load %arg8[%get3A_3610] {strides = array<i32>} : memref<32768xf32, #tpu.memory_space<vmem>>, vector<16xf32>,
        %get3A_3612 = arith.index_cast %add3A_3609 : i32 to index
        %get3A_3613 = tpu.vector_load %arg9[%get3A_3612] {strides = array<i32>} : memref<32768xi32, #tpu.memory_space<vmem>>, vector<16xi32>,
        %eq3A_3614 = arith.cmpi eq, %get3A_3613, %get3A_1 : vector<16xi32>
        %select_n3A_3615 = arith.select %eq3A_3614, %get3A_3, %get3A_5 : vector<16xi1>, vector<16xf32>
        %add3A_3616 = arith.addf %get3A_3611, %select_n3A_3615 : vector<16xf32>
        %lt3A_3617 = arith.cmpf olt, %add3A_3616, %scan3A_3355 : vector<16xf32>
        %add3A_3618 = arith.constant 416 : i32
        %add3A_3619 = arith.addi %mul3A_3357, %add3A_3618 : i32
        %get3A_3620 = arith.index_cast %add3A_3619 : i32 to index
        %get3A_3621 = tpu.vector_load %arg8[%get3A_3620] {strides = array<i32>} : memref<32768xf32, #tpu.memory_space<vmem>>, vector<16xf32>,
        %get3A_3622 = arith.index_cast %add3A_3619 : i32 to index
        %get3A_3623 = tpu.vector_load %arg9[%get3A_3622] {strides = array<i32>} : memref<32768xi32, #tpu.memory_space<vmem>>, vector<16xi32>,
        %eq3A_3624 = arith.cmpi eq, %get3A_3623, %get3A_1 : vector<16xi32>
        %select_n3A_3625 = arith.select %eq3A_3624, %get3A_3, %get3A_5 : vector<16xi1>, vector<16xf32>
        %add3A_3626 = arith.addf %get3A_3621, %select_n3A_3625 : vector<16xf32>
        %lt3A_3627 = arith.cmpf olt, %add3A_3626, %scan3A_3355 : vector<16xf32>
        %add3A_3628 = arith.constant 432 : i32
        %add3A_3629 = arith.addi %mul3A_3357, %add3A_3628 : i32
        %get3A_3630 = arith.index_cast %add3A_3629 : i32 to index
        %get3A_3631 = tpu.vector_load %arg8[%get3A_3630] {strides = array<i32>} : memref<32768xf32, #tpu.memory_space<vmem>>, vector<16xf32>,
        %get3A_3632 = arith.index_cast %add3A_3629 : i32 to index
        %get3A_3633 = tpu.vector_load %arg9[%get3A_3632] {strides = array<i32>} : memref<32768xi32, #tpu.memory_space<vmem>>, vector<16xi32>,
        %eq3A_3634 = arith.cmpi eq, %get3A_3633, %get3A_1 : vector<16xi32>
        %select_n3A_3635 = arith.select %eq3A_3634, %get3A_3, %get3A_5 : vector<16xi1>, vector<16xf32>
        %add3A_3636 = arith.addf %get3A_3631, %select_n3A_3635 : vector<16xf32>
        %lt3A_3637 = arith.cmpf olt, %add3A_3636, %scan3A_3355 : vector<16xf32>
        %add3A_3638 = arith.constant 448 : i32
        %add3A_3639 = arith.addi %mul3A_3357, %add3A_3638 : i32
        %get3A_3640 = arith.index_cast %add3A_3639 : i32 to index
        %get3A_3641 = tpu.vector_load %arg8[%get3A_3640] {strides = array<i32>} : memref<32768xf32, #tpu.memory_space<vmem>>, vector<16xf32>,
        %get3A_3642 = arith.index_cast %add3A_3639 : i32 to index
        %get3A_3643 = tpu.vector_load %arg9[%get3A_3642] {strides = array<i32>} : memref<32768xi32, #tpu.memory_space<vmem>>, vector<16xi32>,
        %eq3A_3644 = arith.cmpi eq, %get3A_3643, %get3A_1 : vector<16xi32>
        %select_n3A_3645 = arith.select %eq3A_3644, %get3A_3, %get3A_5 : vector<16xi1>, vector<16xf32>
        %add3A_3646 = arith.addf %get3A_3641, %select_n3A_3645 : vector<16xf32>
        %lt3A_3647 = arith.cmpf olt, %add3A_3646, %scan3A_3355 : vector<16xf32>
        %add3A_3648 = arith.constant 464 : i32
        %add3A_3649 = arith.addi %mul3A_3357, %add3A_3648 : i32
        %get3A_3650 = arith.index_cast %add3A_3649 : i32 to index
        %get3A_3651 = tpu.vector_load %arg8[%get3A_3650] {strides = array<i32>} : memref<32768xf32, #tpu.memory_space<vmem>>, vector<16xf32>,
        %get3A_3652 = arith.index_cast %add3A_3649 : i32 to index
        %get3A_3653 = tpu.vector_load %arg9[%get3A_3652] {strides = array<i32>} : memref<32768xi32, #tpu.memory_space<vmem>>, vector<16xi32>,
        %eq3A_3654 = arith.cmpi eq, %get3A_3653, %get3A_1 : vector<16xi32>
        %select_n3A_3655 = arith.select %eq3A_3654, %get3A_3, %get3A_5 : vector<16xi1>, vector<16xf32>
        %add3A_3656 = arith.addf %get3A_3651, %select_n3A_3655 : vector<16xf32>
        %lt3A_3657 = arith.cmpf olt, %add3A_3656, %scan3A_3355 : vector<16xf32>
        %add3A_3658 = arith.constant 480 : i32
        %add3A_3659 = arith.addi %mul3A_3357, %add3A_3658 : i32
        %get3A_3660 = arith.index_cast %add3A_3659 : i32 to index
        %get3A_3661 = tpu.vector_load %arg8[%get3A_3660] {strides = array<i32>} : memref<32768xf32, #tpu.memory_space<vmem>>, vector<16xf32>,
        %get3A_3662 = arith.index_cast %add3A_3659 : i32 to index
        %get3A_3663 = tpu.vector_load %arg9[%get3A_3662] {strides = array<i32>} : memref<32768xi32, #tpu.memory_space<vmem>>, vector<16xi32>,
        %eq3A_3664 = arith.cmpi eq, %get3A_3663, %get3A_1 : vector<16xi32>
        %select_n3A_3665 = arith.select %eq3A_3664, %get3A_3, %get3A_5 : vector<16xi1>, vector<16xf32>
        %add3A_3666 = arith.addf %get3A_3661, %select_n3A_3665 : vector<16xf32>
        %lt3A_3667 = arith.cmpf olt, %add3A_3666, %scan3A_3355 : vector<16xf32>
        %add3A_3668 = arith.constant 496 : i32
        %add3A_3669 = arith.addi %mul3A_3357, %add3A_3668 : i32
        %get3A_3670 = arith.index_cast %add3A_3669 : i32 to index
        %get3A_3671 = tpu.vector_load %arg8[%get3A_3670] {strides = array<i32>} : memref<32768xf32, #tpu.memory_space<vmem>>, vector<16xf32>,
        %get3A_3672 = arith.index_cast %add3A_3669 : i32 to index
        %get3A_3673 = tpu.vector_load %arg9[%get3A_3672] {strides = array<i32>} : memref<32768xi32, #tpu.memory_space<vmem>>, vector<16xi32>,
        %eq3A_3674 = arith.cmpi eq, %get3A_3673, %get3A_1 : vector<16xi32>
        %select_n3A_3675 = arith.select %eq3A_3674, %get3A_3, %get3A_5 : vector<16xi1>, vector<16xf32>
        %add3A_3676 = arith.addf %get3A_3671, %select_n3A_3675 : vector<16xf32>
        %lt3A_3677 = arith.cmpf olt, %add3A_3676, %scan3A_3355 : vector<16xf32>
        %all_reduce_population_count3A = tpu.all_reduce %lt3A_3367 {dim = 0 : i64, kind = #tpu.reduction_kind<sum>} : vector<16xi1> -> vector<16xi32>
        %slice3A = vector.extract_strided_slice %all_reduce_population_count3A {offsets = [0], sizes = [1], strides = [1]} : vector<16xi32> to vector<1xi32>
        %squeeze3A = vector.extract %slice3A[0] : i32 from vector<1xi32>
        %all_reduce_population_count3A_3678 = tpu.all_reduce %lt3A_3377 {dim = 0 : i64, kind = #tpu.reduction_kind<sum>} : vector<16xi1> -> vector<16xi32>
        %slice3A_3679 = vector.extract_strided_slice %all_reduce_population_count3A_3678 {offsets = [0], sizes = [1], strides = [1]} : vector<16xi32> to vector<1xi32>
        %squeeze3A_3680 = vector.extract %slice3A_3679[0] : i32 from vector<1xi32>
        %all_reduce_population_count3A_3681 = tpu.all_reduce %lt3A_3387 {dim = 0 : i64, kind = #tpu.reduction_kind<sum>} : vector<16xi1> -> vector<16xi32>
        %slice3A_3682 = vector.extract_strided_slice %all_reduce_population_count3A_3681 {offsets = [0], sizes = [1], strides = [1]} : vector<16xi32> to vector<1xi32>
        %squeeze3A_3683 = vector.extract %slice3A_3682[0] : i32 from vector<1xi32>
        %all_reduce_population_count3A_3684 = tpu.all_reduce %lt3A_3397 {dim = 0 : i64, kind = #tpu.reduction_kind<sum>} : vector<16xi1> -> vector<16xi32>
        %slice3A_3685 = vector.extract_strided_slice %all_reduce_population_count3A_3684 {offsets = [0], sizes = [1], strides = [1]} : vector<16xi32> to vector<1xi32>
        %squeeze3A_3686 = vector.extract %slice3A_3685[0] : i32 from vector<1xi32>
        %all_reduce_population_count3A_3687 = tpu.all_reduce %lt3A_3407 {dim = 0 : i64, kind = #tpu.reduction_kind<sum>} : vector<16xi1> -> vector<16xi32>
        %slice3A_3688 = vector.extract_strided_slice %all_reduce_population_count3A_3687 {offsets = [0], sizes = [1], strides = [1]} : vector<16xi32> to vector<1xi32>
        %squeeze3A_3689 = vector.extract %slice3A_3688[0] : i32 from vector<1xi32>
        %all_reduce_population_count3A_3690 = tpu.all_reduce %lt3A_3417 {dim = 0 : i64, kind = #tpu.reduction_kind<sum>} : vector<16xi1> -> vector<16xi32>
        %slice3A_3691 = vector.extract_strided_slice %all_reduce_population_count3A_3690 {offsets = [0], sizes = [1], strides = [1]} : vector<16xi32> to vector<1xi32>
        %squeeze3A_3692 = vector.extract %slice3A_3691[0] : i32 from vector<1xi32>
        %all_reduce_population_count3A_3693 = tpu.all_reduce %lt3A_3427 {dim = 0 : i64, kind = #tpu.reduction_kind<sum>} : vector<16xi1> -> vector<16xi32>
        %slice3A_3694 = vector.extract_strided_slice %all_reduce_population_count3A_3693 {offsets = [0], sizes = [1], strides = [1]} : vector<16xi32> to vector<1xi32>
        %squeeze3A_3695 = vector.extract %slice3A_3694[0] : i32 from vector<1xi32>
        %all_reduce_population_count3A_3696 = tpu.all_reduce %lt3A_3437 {dim = 0 : i64, kind = #tpu.reduction_kind<sum>} : vector<16xi1> -> vector<16xi32>
        %slice3A_3697 = vector.extract_strided_slice %all_reduce_population_count3A_3696 {offsets = [0], sizes = [1], strides = [1]} : vector<16xi32> to vector<1xi32>
        %squeeze3A_3698 = vector.extract %slice3A_3697[0] : i32 from vector<1xi32>
        %all_reduce_population_count3A_3699 = tpu.all_reduce %lt3A_3447 {dim = 0 : i64, kind = #tpu.reduction_kind<sum>} : vector<16xi1> -> vector<16xi32>
        %slice3A_3700 = vector.extract_strided_slice %all_reduce_population_count3A_3699 {offsets = [0], sizes = [1], strides = [1]} : vector<16xi32> to vector<1xi32>
        %squeeze3A_3701 = vector.extract %slice3A_3700[0] : i32 from vector<1xi32>
        %all_reduce_population_count3A_3702 = tpu.all_reduce %lt3A_3457 {dim = 0 : i64, kind = #tpu.reduction_kind<sum>} : vector<16xi1> -> vector<16xi32>
        %slice3A_3703 = vector.extract_strided_slice %all_reduce_population_count3A_3702 {offsets = [0], sizes = [1], strides = [1]} : vector<16xi32> to vector<1xi32>
        %squeeze3A_3704 = vector.extract %slice3A_3703[0] : i32 from vector<1xi32>
        %all_reduce_population_count3A_3705 = tpu.all_reduce %lt3A_3467 {dim = 0 : i64, kind = #tpu.reduction_kind<sum>} : vector<16xi1> -> vector<16xi32>
        %slice3A_3706 = vector.extract_strided_slice %all_reduce_population_count3A_3705 {offsets = [0], sizes = [1], strides = [1]} : vector<16xi32> to vector<1xi32>
        %squeeze3A_3707 = vector.extract %slice3A_3706[0] : i32 from vector<1xi32>
        %all_reduce_population_count3A_3708 = tpu.all_reduce %lt3A_3477 {dim = 0 : i64, kind = #tpu.reduction_kind<sum>} : vector<16xi1> -> vector<16xi32>
        %slice3A_3709 = vector.extract_strided_slice %all_reduce_population_count3A_3708 {offsets = [0], sizes = [1], strides = [1]} : vector<16xi32> to vector<1xi32>
        %squeeze3A_3710 = vector.extract %slice3A_3709[0] : i32 from vector<1xi32>
        %all_reduce_population_count3A_3711 = tpu.all_reduce %lt3A_3487 {dim = 0 : i64, kind = #tpu.reduction_kind<sum>} : vector<16xi1> -> vector<16xi32>
        %slice3A_3712 = vector.extract_strided_slice %all_reduce_population_count3A_3711 {offsets = [0], sizes = [1], strides = [1]} : vector<16xi32> to vector<1xi32>
        %squeeze3A_3713 = vector.extract %slice3A_3712[0] : i32 from vector<1xi32>
        %all_reduce_population_count3A_3714 = tpu.all_reduce %lt3A_3497 {dim = 0 : i64, kind = #tpu.reduction_kind<sum>} : vector<16xi1> -> vector<16xi32>
        %slice3A_3715 = vector.extract_strided_slice %all_reduce_population_count3A_3714 {offsets = [0], sizes = [1], strides = [1]} : vector<16xi32> to vector<1xi32>
        %squeeze3A_3716 = vector.extract %slice3A_3715[0] : i32 from vector<1xi32>
        %all_reduce_population_count3A_3717 = tpu.all_reduce %lt3A_3507 {dim = 0 : i64, kind = #tpu.reduction_kind<sum>} : vector<16xi1> -> vector<16xi32>
        %slice3A_3718 = vector.extract_strided_slice %all_reduce_population_count3A_3717 {offsets = [0], sizes = [1], strides = [1]} : vector<16xi32> to vector<1xi32>
        %squeeze3A_3719 = vector.extract %slice3A_3718[0] : i32 from vector<1xi32>
        %all_reduce_population_count3A_3720 = tpu.all_reduce %lt3A_3517 {dim = 0 : i64, kind = #tpu.reduction_kind<sum>} : vector<16xi1> -> vector<16xi32>
        %slice3A_3721 = vector.extract_strided_slice %all_reduce_population_count3A_3720 {offsets = [0], sizes = [1], strides = [1]} : vector<16xi32> to vector<1xi32>
        %squeeze3A_3722 = vector.extract %slice3A_3721[0] : i32 from vector<1xi32>
        %all_reduce_population_count3A_3723 = tpu.all_reduce %lt3A_3527 {dim = 0 : i64, kind = #tpu.reduction_kind<sum>} : vector<16xi1> -> vector<16xi32>
        %slice3A_3724 = vector.extract_strided_slice %all_reduce_population_count3A_3723 {offsets = [0], sizes = [1], strides = [1]} : vector<16xi32> to vector<1xi32>
        %squeeze3A_3725 = vector.extract %slice3A_3724[0] : i32 from vector<1xi32>
        %all_reduce_population_count3A_3726 = tpu.all_reduce %lt3A_3537 {dim = 0 : i64, kind = #tpu.reduction_kind<sum>} : vector<16xi1> -> vector<16xi32>
        %slice3A_3727 = vector.extract_strided_slice %all_reduce_population_count3A_3726 {offsets = [0], sizes = [1], strides = [1]} : vector<16xi32> to vector<1xi32>
        %squeeze3A_3728 = vector.extract %slice3A_3727[0] : i32 from vector<1xi32>
        %all_reduce_population_count3A_3729 = tpu.all_reduce %lt3A_3547 {dim = 0 : i64, kind = #tpu.reduction_kind<sum>} : vector<16xi1> -> vector<16xi32>
        %slice3A_3730 = vector.extract_strided_slice %all_reduce_population_count3A_3729 {offsets = [0], sizes = [1], strides = [1]} : vector<16xi32> to vector<1xi32>
        %squeeze3A_3731 = vector.extract %slice3A_3730[0] : i32 from vector<1xi32>
        %all_reduce_population_count3A_3732 = tpu.all_reduce %lt3A_3557 {dim = 0 : i64, kind = #tpu.reduction_kind<sum>} : vector<16xi1> -> vector<16xi32>
        %slice3A_3733 = vector.extract_strided_slice %all_reduce_population_count3A_3732 {offsets = [0], sizes = [1], strides = [1]} : vector<16xi32> to vector<1xi32>
        %squeeze3A_3734 = vector.extract %slice3A_3733[0] : i32 from vector<1xi32>
        %all_reduce_population_count3A_3735 = tpu.all_reduce %lt3A_3567 {dim = 0 : i64, kind = #tpu.reduction_kind<sum>} : vector<16xi1> -> vector<16xi32>
        %slice3A_3736 = vector.extract_strided_slice %all_reduce_population_count3A_3735 {offsets = [0], sizes = [1], strides = [1]} : vector<16xi32> to vector<1xi32>
        %squeeze3A_3737 = vector.extract %slice3A_3736[0] : i32 from vector<1xi32>
        %all_reduce_population_count3A_3738 = tpu.all_reduce %lt3A_3577 {dim = 0 : i64, kind = #tpu.reduction_kind<sum>} : vector<16xi1> -> vector<16xi32>
        %slice3A_3739 = vector.extract_strided_slice %all_reduce_population_count3A_3738 {offsets = [0], sizes = [1], strides = [1]} : vector<16xi32> to vector<1xi32>
        %squeeze3A_3740 = vector.extract %slice3A_3739[0] : i32 from vector<1xi32>
        %all_reduce_population_count3A_3741 = tpu.all_reduce %lt3A_3587 {dim = 0 : i64, kind = #tpu.reduction_kind<sum>} : vector<16xi1> -> vector<16xi32>
        %slice3A_3742 = vector.extract_strided_slice %all_reduce_population_count3A_3741 {offsets = [0], sizes = [1], strides = [1]} : vector<16xi32> to vector<1xi32>
        %squeeze3A_3743 = vector.extract %slice3A_3742[0] : i32 from vector<1xi32>
        %all_reduce_population_count3A_3744 = tpu.all_reduce %lt3A_3597 {dim = 0 : i64, kind = #tpu.reduction_kind<sum>} : vector<16xi1> -> vector<16xi32>
        %slice3A_3745 = vector.extract_strided_slice %all_reduce_population_count3A_3744 {offsets = [0], sizes = [1], strides = [1]} : vector<16xi32> to vector<1xi32>
        %squeeze3A_3746 = vector.extract %slice3A_3745[0] : i32 from vector<1xi32>
        %all_reduce_population_count3A_3747 = tpu.all_reduce %lt3A_3607 {dim = 0 : i64, kind = #tpu.reduction_kind<sum>} : vector<16xi1> -> vector<16xi32>
        %slice3A_3748 = vector.extract_strided_slice %all_reduce_population_count3A_3747 {offsets = [0], sizes = [1], strides = [1]} : vector<16xi32> to vector<1xi32>
        %squeeze3A_3749 = vector.extract %slice3A_3748[0] : i32 from vector<1xi32>
        %all_reduce_population_count3A_3750 = tpu.all_reduce %lt3A_3617 {dim = 0 : i64, kind = #tpu.reduction_kind<sum>} : vector<16xi1> -> vector<16xi32>
        %slice3A_3751 = vector.extract_strided_slice %all_reduce_population_count3A_3750 {offsets = [0], sizes = [1], strides = [1]} : vector<16xi32> to vector<1xi32>
        %squeeze3A_3752 = vector.extract %slice3A_3751[0] : i32 from vector<1xi32>
        %all_reduce_population_count3A_3753 = tpu.all_reduce %lt3A_3627 {dim = 0 : i64, kind = #tpu.reduction_kind<sum>} : vector<16xi1> -> vector<16xi32>
        %slice3A_3754 = vector.extract_strided_slice %all_reduce_population_count3A_3753 {offsets = [0], sizes = [1], strides = [1]} : vector<16xi32> to vector<1xi32>
        %squeeze3A_3755 = vector.extract %slice3A_3754[0] : i32 from vector<1xi32>
        %all_reduce_population_count3A_3756 = tpu.all_reduce %lt3A_3637 {dim = 0 : i64, kind = #tpu.reduction_kind<sum>} : vector<16xi1> -> vector<16xi32>
        %slice3A_3757 = vector.extract_strided_slice %all_reduce_population_count3A_3756 {offsets = [0], sizes = [1], strides = [1]} : vector<16xi32> to vector<1xi32>
        %squeeze3A_3758 = vector.extract %slice3A_3757[0] : i32 from vector<1xi32>
        %all_reduce_population_count3A_3759 = tpu.all_reduce %lt3A_3647 {dim = 0 : i64, kind = #tpu.reduction_kind<sum>} : vector<16xi1> -> vector<16xi32>
        %slice3A_3760 = vector.extract_strided_slice %all_reduce_population_count3A_3759 {offsets = [0], sizes = [1], strides = [1]} : vector<16xi32> to vector<1xi32>
        %squeeze3A_3761 = vector.extract %slice3A_3760[0] : i32 from vector<1xi32>
        %all_reduce_population_count3A_3762 = tpu.all_reduce %lt3A_3657 {dim = 0 : i64, kind = #tpu.reduction_kind<sum>} : vector<16xi1> -> vector<16xi32>
        %slice3A_3763 = vector.extract_strided_slice %all_reduce_population_count3A_3762 {offsets = [0], sizes = [1], strides = [1]} : vector<16xi32> to vector<1xi32>
        %squeeze3A_3764 = vector.extract %slice3A_3763[0] : i32 from vector<1xi32>
        %all_reduce_population_count3A_3765 = tpu.all_reduce %lt3A_3667 {dim = 0 : i64, kind = #tpu.reduction_kind<sum>} : vector<16xi1> -> vector<16xi32>
        %slice3A_3766 = vector.extract_strided_slice %all_reduce_population_count3A_3765 {offsets = [0], sizes = [1], strides = [1]} : vector<16xi32> to vector<1xi32>
        %squeeze3A_3767 = vector.extract %slice3A_3766[0] : i32 from vector<1xi32>
        %all_reduce_population_count3A_3768 = tpu.all_reduce %lt3A_3677 {dim = 0 : i64, kind = #tpu.reduction_kind<sum>} : vector<16xi1> -> vector<16xi32>
        %slice3A_3769 = vector.extract_strided_slice %all_reduce_population_count3A_3768 {offsets = [0], sizes = [1], strides = [1]} : vector<16xi32> to vector<1xi32>
        %squeeze3A_3770 = vector.extract %slice3A_3769[0] : i32 from vector<1xi32>
        %add3A_3771 = arith.addi %scan3A_3354, %squeeze3A : i32
        %add3A_3772 = arith.addi %add3A_3771, %squeeze3A_3680 : i32
        %add3A_3773 = arith.addi %add3A_3772, %squeeze3A_3683 : i32
        %add3A_3774 = arith.addi %add3A_3773, %squeeze3A_3686 : i32
        %add3A_3775 = arith.addi %add3A_3774, %squeeze3A_3689 : i32
        %add3A_3776 = arith.addi %add3A_3775, %squeeze3A_3692 : i32
        %add3A_3777 = arith.addi %add3A_3776, %squeeze3A_3695 : i32
        %add3A_3778 = arith.addi %add3A_3777, %squeeze3A_3698 : i32
        %add3A_3779 = arith.addi %add3A_3778, %squeeze3A_3701 : i32
        %add3A_3780 = arith.addi %add3A_3779, %squeeze3A_3704 : i32
        %add3A_3781 = arith.addi %add3A_3780, %squeeze3A_3707 : i32
        %add3A_3782 = arith.addi %add3A_3781, %squeeze3A_3710 : i32
        %add3A_3783 = arith.addi %add3A_3782, %squeeze3A_3713 : i32
        %add3A_3784 = arith.addi %add3A_3783, %squeeze3A_3716 : i32
        %add3A_3785 = arith.addi %add3A_3784, %squeeze3A_3719 : i32
        %add3A_3786 = arith.addi %add3A_3785, %squeeze3A_3722 : i32
        %add3A_3787 = arith.addi %add3A_3786, %squeeze3A_3725 : i32
        %add3A_3788 = arith.addi %add3A_3787, %squeeze3A_3728 : i32
        %add3A_3789 = arith.addi %add3A_3788, %squeeze3A_3731 : i32
        %add3A_3790 = arith.addi %add3A_3789, %squeeze3A_3734 : i32
        %add3A_3791 = arith.addi %add3A_3790, %squeeze3A_3737 : i32
        %add3A_3792 = arith.addi %add3A_3791, %squeeze3A_3740 : i32
        %add3A_3793 = arith.addi %add3A_3792, %squeeze3A_3743 : i32
        %add3A_3794 = arith.addi %add3A_3793, %squeeze3A_3746 : i32
        %add3A_3795 = arith.addi %add3A_3794, %squeeze3A_3749 : i32
        %add3A_3796 = arith.addi %add3A_3795, %squeeze3A_3752 : i32
        %add3A_3797 = arith.addi %add3A_3796, %squeeze3A_3755 : i32
        %add3A_3798 = arith.addi %add3A_3797, %squeeze3A_3758 : i32
        %add3A_3799 = arith.addi %add3A_3798, %squeeze3A_3761 : i32
        %add3A_3800 = arith.addi %add3A_3799, %squeeze3A_3764 : i32
        %add3A_3801 = arith.addi %add3A_3800, %squeeze3A_3767 : i32
        %swap3A_3802 = arith.index_cast %scan3A_3354 : i32 to index
        %swap3A_3803 = tpu.vector_load %arg13[%swap3A_3802] masked %lt3A_3367 {strides = array<i32>} : memref<768xf32, #tpu.memory_space<vmem>>, vector<16xf32>, vector<16xi1>
        tpu.vector_store %arg13[%swap3A_3802], %add3A_3366 masked %lt3A_3367 {strides = array<i32>} : memref<768xf32, #tpu.memory_space<vmem>>, vector<16xf32>, vector<16xi1>
        %add3A_3804 = arith.constant 0 : i32
        %add3A_3805 = arith.addi %mul3A_3357, %add3A_3804 : i32
        %add3A_3806 = vector.broadcast %add3A_3805 : i32 to vector<16xi32>
        %add3A_3807 = arith.addi %iota3A, %add3A_3806 : vector<16xi32>
        %swap3A_3808 = arith.index_cast %scan3A_3354 : i32 to index
        %swap3A_3809 = tpu.vector_load %arg14[%swap3A_3808] masked %lt3A_3367 {strides = array<i32>} : memref<768xi32, #tpu.memory_space<vmem>>, vector<16xi32>, vector<16xi1>
        tpu.vector_store %arg14[%swap3A_3808], %add3A_3807 masked %lt3A_3367 {strides = array<i32>} : memref<768xi32, #tpu.memory_space<vmem>>, vector<16xi32>, vector<16xi1>
        %swap3A_3810 = arith.index_cast %add3A_3771 : i32 to index
        %swap3A_3811 = tpu.vector_load %arg13[%swap3A_3810] masked %lt3A_3377 {strides = array<i32>} : memref<768xf32, #tpu.memory_space<vmem>>, vector<16xf32>, vector<16xi1>
        tpu.vector_store %arg13[%swap3A_3810], %add3A_3376 masked %lt3A_3377 {strides = array<i32>} : memref<768xf32, #tpu.memory_space<vmem>>, vector<16xf32>, vector<16xi1>
        %add3A_3812 = arith.constant 16 : i32
        %add3A_3813 = arith.addi %mul3A_3357, %add3A_3812 : i32
        %add3A_3814 = vector.broadcast %add3A_3813 : i32 to vector<16xi32>
        %add3A_3815 = arith.addi %iota3A, %add3A_3814 : vector<16xi32>
        %swap3A_3816 = arith.index_cast %add3A_3771 : i32 to index
        %swap3A_3817 = tpu.vector_load %arg14[%swap3A_3816] masked %lt3A_3377 {strides = array<i32>} : memref<768xi32, #tpu.memory_space<vmem>>, vector<16xi32>, vector<16xi1>
        tpu.vector_store %arg14[%swap3A_3816], %add3A_3815 masked %lt3A_3377 {strides = array<i32>} : memref<768xi32, #tpu.memory_space<vmem>>, vector<16xi32>, vector<16xi1>
        %swap3A_3818 = arith.index_cast %add3A_3772 : i32 to index
        %swap3A_3819 = tpu.vector_load %arg13[%swap3A_3818] masked %lt3A_3387 {strides = array<i32>} : memref<768xf32, #tpu.memory_space<vmem>>, vector<16xf32>, vector<16xi1>
        tpu.vector_store %arg13[%swap3A_3818], %add3A_3386 masked %lt3A_3387 {strides = array<i32>} : memref<768xf32, #tpu.memory_space<vmem>>, vector<16xf32>, vector<16xi1>
        %add3A_3820 = arith.constant 32 : i32
        %add3A_3821 = arith.addi %mul3A_3357, %add3A_3820 : i32
        %add3A_3822 = vector.broadcast %add3A_3821 : i32 to vector<16xi32>
        %add3A_3823 = arith.addi %iota3A, %add3A_3822 : vector<16xi32>
        %swap3A_3824 = arith.index_cast %add3A_3772 : i32 to index
        %swap3A_3825 = tpu.vector_load %arg14[%swap3A_3824] masked %lt3A_3387 {strides = array<i32>} : memref<768xi32, #tpu.memory_space<vmem>>, vector<16xi32>, vector<16xi1>
        tpu.vector_store %arg14[%swap3A_3824], %add3A_3823 masked %lt3A_3387 {strides = array<i32>} : memref<768xi32, #tpu.memory_space<vmem>>, vector<16xi32>, vector<16xi1>
        %swap3A_3826 = arith.index_cast %add3A_3773 : i32 to index
        %swap3A_3827 = tpu.vector_load %arg13[%swap3A_3826] masked %lt3A_3397 {strides = array<i32>} : memref<768xf32, #tpu.memory_space<vmem>>, vector<16xf32>, vector<16xi1>
        tpu.vector_store %arg13[%swap3A_3826], %add3A_3396 masked %lt3A_3397 {strides = array<i32>} : memref<768xf32, #tpu.memory_space<vmem>>, vector<16xf32>, vector<16xi1>
        %add3A_3828 = arith.constant 48 : i32
        %add3A_3829 = arith.addi %mul3A_3357, %add3A_3828 : i32
        %add3A_3830 = vector.broadcast %add3A_3829 : i32 to vector<16xi32>
        %add3A_3831 = arith.addi %iota3A, %add3A_3830 : vector<16xi32>
        %swap3A_3832 = arith.index_cast %add3A_3773 : i32 to index
        %swap3A_3833 = tpu.vector_load %arg14[%swap3A_3832] masked %lt3A_3397 {strides = array<i32>} : memref<768xi32, #tpu.memory_space<vmem>>, vector<16xi32>, vector<16xi1>
        tpu.vector_store %arg14[%swap3A_3832], %add3A_3831 masked %lt3A_3397 {strides = array<i32>} : memref<768xi32, #tpu.memory_space<vmem>>, vector<16xi32>, vector<16xi1>
        %swap3A_3834 = arith.index_cast %add3A_3774 : i32 to index
        %swap3A_3835 = tpu.vector_load %arg13[%swap3A_3834] masked %lt3A_3407 {strides = array<i32>} : memref<768xf32, #tpu.memory_space<vmem>>, vector<16xf32>, vector<16xi1>
        tpu.vector_store %arg13[%swap3A_3834], %add3A_3406 masked %lt3A_3407 {strides = array<i32>} : memref<768xf32, #tpu.memory_space<vmem>>, vector<16xf32>, vector<16xi1>
        %add3A_3836 = arith.constant 64 : i32
        %add3A_3837 = arith.addi %mul3A_3357, %add3A_3836 : i32
        %add3A_3838 = vector.broadcast %add3A_3837 : i32 to vector<16xi32>
        %add3A_3839 = arith.addi %iota3A, %add3A_3838 : vector<16xi32>
        %swap3A_3840 = arith.index_cast %add3A_3774 : i32 to index
        %swap3A_3841 = tpu.vector_load %arg14[%swap3A_3840] masked %lt3A_3407 {strides = array<i32>} : memref<768xi32, #tpu.memory_space<vmem>>, vector<16xi32>, vector<16xi1>
        tpu.vector_store %arg14[%swap3A_3840], %add3A_3839 masked %lt3A_3407 {strides = array<i32>} : memref<768xi32, #tpu.memory_space<vmem>>, vector<16xi32>, vector<16xi1>
        %swap3A_3842 = arith.index_cast %add3A_3775 : i32 to index
        %swap3A_3843 = tpu.vector_load %arg13[%swap3A_3842] masked %lt3A_3417 {strides = array<i32>} : memref<768xf32, #tpu.memory_space<vmem>>, vector<16xf32>, vector<16xi1>
        tpu.vector_store %arg13[%swap3A_3842], %add3A_3416 masked %lt3A_3417 {strides = array<i32>} : memref<768xf32, #tpu.memory_space<vmem>>, vector<16xf32>, vector<16xi1>
        %add3A_3844 = arith.constant 80 : i32
        %add3A_3845 = arith.addi %mul3A_3357, %add3A_3844 : i32
        %add3A_3846 = vector.broadcast %add3A_3845 : i32 to vector<16xi32>
        %add3A_3847 = arith.addi %iota3A, %add3A_3846 : vector<16xi32>
        %swap3A_3848 = arith.index_cast %add3A_3775 : i32 to index
        %swap3A_3849 = tpu.vector_load %arg14[%swap3A_3848] masked %lt3A_3417 {strides = array<i32>} : memref<768xi32, #tpu.memory_space<vmem>>, vector<16xi32>, vector<16xi1>
        tpu.vector_store %arg14[%swap3A_3848], %add3A_3847 masked %lt3A_3417 {strides = array<i32>} : memref<768xi32, #tpu.memory_space<vmem>>, vector<16xi32>, vector<16xi1>
        %swap3A_3850 = arith.index_cast %add3A_3776 : i32 to index
        %swap3A_3851 = tpu.vector_load %arg13[%swap3A_3850] masked %lt3A_3427 {strides = array<i32>} : memref<768xf32, #tpu.memory_space<vmem>>, vector<16xf32>, vector<16xi1>
        tpu.vector_store %arg13[%swap3A_3850], %add3A_3426 masked %lt3A_3427 {strides = array<i32>} : memref<768xf32, #tpu.memory_space<vmem>>, vector<16xf32>, vector<16xi1>
        %add3A_3852 = arith.constant 96 : i32
        %add3A_3853 = arith.addi %mul3A_3357, %add3A_3852 : i32
        %add3A_3854 = vector.broadcast %add3A_3853 : i32 to vector<16xi32>
        %add3A_3855 = arith.addi %iota3A, %add3A_3854 : vector<16xi32>
        %swap3A_3856 = arith.index_cast %add3A_3776 : i32 to index
        %swap3A_3857 = tpu.vector_load %arg14[%swap3A_3856] masked %lt3A_3427 {strides = array<i32>} : memref<768xi32, #tpu.memory_space<vmem>>, vector<16xi32>, vector<16xi1>
        tpu.vector_store %arg14[%swap3A_3856], %add3A_3855 masked %lt3A_3427 {strides = array<i32>} : memref<768xi32, #tpu.memory_space<vmem>>, vector<16xi32>, vector<16xi1>
        %swap3A_3858 = arith.index_cast %add3A_3777 : i32 to index
        %swap3A_3859 = tpu.vector_load %arg13[%swap3A_3858] masked %lt3A_3437 {strides = array<i32>} : memref<768xf32, #tpu.memory_space<vmem>>, vector<16xf32>, vector<16xi1>
        tpu.vector_store %arg13[%swap3A_3858], %add3A_3436 masked %lt3A_3437 {strides = array<i32>} : memref<768xf32, #tpu.memory_space<vmem>>, vector<16xf32>, vector<16xi1>
        %add3A_3860 = arith.constant 112 : i32
        %add3A_3861 = arith.addi %mul3A_3357, %add3A_3860 : i32
        %add3A_3862 = vector.broadcast %add3A_3861 : i32 to vector<16xi32>
        %add3A_3863 = arith.addi %iota3A, %add3A_3862 : vector<16xi32>
        %swap3A_3864 = arith.index_cast %add3A_3777 : i32 to index
        %swap3A_3865 = tpu.vector_load %arg14[%swap3A_3864] masked %lt3A_3437 {strides = array<i32>} : memref<768xi32, #tpu.memory_space<vmem>>, vector<16xi32>, vector<16xi1>
        tpu.vector_store %arg14[%swap3A_3864], %add3A_3863 masked %lt3A_3437 {strides = array<i32>} : memref<768xi32, #tpu.memory_space<vmem>>, vector<16xi32>, vector<16xi1>
        %swap3A_3866 = arith.index_cast %add3A_3778 : i32 to index
        %swap3A_3867 = tpu.vector_load %arg13[%swap3A_3866] masked %lt3A_3447 {strides = array<i32>} : memref<768xf32, #tpu.memory_space<vmem>>, vector<16xf32>, vector<16xi1>
        tpu.vector_store %arg13[%swap3A_3866], %add3A_3446 masked %lt3A_3447 {strides = array<i32>} : memref<768xf32, #tpu.memory_space<vmem>>, vector<16xf32>, vector<16xi1>
        %add3A_3868 = arith.constant 128 : i32
        %add3A_3869 = arith.addi %mul3A_3357, %add3A_3868 : i32
        %add3A_3870 = vector.broadcast %add3A_3869 : i32 to vector<16xi32>
        %add3A_3871 = arith.addi %iota3A, %add3A_3870 : vector<16xi32>
        %swap3A_3872 = arith.index_cast %add3A_3778 : i32 to index
        %swap3A_3873 = tpu.vector_load %arg14[%swap3A_3872] masked %lt3A_3447 {strides = array<i32>} : memref<768xi32, #tpu.memory_space<vmem>>, vector<16xi32>, vector<16xi1>
        tpu.vector_store %arg14[%swap3A_3872], %add3A_3871 masked %lt3A_3447 {strides = array<i32>} : memref<768xi32, #tpu.memory_space<vmem>>, vector<16xi32>, vector<16xi1>
        %swap3A_3874 = arith.index_cast %add3A_3779 : i32 to index
        %swap3A_3875 = tpu.vector_load %arg13[%swap3A_3874] masked %lt3A_3457 {strides = array<i32>} : memref<768xf32, #tpu.memory_space<vmem>>, vector<16xf32>, vector<16xi1>
        tpu.vector_store %arg13[%swap3A_3874], %add3A_3456 masked %lt3A_3457 {strides = array<i32>} : memref<768xf32, #tpu.memory_space<vmem>>, vector<16xf32>, vector<16xi1>
        %add3A_3876 = arith.constant 144 : i32
        %add3A_3877 = arith.addi %mul3A_3357, %add3A_3876 : i32
        %add3A_3878 = vector.broadcast %add3A_3877 : i32 to vector<16xi32>
        %add3A_3879 = arith.addi %iota3A, %add3A_3878 : vector<16xi32>
        %swap3A_3880 = arith.index_cast %add3A_3779 : i32 to index
        %swap3A_3881 = tpu.vector_load %arg14[%swap3A_3880] masked %lt3A_3457 {strides = array<i32>} : memref<768xi32, #tpu.memory_space<vmem>>, vector<16xi32>, vector<16xi1>
        tpu.vector_store %arg14[%swap3A_3880], %add3A_3879 masked %lt3A_3457 {strides = array<i32>} : memref<768xi32, #tpu.memory_space<vmem>>, vector<16xi32>, vector<16xi1>
        %swap3A_3882 = arith.index_cast %add3A_3780 : i32 to index
        %swap3A_3883 = tpu.vector_load %arg13[%swap3A_3882] masked %lt3A_3467 {strides = array<i32>} : memref<768xf32, #tpu.memory_space<vmem>>, vector<16xf32>, vector<16xi1>
        tpu.vector_store %arg13[%swap3A_3882], %add3A_3466 masked %lt3A_3467 {strides = array<i32>} : memref<768xf32, #tpu.memory_space<vmem>>, vector<16xf32>, vector<16xi1>
        %add3A_3884 = arith.constant 160 : i32
        %add3A_3885 = arith.addi %mul3A_3357, %add3A_3884 : i32
        %add3A_3886 = vector.broadcast %add3A_3885 : i32 to vector<16xi32>
        %add3A_3887 = arith.addi %iota3A, %add3A_3886 : vector<16xi32>
        %swap3A_3888 = arith.index_cast %add3A_3780 : i32 to index
        %swap3A_3889 = tpu.vector_load %arg14[%swap3A_3888] masked %lt3A_3467 {strides = array<i32>} : memref<768xi32, #tpu.memory_space<vmem>>, vector<16xi32>, vector<16xi1>
        tpu.vector_store %arg14[%swap3A_3888], %add3A_3887 masked %lt3A_3467 {strides = array<i32>} : memref<768xi32, #tpu.memory_space<vmem>>, vector<16xi32>, vector<16xi1>
        %swap3A_3890 = arith.index_cast %add3A_3781 : i32 to index
        %swap3A_3891 = tpu.vector_load %arg13[%swap3A_3890] masked %lt3A_3477 {strides = array<i32>} : memref<768xf32, #tpu.memory_space<vmem>>, vector<16xf32>, vector<16xi1>
        tpu.vector_store %arg13[%swap3A_3890], %add3A_3476 masked %lt3A_3477 {strides = array<i32>} : memref<768xf32, #tpu.memory_space<vmem>>, vector<16xf32>, vector<16xi1>
        %add3A_3892 = arith.constant 176 : i32
        %add3A_3893 = arith.addi %mul3A_3357, %add3A_3892 : i32
        %add3A_3894 = vector.broadcast %add3A_3893 : i32 to vector<16xi32>
        %add3A_3895 = arith.addi %iota3A, %add3A_3894 : vector<16xi32>
        %swap3A_3896 = arith.index_cast %add3A_3781 : i32 to index
        %swap3A_3897 = tpu.vector_load %arg14[%swap3A_3896] masked %lt3A_3477 {strides = array<i32>} : memref<768xi32, #tpu.memory_space<vmem>>, vector<16xi32>, vector<16xi1>
        tpu.vector_store %arg14[%swap3A_3896], %add3A_3895 masked %lt3A_3477 {strides = array<i32>} : memref<768xi32, #tpu.memory_space<vmem>>, vector<16xi32>, vector<16xi1>
        %swap3A_3898 = arith.index_cast %add3A_3782 : i32 to index
        %swap3A_3899 = tpu.vector_load %arg13[%swap3A_3898] masked %lt3A_3487 {strides = array<i32>} : memref<768xf32, #tpu.memory_space<vmem>>, vector<16xf32>, vector<16xi1>
        tpu.vector_store %arg13[%swap3A_3898], %add3A_3486 masked %lt3A_3487 {strides = array<i32>} : memref<768xf32, #tpu.memory_space<vmem>>, vector<16xf32>, vector<16xi1>
        %add3A_3900 = arith.constant 192 : i32
        %add3A_3901 = arith.addi %mul3A_3357, %add3A_3900 : i32
        %add3A_3902 = vector.broadcast %add3A_3901 : i32 to vector<16xi32>
        %add3A_3903 = arith.addi %iota3A, %add3A_3902 : vector<16xi32>
        %swap3A_3904 = arith.index_cast %add3A_3782 : i32 to index
        %swap3A_3905 = tpu.vector_load %arg14[%swap3A_3904] masked %lt3A_3487 {strides = array<i32>} : memref<768xi32, #tpu.memory_space<vmem>>, vector<16xi32>, vector<16xi1>
        tpu.vector_store %arg14[%swap3A_3904], %add3A_3903 masked %lt3A_3487 {strides = array<i32>} : memref<768xi32, #tpu.memory_space<vmem>>, vector<16xi32>, vector<16xi1>
        %swap3A_3906 = arith.index_cast %add3A_3783 : i32 to index
        %swap3A_3907 = tpu.vector_load %arg13[%swap3A_3906] masked %lt3A_3497 {strides = array<i32>} : memref<768xf32, #tpu.memory_space<vmem>>, vector<16xf32>, vector<16xi1>
        tpu.vector_store %arg13[%swap3A_3906], %add3A_3496 masked %lt3A_3497 {strides = array<i32>} : memref<768xf32, #tpu.memory_space<vmem>>, vector<16xf32>, vector<16xi1>
        %add3A_3908 = arith.constant 208 : i32
        %add3A_3909 = arith.addi %mul3A_3357, %add3A_3908 : i32
        %add3A_3910 = vector.broadcast %add3A_3909 : i32 to vector<16xi32>
        %add3A_3911 = arith.addi %iota3A, %add3A_3910 : vector<16xi32>
        %swap3A_3912 = arith.index_cast %add3A_3783 : i32 to index
        %swap3A_3913 = tpu.vector_load %arg14[%swap3A_3912] masked %lt3A_3497 {strides = array<i32>} : memref<768xi32, #tpu.memory_space<vmem>>, vector<16xi32>, vector<16xi1>
        tpu.vector_store %arg14[%swap3A_3912], %add3A_3911 masked %lt3A_3497 {strides = array<i32>} : memref<768xi32, #tpu.memory_space<vmem>>, vector<16xi32>, vector<16xi1>
        %swap3A_3914 = arith.index_cast %add3A_3784 : i32 to index
        %swap3A_3915 = tpu.vector_load %arg13[%swap3A_3914] masked %lt3A_3507 {strides = array<i32>} : memref<768xf32, #tpu.memory_space<vmem>>, vector<16xf32>, vector<16xi1>
        tpu.vector_store %arg13[%swap3A_3914], %add3A_3506 masked %lt3A_3507 {strides = array<i32>} : memref<768xf32, #tpu.memory_space<vmem>>, vector<16xf32>, vector<16xi1>
        %add3A_3916 = arith.constant 224 : i32
        %add3A_3917 = arith.addi %mul3A_3357, %add3A_3916 : i32
        %add3A_3918 = vector.broadcast %add3A_3917 : i32 to vector<16xi32>
        %add3A_3919 = arith.addi %iota3A, %add3A_3918 : vector<16xi32>
        %swap3A_3920 = arith.index_cast %add3A_3784 : i32 to index
        %swap3A_3921 = tpu.vector_load %arg14[%swap3A_3920] masked %lt3A_3507 {strides = array<i32>} : memref<768xi32, #tpu.memory_space<vmem>>, vector<16xi32>, vector<16xi1>
        tpu.vector_store %arg14[%swap3A_3920], %add3A_3919 masked %lt3A_3507 {strides = array<i32>} : memref<768xi32, #tpu.memory_space<vmem>>, vector<16xi32>, vector<16xi1>
        %swap3A_3922 = arith.index_cast %add3A_3785 : i32 to index
        %swap3A_3923 = tpu.vector_load %arg13[%swap3A_3922] masked %lt3A_3517 {strides = array<i32>} : memref<768xf32, #tpu.memory_space<vmem>>, vector<16xf32>, vector<16xi1>
        tpu.vector_store %arg13[%swap3A_3922], %add3A_3516 masked %lt3A_3517 {strides = array<i32>} : memref<768xf32, #tpu.memory_space<vmem>>, vector<16xf32>, vector<16xi1>
        %add3A_3924 = arith.constant 240 : i32
        %add3A_3925 = arith.addi %mul3A_3357, %add3A_3924 : i32
        %add3A_3926 = vector.broadcast %add3A_3925 : i32 to vector<16xi32>
        %add3A_3927 = arith.addi %iota3A, %add3A_3926 : vector<16xi32>
        %swap3A_3928 = arith.index_cast %add3A_3785 : i32 to index
        %swap3A_3929 = tpu.vector_load %arg14[%swap3A_3928] masked %lt3A_3517 {strides = array<i32>} : memref<768xi32, #tpu.memory_space<vmem>>, vector<16xi32>, vector<16xi1>
        tpu.vector_store %arg14[%swap3A_3928], %add3A_3927 masked %lt3A_3517 {strides = array<i32>} : memref<768xi32, #tpu.memory_space<vmem>>, vector<16xi32>, vector<16xi1>
        %swap3A_3930 = arith.index_cast %add3A_3786 : i32 to index
        %swap3A_3931 = tpu.vector_load %arg13[%swap3A_3930] masked %lt3A_3527 {strides = array<i32>} : memref<768xf32, #tpu.memory_space<vmem>>, vector<16xf32>, vector<16xi1>
        tpu.vector_store %arg13[%swap3A_3930], %add3A_3526 masked %lt3A_3527 {strides = array<i32>} : memref<768xf32, #tpu.memory_space<vmem>>, vector<16xf32>, vector<16xi1>
        %add3A_3932 = arith.constant 256 : i32
        %add3A_3933 = arith.addi %mul3A_3357, %add3A_3932 : i32
        %add3A_3934 = vector.broadcast %add3A_3933 : i32 to vector<16xi32>
        %add3A_3935 = arith.addi %iota3A, %add3A_3934 : vector<16xi32>
        %swap3A_3936 = arith.index_cast %add3A_3786 : i32 to index
        %swap3A_3937 = tpu.vector_load %arg14[%swap3A_3936] masked %lt3A_3527 {strides = array<i32>} : memref<768xi32, #tpu.memory_space<vmem>>, vector<16xi32>, vector<16xi1>
        tpu.vector_store %arg14[%swap3A_3936], %add3A_3935 masked %lt3A_3527 {strides = array<i32>} : memref<768xi32, #tpu.memory_space<vmem>>, vector<16xi32>, vector<16xi1>
        %swap3A_3938 = arith.index_cast %add3A_3787 : i32 to index
        %swap3A_3939 = tpu.vector_load %arg13[%swap3A_3938] masked %lt3A_3537 {strides = array<i32>} : memref<768xf32, #tpu.memory_space<vmem>>, vector<16xf32>, vector<16xi1>
        tpu.vector_store %arg13[%swap3A_3938], %add3A_3536 masked %lt3A_3537 {strides = array<i32>} : memref<768xf32, #tpu.memory_space<vmem>>, vector<16xf32>, vector<16xi1>
        %add3A_3940 = arith.constant 272 : i32
        %add3A_3941 = arith.addi %mul3A_3357, %add3A_3940 : i32
        %add3A_3942 = vector.broadcast %add3A_3941 : i32 to vector<16xi32>
        %add3A_3943 = arith.addi %iota3A, %add3A_3942 : vector<16xi32>
        %swap3A_3944 = arith.index_cast %add3A_3787 : i32 to index
        %swap3A_3945 = tpu.vector_load %arg14[%swap3A_3944] masked %lt3A_3537 {strides = array<i32>} : memref<768xi32, #tpu.memory_space<vmem>>, vector<16xi32>, vector<16xi1>
        tpu.vector_store %arg14[%swap3A_3944], %add3A_3943 masked %lt3A_3537 {strides = array<i32>} : memref<768xi32, #tpu.memory_space<vmem>>, vector<16xi32>, vector<16xi1>
        %swap3A_3946 = arith.index_cast %add3A_3788 : i32 to index
        %swap3A_3947 = tpu.vector_load %arg13[%swap3A_3946] masked %lt3A_3547 {strides = array<i32>} : memref<768xf32, #tpu.memory_space<vmem>>, vector<16xf32>, vector<16xi1>
        tpu.vector_store %arg13[%swap3A_3946], %add3A_3546 masked %lt3A_3547 {strides = array<i32>} : memref<768xf32, #tpu.memory_space<vmem>>, vector<16xf32>, vector<16xi1>
        %add3A_3948 = arith.constant 288 : i32
        %add3A_3949 = arith.addi %mul3A_3357, %add3A_3948 : i32
        %add3A_3950 = vector.broadcast %add3A_3949 : i32 to vector<16xi32>
        %add3A_3951 = arith.addi %iota3A, %add3A_3950 : vector<16xi32>
        %swap3A_3952 = arith.index_cast %add3A_3788 : i32 to index
        %swap3A_3953 = tpu.vector_load %arg14[%swap3A_3952] masked %lt3A_3547 {strides = array<i32>} : memref<768xi32, #tpu.memory_space<vmem>>, vector<16xi32>, vector<16xi1>
        tpu.vector_store %arg14[%swap3A_3952], %add3A_3951 masked %lt3A_3547 {strides = array<i32>} : memref<768xi32, #tpu.memory_space<vmem>>, vector<16xi32>, vector<16xi1>
        %swap3A_3954 = arith.index_cast %add3A_3789 : i32 to index
        %swap3A_3955 = tpu.vector_load %arg13[%swap3A_3954] masked %lt3A_3557 {strides = array<i32>} : memref<768xf32, #tpu.memory_space<vmem>>, vector<16xf32>, vector<16xi1>
        tpu.vector_store %arg13[%swap3A_3954], %add3A_3556 masked %lt3A_3557 {strides = array<i32>} : memref<768xf32, #tpu.memory_space<vmem>>, vector<16xf32>, vector<16xi1>
        %add3A_3956 = arith.constant 304 : i32
        %add3A_3957 = arith.addi %mul3A_3357, %add3A_3956 : i32
        %add3A_3958 = vector.broadcast %add3A_3957 : i32 to vector<16xi32>
        %add3A_3959 = arith.addi %iota3A, %add3A_3958 : vector<16xi32>
        %swap3A_3960 = arith.index_cast %add3A_3789 : i32 to index
        %swap3A_3961 = tpu.vector_load %arg14[%swap3A_3960] masked %lt3A_3557 {strides = array<i32>} : memref<768xi32, #tpu.memory_space<vmem>>, vector<16xi32>, vector<16xi1>
        tpu.vector_store %arg14[%swap3A_3960], %add3A_3959 masked %lt3A_3557 {strides = array<i32>} : memref<768xi32, #tpu.memory_space<vmem>>, vector<16xi32>, vector<16xi1>
        %swap3A_3962 = arith.index_cast %add3A_3790 : i32 to index
        %swap3A_3963 = tpu.vector_load %arg13[%swap3A_3962] masked %lt3A_3567 {strides = array<i32>} : memref<768xf32, #tpu.memory_space<vmem>>, vector<16xf32>, vector<16xi1>
        tpu.vector_store %arg13[%swap3A_3962], %add3A_3566 masked %lt3A_3567 {strides = array<i32>} : memref<768xf32, #tpu.memory_space<vmem>>, vector<16xf32>, vector<16xi1>
        %add3A_3964 = arith.constant 320 : i32
        %add3A_3965 = arith.addi %mul3A_3357, %add3A_3964 : i32
        %add3A_3966 = vector.broadcast %add3A_3965 : i32 to vector<16xi32>
        %add3A_3967 = arith.addi %iota3A, %add3A_3966 : vector<16xi32>
        %swap3A_3968 = arith.index_cast %add3A_3790 : i32 to index
        %swap3A_3969 = tpu.vector_load %arg14[%swap3A_3968] masked %lt3A_3567 {strides = array<i32>} : memref<768xi32, #tpu.memory_space<vmem>>, vector<16xi32>, vector<16xi1>
        tpu.vector_store %arg14[%swap3A_3968], %add3A_3967 masked %lt3A_3567 {strides = array<i32>} : memref<768xi32, #tpu.memory_space<vmem>>, vector<16xi32>, vector<16xi1>
        %swap3A_3970 = arith.index_cast %add3A_3791 : i32 to index
        %swap3A_3971 = tpu.vector_load %arg13[%swap3A_3970] masked %lt3A_3577 {strides = array<i32>} : memref<768xf32, #tpu.memory_space<vmem>>, vector<16xf32>, vector<16xi1>
        tpu.vector_store %arg13[%swap3A_3970], %add3A_3576 masked %lt3A_3577 {strides = array<i32>} : memref<768xf32, #tpu.memory_space<vmem>>, vector<16xf32>, vector<16xi1>
        %add3A_3972 = arith.constant 336 : i32
        %add3A_3973 = arith.addi %mul3A_3357, %add3A_3972 : i32
        %add3A_3974 = vector.broadcast %add3A_3973 : i32 to vector<16xi32>
        %add3A_3975 = arith.addi %iota3A, %add3A_3974 : vector<16xi32>
        %swap3A_3976 = arith.index_cast %add3A_3791 : i32 to index
        %swap3A_3977 = tpu.vector_load %arg14[%swap3A_3976] masked %lt3A_3577 {strides = array<i32>} : memref<768xi32, #tpu.memory_space<vmem>>, vector<16xi32>, vector<16xi1>
        tpu.vector_store %arg14[%swap3A_3976], %add3A_3975 masked %lt3A_3577 {strides = array<i32>} : memref<768xi32, #tpu.memory_space<vmem>>, vector<16xi32>, vector<16xi1>
        %swap3A_3978 = arith.index_cast %add3A_3792 : i32 to index
        %swap3A_3979 = tpu.vector_load %arg13[%swap3A_3978] masked %lt3A_3587 {strides = array<i32>} : memref<768xf32, #tpu.memory_space<vmem>>, vector<16xf32>, vector<16xi1>
        tpu.vector_store %arg13[%swap3A_3978], %add3A_3586 masked %lt3A_3587 {strides = array<i32>} : memref<768xf32, #tpu.memory_space<vmem>>, vector<16xf32>, vector<16xi1>
        %add3A_3980 = arith.constant 352 : i32
        %add3A_3981 = arith.addi %mul3A_3357, %add3A_3980 : i32
        %add3A_3982 = vector.broadcast %add3A_3981 : i32 to vector<16xi32>
        %add3A_3983 = arith.addi %iota3A, %add3A_3982 : vector<16xi32>
        %swap3A_3984 = arith.index_cast %add3A_3792 : i32 to index
        %swap3A_3985 = tpu.vector_load %arg14[%swap3A_3984] masked %lt3A_3587 {strides = array<i32>} : memref<768xi32, #tpu.memory_space<vmem>>, vector<16xi32>, vector<16xi1>
        tpu.vector_store %arg14[%swap3A_3984], %add3A_3983 masked %lt3A_3587 {strides = array<i32>} : memref<768xi32, #tpu.memory_space<vmem>>, vector<16xi32>, vector<16xi1>
        %swap3A_3986 = arith.index_cast %add3A_3793 : i32 to index
        %swap3A_3987 = tpu.vector_load %arg13[%swap3A_3986] masked %lt3A_3597 {strides = array<i32>} : memref<768xf32, #tpu.memory_space<vmem>>, vector<16xf32>, vector<16xi1>
        tpu.vector_store %arg13[%swap3A_3986], %add3A_3596 masked %lt3A_3597 {strides = array<i32>} : memref<768xf32, #tpu.memory_space<vmem>>, vector<16xf32>, vector<16xi1>
        %add3A_3988 = arith.constant 368 : i32
        %add3A_3989 = arith.addi %mul3A_3357, %add3A_3988 : i32
        %add3A_3990 = vector.broadcast %add3A_3989 : i32 to vector<16xi32>
        %add3A_3991 = arith.addi %iota3A, %add3A_3990 : vector<16xi32>
        %swap3A_3992 = arith.index_cast %add3A_3793 : i32 to index
        %swap3A_3993 = tpu.vector_load %arg14[%swap3A_3992] masked %lt3A_3597 {strides = array<i32>} : memref<768xi32, #tpu.memory_space<vmem>>, vector<16xi32>, vector<16xi1>
        tpu.vector_store %arg14[%swap3A_3992], %add3A_3991 masked %lt3A_3597 {strides = array<i32>} : memref<768xi32, #tpu.memory_space<vmem>>, vector<16xi32>, vector<16xi1>
        %swap3A_3994 = arith.index_cast %add3A_3794 : i32 to index
        %swap3A_3995 = tpu.vector_load %arg13[%swap3A_3994] masked %lt3A_3607 {strides = array<i32>} : memref<768xf32, #tpu.memory_space<vmem>>, vector<16xf32>, vector<16xi1>
        tpu.vector_store %arg13[%swap3A_3994], %add3A_3606 masked %lt3A_3607 {strides = array<i32>} : memref<768xf32, #tpu.memory_space<vmem>>, vector<16xf32>, vector<16xi1>
        %add3A_3996 = arith.constant 384 : i32
        %add3A_3997 = arith.addi %mul3A_3357, %add3A_3996 : i32
        %add3A_3998 = vector.broadcast %add3A_3997 : i32 to vector<16xi32>
        %add3A_3999 = arith.addi %iota3A, %add3A_3998 : vector<16xi32>
        %swap3A_4000 = arith.index_cast %add3A_3794 : i32 to index
        %swap3A_4001 = tpu.vector_load %arg14[%swap3A_4000] masked %lt3A_3607 {strides = array<i32>} : memref<768xi32, #tpu.memory_space<vmem>>, vector<16xi32>, vector<16xi1>
        tpu.vector_store %arg14[%swap3A_4000], %add3A_3999 masked %lt3A_3607 {strides = array<i32>} : memref<768xi32, #tpu.memory_space<vmem>>, vector<16xi32>, vector<16xi1>
        %swap3A_4002 = arith.index_cast %add3A_3795 : i32 to index
        %swap3A_4003 = tpu.vector_load %arg13[%swap3A_4002] masked %lt3A_3617 {strides = array<i32>} : memref<768xf32, #tpu.memory_space<vmem>>, vector<16xf32>, vector<16xi1>
        tpu.vector_store %arg13[%swap3A_4002], %add3A_3616 masked %lt3A_3617 {strides = array<i32>} : memref<768xf32, #tpu.memory_space<vmem>>, vector<16xf32>, vector<16xi1>
        %add3A_4004 = arith.constant 400 : i32
        %add3A_4005 = arith.addi %mul3A_3357, %add3A_4004 : i32
        %add3A_4006 = vector.broadcast %add3A_4005 : i32 to vector<16xi32>
        %add3A_4007 = arith.addi %iota3A, %add3A_4006 : vector<16xi32>
        %swap3A_4008 = arith.index_cast %add3A_3795 : i32 to index
        %swap3A_4009 = tpu.vector_load %arg14[%swap3A_4008] masked %lt3A_3617 {strides = array<i32>} : memref<768xi32, #tpu.memory_space<vmem>>, vector<16xi32>, vector<16xi1>
        tpu.vector_store %arg14[%swap3A_4008], %add3A_4007 masked %lt3A_3617 {strides = array<i32>} : memref<768xi32, #tpu.memory_space<vmem>>, vector<16xi32>, vector<16xi1>
        %swap3A_4010 = arith.index_cast %add3A_3796 : i32 to index
        %swap3A_4011 = tpu.vector_load %arg13[%swap3A_4010] masked %lt3A_3627 {strides = array<i32>} : memref<768xf32, #tpu.memory_space<vmem>>, vector<16xf32>, vector<16xi1>
        tpu.vector_store %arg13[%swap3A_4010], %add3A_3626 masked %lt3A_3627 {strides = array<i32>} : memref<768xf32, #tpu.memory_space<vmem>>, vector<16xf32>, vector<16xi1>
        %add3A_4012 = arith.constant 416 : i32
        %add3A_4013 = arith.addi %mul3A_3357, %add3A_4012 : i32
        %add3A_4014 = vector.broadcast %add3A_4013 : i32 to vector<16xi32>
        %add3A_4015 = arith.addi %iota3A, %add3A_4014 : vector<16xi32>
        %swap3A_4016 = arith.index_cast %add3A_3796 : i32 to index
        %swap3A_4017 = tpu.vector_load %arg14[%swap3A_4016] masked %lt3A_3627 {strides = array<i32>} : memref<768xi32, #tpu.memory_space<vmem>>, vector<16xi32>, vector<16xi1>
        tpu.vector_store %arg14[%swap3A_4016], %add3A_4015 masked %lt3A_3627 {strides = array<i32>} : memref<768xi32, #tpu.memory_space<vmem>>, vector<16xi32>, vector<16xi1>
        %swap3A_4018 = arith.index_cast %add3A_3797 : i32 to index
        %swap3A_4019 = tpu.vector_load %arg13[%swap3A_4018] masked %lt3A_3637 {strides = array<i32>} : memref<768xf32, #tpu.memory_space<vmem>>, vector<16xf32>, vector<16xi1>
        tpu.vector_store %arg13[%swap3A_4018], %add3A_3636 masked %lt3A_3637 {strides = array<i32>} : memref<768xf32, #tpu.memory_space<vmem>>, vector<16xf32>, vector<16xi1>
        %add3A_4020 = arith.constant 432 : i32
        %add3A_4021 = arith.addi %mul3A_3357, %add3A_4020 : i32
        %add3A_4022 = vector.broadcast %add3A_4021 : i32 to vector<16xi32>
        %add3A_4023 = arith.addi %iota3A, %add3A_4022 : vector<16xi32>
        %swap3A_4024 = arith.index_cast %add3A_3797 : i32 to index
        %swap3A_4025 = tpu.vector_load %arg14[%swap3A_4024] masked %lt3A_3637 {strides = array<i32>} : memref<768xi32, #tpu.memory_space<vmem>>, vector<16xi32>, vector<16xi1>
        tpu.vector_store %arg14[%swap3A_4024], %add3A_4023 masked %lt3A_3637 {strides = array<i32>} : memref<768xi32, #tpu.memory_space<vmem>>, vector<16xi32>, vector<16xi1>
        %swap3A_4026 = arith.index_cast %add3A_3798 : i32 to index
        %swap3A_4027 = tpu.vector_load %arg13[%swap3A_4026] masked %lt3A_3647 {strides = array<i32>} : memref<768xf32, #tpu.memory_space<vmem>>, vector<16xf32>, vector<16xi1>
        tpu.vector_store %arg13[%swap3A_4026], %add3A_3646 masked %lt3A_3647 {strides = array<i32>} : memref<768xf32, #tpu.memory_space<vmem>>, vector<16xf32>, vector<16xi1>
        %add3A_4028 = arith.constant 448 : i32
        %add3A_4029 = arith.addi %mul3A_3357, %add3A_4028 : i32
        %add3A_4030 = vector.broadcast %add3A_4029 : i32 to vector<16xi32>
        %add3A_4031 = arith.addi %iota3A, %add3A_4030 : vector<16xi32>
        %swap3A_4032 = arith.index_cast %add3A_3798 : i32 to index
        %swap3A_4033 = tpu.vector_load %arg14[%swap3A_4032] masked %lt3A_3647 {strides = array<i32>} : memref<768xi32, #tpu.memory_space<vmem>>, vector<16xi32>, vector<16xi1>
        tpu.vector_store %arg14[%swap3A_4032], %add3A_4031 masked %lt3A_3647 {strides = array<i32>} : memref<768xi32, #tpu.memory_space<vmem>>, vector<16xi32>, vector<16xi1>
        %swap3A_4034 = arith.index_cast %add3A_3799 : i32 to index
        %swap3A_4035 = tpu.vector_load %arg13[%swap3A_4034] masked %lt3A_3657 {strides = array<i32>} : memref<768xf32, #tpu.memory_space<vmem>>, vector<16xf32>, vector<16xi1>
        tpu.vector_store %arg13[%swap3A_4034], %add3A_3656 masked %lt3A_3657 {strides = array<i32>} : memref<768xf32, #tpu.memory_space<vmem>>, vector<16xf32>, vector<16xi1>
        %add3A_4036 = arith.constant 464 : i32
        %add3A_4037 = arith.addi %mul3A_3357, %add3A_4036 : i32
        %add3A_4038 = vector.broadcast %add3A_4037 : i32 to vector<16xi32>
        %add3A_4039 = arith.addi %iota3A, %add3A_4038 : vector<16xi32>
        %swap3A_4040 = arith.index_cast %add3A_3799 : i32 to index
        %swap3A_4041 = tpu.vector_load %arg14[%swap3A_4040] masked %lt3A_3657 {strides = array<i32>} : memref<768xi32, #tpu.memory_space<vmem>>, vector<16xi32>, vector<16xi1>
        tpu.vector_store %arg14[%swap3A_4040], %add3A_4039 masked %lt3A_3657 {strides = array<i32>} : memref<768xi32, #tpu.memory_space<vmem>>, vector<16xi32>, vector<16xi1>
        %swap3A_4042 = arith.index_cast %add3A_3800 : i32 to index
        %swap3A_4043 = tpu.vector_load %arg13[%swap3A_4042] masked %lt3A_3667 {strides = array<i32>} : memref<768xf32, #tpu.memory_space<vmem>>, vector<16xf32>, vector<16xi1>
        tpu.vector_store %arg13[%swap3A_4042], %add3A_3666 masked %lt3A_3667 {strides = array<i32>} : memref<768xf32, #tpu.memory_space<vmem>>, vector<16xf32>, vector<16xi1>
        %add3A_4044 = arith.constant 480 : i32
        %add3A_4045 = arith.addi %mul3A_3357, %add3A_4044 : i32
        %add3A_4046 = vector.broadcast %add3A_4045 : i32 to vector<16xi32>
        %add3A_4047 = arith.addi %iota3A, %add3A_4046 : vector<16xi32>
        %swap3A_4048 = arith.index_cast %add3A_3800 : i32 to index
        %swap3A_4049 = tpu.vector_load %arg14[%swap3A_4048] masked %lt3A_3667 {strides = array<i32>} : memref<768xi32, #tpu.memory_space<vmem>>, vector<16xi32>, vector<16xi1>
        tpu.vector_store %arg14[%swap3A_4048], %add3A_4047 masked %lt3A_3667 {strides = array<i32>} : memref<768xi32, #tpu.memory_space<vmem>>, vector<16xi32>, vector<16xi1>
        %swap3A_4050 = arith.index_cast %add3A_3801 : i32 to index
        %swap3A_4051 = tpu.vector_load %arg13[%swap3A_4050] masked %lt3A_3677 {strides = array<i32>} : memref<768xf32, #tpu.memory_space<vmem>>, vector<16xf32>, vector<16xi1>
        tpu.vector_store %arg13[%swap3A_4050], %add3A_3676 masked %lt3A_3677 {strides = array<i32>} : memref<768xf32, #tpu.memory_space<vmem>>, vector<16xf32>, vector<16xi1>
        %add3A_4052 = arith.constant 496 : i32
        %add3A_4053 = arith.addi %mul3A_3357, %add3A_4052 : i32
        %add3A_4054 = vector.broadcast %add3A_4053 : i32 to vector<16xi32>
        %add3A_4055 = arith.addi %iota3A, %add3A_4054 : vector<16xi32>
        %swap3A_4056 = arith.index_cast %add3A_3801 : i32 to index
        %swap3A_4057 = tpu.vector_load %arg14[%swap3A_4056] masked %lt3A_3677 {strides = array<i32>} : memref<768xi32, #tpu.memory_space<vmem>>, vector<16xi32>, vector<16xi1>
        tpu.vector_store %arg14[%swap3A_4056], %add3A_4055 masked %lt3A_3677 {strides = array<i32>} : memref<768xi32, #tpu.memory_space<vmem>>, vector<16xi32>, vector<16xi1>
        %add3A_4058 = arith.addi %add3A_3801, %squeeze3A_3770 : i32
        %gt3A = arith.constant 256 : i32
        %gt3A_4059 = arith.cmpi sgt, %add3A_4058, %gt3A : i32
        %convert_element_type3A = arith.extui %gt3A_4059 : i1 to i32
        %cond3A = arith.constant 0 : i32
        %cond3A_4060 = arith.cmpi ne, %convert_element_type3A, %cond3A : i32
        %cond3A_4061:2 = scf.if %cond3A_4060 -> (i32, vector<16xf32>) {
          %scan3A_4062 = arith.constant 8388608 : i32
          %scan3A_4063 = arith.constant -8388609 : i32
          %scan3A_4064 = arith.constant 0 : i32
          %scan3A_4065 = arith.constant 32 : i32
          %scan3A_4066 = arith.addi %scan3A_4064, %scan3A_4065 : i32
          %scan3A_4067 = arith.constant 1 : i32
          %scan3A_4068:2 = scf.for %scan3A_4165 = %scan3A_4064 to %scan3A_4066 step %scan3A_4067 iter_args(%scan3A_4166 = %scan3A_4062, %scan3A_4167 = %scan3A_4063) -> (i32, i32)  : i32 {
            %sub3A_4168 = arith.subi %scan3A_4167, %scan3A_4166 : i32
            %jit3A_4169 = arith.constant 2 : i32
            %div3A_4170 = arith.divui %sub3A_4168, %jit3A_4169 : i32
            %add3A_4171 = arith.addi %scan3A_4166, %div3A_4170 : i32
            %broadcast_in_dim3A_4172 = vector.broadcast %add3A_4171 : i32 to vector<16xi32>
            %ge3A_4173 = arith.constant -2147483648 : i32
            %ge3A_4174 = vector.broadcast %ge3A_4173 : i32 to vector<16xi32>
            %ge3A_4175 = arith.cmpi uge, %broadcast_in_dim3A_4172, %ge3A_4174 : vector<16xi32>
            %and3A_4176 = arith.constant 2147483647 : i32
            %and3A_4177 = vector.broadcast %and3A_4176 : i32 to vector<16xi32>
            %and3A_4178 = arith.andi %broadcast_in_dim3A_4172, %and3A_4177 : vector<16xi32>
            %not3A_4179 = arith.constant dense<-1> : vector<16xi32>
            %not3A_4180 = arith.xori %broadcast_in_dim3A_4172, %not3A_4179 : vector<16xi32>
            %select_n3A_4181 = arith.select %ge3A_4175, %and3A_4178, %not3A_4180 : vector<16xi1>, vector<16xi32>
            %bitcast3A_4182 = vector.bitcast %select_n3A_4181 : vector<16xi32> to vector<16xf32>
            %add3A_4183 = arith.constant 15 : i32
            %add3A_4184 = arith.addi %add3A_4058, %add3A_4183 : i32
            %jit3A_4185 = arith.constant 16 : i32
            %div3A_4186 = arith.divsi %add3A_4184, %jit3A_4185 : i32
            %sign3A_4187 = arith.constant 0 : i32
            %sign3A_4188 = arith.cmpi sgt, %add3A_4184, %sign3A_4187 : i32
            %sign3A_4189 = arith.extui %sign3A_4188 : i1 to i32
            %sign3A_4190 = arith.constant 0 : i32
            %sign3A_4191 = arith.cmpi slt, %add3A_4184, %sign3A_4190 : i32
            %sign3A_4192 = arith.extui %sign3A_4191 : i1 to i32
            %sign3A_4193 = arith.subi %sign3A_4189, %sign3A_4192 : i32
            %sign3A_4194 = arith.constant 0 : i32
            %sign3A_4195 = arith.cmpi sgt, %jit3A_4185, %sign3A_4194 : i32
            %sign3A_4196 = arith.extui %sign3A_4195 : i1 to i32
            %sign3A_4197 = arith.constant 0 : i32
            %sign3A_4198 = arith.cmpi slt, %jit3A_4185, %sign3A_4197 : i32
            %sign3A_4199 = arith.extui %sign3A_4198 : i1 to i32
            %sign3A_4200 = arith.subi %sign3A_4196, %sign3A_4199 : i32
            %ne3A_4201 = arith.cmpi ne, %sign3A_4193, %sign3A_4200 : i32
            %rem3A_4202 = arith.remsi %add3A_4184, %jit3A_4185 : i32
            %ne3A_4203 = arith.constant 0 : i32
            %ne3A_4204 = arith.cmpi ne, %rem3A_4202, %ne3A_4203 : i32
            %and3A_4205 = arith.andi %ne3A_4201, %ne3A_4204 : i1
            %sub3A_4206 = arith.constant 1 : i32
            %sub3A_4207 = arith.subi %div3A_4186, %sub3A_4206 : i32
            %select_n3A_4208 = arith.select %and3A_4205, %sub3A_4207, %div3A_4186 : i32
            %broadcast_in_dim3A_4209 = arith.constant 0 : i32
            %broadcast_in_dim3A_4210 = vector.broadcast %broadcast_in_dim3A_4209 : i32 to vector<16xi32>
            %while3A_4211 = arith.constant 0 : i32
            %while3A_4212 = arith.subi %select_n3A_4208, %while3A_4211 : i32
            %while3A_4213 = arith.addi %while3A_4211, %while3A_4212 : i32
            %while3A_4214 = arith.constant 1 : i32
            %while3A_4215 = arith.divsi %while3A_4212, %while3A_4214 : i32
            %while3A_4216 = arith.muli %while3A_4215, %while3A_4214 : i32
            %while3A_4217 = arith.addi %while3A_4211, %while3A_4216 : i32
            %while3A_4218 = arith.constant 1 : i32
            %while3A_4219 = scf.for %while3A_4230 = %while3A_4211 to %while3A_4217 step %while3A_4218 iter_args(%while3A_4231 = %broadcast_in_dim3A_4210) -> (vector<16xi32>)  : i32 {
              %mul3A_4232 = arith.constant 16 : i32
              %mul3A_4233 = arith.muli %while3A_4230, %mul3A_4232 : i32
              %get3A_4234 = arith.index_cast %mul3A_4233 : i32 to index
              %get3A_4235 = tpu.vector_load %arg13[%get3A_4234] {strides = array<i32>} : memref<768xf32, #tpu.memory_space<vmem>>, vector<16xf32>,
              %mul3A_4236 = arith.constant 16 : i32
              %mul3A_4237 = arith.muli %while3A_4230, %mul3A_4236 : i32
              %add3A_4238 = vector.broadcast %mul3A_4237 : i32 to vector<16xi32>
              %add3A_4239 = arith.addi %iota3A, %add3A_4238 : vector<16xi32>
              %lt3A_4240 = vector.broadcast %add3A_4058 : i32 to vector<16xi32>
              %lt3A_4241 = arith.cmpi slt, %add3A_4239, %lt3A_4240 : vector<16xi32>
              %lt3A_4242 = arith.cmpf olt, %get3A_4235, %bitcast3A_4182 : vector<16xf32>
              %and3A_4243 = arith.andi %lt3A_4242, %lt3A_4241 : vector<16xi1>
              %all_reduce_population_count3A_4244 = tpu.all_reduce %and3A_4243 {dim = 0 : i64, kind = #tpu.reduction_kind<sum>} : vector<16xi1> -> vector<16xi32>
              %add3A_4245 = arith.addi %while3A_4231, %all_reduce_population_count3A_4244 : vector<16xi32>
              scf.yield %add3A_4245 : vector<16xi32>
            }
            %while3A_4220 = arith.constant 1 : i32
            %while3A_4221 = scf.for %while3A_4230 = %while3A_4217 to %while3A_4213 step %while3A_4220 iter_args(%while3A_4231 = %while3A_4219) -> (vector<16xi32>)  : i32 {
              %mul3A_4232 = arith.constant 16 : i32
              %mul3A_4233 = arith.muli %while3A_4230, %mul3A_4232 : i32
              %get3A_4234 = arith.index_cast %mul3A_4233 : i32 to index
              %get3A_4235 = tpu.vector_load %arg13[%get3A_4234] {strides = array<i32>} : memref<768xf32, #tpu.memory_space<vmem>>, vector<16xf32>,
              %mul3A_4236 = arith.constant 16 : i32
              %mul3A_4237 = arith.muli %while3A_4230, %mul3A_4236 : i32
              %add3A_4238 = vector.broadcast %mul3A_4237 : i32 to vector<16xi32>
              %add3A_4239 = arith.addi %iota3A, %add3A_4238 : vector<16xi32>
              %lt3A_4240 = vector.broadcast %add3A_4058 : i32 to vector<16xi32>
              %lt3A_4241 = arith.cmpi slt, %add3A_4239, %lt3A_4240 : vector<16xi32>
              %lt3A_4242 = arith.cmpf olt, %get3A_4235, %bitcast3A_4182 : vector<16xf32>
              %and3A_4243 = arith.andi %lt3A_4242, %lt3A_4241 : vector<16xi1>
              %all_reduce_population_count3A_4244 = tpu.all_reduce %and3A_4243 {dim = 0 : i64, kind = #tpu.reduction_kind<sum>} : vector<16xi1> -> vector<16xi32>
              %add3A_4245 = arith.addi %while3A_4231, %all_reduce_population_count3A_4244 : vector<16xi32>
              scf.yield %add3A_4245 : vector<16xi32>
            }
            %slice3A_4222 = vector.extract_strided_slice %while3A_4221 {offsets = [0], sizes = [1], strides = [1]} : vector<16xi32> to vector<1xi32>
            %squeeze3A_4223 = vector.extract %slice3A_4222[0] : i32 from vector<1xi32>
            %ge3A_4224 = arith.constant 64 : i32
            %ge3A_4225 = arith.cmpi sge, %squeeze3A_4223, %ge3A_4224 : i32
            %add3A_4226 = arith.constant 1 : i32
            %add3A_4227 = arith.addi %add3A_4171, %add3A_4226 : i32
            %select_n3A_4228 = arith.select %ge3A_4225, %scan3A_4166, %add3A_4227 : i32
            %select_n3A_4229 = arith.select %ge3A_4225, %add3A_4171, %scan3A_4167 : i32
            scf.yield %select_n3A_4228, %select_n3A_4229 : i32, i32
          }
          %scan3A_4069 = arith.constant 32 : i32
          %sub3A_4070 = arith.constant 1 : i32
          %sub3A_4071 = arith.subi %scan3A_4068#0, %sub3A_4070 : i32
          %broadcast_in_dim3A_4072 = vector.broadcast %sub3A_4071 : i32 to vector<16xi32>
          %ge3A_4073 = arith.constant -2147483648 : i32
          %ge3A_4074 = vector.broadcast %ge3A_4073 : i32 to vector<16xi32>
          %ge3A_4075 = arith.cmpi uge, %broadcast_in_dim3A_4072, %ge3A_4074 : vector<16xi32>
          %and3A_4076 = arith.constant 2147483647 : i32
          %and3A_4077 = vector.broadcast %and3A_4076 : i32 to vector<16xi32>
          %and3A_4078 = arith.andi %broadcast_in_dim3A_4072, %and3A_4077 : vector<16xi32>
          %not3A_4079 = arith.constant dense<-1> : vector<16xi32>
          %not3A_4080 = arith.xori %broadcast_in_dim3A_4072, %not3A_4079 : vector<16xi32>
          %select_n3A_4081 = arith.select %ge3A_4075, %and3A_4078, %not3A_4080 : vector<16xi1>, vector<16xi32>
          %bitcast3A_4082 = vector.bitcast %select_n3A_4081 : vector<16xi32> to vector<16xf32>
          %add3A_4083 = arith.constant 15 : i32
          %add3A_4084 = arith.addi %add3A_4058, %add3A_4083 : i32
          %jit3A_4085 = arith.constant 16 : i32
          %div3A_4086 = arith.divsi %add3A_4084, %jit3A_4085 : i32
          %sign3A_4087 = arith.constant 0 : i32
          %sign3A_4088 = arith.cmpi sgt, %add3A_4084, %sign3A_4087 : i32
          %sign3A_4089 = arith.extui %sign3A_4088 : i1 to i32
          %sign3A_4090 = arith.constant 0 : i32
          %sign3A_4091 = arith.cmpi slt, %add3A_4084, %sign3A_4090 : i32
          %sign3A_4092 = arith.extui %sign3A_4091 : i1 to i32
          %sign3A_4093 = arith.subi %sign3A_4089, %sign3A_4092 : i32
          %sign3A_4094 = arith.constant 0 : i32
          %sign3A_4095 = arith.cmpi sgt, %jit3A_4085, %sign3A_4094 : i32
          %sign3A_4096 = arith.extui %sign3A_4095 : i1 to i32
          %sign3A_4097 = arith.constant 0 : i32
          %sign3A_4098 = arith.cmpi slt, %jit3A_4085, %sign3A_4097 : i32
          %sign3A_4099 = arith.extui %sign3A_4098 : i1 to i32
          %sign3A_4100 = arith.subi %sign3A_4096, %sign3A_4099 : i32
          %ne3A_4101 = arith.cmpi ne, %sign3A_4093, %sign3A_4100 : i32
          %rem3A_4102 = arith.remsi %add3A_4084, %jit3A_4085 : i32
          %ne3A_4103 = arith.constant 0 : i32
          %ne3A_4104 = arith.cmpi ne, %rem3A_4102, %ne3A_4103 : i32
          %and3A_4105 = arith.andi %ne3A_4101, %ne3A_4104 : i1
          %sub3A_4106 = arith.constant 1 : i32
          %sub3A_4107 = arith.subi %div3A_4086, %sub3A_4106 : i32
          %select_n3A_4108 = arith.select %and3A_4105, %sub3A_4107, %div3A_4086 : i32
          %while3A_4109 = arith.constant 0 : i32
          %while3A_4110 = arith.constant 0 : i32
          %while3A_4111 = arith.subi %select_n3A_4108, %while3A_4109 : i32
          %while3A_4112 = arith.addi %while3A_4109, %while3A_4111 : i32
          %while3A_4113 = arith.constant 1 : i32
          %while3A_4114 = arith.divsi %while3A_4111, %while3A_4113 : i32
          %while3A_4115 = arith.muli %while3A_4114, %while3A_4113 : i32
          %while3A_4116 = arith.addi %while3A_4109, %while3A_4115 : i32
          %while3A_4117 = arith.constant 1 : i32
          %while3A_4118 = scf.for %while3A_4165 = %while3A_4109 to %while3A_4116 step %while3A_4117 iter_args(%while3A_4166 = %while3A_4110) -> (i32)  : i32 {
            %mul3A_4167 = arith.constant 16 : i32
            %mul3A_4168 = arith.muli %while3A_4165, %mul3A_4167 : i32
            %get3A_4169 = arith.index_cast %mul3A_4168 : i32 to index
            %get3A_4170 = tpu.vector_load %arg13[%get3A_4169] {strides = array<i32>} : memref<768xf32, #tpu.memory_space<vmem>>, vector<16xf32>,
            %mul3A_4171 = arith.constant 16 : i32
            %mul3A_4172 = arith.muli %while3A_4165, %mul3A_4171 : i32
            %get3A_4173 = arith.index_cast %mul3A_4172 : i32 to index
            %get3A_4174 = tpu.vector_load %arg14[%get3A_4173] {strides = array<i32>} : memref<768xi32, #tpu.memory_space<vmem>>, vector<16xi32>,
            %mul3A_4175 = arith.constant 16 : i32
            %mul3A_4176 = arith.muli %while3A_4165, %mul3A_4175 : i32
            %add3A_4177 = vector.broadcast %mul3A_4176 : i32 to vector<16xi32>
            %add3A_4178 = arith.addi %iota3A, %add3A_4177 : vector<16xi32>
            %lt3A_4179 = vector.broadcast %add3A_4058 : i32 to vector<16xi32>
            %lt3A_4180 = arith.cmpi slt, %add3A_4178, %lt3A_4179 : vector<16xi32>
            %lt3A_4181 = arith.cmpf olt, %get3A_4170, %bitcast3A_4082 : vector<16xf32>
            %and3A_4182 = arith.andi %lt3A_4181, %lt3A_4180 : vector<16xi1>
            %swap3A_4183 = arith.index_cast %while3A_4166 : i32 to index
            %swap3A_4184 = tpu.vector_load %arg15[%swap3A_4183] masked %and3A_4182 {strides = array<i32>} : memref<784xf32, #tpu.memory_space<vmem>>, vector<16xf32>, vector<16xi1>
            tpu.vector_store %arg15[%swap3A_4183], %get3A_4170 masked %and3A_4182 {strides = array<i32>} : memref<784xf32, #tpu.memory_space<vmem>>, vector<16xf32>, vector<16xi1>
            %swap3A_4185 = arith.index_cast %while3A_4166 : i32 to index
            %swap3A_4186 = tpu.vector_load %arg16[%swap3A_4185] masked %and3A_4182 {strides = array<i32>} : memref<784xi32, #tpu.memory_space<vmem>>, vector<16xi32>, vector<16xi1>
            tpu.vector_store %arg16[%swap3A_4185], %get3A_4174 masked %and3A_4182 {strides = array<i32>} : memref<784xi32, #tpu.memory_space<vmem>>, vector<16xi32>, vector<16xi1>
            %all_reduce_population_count3A_4187 = tpu.all_reduce %and3A_4182 {dim = 0 : i64, kind = #tpu.reduction_kind<sum>} : vector<16xi1> -> vector<16xi32>
            %slice3A_4188 = vector.extract_strided_slice %all_reduce_population_count3A_4187 {offsets = [0], sizes = [1], strides = [1]} : vector<16xi32> to vector<1xi32>
            %squeeze3A_4189 = vector.extract %slice3A_4188[0] : i32 from vector<1xi32>
            %add3A_4190 = arith.addi %while3A_4166, %squeeze3A_4189 : i32
            scf.yield %add3A_4190 : i32
          }
          %while3A_4119 = arith.constant 1 : i32
          %while3A_4120 = scf.for %while3A_4165 = %while3A_4116 to %while3A_4112 step %while3A_4119 iter_args(%while3A_4166 = %while3A_4118) -> (i32)  : i32 {
            %mul3A_4167 = arith.constant 16 : i32
            %mul3A_4168 = arith.muli %while3A_4165, %mul3A_4167 : i32
            %get3A_4169 = arith.index_cast %mul3A_4168 : i32 to index
            %get3A_4170 = tpu.vector_load %arg13[%get3A_4169] {strides = array<i32>} : memref<768xf32, #tpu.memory_space<vmem>>, vector<16xf32>,
            %mul3A_4171 = arith.constant 16 : i32
            %mul3A_4172 = arith.muli %while3A_4165, %mul3A_4171 : i32
            %get3A_4173 = arith.index_cast %mul3A_4172 : i32 to index
            %get3A_4174 = tpu.vector_load %arg14[%get3A_4173] {strides = array<i32>} : memref<768xi32, #tpu.memory_space<vmem>>, vector<16xi32>,
            %mul3A_4175 = arith.constant 16 : i32
            %mul3A_4176 = arith.muli %while3A_4165, %mul3A_4175 : i32
            %add3A_4177 = vector.broadcast %mul3A_4176 : i32 to vector<16xi32>
            %add3A_4178 = arith.addi %iota3A, %add3A_4177 : vector<16xi32>
            %lt3A_4179 = vector.broadcast %add3A_4058 : i32 to vector<16xi32>
            %lt3A_4180 = arith.cmpi slt, %add3A_4178, %lt3A_4179 : vector<16xi32>
            %lt3A_4181 = arith.cmpf olt, %get3A_4170, %bitcast3A_4082 : vector<16xf32>
            %and3A_4182 = arith.andi %lt3A_4181, %lt3A_4180 : vector<16xi1>
            %swap3A_4183 = arith.index_cast %while3A_4166 : i32 to index
            %swap3A_4184 = tpu.vector_load %arg15[%swap3A_4183] masked %and3A_4182 {strides = array<i32>} : memref<784xf32, #tpu.memory_space<vmem>>, vector<16xf32>, vector<16xi1>
            tpu.vector_store %arg15[%swap3A_4183], %get3A_4170 masked %and3A_4182 {strides = array<i32>} : memref<784xf32, #tpu.memory_space<vmem>>, vector<16xf32>, vector<16xi1>
            %swap3A_4185 = arith.index_cast %while3A_4166 : i32 to index
            %swap3A_4186 = tpu.vector_load %arg16[%swap3A_4185] masked %and3A_4182 {strides = array<i32>} : memref<784xi32, #tpu.memory_space<vmem>>, vector<16xi32>, vector<16xi1>
            tpu.vector_store %arg16[%swap3A_4185], %get3A_4174 masked %and3A_4182 {strides = array<i32>} : memref<784xi32, #tpu.memory_space<vmem>>, vector<16xi32>, vector<16xi1>
            %all_reduce_population_count3A_4187 = tpu.all_reduce %and3A_4182 {dim = 0 : i64, kind = #tpu.reduction_kind<sum>} : vector<16xi1> -> vector<16xi32>
            %slice3A_4188 = vector.extract_strided_slice %all_reduce_population_count3A_4187 {offsets = [0], sizes = [1], strides = [1]} : vector<16xi32> to vector<1xi32>
            %squeeze3A_4189 = vector.extract %slice3A_4188[0] : i32 from vector<1xi32>
            %add3A_4190 = arith.addi %while3A_4166, %squeeze3A_4189 : i32
            scf.yield %add3A_4190 : i32
          }
          %while3A_4121 = arith.constant 0 : i32
          %while3A_4122 = arith.subi %select_n3A_4108, %while3A_4121 : i32
          %while3A_4123 = arith.addi %while3A_4121, %while3A_4122 : i32
          %while3A_4124 = arith.constant 1 : i32
          %while3A_4125 = arith.divsi %while3A_4122, %while3A_4124 : i32
          %while3A_4126 = arith.muli %while3A_4125, %while3A_4124 : i32
          %while3A_4127 = arith.addi %while3A_4121, %while3A_4126 : i32
          %while3A_4128 = arith.constant 1 : i32
          %while3A_4129 = scf.for %while3A_4165 = %while3A_4121 to %while3A_4127 step %while3A_4128 iter_args(%while3A_4166 = %while3A_4120) -> (i32)  : i32 {
            %mul3A_4167 = arith.constant 16 : i32
            %mul3A_4168 = arith.muli %while3A_4165, %mul3A_4167 : i32
            %get3A_4169 = arith.index_cast %mul3A_4168 : i32 to index
            %get3A_4170 = tpu.vector_load %arg13[%get3A_4169] {strides = array<i32>} : memref<768xf32, #tpu.memory_space<vmem>>, vector<16xf32>,
            %mul3A_4171 = arith.constant 16 : i32
            %mul3A_4172 = arith.muli %while3A_4165, %mul3A_4171 : i32
            %get3A_4173 = arith.index_cast %mul3A_4172 : i32 to index
            %get3A_4174 = tpu.vector_load %arg14[%get3A_4173] {strides = array<i32>} : memref<768xi32, #tpu.memory_space<vmem>>, vector<16xi32>,
            %mul3A_4175 = arith.constant 16 : i32
            %mul3A_4176 = arith.muli %while3A_4165, %mul3A_4175 : i32
            %add3A_4177 = vector.broadcast %mul3A_4176 : i32 to vector<16xi32>
            %add3A_4178 = arith.addi %iota3A, %add3A_4177 : vector<16xi32>
            %lt3A_4179 = vector.broadcast %add3A_4058 : i32 to vector<16xi32>
            %lt3A_4180 = arith.cmpi slt, %add3A_4178, %lt3A_4179 : vector<16xi32>
            %eq3A_4181 = arith.cmpf oeq, %get3A_4170, %bitcast3A_4082 : vector<16xf32>
            %and3A_4182 = arith.andi %eq3A_4181, %lt3A_4180 : vector<16xi1>
            %swap3A_4183 = arith.index_cast %while3A_4166 : i32 to index
            %swap3A_4184 = tpu.vector_load %arg15[%swap3A_4183] masked %and3A_4182 {strides = array<i32>} : memref<784xf32, #tpu.memory_space<vmem>>, vector<16xf32>, vector<16xi1>
            tpu.vector_store %arg15[%swap3A_4183], %get3A_4170 masked %and3A_4182 {strides = array<i32>} : memref<784xf32, #tpu.memory_space<vmem>>, vector<16xf32>, vector<16xi1>
            %swap3A_4185 = arith.index_cast %while3A_4166 : i32 to index
            %swap3A_4186 = tpu.vector_load %arg16[%swap3A_4185] masked %and3A_4182 {strides = array<i32>} : memref<784xi32, #tpu.memory_space<vmem>>, vector<16xi32>, vector<16xi1>
            tpu.vector_store %arg16[%swap3A_4185], %get3A_4174 masked %and3A_4182 {strides = array<i32>} : memref<784xi32, #tpu.memory_space<vmem>>, vector<16xi32>, vector<16xi1>
            %all_reduce_population_count3A_4187 = tpu.all_reduce %and3A_4182 {dim = 0 : i64, kind = #tpu.reduction_kind<sum>} : vector<16xi1> -> vector<16xi32>
            %slice3A_4188 = vector.extract_strided_slice %all_reduce_population_count3A_4187 {offsets = [0], sizes = [1], strides = [1]} : vector<16xi32> to vector<1xi32>
            %squeeze3A_4189 = vector.extract %slice3A_4188[0] : i32 from vector<1xi32>
            %add3A_4190 = arith.addi %while3A_4166, %squeeze3A_4189 : i32
            scf.yield %add3A_4190 : i32
          }
          %while3A_4130 = arith.constant 1 : i32
          %while3A_4131 = scf.for %while3A_4165 = %while3A_4127 to %while3A_4123 step %while3A_4130 iter_args(%while3A_4166 = %while3A_4129) -> (i32)  : i32 {
            %mul3A_4167 = arith.constant 16 : i32
            %mul3A_4168 = arith.muli %while3A_4165, %mul3A_4167 : i32
            %get3A_4169 = arith.index_cast %mul3A_4168 : i32 to index
            %get3A_4170 = tpu.vector_load %arg13[%get3A_4169] {strides = array<i32>} : memref<768xf32, #tpu.memory_space<vmem>>, vector<16xf32>,
            %mul3A_4171 = arith.constant 16 : i32
            %mul3A_4172 = arith.muli %while3A_4165, %mul3A_4171 : i32
            %get3A_4173 = arith.index_cast %mul3A_4172 : i32 to index
            %get3A_4174 = tpu.vector_load %arg14[%get3A_4173] {strides = array<i32>} : memref<768xi32, #tpu.memory_space<vmem>>, vector<16xi32>,
            %mul3A_4175 = arith.constant 16 : i32
            %mul3A_4176 = arith.muli %while3A_4165, %mul3A_4175 : i32
            %add3A_4177 = vector.broadcast %mul3A_4176 : i32 to vector<16xi32>
            %add3A_4178 = arith.addi %iota3A, %add3A_4177 : vector<16xi32>
            %lt3A_4179 = vector.broadcast %add3A_4058 : i32 to vector<16xi32>
            %lt3A_4180 = arith.cmpi slt, %add3A_4178, %lt3A_4179 : vector<16xi32>
            %eq3A_4181 = arith.cmpf oeq, %get3A_4170, %bitcast3A_4082 : vector<16xf32>
            %and3A_4182 = arith.andi %eq3A_4181, %lt3A_4180 : vector<16xi1>
            %swap3A_4183 = arith.index_cast %while3A_4166 : i32 to index
            %swap3A_4184 = tpu.vector_load %arg15[%swap3A_4183] masked %and3A_4182 {strides = array<i32>} : memref<784xf32, #tpu.memory_space<vmem>>, vector<16xf32>, vector<16xi1>
            tpu.vector_store %arg15[%swap3A_4183], %get3A_4170 masked %and3A_4182 {strides = array<i32>} : memref<784xf32, #tpu.memory_space<vmem>>, vector<16xf32>, vector<16xi1>
            %swap3A_4185 = arith.index_cast %while3A_4166 : i32 to index
            %swap3A_4186 = tpu.vector_load %arg16[%swap3A_4185] masked %and3A_4182 {strides = array<i32>} : memref<784xi32, #tpu.memory_space<vmem>>, vector<16xi32>, vector<16xi1>
            tpu.vector_store %arg16[%swap3A_4185], %get3A_4174 masked %and3A_4182 {strides = array<i32>} : memref<784xi32, #tpu.memory_space<vmem>>, vector<16xi32>, vector<16xi1>
            %all_reduce_population_count3A_4187 = tpu.all_reduce %and3A_4182 {dim = 0 : i64, kind = #tpu.reduction_kind<sum>} : vector<16xi1> -> vector<16xi32>
            %slice3A_4188 = vector.extract_strided_slice %all_reduce_population_count3A_4187 {offsets = [0], sizes = [1], strides = [1]} : vector<16xi32> to vector<1xi32>
            %squeeze3A_4189 = vector.extract %slice3A_4188[0] : i32 from vector<1xi32>
            %add3A_4190 = arith.addi %while3A_4166, %squeeze3A_4189 : i32
            scf.yield %add3A_4190 : i32
          }
          %get3A_4132 = arith.constant 0 : index
          %get3A_4133 = tpu.vector_load %arg15[%get3A_4132] {strides = array<i32>} : memref<784xf32, #tpu.memory_space<vmem>>, vector<16xf32>,
          %swap3A_4134 = arith.constant 0 : index
          %swap3A_4135 = tpu.vector_load %arg13[%swap3A_4134] {strides = array<i32>} : memref<768xf32, #tpu.memory_space<vmem>>, vector<16xf32>,
          tpu.vector_store %arg13[%swap3A_4134], %get3A_4133 {strides = array<i32>} : memref<768xf32, #tpu.memory_space<vmem>>, vector<16xf32>,
          %get3A_4136 = arith.constant 0 : index
          %get3A_4137 = tpu.vector_load %arg16[%get3A_4136] {strides = array<i32>} : memref<784xi32, #tpu.memory_space<vmem>>, vector<16xi32>,
          %swap3A_4138 = arith.constant 0 : index
          %swap3A_4139 = tpu.vector_load %arg14[%swap3A_4138] {strides = array<i32>} : memref<768xi32, #tpu.memory_space<vmem>>, vector<16xi32>,
          tpu.vector_store %arg14[%swap3A_4138], %get3A_4137 {strides = array<i32>} : memref<768xi32, #tpu.memory_space<vmem>>, vector<16xi32>,
          %get3A_4140 = arith.constant 16 : index
          %get3A_4141 = tpu.vector_load %arg15[%get3A_4140] {strides = array<i32>} : memref<784xf32, #tpu.memory_space<vmem>>, vector<16xf32>,
          %swap3A_4142 = arith.constant 16 : index
          %swap3A_4143 = tpu.vector_load %arg13[%swap3A_4142] {strides = array<i32>} : memref<768xf32, #tpu.memory_space<vmem>>, vector<16xf32>,
          tpu.vector_store %arg13[%swap3A_4142], %get3A_4141 {strides = array<i32>} : memref<768xf32, #tpu.memory_space<vmem>>, vector<16xf32>,
          %get3A_4144 = arith.constant 16 : index
          %get3A_4145 = tpu.vector_load %arg16[%get3A_4144] {strides = array<i32>} : memref<784xi32, #tpu.memory_space<vmem>>, vector<16xi32>,
          %swap3A_4146 = arith.constant 16 : index
          %swap3A_4147 = tpu.vector_load %arg14[%swap3A_4146] {strides = array<i32>} : memref<768xi32, #tpu.memory_space<vmem>>, vector<16xi32>,
          tpu.vector_store %arg14[%swap3A_4146], %get3A_4145 {strides = array<i32>} : memref<768xi32, #tpu.memory_space<vmem>>, vector<16xi32>,
          %get3A_4148 = arith.constant 32 : index
          %get3A_4149 = tpu.vector_load %arg15[%get3A_4148] {strides = array<i32>} : memref<784xf32, #tpu.memory_space<vmem>>, vector<16xf32>,
          %swap3A_4150 = arith.constant 32 : index
          %swap3A_4151 = tpu.vector_load %arg13[%swap3A_4150] {strides = array<i32>} : memref<768xf32, #tpu.memory_space<vmem>>, vector<16xf32>,
          tpu.vector_store %arg13[%swap3A_4150], %get3A_4149 {strides = array<i32>} : memref<768xf32, #tpu.memory_space<vmem>>, vector<16xf32>,
          %get3A_4152 = arith.constant 32 : index
          %get3A_4153 = tpu.vector_load %arg16[%get3A_4152] {strides = array<i32>} : memref<784xi32, #tpu.memory_space<vmem>>, vector<16xi32>,
          %swap3A_4154 = arith.constant 32 : index
          %swap3A_4155 = tpu.vector_load %arg14[%swap3A_4154] {strides = array<i32>} : memref<768xi32, #tpu.memory_space<vmem>>, vector<16xi32>,
          tpu.vector_store %arg14[%swap3A_4154], %get3A_4153 {strides = array<i32>} : memref<768xi32, #tpu.memory_space<vmem>>, vector<16xi32>,
          %get3A_4156 = arith.constant 48 : index
          %get3A_4157 = tpu.vector_load %arg15[%get3A_4156] {strides = array<i32>} : memref<784xf32, #tpu.memory_space<vmem>>, vector<16xf32>,
          %swap3A_4158 = arith.constant 48 : index
          %swap3A_4159 = tpu.vector_load %arg13[%swap3A_4158] {strides = array<i32>} : memref<768xf32, #tpu.memory_space<vmem>>, vector<16xf32>,
          tpu.vector_store %arg13[%swap3A_4158], %get3A_4157 {strides = array<i32>} : memref<768xf32, #tpu.memory_space<vmem>>, vector<16xf32>,
          %get3A_4160 = arith.constant 48 : index
          %get3A_4161 = tpu.vector_load %arg16[%get3A_4160] {strides = array<i32>} : memref<784xi32, #tpu.memory_space<vmem>>, vector<16xi32>,
          %swap3A_4162 = arith.constant 48 : index
          %swap3A_4163 = tpu.vector_load %arg14[%swap3A_4162] {strides = array<i32>} : memref<768xi32, #tpu.memory_space<vmem>>, vector<16xi32>,
          tpu.vector_store %arg14[%swap3A_4162], %get3A_4161 {strides = array<i32>} : memref<768xi32, #tpu.memory_space<vmem>>, vector<16xi32>,
          %cond3A_4164 = arith.constant 64 : i32
          scf.yield %cond3A_4164, %bitcast3A_4082 : i32, vector<16xf32>
        } else {
          scf.yield %add3A_4058, %scan3A_3355 : i32, vector<16xf32>
        }
        scf.yield %cond3A_4061#0, %cond3A_4061#1 : i32, vector<16xf32>
      }
      %scan3A_22 = arith.constant 64 : i32
      %scan3A_23 = arith.constant 8388608 : i32
      %scan3A_24 = arith.constant -8388609 : i32
      %scan3A_25 = arith.constant 0 : i32
      %scan3A_26 = arith.constant 32 : i32
      %scan3A_27 = arith.addi %scan3A_25, %scan3A_26 : i32
      %scan3A_28 = arith.constant 1 : i32
      %scan3A_29:2 = scf.for %scan3A_3353 = %scan3A_25 to %scan3A_27 step %scan3A_28 iter_args(%scan3A_3354 = %scan3A_23, %scan3A_3355 = %scan3A_24) -> (i32, i32)  : i32 {
        %sub3A_3356 = arith.subi %scan3A_3355, %scan3A_3354 : i32
        %jit3A_3357 = arith.constant 2 : i32
        %div3A_3358 = arith.divui %sub3A_3356, %jit3A_3357 : i32
        %add3A_3359 = arith.addi %scan3A_3354, %div3A_3358 : i32
        %broadcast_in_dim3A_3360 = vector.broadcast %add3A_3359 : i32 to vector<16xi32>
        %ge3A_3361 = arith.constant -2147483648 : i32
        %ge3A_3362 = vector.broadcast %ge3A_3361 : i32 to vector<16xi32>
        %ge3A_3363 = arith.cmpi uge, %broadcast_in_dim3A_3360, %ge3A_3362 : vector<16xi32>
        %and3A_3364 = arith.constant 2147483647 : i32
        %and3A_3365 = vector.broadcast %and3A_3364 : i32 to vector<16xi32>
        %and3A_3366 = arith.andi %broadcast_in_dim3A_3360, %and3A_3365 : vector<16xi32>
        %not3A_3367 = arith.constant dense<-1> : vector<16xi32>
        %not3A_3368 = arith.xori %broadcast_in_dim3A_3360, %not3A_3367 : vector<16xi32>
        %select_n3A_3369 = arith.select %ge3A_3363, %and3A_3366, %not3A_3368 : vector<16xi1>, vector<16xi32>
        %bitcast3A_3370 = vector.bitcast %select_n3A_3369 : vector<16xi32> to vector<16xf32>
        %add3A_3371 = arith.constant 15 : i32
        %add3A_3372 = arith.addi %scan3A_21#0, %add3A_3371 : i32
        %jit3A_3373 = arith.constant 16 : i32
        %div3A_3374 = arith.divsi %add3A_3372, %jit3A_3373 : i32
        %sign3A_3375 = arith.constant 0 : i32
        %sign3A_3376 = arith.cmpi sgt, %add3A_3372, %sign3A_3375 : i32
        %sign3A_3377 = arith.extui %sign3A_3376 : i1 to i32
        %sign3A_3378 = arith.constant 0 : i32
        %sign3A_3379 = arith.cmpi slt, %add3A_3372, %sign3A_3378 : i32
        %sign3A_3380 = arith.extui %sign3A_3379 : i1 to i32
        %sign3A_3381 = arith.subi %sign3A_3377, %sign3A_3380 : i32
        %sign3A_3382 = arith.constant 0 : i32
        %sign3A_3383 = arith.cmpi sgt, %jit3A_3373, %sign3A_3382 : i32
        %sign3A_3384 = arith.extui %sign3A_3383 : i1 to i32
        %sign3A_3385 = arith.constant 0 : i32
        %sign3A_3386 = arith.cmpi slt, %jit3A_3373, %sign3A_3385 : i32
        %sign3A_3387 = arith.extui %sign3A_3386 : i1 to i32
        %sign3A_3388 = arith.subi %sign3A_3384, %sign3A_3387 : i32
        %ne3A_3389 = arith.cmpi ne, %sign3A_3381, %sign3A_3388 : i32
        %rem3A_3390 = arith.remsi %add3A_3372, %jit3A_3373 : i32
        %ne3A_3391 = arith.constant 0 : i32
        %ne3A_3392 = arith.cmpi ne, %rem3A_3390, %ne3A_3391 : i32
        %and3A_3393 = arith.andi %ne3A_3389, %ne3A_3392 : i1
        %sub3A_3394 = arith.constant 1 : i32
        %sub3A_3395 = arith.subi %div3A_3374, %sub3A_3394 : i32
        %select_n3A_3396 = arith.select %and3A_3393, %sub3A_3395, %div3A_3374 : i32
        %broadcast_in_dim3A_3397 = arith.constant 0 : i32
        %broadcast_in_dim3A_3398 = vector.broadcast %broadcast_in_dim3A_3397 : i32 to vector<16xi32>
        %while3A_3399 = arith.constant 0 : i32
        %while3A_3400 = arith.subi %select_n3A_3396, %while3A_3399 : i32
        %while3A_3401 = arith.addi %while3A_3399, %while3A_3400 : i32
        %while3A_3402 = arith.constant 1 : i32
        %while3A_3403 = arith.divsi %while3A_3400, %while3A_3402 : i32
        %while3A_3404 = arith.muli %while3A_3403, %while3A_3402 : i32
        %while3A_3405 = arith.addi %while3A_3399, %while3A_3404 : i32
        %while3A_3406 = arith.constant 1 : i32
        %while3A_3407 = scf.for %while3A_3416 = %while3A_3399 to %while3A_3405 step %while3A_3406 iter_args(%while3A_3417 = %broadcast_in_dim3A_3398) -> (vector<16xi32>)  : i32 {
          %mul3A_3418 = arith.constant 16 : i32
          %mul3A_3419 = arith.muli %while3A_3416, %mul3A_3418 : i32
          %get3A_3420 = arith.index_cast %mul3A_3419 : i32 to index
          %get3A_3421 = tpu.vector_load %arg13[%get3A_3420] {strides = array<i32>} : memref<768xf32, #tpu.memory_space<vmem>>, vector<16xf32>,
          %mul3A_3422 = arith.constant 16 : i32
          %mul3A_3423 = arith.muli %while3A_3416, %mul3A_3422 : i32
          %add3A_3424 = vector.broadcast %mul3A_3423 : i32 to vector<16xi32>
          %add3A_3425 = arith.addi %iota3A, %add3A_3424 : vector<16xi32>
          %lt3A_3426 = vector.broadcast %scan3A_21#0 : i32 to vector<16xi32>
          %lt3A_3427 = arith.cmpi slt, %add3A_3425, %lt3A_3426 : vector<16xi32>
          %lt3A_3428 = arith.cmpf olt, %get3A_3421, %bitcast3A_3370 : vector<16xf32>
          %and3A_3429 = arith.andi %lt3A_3428, %lt3A_3427 : vector<16xi1>
          %all_reduce_population_count3A = tpu.all_reduce %and3A_3429 {dim = 0 : i64, kind = #tpu.reduction_kind<sum>} : vector<16xi1> -> vector<16xi32>
          %add3A_3430 = arith.addi %while3A_3417, %all_reduce_population_count3A : vector<16xi32>
          scf.yield %add3A_3430 : vector<16xi32>
        }
        %while3A_3408 = arith.constant 1 : i32
        %while3A_3409 = scf.for %while3A_3416 = %while3A_3405 to %while3A_3401 step %while3A_3408 iter_args(%while3A_3417 = %while3A_3407) -> (vector<16xi32>)  : i32 {
          %mul3A_3418 = arith.constant 16 : i32
          %mul3A_3419 = arith.muli %while3A_3416, %mul3A_3418 : i32
          %get3A_3420 = arith.index_cast %mul3A_3419 : i32 to index
          %get3A_3421 = tpu.vector_load %arg13[%get3A_3420] {strides = array<i32>} : memref<768xf32, #tpu.memory_space<vmem>>, vector<16xf32>,
          %mul3A_3422 = arith.constant 16 : i32
          %mul3A_3423 = arith.muli %while3A_3416, %mul3A_3422 : i32
          %add3A_3424 = vector.broadcast %mul3A_3423 : i32 to vector<16xi32>
          %add3A_3425 = arith.addi %iota3A, %add3A_3424 : vector<16xi32>
          %lt3A_3426 = vector.broadcast %scan3A_21#0 : i32 to vector<16xi32>
          %lt3A_3427 = arith.cmpi slt, %add3A_3425, %lt3A_3426 : vector<16xi32>
          %lt3A_3428 = arith.cmpf olt, %get3A_3421, %bitcast3A_3370 : vector<16xf32>
          %and3A_3429 = arith.andi %lt3A_3428, %lt3A_3427 : vector<16xi1>
          %all_reduce_population_count3A = tpu.all_reduce %and3A_3429 {dim = 0 : i64, kind = #tpu.reduction_kind<sum>} : vector<16xi1> -> vector<16xi32>
          %add3A_3430 = arith.addi %while3A_3417, %all_reduce_population_count3A : vector<16xi32>
          scf.yield %add3A_3430 : vector<16xi32>
        }
        %slice3A = vector.extract_strided_slice %while3A_3409 {offsets = [0], sizes = [1], strides = [1]} : vector<16xi32> to vector<1xi32>
        %squeeze3A = vector.extract %slice3A[0] : i32 from vector<1xi32>
        %ge3A_3410 = arith.constant 64 : i32
        %ge3A_3411 = arith.cmpi sge, %squeeze3A, %ge3A_3410 : i32
        %add3A_3412 = arith.constant 1 : i32
        %add3A_3413 = arith.addi %add3A_3359, %add3A_3412 : i32
        %select_n3A_3414 = arith.select %ge3A_3411, %scan3A_3354, %add3A_3413 : i32
        %select_n3A_3415 = arith.select %ge3A_3411, %add3A_3359, %scan3A_3355 : i32
        scf.yield %select_n3A_3414, %select_n3A_3415 : i32, i32
      }
      %scan3A_30 = arith.constant 32 : i32
      %sub3A = arith.constant 1 : i32
      %sub3A_31 = arith.subi %scan3A_29#0, %sub3A : i32
      %broadcast_in_dim3A_32 = vector.broadcast %sub3A_31 : i32 to vector<16xi32>
      %ge3A = arith.constant -2147483648 : i32
      %ge3A_33 = vector.broadcast %ge3A : i32 to vector<16xi32>
      %ge3A_34 = arith.cmpi uge, %broadcast_in_dim3A_32, %ge3A_33 : vector<16xi32>
      %and3A = arith.constant 2147483647 : i32
      %and3A_35 = vector.broadcast %and3A : i32 to vector<16xi32>
      %and3A_36 = arith.andi %broadcast_in_dim3A_32, %and3A_35 : vector<16xi32>
      %not3A = arith.constant dense<-1> : vector<16xi32>
      %not3A_37 = arith.xori %broadcast_in_dim3A_32, %not3A : vector<16xi32>
      %select_n3A = arith.select %ge3A_34, %and3A_36, %not3A_37 : vector<16xi1>, vector<16xi32>
      %bitcast3A = vector.bitcast %select_n3A : vector<16xi32> to vector<16xf32>
      %add3A_38 = arith.constant 15 : i32
      %add3A_39 = arith.addi %scan3A_21#0, %add3A_38 : i32
      %jit3A = arith.constant 16 : i32
      %div3A = arith.divsi %add3A_39, %jit3A : i32
      %sign3A = arith.constant 0 : i32
      %sign3A_40 = arith.cmpi sgt, %add3A_39, %sign3A : i32
      %sign3A_41 = arith.extui %sign3A_40 : i1 to i32
      %sign3A_42 = arith.constant 0 : i32
      %sign3A_43 = arith.cmpi slt, %add3A_39, %sign3A_42 : i32
      %sign3A_44 = arith.extui %sign3A_43 : i1 to i32
      %sign3A_45 = arith.subi %sign3A_41, %sign3A_44 : i32
      %sign3A_46 = arith.constant 0 : i32
      %sign3A_47 = arith.cmpi sgt, %jit3A, %sign3A_46 : i32
      %sign3A_48 = arith.extui %sign3A_47 : i1 to i32
      %sign3A_49 = arith.constant 0 : i32
      %sign3A_50 = arith.cmpi slt, %jit3A, %sign3A_49 : i32
      %sign3A_51 = arith.extui %sign3A_50 : i1 to i32
      %sign3A_52 = arith.subi %sign3A_48, %sign3A_51 : i32
      %ne3A = arith.cmpi ne, %sign3A_45, %sign3A_52 : i32
      %rem3A = arith.remsi %add3A_39, %jit3A : i32
      %ne3A_53 = arith.constant 0 : i32
      %ne3A_54 = arith.cmpi ne, %rem3A, %ne3A_53 : i32
      %and3A_55 = arith.andi %ne3A, %ne3A_54 : i1
      %sub3A_56 = arith.constant 1 : i32
      %sub3A_57 = arith.subi %div3A, %sub3A_56 : i32
      %select_n3A_58 = arith.select %and3A_55, %sub3A_57, %div3A : i32
      %while3A = arith.constant 0 : i32
      %while3A_59 = arith.constant 0 : i32
      %while3A_60 = arith.subi %select_n3A_58, %while3A : i32
      %while3A_61 = arith.addi %while3A, %while3A_60 : i32
      %while3A_62 = arith.constant 1 : i32
      %while3A_63 = arith.divsi %while3A_60, %while3A_62 : i32
      %while3A_64 = arith.muli %while3A_63, %while3A_62 : i32
      %while3A_65 = arith.addi %while3A, %while3A_64 : i32
      %while3A_66 = arith.constant 1 : i32
      %while3A_67 = scf.for %while3A_3353 = %while3A to %while3A_65 step %while3A_66 iter_args(%while3A_3354 = %while3A_59) -> (i32)  : i32 {
        %mul3A_3355 = arith.constant 16 : i32
        %mul3A_3356 = arith.muli %while3A_3353, %mul3A_3355 : i32
        %get3A_3357 = arith.index_cast %mul3A_3356 : i32 to index
        %get3A_3358 = tpu.vector_load %arg13[%get3A_3357] {strides = array<i32>} : memref<768xf32, #tpu.memory_space<vmem>>, vector<16xf32>,
        %mul3A_3359 = arith.constant 16 : i32
        %mul3A_3360 = arith.muli %while3A_3353, %mul3A_3359 : i32
        %get3A_3361 = arith.index_cast %mul3A_3360 : i32 to index
        %get3A_3362 = tpu.vector_load %arg14[%get3A_3361] {strides = array<i32>} : memref<768xi32, #tpu.memory_space<vmem>>, vector<16xi32>,
        %mul3A_3363 = arith.constant 16 : i32
        %mul3A_3364 = arith.muli %while3A_3353, %mul3A_3363 : i32
        %add3A_3365 = vector.broadcast %mul3A_3364 : i32 to vector<16xi32>
        %add3A_3366 = arith.addi %iota3A, %add3A_3365 : vector<16xi32>
        %lt3A_3367 = vector.broadcast %scan3A_21#0 : i32 to vector<16xi32>
        %lt3A_3368 = arith.cmpi slt, %add3A_3366, %lt3A_3367 : vector<16xi32>
        %lt3A_3369 = arith.cmpf olt, %get3A_3358, %bitcast3A : vector<16xf32>
        %and3A_3370 = arith.andi %lt3A_3369, %lt3A_3368 : vector<16xi1>
        %swap3A_3371 = arith.index_cast %while3A_3354 : i32 to index
        %swap3A_3372 = tpu.vector_load %arg15[%swap3A_3371] masked %and3A_3370 {strides = array<i32>} : memref<784xf32, #tpu.memory_space<vmem>>, vector<16xf32>, vector<16xi1>
        tpu.vector_store %arg15[%swap3A_3371], %get3A_3358 masked %and3A_3370 {strides = array<i32>} : memref<784xf32, #tpu.memory_space<vmem>>, vector<16xf32>, vector<16xi1>
        %swap3A_3373 = arith.index_cast %while3A_3354 : i32 to index
        %swap3A_3374 = tpu.vector_load %arg16[%swap3A_3373] masked %and3A_3370 {strides = array<i32>} : memref<784xi32, #tpu.memory_space<vmem>>, vector<16xi32>, vector<16xi1>
        tpu.vector_store %arg16[%swap3A_3373], %get3A_3362 masked %and3A_3370 {strides = array<i32>} : memref<784xi32, #tpu.memory_space<vmem>>, vector<16xi32>, vector<16xi1>
        %all_reduce_population_count3A = tpu.all_reduce %and3A_3370 {dim = 0 : i64, kind = #tpu.reduction_kind<sum>} : vector<16xi1> -> vector<16xi32>
        %slice3A = vector.extract_strided_slice %all_reduce_population_count3A {offsets = [0], sizes = [1], strides = [1]} : vector<16xi32> to vector<1xi32>
        %squeeze3A = vector.extract %slice3A[0] : i32 from vector<1xi32>
        %add3A_3375 = arith.addi %while3A_3354, %squeeze3A : i32
        scf.yield %add3A_3375 : i32
      }
      %while3A_68 = arith.constant 1 : i32
      %while3A_69 = scf.for %while3A_3353 = %while3A_65 to %while3A_61 step %while3A_68 iter_args(%while3A_3354 = %while3A_67) -> (i32)  : i32 {
        %mul3A_3355 = arith.constant 16 : i32
        %mul3A_3356 = arith.muli %while3A_3353, %mul3A_3355 : i32
        %get3A_3357 = arith.index_cast %mul3A_3356 : i32 to index
        %get3A_3358 = tpu.vector_load %arg13[%get3A_3357] {strides = array<i32>} : memref<768xf32, #tpu.memory_space<vmem>>, vector<16xf32>,
        %mul3A_3359 = arith.constant 16 : i32
        %mul3A_3360 = arith.muli %while3A_3353, %mul3A_3359 : i32
        %get3A_3361 = arith.index_cast %mul3A_3360 : i32 to index
        %get3A_3362 = tpu.vector_load %arg14[%get3A_3361] {strides = array<i32>} : memref<768xi32, #tpu.memory_space<vmem>>, vector<16xi32>,
        %mul3A_3363 = arith.constant 16 : i32
        %mul3A_3364 = arith.muli %while3A_3353, %mul3A_3363 : i32
        %add3A_3365 = vector.broadcast %mul3A_3364 : i32 to vector<16xi32>
        %add3A_3366 = arith.addi %iota3A, %add3A_3365 : vector<16xi32>
        %lt3A_3367 = vector.broadcast %scan3A_21#0 : i32 to vector<16xi32>
        %lt3A_3368 = arith.cmpi slt, %add3A_3366, %lt3A_3367 : vector<16xi32>
        %lt3A_3369 = arith.cmpf olt, %get3A_3358, %bitcast3A : vector<16xf32>
        %and3A_3370 = arith.andi %lt3A_3369, %lt3A_3368 : vector<16xi1>
        %swap3A_3371 = arith.index_cast %while3A_3354 : i32 to index
        %swap3A_3372 = tpu.vector_load %arg15[%swap3A_3371] masked %and3A_3370 {strides = array<i32>} : memref<784xf32, #tpu.memory_space<vmem>>, vector<16xf32>, vector<16xi1>
        tpu.vector_store %arg15[%swap3A_3371], %get3A_3358 masked %and3A_3370 {strides = array<i32>} : memref<784xf32, #tpu.memory_space<vmem>>, vector<16xf32>, vector<16xi1>
        %swap3A_3373 = arith.index_cast %while3A_3354 : i32 to index
        %swap3A_3374 = tpu.vector_load %arg16[%swap3A_3373] masked %and3A_3370 {strides = array<i32>} : memref<784xi32, #tpu.memory_space<vmem>>, vector<16xi32>, vector<16xi1>
        tpu.vector_store %arg16[%swap3A_3373], %get3A_3362 masked %and3A_3370 {strides = array<i32>} : memref<784xi32, #tpu.memory_space<vmem>>, vector<16xi32>, vector<16xi1>
        %all_reduce_population_count3A = tpu.all_reduce %and3A_3370 {dim = 0 : i64, kind = #tpu.reduction_kind<sum>} : vector<16xi1> -> vector<16xi32>
        %slice3A = vector.extract_strided_slice %all_reduce_population_count3A {offsets = [0], sizes = [1], strides = [1]} : vector<16xi32> to vector<1xi32>
        %squeeze3A = vector.extract %slice3A[0] : i32 from vector<1xi32>
        %add3A_3375 = arith.addi %while3A_3354, %squeeze3A : i32
        scf.yield %add3A_3375 : i32
      }
      %while3A_70 = arith.constant 0 : i32
      %while3A_71 = arith.subi %select_n3A_58, %while3A_70 : i32
      %while3A_72 = arith.addi %while3A_70, %while3A_71 : i32
      %while3A_73 = arith.constant 1 : i32
      %while3A_74 = arith.divsi %while3A_71, %while3A_73 : i32
      %while3A_75 = arith.muli %while3A_74, %while3A_73 : i32
      %while3A_76 = arith.addi %while3A_70, %while3A_75 : i32
      %while3A_77 = arith.constant 1 : i32
      %while3A_78 = scf.for %while3A_3353 = %while3A_70 to %while3A_76 step %while3A_77 iter_args(%while3A_3354 = %while3A_69) -> (i32)  : i32 {
        %mul3A_3355 = arith.constant 16 : i32
        %mul3A_3356 = arith.muli %while3A_3353, %mul3A_3355 : i32
        %get3A_3357 = arith.index_cast %mul3A_3356 : i32 to index
        %get3A_3358 = tpu.vector_load %arg13[%get3A_3357] {strides = array<i32>} : memref<768xf32, #tpu.memory_space<vmem>>, vector<16xf32>,
        %mul3A_3359 = arith.constant 16 : i32
        %mul3A_3360 = arith.muli %while3A_3353, %mul3A_3359 : i32
        %get3A_3361 = arith.index_cast %mul3A_3360 : i32 to index
        %get3A_3362 = tpu.vector_load %arg14[%get3A_3361] {strides = array<i32>} : memref<768xi32, #tpu.memory_space<vmem>>, vector<16xi32>,
        %mul3A_3363 = arith.constant 16 : i32
        %mul3A_3364 = arith.muli %while3A_3353, %mul3A_3363 : i32
        %add3A_3365 = vector.broadcast %mul3A_3364 : i32 to vector<16xi32>
        %add3A_3366 = arith.addi %iota3A, %add3A_3365 : vector<16xi32>
        %lt3A_3367 = vector.broadcast %scan3A_21#0 : i32 to vector<16xi32>
        %lt3A_3368 = arith.cmpi slt, %add3A_3366, %lt3A_3367 : vector<16xi32>
        %eq3A_3369 = arith.cmpf oeq, %get3A_3358, %bitcast3A : vector<16xf32>
        %and3A_3370 = arith.andi %eq3A_3369, %lt3A_3368 : vector<16xi1>
        %swap3A_3371 = arith.index_cast %while3A_3354 : i32 to index
        %swap3A_3372 = tpu.vector_load %arg15[%swap3A_3371] masked %and3A_3370 {strides = array<i32>} : memref<784xf32, #tpu.memory_space<vmem>>, vector<16xf32>, vector<16xi1>
        tpu.vector_store %arg15[%swap3A_3371], %get3A_3358 masked %and3A_3370 {strides = array<i32>} : memref<784xf32, #tpu.memory_space<vmem>>, vector<16xf32>, vector<16xi1>
        %swap3A_3373 = arith.index_cast %while3A_3354 : i32 to index
        %swap3A_3374 = tpu.vector_load %arg16[%swap3A_3373] masked %and3A_3370 {strides = array<i32>} : memref<784xi32, #tpu.memory_space<vmem>>, vector<16xi32>, vector<16xi1>
        tpu.vector_store %arg16[%swap3A_3373], %get3A_3362 masked %and3A_3370 {strides = array<i32>} : memref<784xi32, #tpu.memory_space<vmem>>, vector<16xi32>, vector<16xi1>
        %all_reduce_population_count3A = tpu.all_reduce %and3A_3370 {dim = 0 : i64, kind = #tpu.reduction_kind<sum>} : vector<16xi1> -> vector<16xi32>
        %slice3A = vector.extract_strided_slice %all_reduce_population_count3A {offsets = [0], sizes = [1], strides = [1]} : vector<16xi32> to vector<1xi32>
        %squeeze3A = vector.extract %slice3A[0] : i32 from vector<1xi32>
        %add3A_3375 = arith.addi %while3A_3354, %squeeze3A : i32
        scf.yield %add3A_3375 : i32
      }
      %while3A_79 = arith.constant 1 : i32
      %while3A_80 = scf.for %while3A_3353 = %while3A_76 to %while3A_72 step %while3A_79 iter_args(%while3A_3354 = %while3A_78) -> (i32)  : i32 {
        %mul3A_3355 = arith.constant 16 : i32
        %mul3A_3356 = arith.muli %while3A_3353, %mul3A_3355 : i32
        %get3A_3357 = arith.index_cast %mul3A_3356 : i32 to index
        %get3A_3358 = tpu.vector_load %arg13[%get3A_3357] {strides = array<i32>} : memref<768xf32, #tpu.memory_space<vmem>>, vector<16xf32>,
        %mul3A_3359 = arith.constant 16 : i32
        %mul3A_3360 = arith.muli %while3A_3353, %mul3A_3359 : i32
        %get3A_3361 = arith.index_cast %mul3A_3360 : i32 to index
        %get3A_3362 = tpu.vector_load %arg14[%get3A_3361] {strides = array<i32>} : memref<768xi32, #tpu.memory_space<vmem>>, vector<16xi32>,
        %mul3A_3363 = arith.constant 16 : i32
        %mul3A_3364 = arith.muli %while3A_3353, %mul3A_3363 : i32
        %add3A_3365 = vector.broadcast %mul3A_3364 : i32 to vector<16xi32>
        %add3A_3366 = arith.addi %iota3A, %add3A_3365 : vector<16xi32>
        %lt3A_3367 = vector.broadcast %scan3A_21#0 : i32 to vector<16xi32>
        %lt3A_3368 = arith.cmpi slt, %add3A_3366, %lt3A_3367 : vector<16xi32>
        %eq3A_3369 = arith.cmpf oeq, %get3A_3358, %bitcast3A : vector<16xf32>
        %and3A_3370 = arith.andi %eq3A_3369, %lt3A_3368 : vector<16xi1>
        %swap3A_3371 = arith.index_cast %while3A_3354 : i32 to index
        %swap3A_3372 = tpu.vector_load %arg15[%swap3A_3371] masked %and3A_3370 {strides = array<i32>} : memref<784xf32, #tpu.memory_space<vmem>>, vector<16xf32>, vector<16xi1>
        tpu.vector_store %arg15[%swap3A_3371], %get3A_3358 masked %and3A_3370 {strides = array<i32>} : memref<784xf32, #tpu.memory_space<vmem>>, vector<16xf32>, vector<16xi1>
        %swap3A_3373 = arith.index_cast %while3A_3354 : i32 to index
        %swap3A_3374 = tpu.vector_load %arg16[%swap3A_3373] masked %and3A_3370 {strides = array<i32>} : memref<784xi32, #tpu.memory_space<vmem>>, vector<16xi32>, vector<16xi1>
        tpu.vector_store %arg16[%swap3A_3373], %get3A_3362 masked %and3A_3370 {strides = array<i32>} : memref<784xi32, #tpu.memory_space<vmem>>, vector<16xi32>, vector<16xi1>
        %all_reduce_population_count3A = tpu.all_reduce %and3A_3370 {dim = 0 : i64, kind = #tpu.reduction_kind<sum>} : vector<16xi1> -> vector<16xi32>
        %slice3A = vector.extract_strided_slice %all_reduce_population_count3A {offsets = [0], sizes = [1], strides = [1]} : vector<16xi32> to vector<1xi32>
        %squeeze3A = vector.extract %slice3A[0] : i32 from vector<1xi32>
        %add3A_3375 = arith.addi %while3A_3354, %squeeze3A : i32
        scf.yield %add3A_3375 : i32
      }
      %add3A_81 = arith.constant 0 : i32
      %add3A_82 = vector.broadcast %add3A_81 : i32 to vector<16xi32>
      %add3A_83 = arith.addi %iota3A, %add3A_82 : vector<16xi32>
      %get3A_84 = arith.constant 0 : index
      %get3A_85 = tpu.vector_load %arg15[%get3A_84] {strides = array<i32>} : memref<784xf32, #tpu.memory_space<vmem>>, vector<16xf32>,
      %get3A_86 = arith.constant 0 : index
      %get3A_87 = tpu.vector_load %arg16[%get3A_86] {strides = array<i32>} : memref<784xi32, #tpu.memory_space<vmem>>, vector<16xi32>,
      %xor3A = arith.constant 1 : i32
      %xor3A_88 = vector.broadcast %xor3A : i32 to vector<16xi32>
      %xor3A_89 = arith.xori %add3A_83, %xor3A_88 : vector<16xi32>
      %gather3A = tpu.vector_load_idx %arg15[%xor3A_89] : memref<784xf32, #tpu.memory_space<vmem>>[vector<16xi32>], vector<16xf32>,
      %gather3A_90 = tpu.vector_load_idx %arg16[%xor3A_89] : memref<784xi32, #tpu.memory_space<vmem>>[vector<16xi32>], vector<16xi32>,
      %lt3A = arith.cmpf olt, %gather3A, %get3A_85 : vector<16xf32>
      %eq3A = arith.cmpf oeq, %gather3A, %get3A_85 : vector<16xf32>
      %lt3A_91 = arith.cmpi slt, %gather3A_90, %get3A_87 : vector<16xi32>
      %and3A_92 = arith.andi %eq3A, %lt3A_91 : vector<16xi1>
      %or3A = arith.ori %lt3A, %and3A_92 : vector<16xi1>
      %and3A_93 = arith.constant 2 : i32
      %and3A_94 = vector.broadcast %and3A_93 : i32 to vector<16xi32>
      %and3A_95 = arith.andi %add3A_83, %and3A_94 : vector<16xi32>
      %ne3A_96 = arith.constant 0 : i32
      %ne3A_97 = vector.broadcast %ne3A_96 : i32 to vector<16xi32>
      %ne3A_98 = arith.cmpi ne, %and3A_95, %ne3A_97 : vector<16xi32>
      %and3A_99 = arith.constant 1 : i32
      %and3A_100 = vector.broadcast %and3A_99 : i32 to vector<16xi32>
      %and3A_101 = arith.andi %add3A_83, %and3A_100 : vector<16xi32>
      %eq3A_102 = arith.constant 0 : i32
      %eq3A_103 = vector.broadcast %eq3A_102 : i32 to vector<16xi32>
      %eq3A_104 = arith.cmpi eq, %and3A_101, %eq3A_103 : vector<16xi32>
      %ne3A_105 = arith.xori %eq3A_104, %ne3A_98 : vector<16xi1>
      %eq3A_106 = arith.xori %ne3A_105, %or3A : vector<16xi1>
      %eq3A_107 = arith.constant dense<true> : vector<16xi1>
      %eq3A_108 = arith.xori %eq3A_106, %eq3A_107 : vector<16xi1>
      %select_n3A_109 = arith.select %eq3A_108, %gather3A, %get3A_85 : vector<16xi1>, vector<16xf32>
      %select_n3A_110 = arith.select %eq3A_108, %gather3A_90, %get3A_87 : vector<16xi1>, vector<16xi32>
      %add3A_111 = arith.constant 16 : i32
      %add3A_112 = vector.broadcast %add3A_111 : i32 to vector<16xi32>
      %add3A_113 = arith.addi %iota3A, %add3A_112 : vector<16xi32>
      %get3A_114 = arith.constant 16 : index
      %get3A_115 = tpu.vector_load %arg15[%get3A_114] {strides = array<i32>} : memref<784xf32, #tpu.memory_space<vmem>>, vector<16xf32>,
      %get3A_116 = arith.constant 16 : index
      %get3A_117 = tpu.vector_load %arg16[%get3A_116] {strides = array<i32>} : memref<784xi32, #tpu.memory_space<vmem>>, vector<16xi32>,
      %xor3A_118 = arith.constant 1 : i32
      %xor3A_119 = vector.broadcast %xor3A_118 : i32 to vector<16xi32>
      %xor3A_120 = arith.xori %add3A_113, %xor3A_119 : vector<16xi32>
      %gather3A_121 = tpu.vector_load_idx %arg15[%xor3A_120] : memref<784xf32, #tpu.memory_space<vmem>>[vector<16xi32>], vector<16xf32>,
      %gather3A_122 = tpu.vector_load_idx %arg16[%xor3A_120] : memref<784xi32, #tpu.memory_space<vmem>>[vector<16xi32>], vector<16xi32>,
      %lt3A_123 = arith.cmpf olt, %gather3A_121, %get3A_115 : vector<16xf32>
      %eq3A_124 = arith.cmpf oeq, %gather3A_121, %get3A_115 : vector<16xf32>
      %lt3A_125 = arith.cmpi slt, %gather3A_122, %get3A_117 : vector<16xi32>
      %and3A_126 = arith.andi %eq3A_124, %lt3A_125 : vector<16xi1>
      %or3A_127 = arith.ori %lt3A_123, %and3A_126 : vector<16xi1>
      %and3A_128 = arith.constant 2 : i32
      %and3A_129 = vector.broadcast %and3A_128 : i32 to vector<16xi32>
      %and3A_130 = arith.andi %add3A_113, %and3A_129 : vector<16xi32>
      %ne3A_131 = arith.constant 0 : i32
      %ne3A_132 = vector.broadcast %ne3A_131 : i32 to vector<16xi32>
      %ne3A_133 = arith.cmpi ne, %and3A_130, %ne3A_132 : vector<16xi32>
      %and3A_134 = arith.constant 1 : i32
      %and3A_135 = vector.broadcast %and3A_134 : i32 to vector<16xi32>
      %and3A_136 = arith.andi %add3A_113, %and3A_135 : vector<16xi32>
      %eq3A_137 = arith.constant 0 : i32
      %eq3A_138 = vector.broadcast %eq3A_137 : i32 to vector<16xi32>
      %eq3A_139 = arith.cmpi eq, %and3A_136, %eq3A_138 : vector<16xi32>
      %ne3A_140 = arith.xori %eq3A_139, %ne3A_133 : vector<16xi1>
      %eq3A_141 = arith.xori %ne3A_140, %or3A_127 : vector<16xi1>
      %eq3A_142 = arith.constant dense<true> : vector<16xi1>
      %eq3A_143 = arith.xori %eq3A_141, %eq3A_142 : vector<16xi1>
      %select_n3A_144 = arith.select %eq3A_143, %gather3A_121, %get3A_115 : vector<16xi1>, vector<16xf32>
      %select_n3A_145 = arith.select %eq3A_143, %gather3A_122, %get3A_117 : vector<16xi1>, vector<16xi32>
      %add3A_146 = arith.constant 32 : i32
      %add3A_147 = vector.broadcast %add3A_146 : i32 to vector<16xi32>
      %add3A_148 = arith.addi %iota3A, %add3A_147 : vector<16xi32>
      %get3A_149 = arith.constant 32 : index
      %get3A_150 = tpu.vector_load %arg15[%get3A_149] {strides = array<i32>} : memref<784xf32, #tpu.memory_space<vmem>>, vector<16xf32>,
      %get3A_151 = arith.constant 32 : index
      %get3A_152 = tpu.vector_load %arg16[%get3A_151] {strides = array<i32>} : memref<784xi32, #tpu.memory_space<vmem>>, vector<16xi32>,
      %xor3A_153 = arith.constant 1 : i32
      %xor3A_154 = vector.broadcast %xor3A_153 : i32 to vector<16xi32>
      %xor3A_155 = arith.xori %add3A_148, %xor3A_154 : vector<16xi32>
      %gather3A_156 = tpu.vector_load_idx %arg15[%xor3A_155] : memref<784xf32, #tpu.memory_space<vmem>>[vector<16xi32>], vector<16xf32>,
      %gather3A_157 = tpu.vector_load_idx %arg16[%xor3A_155] : memref<784xi32, #tpu.memory_space<vmem>>[vector<16xi32>], vector<16xi32>,
      %lt3A_158 = arith.cmpf olt, %gather3A_156, %get3A_150 : vector<16xf32>
      %eq3A_159 = arith.cmpf oeq, %gather3A_156, %get3A_150 : vector<16xf32>
      %lt3A_160 = arith.cmpi slt, %gather3A_157, %get3A_152 : vector<16xi32>
      %and3A_161 = arith.andi %eq3A_159, %lt3A_160 : vector<16xi1>
      %or3A_162 = arith.ori %lt3A_158, %and3A_161 : vector<16xi1>
      %and3A_163 = arith.constant 2 : i32
      %and3A_164 = vector.broadcast %and3A_163 : i32 to vector<16xi32>
      %and3A_165 = arith.andi %add3A_148, %and3A_164 : vector<16xi32>
      %ne3A_166 = arith.constant 0 : i32
      %ne3A_167 = vector.broadcast %ne3A_166 : i32 to vector<16xi32>
      %ne3A_168 = arith.cmpi ne, %and3A_165, %ne3A_167 : vector<16xi32>
      %and3A_169 = arith.constant 1 : i32
      %and3A_170 = vector.broadcast %and3A_169 : i32 to vector<16xi32>
      %and3A_171 = arith.andi %add3A_148, %and3A_170 : vector<16xi32>
      %eq3A_172 = arith.constant 0 : i32
      %eq3A_173 = vector.broadcast %eq3A_172 : i32 to vector<16xi32>
      %eq3A_174 = arith.cmpi eq, %and3A_171, %eq3A_173 : vector<16xi32>
      %ne3A_175 = arith.xori %eq3A_174, %ne3A_168 : vector<16xi1>
      %eq3A_176 = arith.xori %ne3A_175, %or3A_162 : vector<16xi1>
      %eq3A_177 = arith.constant dense<true> : vector<16xi1>
      %eq3A_178 = arith.xori %eq3A_176, %eq3A_177 : vector<16xi1>
      %select_n3A_179 = arith.select %eq3A_178, %gather3A_156, %get3A_150 : vector<16xi1>, vector<16xf32>
      %select_n3A_180 = arith.select %eq3A_178, %gather3A_157, %get3A_152 : vector<16xi1>, vector<16xi32>
      %add3A_181 = arith.constant 48 : i32
      %add3A_182 = vector.broadcast %add3A_181 : i32 to vector<16xi32>
      %add3A_183 = arith.addi %iota3A, %add3A_182 : vector<16xi32>
      %get3A_184 = arith.constant 48 : index
      %get3A_185 = tpu.vector_load %arg15[%get3A_184] {strides = array<i32>} : memref<784xf32, #tpu.memory_space<vmem>>, vector<16xf32>,
      %get3A_186 = arith.constant 48 : index
      %get3A_187 = tpu.vector_load %arg16[%get3A_186] {strides = array<i32>} : memref<784xi32, #tpu.memory_space<vmem>>, vector<16xi32>,
      %xor3A_188 = arith.constant 1 : i32
      %xor3A_189 = vector.broadcast %xor3A_188 : i32 to vector<16xi32>
      %xor3A_190 = arith.xori %add3A_183, %xor3A_189 : vector<16xi32>
      %gather3A_191 = tpu.vector_load_idx %arg15[%xor3A_190] : memref<784xf32, #tpu.memory_space<vmem>>[vector<16xi32>], vector<16xf32>,
      %gather3A_192 = tpu.vector_load_idx %arg16[%xor3A_190] : memref<784xi32, #tpu.memory_space<vmem>>[vector<16xi32>], vector<16xi32>,
      %lt3A_193 = arith.cmpf olt, %gather3A_191, %get3A_185 : vector<16xf32>
      %eq3A_194 = arith.cmpf oeq, %gather3A_191, %get3A_185 : vector<16xf32>
      %lt3A_195 = arith.cmpi slt, %gather3A_192, %get3A_187 : vector<16xi32>
      %and3A_196 = arith.andi %eq3A_194, %lt3A_195 : vector<16xi1>
      %or3A_197 = arith.ori %lt3A_193, %and3A_196 : vector<16xi1>
      %and3A_198 = arith.constant 2 : i32
      %and3A_199 = vector.broadcast %and3A_198 : i32 to vector<16xi32>
      %and3A_200 = arith.andi %add3A_183, %and3A_199 : vector<16xi32>
      %ne3A_201 = arith.constant 0 : i32
      %ne3A_202 = vector.broadcast %ne3A_201 : i32 to vector<16xi32>
      %ne3A_203 = arith.cmpi ne, %and3A_200, %ne3A_202 : vector<16xi32>
      %and3A_204 = arith.constant 1 : i32
      %and3A_205 = vector.broadcast %and3A_204 : i32 to vector<16xi32>
      %and3A_206 = arith.andi %add3A_183, %and3A_205 : vector<16xi32>
      %eq3A_207 = arith.constant 0 : i32
      %eq3A_208 = vector.broadcast %eq3A_207 : i32 to vector<16xi32>
      %eq3A_209 = arith.cmpi eq, %and3A_206, %eq3A_208 : vector<16xi32>
      %ne3A_210 = arith.xori %eq3A_209, %ne3A_203 : vector<16xi1>
      %eq3A_211 = arith.xori %ne3A_210, %or3A_197 : vector<16xi1>
      %eq3A_212 = arith.constant dense<true> : vector<16xi1>
      %eq3A_213 = arith.xori %eq3A_211, %eq3A_212 : vector<16xi1>
      %select_n3A_214 = arith.select %eq3A_213, %gather3A_191, %get3A_185 : vector<16xi1>, vector<16xf32>
      %select_n3A_215 = arith.select %eq3A_213, %gather3A_192, %get3A_187 : vector<16xi1>, vector<16xi32>
      %swap3A = arith.constant 0 : index
      %swap3A_216 = tpu.vector_load %arg15[%swap3A] {strides = array<i32>} : memref<784xf32, #tpu.memory_space<vmem>>, vector<16xf32>,
      tpu.vector_store %arg15[%swap3A], %select_n3A_109 {strides = array<i32>} : memref<784xf32, #tpu.memory_space<vmem>>, vector<16xf32>,
      %swap3A_217 = arith.constant 0 : index
      %swap3A_218 = tpu.vector_load %arg16[%swap3A_217] {strides = array<i32>} : memref<784xi32, #tpu.memory_space<vmem>>, vector<16xi32>,
      tpu.vector_store %arg16[%swap3A_217], %select_n3A_110 {strides = array<i32>} : memref<784xi32, #tpu.memory_space<vmem>>, vector<16xi32>,
      %swap3A_219 = arith.constant 16 : index
      %swap3A_220 = tpu.vector_load %arg15[%swap3A_219] {strides = array<i32>} : memref<784xf32, #tpu.memory_space<vmem>>, vector<16xf32>,
      tpu.vector_store %arg15[%swap3A_219], %select_n3A_144 {strides = array<i32>} : memref<784xf32, #tpu.memory_space<vmem>>, vector<16xf32>,
      %swap3A_221 = arith.constant 16 : index
      %swap3A_222 = tpu.vector_load %arg16[%swap3A_221] {strides = array<i32>} : memref<784xi32, #tpu.memory_space<vmem>>, vector<16xi32>,
      tpu.vector_store %arg16[%swap3A_221], %select_n3A_145 {strides = array<i32>} : memref<784xi32, #tpu.memory_space<vmem>>, vector<16xi32>,
      %swap3A_223 = arith.constant 32 : index
      %swap3A_224 = tpu.vector_load %arg15[%swap3A_223] {strides = array<i32>} : memref<784xf32, #tpu.memory_space<vmem>>, vector<16xf32>,
      tpu.vector_store %arg15[%swap3A_223], %select_n3A_179 {strides = array<i32>} : memref<784xf32, #tpu.memory_space<vmem>>, vector<16xf32>,
      %swap3A_225 = arith.constant 32 : index
      %swap3A_226 = tpu.vector_load %arg16[%swap3A_225] {strides = array<i32>} : memref<784xi32, #tpu.memory_space<vmem>>, vector<16xi32>,
      tpu.vector_store %arg16[%swap3A_225], %select_n3A_180 {strides = array<i32>} : memref<784xi32, #tpu.memory_space<vmem>>, vector<16xi32>,
      %swap3A_227 = arith.constant 48 : index
      %swap3A_228 = tpu.vector_load %arg15[%swap3A_227] {strides = array<i32>} : memref<784xf32, #tpu.memory_space<vmem>>, vector<16xf32>,
      tpu.vector_store %arg15[%swap3A_227], %select_n3A_214 {strides = array<i32>} : memref<784xf32, #tpu.memory_space<vmem>>, vector<16xf32>,
      %swap3A_229 = arith.constant 48 : index
      %swap3A_230 = tpu.vector_load %arg16[%swap3A_229] {strides = array<i32>} : memref<784xi32, #tpu.memory_space<vmem>>, vector<16xi32>,
      tpu.vector_store %arg16[%swap3A_229], %select_n3A_215 {strides = array<i32>} : memref<784xi32, #tpu.memory_space<vmem>>, vector<16xi32>,
      %add3A_231 = arith.constant 0 : i32
      %add3A_232 = vector.broadcast %add3A_231 : i32 to vector<16xi32>
      %add3A_233 = arith.addi %iota3A, %add3A_232 : vector<16xi32>
      %get3A_234 = arith.constant 0 : index
      %get3A_235 = tpu.vector_load %arg15[%get3A_234] {strides = array<i32>} : memref<784xf32, #tpu.memory_space<vmem>>, vector<16xf32>,
      %get3A_236 = arith.constant 0 : index
      %get3A_237 = tpu.vector_load %arg16[%get3A_236] {strides = array<i32>} : memref<784xi32, #tpu.memory_space<vmem>>, vector<16xi32>,
      %xor3A_238 = arith.constant 2 : i32
      %xor3A_239 = vector.broadcast %xor3A_238 : i32 to vector<16xi32>
      %xor3A_240 = arith.xori %add3A_233, %xor3A_239 : vector<16xi32>
      %gather3A_241 = tpu.vector_load_idx %arg15[%xor3A_240] : memref<784xf32, #tpu.memory_space<vmem>>[vector<16xi32>], vector<16xf32>,
      %gather3A_242 = tpu.vector_load_idx %arg16[%xor3A_240] : memref<784xi32, #tpu.memory_space<vmem>>[vector<16xi32>], vector<16xi32>,
      %lt3A_243 = arith.cmpf olt, %gather3A_241, %get3A_235 : vector<16xf32>
      %eq3A_244 = arith.cmpf oeq, %gather3A_241, %get3A_235 : vector<16xf32>
      %lt3A_245 = arith.cmpi slt, %gather3A_242, %get3A_237 : vector<16xi32>
      %and3A_246 = arith.andi %eq3A_244, %lt3A_245 : vector<16xi1>
      %or3A_247 = arith.ori %lt3A_243, %and3A_246 : vector<16xi1>
      %and3A_248 = arith.constant 4 : i32
      %and3A_249 = vector.broadcast %and3A_248 : i32 to vector<16xi32>
      %and3A_250 = arith.andi %add3A_233, %and3A_249 : vector<16xi32>
      %ne3A_251 = arith.constant 0 : i32
      %ne3A_252 = vector.broadcast %ne3A_251 : i32 to vector<16xi32>
      %ne3A_253 = arith.cmpi ne, %and3A_250, %ne3A_252 : vector<16xi32>
      %and3A_254 = arith.constant 2 : i32
      %and3A_255 = vector.broadcast %and3A_254 : i32 to vector<16xi32>
      %and3A_256 = arith.andi %add3A_233, %and3A_255 : vector<16xi32>
      %eq3A_257 = arith.constant 0 : i32
      %eq3A_258 = vector.broadcast %eq3A_257 : i32 to vector<16xi32>
      %eq3A_259 = arith.cmpi eq, %and3A_256, %eq3A_258 : vector<16xi32>
      %ne3A_260 = arith.xori %eq3A_259, %ne3A_253 : vector<16xi1>
      %eq3A_261 = arith.xori %ne3A_260, %or3A_247 : vector<16xi1>
      %eq3A_262 = arith.constant dense<true> : vector<16xi1>
      %eq3A_263 = arith.xori %eq3A_261, %eq3A_262 : vector<16xi1>
      %select_n3A_264 = arith.select %eq3A_263, %gather3A_241, %get3A_235 : vector<16xi1>, vector<16xf32>
      %select_n3A_265 = arith.select %eq3A_263, %gather3A_242, %get3A_237 : vector<16xi1>, vector<16xi32>
      %add3A_266 = arith.constant 16 : i32
      %add3A_267 = vector.broadcast %add3A_266 : i32 to vector<16xi32>
      %add3A_268 = arith.addi %iota3A, %add3A_267 : vector<16xi32>
      %get3A_269 = arith.constant 16 : index
      %get3A_270 = tpu.vector_load %arg15[%get3A_269] {strides = array<i32>} : memref<784xf32, #tpu.memory_space<vmem>>, vector<16xf32>,
      %get3A_271 = arith.constant 16 : index
      %get3A_272 = tpu.vector_load %arg16[%get3A_271] {strides = array<i32>} : memref<784xi32, #tpu.memory_space<vmem>>, vector<16xi32>,
      %xor3A_273 = arith.constant 2 : i32
      %xor3A_274 = vector.broadcast %xor3A_273 : i32 to vector<16xi32>
      %xor3A_275 = arith.xori %add3A_268, %xor3A_274 : vector<16xi32>
      %gather3A_276 = tpu.vector_load_idx %arg15[%xor3A_275] : memref<784xf32, #tpu.memory_space<vmem>>[vector<16xi32>], vector<16xf32>,
      %gather3A_277 = tpu.vector_load_idx %arg16[%xor3A_275] : memref<784xi32, #tpu.memory_space<vmem>>[vector<16xi32>], vector<16xi32>,
      %lt3A_278 = arith.cmpf olt, %gather3A_276, %get3A_270 : vector<16xf32>
      %eq3A_279 = arith.cmpf oeq, %gather3A_276, %get3A_270 : vector<16xf32>
      %lt3A_280 = arith.cmpi slt, %gather3A_277, %get3A_272 : vector<16xi32>
      %and3A_281 = arith.andi %eq3A_279, %lt3A_280 : vector<16xi1>
      %or3A_282 = arith.ori %lt3A_278, %and3A_281 : vector<16xi1>
      %and3A_283 = arith.constant 4 : i32
      %and3A_284 = vector.broadcast %and3A_283 : i32 to vector<16xi32>
      %and3A_285 = arith.andi %add3A_268, %and3A_284 : vector<16xi32>
      %ne3A_286 = arith.constant 0 : i32
      %ne3A_287 = vector.broadcast %ne3A_286 : i32 to vector<16xi32>
      %ne3A_288 = arith.cmpi ne, %and3A_285, %ne3A_287 : vector<16xi32>
      %and3A_289 = arith.constant 2 : i32
      %and3A_290 = vector.broadcast %and3A_289 : i32 to vector<16xi32>
      %and3A_291 = arith.andi %add3A_268, %and3A_290 : vector<16xi32>
      %eq3A_292 = arith.constant 0 : i32
      %eq3A_293 = vector.broadcast %eq3A_292 : i32 to vector<16xi32>
      %eq3A_294 = arith.cmpi eq, %and3A_291, %eq3A_293 : vector<16xi32>
      %ne3A_295 = arith.xori %eq3A_294, %ne3A_288 : vector<16xi1>
      %eq3A_296 = arith.xori %ne3A_295, %or3A_282 : vector<16xi1>
      %eq3A_297 = arith.constant dense<true> : vector<16xi1>
      %eq3A_298 = arith.xori %eq3A_296, %eq3A_297 : vector<16xi1>
      %select_n3A_299 = arith.select %eq3A_298, %gather3A_276, %get3A_270 : vector<16xi1>, vector<16xf32>
      %select_n3A_300 = arith.select %eq3A_298, %gather3A_277, %get3A_272 : vector<16xi1>, vector<16xi32>
      %add3A_301 = arith.constant 32 : i32
      %add3A_302 = vector.broadcast %add3A_301 : i32 to vector<16xi32>
      %add3A_303 = arith.addi %iota3A, %add3A_302 : vector<16xi32>
      %get3A_304 = arith.constant 32 : index
      %get3A_305 = tpu.vector_load %arg15[%get3A_304] {strides = array<i32>} : memref<784xf32, #tpu.memory_space<vmem>>, vector<16xf32>,
      %get3A_306 = arith.constant 32 : index
      %get3A_307 = tpu.vector_load %arg16[%get3A_306] {strides = array<i32>} : memref<784xi32, #tpu.memory_space<vmem>>, vector<16xi32>,
      %xor3A_308 = arith.constant 2 : i32
      %xor3A_309 = vector.broadcast %xor3A_308 : i32 to vector<16xi32>
      %xor3A_310 = arith.xori %add3A_303, %xor3A_309 : vector<16xi32>
      %gather3A_311 = tpu.vector_load_idx %arg15[%xor3A_310] : memref<784xf32, #tpu.memory_space<vmem>>[vector<16xi32>], vector<16xf32>,
      %gather3A_312 = tpu.vector_load_idx %arg16[%xor3A_310] : memref<784xi32, #tpu.memory_space<vmem>>[vector<16xi32>], vector<16xi32>,
      %lt3A_313 = arith.cmpf olt, %gather3A_311, %get3A_305 : vector<16xf32>
      %eq3A_314 = arith.cmpf oeq, %gather3A_311, %get3A_305 : vector<16xf32>
      %lt3A_315 = arith.cmpi slt, %gather3A_312, %get3A_307 : vector<16xi32>
      %and3A_316 = arith.andi %eq3A_314, %lt3A_315 : vector<16xi1>
      %or3A_317 = arith.ori %lt3A_313, %and3A_316 : vector<16xi1>
      %and3A_318 = arith.constant 4 : i32
      %and3A_319 = vector.broadcast %and3A_318 : i32 to vector<16xi32>
      %and3A_320 = arith.andi %add3A_303, %and3A_319 : vector<16xi32>
      %ne3A_321 = arith.constant 0 : i32
      %ne3A_322 = vector.broadcast %ne3A_321 : i32 to vector<16xi32>
      %ne3A_323 = arith.cmpi ne, %and3A_320, %ne3A_322 : vector<16xi32>
      %and3A_324 = arith.constant 2 : i32
      %and3A_325 = vector.broadcast %and3A_324 : i32 to vector<16xi32>
      %and3A_326 = arith.andi %add3A_303, %and3A_325 : vector<16xi32>
      %eq3A_327 = arith.constant 0 : i32
      %eq3A_328 = vector.broadcast %eq3A_327 : i32 to vector<16xi32>
      %eq3A_329 = arith.cmpi eq, %and3A_326, %eq3A_328 : vector<16xi32>
      %ne3A_330 = arith.xori %eq3A_329, %ne3A_323 : vector<16xi1>
      %eq3A_331 = arith.xori %ne3A_330, %or3A_317 : vector<16xi1>
      %eq3A_332 = arith.constant dense<true> : vector<16xi1>
      %eq3A_333 = arith.xori %eq3A_331, %eq3A_332 : vector<16xi1>
      %select_n3A_334 = arith.select %eq3A_333, %gather3A_311, %get3A_305 : vector<16xi1>, vector<16xf32>
      %select_n3A_335 = arith.select %eq3A_333, %gather3A_312, %get3A_307 : vector<16xi1>, vector<16xi32>
      %add3A_336 = arith.constant 48 : i32
      %add3A_337 = vector.broadcast %add3A_336 : i32 to vector<16xi32>
      %add3A_338 = arith.addi %iota3A, %add3A_337 : vector<16xi32>
      %get3A_339 = arith.constant 48 : index
      %get3A_340 = tpu.vector_load %arg15[%get3A_339] {strides = array<i32>} : memref<784xf32, #tpu.memory_space<vmem>>, vector<16xf32>,
      %get3A_341 = arith.constant 48 : index
      %get3A_342 = tpu.vector_load %arg16[%get3A_341] {strides = array<i32>} : memref<784xi32, #tpu.memory_space<vmem>>, vector<16xi32>,
      %xor3A_343 = arith.constant 2 : i32
      %xor3A_344 = vector.broadcast %xor3A_343 : i32 to vector<16xi32>
      %xor3A_345 = arith.xori %add3A_338, %xor3A_344 : vector<16xi32>
      %gather3A_346 = tpu.vector_load_idx %arg15[%xor3A_345] : memref<784xf32, #tpu.memory_space<vmem>>[vector<16xi32>], vector<16xf32>,
      %gather3A_347 = tpu.vector_load_idx %arg16[%xor3A_345] : memref<784xi32, #tpu.memory_space<vmem>>[vector<16xi32>], vector<16xi32>,
      %lt3A_348 = arith.cmpf olt, %gather3A_346, %get3A_340 : vector<16xf32>
      %eq3A_349 = arith.cmpf oeq, %gather3A_346, %get3A_340 : vector<16xf32>
      %lt3A_350 = arith.cmpi slt, %gather3A_347, %get3A_342 : vector<16xi32>
      %and3A_351 = arith.andi %eq3A_349, %lt3A_350 : vector<16xi1>
      %or3A_352 = arith.ori %lt3A_348, %and3A_351 : vector<16xi1>
      %and3A_353 = arith.constant 4 : i32
      %and3A_354 = vector.broadcast %and3A_353 : i32 to vector<16xi32>
      %and3A_355 = arith.andi %add3A_338, %and3A_354 : vector<16xi32>
      %ne3A_356 = arith.constant 0 : i32
      %ne3A_357 = vector.broadcast %ne3A_356 : i32 to vector<16xi32>
      %ne3A_358 = arith.cmpi ne, %and3A_355, %ne3A_357 : vector<16xi32>
      %and3A_359 = arith.constant 2 : i32
      %and3A_360 = vector.broadcast %and3A_359 : i32 to vector<16xi32>
      %and3A_361 = arith.andi %add3A_338, %and3A_360 : vector<16xi32>
      %eq3A_362 = arith.constant 0 : i32
      %eq3A_363 = vector.broadcast %eq3A_362 : i32 to vector<16xi32>
      %eq3A_364 = arith.cmpi eq, %and3A_361, %eq3A_363 : vector<16xi32>
      %ne3A_365 = arith.xori %eq3A_364, %ne3A_358 : vector<16xi1>
      %eq3A_366 = arith.xori %ne3A_365, %or3A_352 : vector<16xi1>
      %eq3A_367 = arith.constant dense<true> : vector<16xi1>
      %eq3A_368 = arith.xori %eq3A_366, %eq3A_367 : vector<16xi1>
      %select_n3A_369 = arith.select %eq3A_368, %gather3A_346, %get3A_340 : vector<16xi1>, vector<16xf32>
      %select_n3A_370 = arith.select %eq3A_368, %gather3A_347, %get3A_342 : vector<16xi1>, vector<16xi32>
      %swap3A_371 = arith.constant 0 : index
      %swap3A_372 = tpu.vector_load %arg15[%swap3A_371] {strides = array<i32>} : memref<784xf32, #tpu.memory_space<vmem>>, vector<16xf32>,
      tpu.vector_store %arg15[%swap3A_371], %select_n3A_264 {strides = array<i32>} : memref<784xf32, #tpu.memory_space<vmem>>, vector<16xf32>,
      %swap3A_373 = arith.constant 0 : index
      %swap3A_374 = tpu.vector_load %arg16[%swap3A_373] {strides = array<i32>} : memref<784xi32, #tpu.memory_space<vmem>>, vector<16xi32>,
      tpu.vector_store %arg16[%swap3A_373], %select_n3A_265 {strides = array<i32>} : memref<784xi32, #tpu.memory_space<vmem>>, vector<16xi32>,
      %swap3A_375 = arith.constant 16 : index
      %swap3A_376 = tpu.vector_load %arg15[%swap3A_375] {strides = array<i32>} : memref<784xf32, #tpu.memory_space<vmem>>, vector<16xf32>,
      tpu.vector_store %arg15[%swap3A_375], %select_n3A_299 {strides = array<i32>} : memref<784xf32, #tpu.memory_space<vmem>>, vector<16xf32>,
      %swap3A_377 = arith.constant 16 : index
      %swap3A_378 = tpu.vector_load %arg16[%swap3A_377] {strides = array<i32>} : memref<784xi32, #tpu.memory_space<vmem>>, vector<16xi32>,
      tpu.vector_store %arg16[%swap3A_377], %select_n3A_300 {strides = array<i32>} : memref<784xi32, #tpu.memory_space<vmem>>, vector<16xi32>,
      %swap3A_379 = arith.constant 32 : index
      %swap3A_380 = tpu.vector_load %arg15[%swap3A_379] {strides = array<i32>} : memref<784xf32, #tpu.memory_space<vmem>>, vector<16xf32>,
      tpu.vector_store %arg15[%swap3A_379], %select_n3A_334 {strides = array<i32>} : memref<784xf32, #tpu.memory_space<vmem>>, vector<16xf32>,
      %swap3A_381 = arith.constant 32 : index
      %swap3A_382 = tpu.vector_load %arg16[%swap3A_381] {strides = array<i32>} : memref<784xi32, #tpu.memory_space<vmem>>, vector<16xi32>,
      tpu.vector_store %arg16[%swap3A_381], %select_n3A_335 {strides = array<i32>} : memref<784xi32, #tpu.memory_space<vmem>>, vector<16xi32>,
      %swap3A_383 = arith.constant 48 : index
      %swap3A_384 = tpu.vector_load %arg15[%swap3A_383] {strides = array<i32>} : memref<784xf32, #tpu.memory_space<vmem>>, vector<16xf32>,
      tpu.vector_store %arg15[%swap3A_383], %select_n3A_369 {strides = array<i32>} : memref<784xf32, #tpu.memory_space<vmem>>, vector<16xf32>,
      %swap3A_385 = arith.constant 48 : index
      %swap3A_386 = tpu.vector_load %arg16[%swap3A_385] {strides = array<i32>} : memref<784xi32, #tpu.memory_space<vmem>>, vector<16xi32>,
      tpu.vector_store %arg16[%swap3A_385], %select_n3A_370 {strides = array<i32>} : memref<784xi32, #tpu.memory_space<vmem>>, vector<16xi32>,
      %add3A_387 = arith.constant 0 : i32
      %add3A_388 = vector.broadcast %add3A_387 : i32 to vector<16xi32>
      %add3A_389 = arith.addi %iota3A, %add3A_388 : vector<16xi32>
      %get3A_390 = arith.constant 0 : index
      %get3A_391 = tpu.vector_load %arg15[%get3A_390] {strides = array<i32>} : memref<784xf32, #tpu.memory_space<vmem>>, vector<16xf32>,
      %get3A_392 = arith.constant 0 : index
      %get3A_393 = tpu.vector_load %arg16[%get3A_392] {strides = array<i32>} : memref<784xi32, #tpu.memory_space<vmem>>, vector<16xi32>,
      %xor3A_394 = arith.constant 1 : i32
      %xor3A_395 = vector.broadcast %xor3A_394 : i32 to vector<16xi32>
      %xor3A_396 = arith.xori %add3A_389, %xor3A_395 : vector<16xi32>
      %gather3A_397 = tpu.vector_load_idx %arg15[%xor3A_396] : memref<784xf32, #tpu.memory_space<vmem>>[vector<16xi32>], vector<16xf32>,
      %gather3A_398 = tpu.vector_load_idx %arg16[%xor3A_396] : memref<784xi32, #tpu.memory_space<vmem>>[vector<16xi32>], vector<16xi32>,
      %lt3A_399 = arith.cmpf olt, %gather3A_397, %get3A_391 : vector<16xf32>
      %eq3A_400 = arith.cmpf oeq, %gather3A_397, %get3A_391 : vector<16xf32>
      %lt3A_401 = arith.cmpi slt, %gather3A_398, %get3A_393 : vector<16xi32>
      %and3A_402 = arith.andi %eq3A_400, %lt3A_401 : vector<16xi1>
      %or3A_403 = arith.ori %lt3A_399, %and3A_402 : vector<16xi1>
      %and3A_404 = arith.constant 4 : i32
      %and3A_405 = vector.broadcast %and3A_404 : i32 to vector<16xi32>
      %and3A_406 = arith.andi %add3A_389, %and3A_405 : vector<16xi32>
      %ne3A_407 = arith.constant 0 : i32
      %ne3A_408 = vector.broadcast %ne3A_407 : i32 to vector<16xi32>
      %ne3A_409 = arith.cmpi ne, %and3A_406, %ne3A_408 : vector<16xi32>
      %and3A_410 = arith.constant 1 : i32
      %and3A_411 = vector.broadcast %and3A_410 : i32 to vector<16xi32>
      %and3A_412 = arith.andi %add3A_389, %and3A_411 : vector<16xi32>
      %eq3A_413 = arith.constant 0 : i32
      %eq3A_414 = vector.broadcast %eq3A_413 : i32 to vector<16xi32>
      %eq3A_415 = arith.cmpi eq, %and3A_412, %eq3A_414 : vector<16xi32>
      %ne3A_416 = arith.xori %eq3A_415, %ne3A_409 : vector<16xi1>
      %eq3A_417 = arith.xori %ne3A_416, %or3A_403 : vector<16xi1>
      %eq3A_418 = arith.constant dense<true> : vector<16xi1>
      %eq3A_419 = arith.xori %eq3A_417, %eq3A_418 : vector<16xi1>
      %select_n3A_420 = arith.select %eq3A_419, %gather3A_397, %get3A_391 : vector<16xi1>, vector<16xf32>
      %select_n3A_421 = arith.select %eq3A_419, %gather3A_398, %get3A_393 : vector<16xi1>, vector<16xi32>
      %add3A_422 = arith.constant 16 : i32
      %add3A_423 = vector.broadcast %add3A_422 : i32 to vector<16xi32>
      %add3A_424 = arith.addi %iota3A, %add3A_423 : vector<16xi32>
      %get3A_425 = arith.constant 16 : index
      %get3A_426 = tpu.vector_load %arg15[%get3A_425] {strides = array<i32>} : memref<784xf32, #tpu.memory_space<vmem>>, vector<16xf32>,
      %get3A_427 = arith.constant 16 : index
      %get3A_428 = tpu.vector_load %arg16[%get3A_427] {strides = array<i32>} : memref<784xi32, #tpu.memory_space<vmem>>, vector<16xi32>,
      %xor3A_429 = arith.constant 1 : i32
      %xor3A_430 = vector.broadcast %xor3A_429 : i32 to vector<16xi32>
      %xor3A_431 = arith.xori %add3A_424, %xor3A_430 : vector<16xi32>
      %gather3A_432 = tpu.vector_load_idx %arg15[%xor3A_431] : memref<784xf32, #tpu.memory_space<vmem>>[vector<16xi32>], vector<16xf32>,
      %gather3A_433 = tpu.vector_load_idx %arg16[%xor3A_431] : memref<784xi32, #tpu.memory_space<vmem>>[vector<16xi32>], vector<16xi32>,
      %lt3A_434 = arith.cmpf olt, %gather3A_432, %get3A_426 : vector<16xf32>
      %eq3A_435 = arith.cmpf oeq, %gather3A_432, %get3A_426 : vector<16xf32>
      %lt3A_436 = arith.cmpi slt, %gather3A_433, %get3A_428 : vector<16xi32>
      %and3A_437 = arith.andi %eq3A_435, %lt3A_436 : vector<16xi1>
      %or3A_438 = arith.ori %lt3A_434, %and3A_437 : vector<16xi1>
      %and3A_439 = arith.constant 4 : i32
      %and3A_440 = vector.broadcast %and3A_439 : i32 to vector<16xi32>
      %and3A_441 = arith.andi %add3A_424, %and3A_440 : vector<16xi32>
      %ne3A_442 = arith.constant 0 : i32
      %ne3A_443 = vector.broadcast %ne3A_442 : i32 to vector<16xi32>
      %ne3A_444 = arith.cmpi ne, %and3A_441, %ne3A_443 : vector<16xi32>
      %and3A_445 = arith.constant 1 : i32
      %and3A_446 = vector.broadcast %and3A_445 : i32 to vector<16xi32>
      %and3A_447 = arith.andi %add3A_424, %and3A_446 : vector<16xi32>
      %eq3A_448 = arith.constant 0 : i32
      %eq3A_449 = vector.broadcast %eq3A_448 : i32 to vector<16xi32>
      %eq3A_450 = arith.cmpi eq, %and3A_447, %eq3A_449 : vector<16xi32>
      %ne3A_451 = arith.xori %eq3A_450, %ne3A_444 : vector<16xi1>
      %eq3A_452 = arith.xori %ne3A_451, %or3A_438 : vector<16xi1>
      %eq3A_453 = arith.constant dense<true> : vector<16xi1>
      %eq3A_454 = arith.xori %eq3A_452, %eq3A_453 : vector<16xi1>
      %select_n3A_455 = arith.select %eq3A_454, %gather3A_432, %get3A_426 : vector<16xi1>, vector<16xf32>
      %select_n3A_456 = arith.select %eq3A_454, %gather3A_433, %get3A_428 : vector<16xi1>, vector<16xi32>
      %add3A_457 = arith.constant 32 : i32
      %add3A_458 = vector.broadcast %add3A_457 : i32 to vector<16xi32>
      %add3A_459 = arith.addi %iota3A, %add3A_458 : vector<16xi32>
      %get3A_460 = arith.constant 32 : index
      %get3A_461 = tpu.vector_load %arg15[%get3A_460] {strides = array<i32>} : memref<784xf32, #tpu.memory_space<vmem>>, vector<16xf32>,
      %get3A_462 = arith.constant 32 : index
      %get3A_463 = tpu.vector_load %arg16[%get3A_462] {strides = array<i32>} : memref<784xi32, #tpu.memory_space<vmem>>, vector<16xi32>,
      %xor3A_464 = arith.constant 1 : i32
      %xor3A_465 = vector.broadcast %xor3A_464 : i32 to vector<16xi32>
      %xor3A_466 = arith.xori %add3A_459, %xor3A_465 : vector<16xi32>
      %gather3A_467 = tpu.vector_load_idx %arg15[%xor3A_466] : memref<784xf32, #tpu.memory_space<vmem>>[vector<16xi32>], vector<16xf32>,
      %gather3A_468 = tpu.vector_load_idx %arg16[%xor3A_466] : memref<784xi32, #tpu.memory_space<vmem>>[vector<16xi32>], vector<16xi32>,
      %lt3A_469 = arith.cmpf olt, %gather3A_467, %get3A_461 : vector<16xf32>
      %eq3A_470 = arith.cmpf oeq, %gather3A_467, %get3A_461 : vector<16xf32>
      %lt3A_471 = arith.cmpi slt, %gather3A_468, %get3A_463 : vector<16xi32>
      %and3A_472 = arith.andi %eq3A_470, %lt3A_471 : vector<16xi1>
      %or3A_473 = arith.ori %lt3A_469, %and3A_472 : vector<16xi1>
      %and3A_474 = arith.constant 4 : i32
      %and3A_475 = vector.broadcast %and3A_474 : i32 to vector<16xi32>
      %and3A_476 = arith.andi %add3A_459, %and3A_475 : vector<16xi32>
      %ne3A_477 = arith.constant 0 : i32
      %ne3A_478 = vector.broadcast %ne3A_477 : i32 to vector<16xi32>
      %ne3A_479 = arith.cmpi ne, %and3A_476, %ne3A_478 : vector<16xi32>
      %and3A_480 = arith.constant 1 : i32
      %and3A_481 = vector.broadcast %and3A_480 : i32 to vector<16xi32>
      %and3A_482 = arith.andi %add3A_459, %and3A_481 : vector<16xi32>
      %eq3A_483 = arith.constant 0 : i32
      %eq3A_484 = vector.broadcast %eq3A_483 : i32 to vector<16xi32>
      %eq3A_485 = arith.cmpi eq, %and3A_482, %eq3A_484 : vector<16xi32>
      %ne3A_486 = arith.xori %eq3A_485, %ne3A_479 : vector<16xi1>
      %eq3A_487 = arith.xori %ne3A_486, %or3A_473 : vector<16xi1>
      %eq3A_488 = arith.constant dense<true> : vector<16xi1>
      %eq3A_489 = arith.xori %eq3A_487, %eq3A_488 : vector<16xi1>
      %select_n3A_490 = arith.select %eq3A_489, %gather3A_467, %get3A_461 : vector<16xi1>, vector<16xf32>
      %select_n3A_491 = arith.select %eq3A_489, %gather3A_468, %get3A_463 : vector<16xi1>, vector<16xi32>
      %add3A_492 = arith.constant 48 : i32
      %add3A_493 = vector.broadcast %add3A_492 : i32 to vector<16xi32>
      %add3A_494 = arith.addi %iota3A, %add3A_493 : vector<16xi32>
      %get3A_495 = arith.constant 48 : index
      %get3A_496 = tpu.vector_load %arg15[%get3A_495] {strides = array<i32>} : memref<784xf32, #tpu.memory_space<vmem>>, vector<16xf32>,
      %get3A_497 = arith.constant 48 : index
      %get3A_498 = tpu.vector_load %arg16[%get3A_497] {strides = array<i32>} : memref<784xi32, #tpu.memory_space<vmem>>, vector<16xi32>,
      %xor3A_499 = arith.constant 1 : i32
      %xor3A_500 = vector.broadcast %xor3A_499 : i32 to vector<16xi32>
      %xor3A_501 = arith.xori %add3A_494, %xor3A_500 : vector<16xi32>
      %gather3A_502 = tpu.vector_load_idx %arg15[%xor3A_501] : memref<784xf32, #tpu.memory_space<vmem>>[vector<16xi32>], vector<16xf32>,
      %gather3A_503 = tpu.vector_load_idx %arg16[%xor3A_501] : memref<784xi32, #tpu.memory_space<vmem>>[vector<16xi32>], vector<16xi32>,
      %lt3A_504 = arith.cmpf olt, %gather3A_502, %get3A_496 : vector<16xf32>
      %eq3A_505 = arith.cmpf oeq, %gather3A_502, %get3A_496 : vector<16xf32>
      %lt3A_506 = arith.cmpi slt, %gather3A_503, %get3A_498 : vector<16xi32>
      %and3A_507 = arith.andi %eq3A_505, %lt3A_506 : vector<16xi1>
      %or3A_508 = arith.ori %lt3A_504, %and3A_507 : vector<16xi1>
      %and3A_509 = arith.constant 4 : i32
      %and3A_510 = vector.broadcast %and3A_509 : i32 to vector<16xi32>
      %and3A_511 = arith.andi %add3A_494, %and3A_510 : vector<16xi32>
      %ne3A_512 = arith.constant 0 : i32
      %ne3A_513 = vector.broadcast %ne3A_512 : i32 to vector<16xi32>
      %ne3A_514 = arith.cmpi ne, %and3A_511, %ne3A_513 : vector<16xi32>
      %and3A_515 = arith.constant 1 : i32
      %and3A_516 = vector.broadcast %and3A_515 : i32 to vector<16xi32>
      %and3A_517 = arith.andi %add3A_494, %and3A_516 : vector<16xi32>
      %eq3A_518 = arith.constant 0 : i32
      %eq3A_519 = vector.broadcast %eq3A_518 : i32 to vector<16xi32>
      %eq3A_520 = arith.cmpi eq, %and3A_517, %eq3A_519 : vector<16xi32>
      %ne3A_521 = arith.xori %eq3A_520, %ne3A_514 : vector<16xi1>
      %eq3A_522 = arith.xori %ne3A_521, %or3A_508 : vector<16xi1>
      %eq3A_523 = arith.constant dense<true> : vector<16xi1>
      %eq3A_524 = arith.xori %eq3A_522, %eq3A_523 : vector<16xi1>
      %select_n3A_525 = arith.select %eq3A_524, %gather3A_502, %get3A_496 : vector<16xi1>, vector<16xf32>
      %select_n3A_526 = arith.select %eq3A_524, %gather3A_503, %get3A_498 : vector<16xi1>, vector<16xi32>
      %swap3A_527 = arith.constant 0 : index
      %swap3A_528 = tpu.vector_load %arg15[%swap3A_527] {strides = array<i32>} : memref<784xf32, #tpu.memory_space<vmem>>, vector<16xf32>,
      tpu.vector_store %arg15[%swap3A_527], %select_n3A_420 {strides = array<i32>} : memref<784xf32, #tpu.memory_space<vmem>>, vector<16xf32>,
      %swap3A_529 = arith.constant 0 : index
      %swap3A_530 = tpu.vector_load %arg16[%swap3A_529] {strides = array<i32>} : memref<784xi32, #tpu.memory_space<vmem>>, vector<16xi32>,
      tpu.vector_store %arg16[%swap3A_529], %select_n3A_421 {strides = array<i32>} : memref<784xi32, #tpu.memory_space<vmem>>, vector<16xi32>,
      %swap3A_531 = arith.constant 16 : index
      %swap3A_532 = tpu.vector_load %arg15[%swap3A_531] {strides = array<i32>} : memref<784xf32, #tpu.memory_space<vmem>>, vector<16xf32>,
      tpu.vector_store %arg15[%swap3A_531], %select_n3A_455 {strides = array<i32>} : memref<784xf32, #tpu.memory_space<vmem>>, vector<16xf32>,
      %swap3A_533 = arith.constant 16 : index
      %swap3A_534 = tpu.vector_load %arg16[%swap3A_533] {strides = array<i32>} : memref<784xi32, #tpu.memory_space<vmem>>, vector<16xi32>,
      tpu.vector_store %arg16[%swap3A_533], %select_n3A_456 {strides = array<i32>} : memref<784xi32, #tpu.memory_space<vmem>>, vector<16xi32>,
      %swap3A_535 = arith.constant 32 : index
      %swap3A_536 = tpu.vector_load %arg15[%swap3A_535] {strides = array<i32>} : memref<784xf32, #tpu.memory_space<vmem>>, vector<16xf32>,
      tpu.vector_store %arg15[%swap3A_535], %select_n3A_490 {strides = array<i32>} : memref<784xf32, #tpu.memory_space<vmem>>, vector<16xf32>,
      %swap3A_537 = arith.constant 32 : index
      %swap3A_538 = tpu.vector_load %arg16[%swap3A_537] {strides = array<i32>} : memref<784xi32, #tpu.memory_space<vmem>>, vector<16xi32>,
      tpu.vector_store %arg16[%swap3A_537], %select_n3A_491 {strides = array<i32>} : memref<784xi32, #tpu.memory_space<vmem>>, vector<16xi32>,
      %swap3A_539 = arith.constant 48 : index
      %swap3A_540 = tpu.vector_load %arg15[%swap3A_539] {strides = array<i32>} : memref<784xf32, #tpu.memory_space<vmem>>, vector<16xf32>,
      tpu.vector_store %arg15[%swap3A_539], %select_n3A_525 {strides = array<i32>} : memref<784xf32, #tpu.memory_space<vmem>>, vector<16xf32>,
      %swap3A_541 = arith.constant 48 : index
      %swap3A_542 = tpu.vector_load %arg16[%swap3A_541] {strides = array<i32>} : memref<784xi32, #tpu.memory_space<vmem>>, vector<16xi32>,
      tpu.vector_store %arg16[%swap3A_541], %select_n3A_526 {strides = array<i32>} : memref<784xi32, #tpu.memory_space<vmem>>, vector<16xi32>,
      %add3A_543 = arith.constant 0 : i32
      %add3A_544 = vector.broadcast %add3A_543 : i32 to vector<16xi32>
      %add3A_545 = arith.addi %iota3A, %add3A_544 : vector<16xi32>
      %get3A_546 = arith.constant 0 : index
      %get3A_547 = tpu.vector_load %arg15[%get3A_546] {strides = array<i32>} : memref<784xf32, #tpu.memory_space<vmem>>, vector<16xf32>,
      %get3A_548 = arith.constant 0 : index
      %get3A_549 = tpu.vector_load %arg16[%get3A_548] {strides = array<i32>} : memref<784xi32, #tpu.memory_space<vmem>>, vector<16xi32>,
      %xor3A_550 = arith.constant 4 : i32
      %xor3A_551 = vector.broadcast %xor3A_550 : i32 to vector<16xi32>
      %xor3A_552 = arith.xori %add3A_545, %xor3A_551 : vector<16xi32>
      %gather3A_553 = tpu.vector_load_idx %arg15[%xor3A_552] : memref<784xf32, #tpu.memory_space<vmem>>[vector<16xi32>], vector<16xf32>,
      %gather3A_554 = tpu.vector_load_idx %arg16[%xor3A_552] : memref<784xi32, #tpu.memory_space<vmem>>[vector<16xi32>], vector<16xi32>,
      %lt3A_555 = arith.cmpf olt, %gather3A_553, %get3A_547 : vector<16xf32>
      %eq3A_556 = arith.cmpf oeq, %gather3A_553, %get3A_547 : vector<16xf32>
      %lt3A_557 = arith.cmpi slt, %gather3A_554, %get3A_549 : vector<16xi32>
      %and3A_558 = arith.andi %eq3A_556, %lt3A_557 : vector<16xi1>
      %or3A_559 = arith.ori %lt3A_555, %and3A_558 : vector<16xi1>
      %and3A_560 = arith.constant 8 : i32
      %and3A_561 = vector.broadcast %and3A_560 : i32 to vector<16xi32>
      %and3A_562 = arith.andi %add3A_545, %and3A_561 : vector<16xi32>
      %ne3A_563 = arith.constant 0 : i32
      %ne3A_564 = vector.broadcast %ne3A_563 : i32 to vector<16xi32>
      %ne3A_565 = arith.cmpi ne, %and3A_562, %ne3A_564 : vector<16xi32>
      %and3A_566 = arith.constant 4 : i32
      %and3A_567 = vector.broadcast %and3A_566 : i32 to vector<16xi32>
      %and3A_568 = arith.andi %add3A_545, %and3A_567 : vector<16xi32>
      %eq3A_569 = arith.constant 0 : i32
      %eq3A_570 = vector.broadcast %eq3A_569 : i32 to vector<16xi32>
      %eq3A_571 = arith.cmpi eq, %and3A_568, %eq3A_570 : vector<16xi32>
      %ne3A_572 = arith.xori %eq3A_571, %ne3A_565 : vector<16xi1>
      %eq3A_573 = arith.xori %ne3A_572, %or3A_559 : vector<16xi1>
      %eq3A_574 = arith.constant dense<true> : vector<16xi1>
      %eq3A_575 = arith.xori %eq3A_573, %eq3A_574 : vector<16xi1>
      %select_n3A_576 = arith.select %eq3A_575, %gather3A_553, %get3A_547 : vector<16xi1>, vector<16xf32>
      %select_n3A_577 = arith.select %eq3A_575, %gather3A_554, %get3A_549 : vector<16xi1>, vector<16xi32>
      %add3A_578 = arith.constant 16 : i32
      %add3A_579 = vector.broadcast %add3A_578 : i32 to vector<16xi32>
      %add3A_580 = arith.addi %iota3A, %add3A_579 : vector<16xi32>
      %get3A_581 = arith.constant 16 : index
      %get3A_582 = tpu.vector_load %arg15[%get3A_581] {strides = array<i32>} : memref<784xf32, #tpu.memory_space<vmem>>, vector<16xf32>,
      %get3A_583 = arith.constant 16 : index
      %get3A_584 = tpu.vector_load %arg16[%get3A_583] {strides = array<i32>} : memref<784xi32, #tpu.memory_space<vmem>>, vector<16xi32>,
      %xor3A_585 = arith.constant 4 : i32
      %xor3A_586 = vector.broadcast %xor3A_585 : i32 to vector<16xi32>
      %xor3A_587 = arith.xori %add3A_580, %xor3A_586 : vector<16xi32>
      %gather3A_588 = tpu.vector_load_idx %arg15[%xor3A_587] : memref<784xf32, #tpu.memory_space<vmem>>[vector<16xi32>], vector<16xf32>,
      %gather3A_589 = tpu.vector_load_idx %arg16[%xor3A_587] : memref<784xi32, #tpu.memory_space<vmem>>[vector<16xi32>], vector<16xi32>,
      %lt3A_590 = arith.cmpf olt, %gather3A_588, %get3A_582 : vector<16xf32>
      %eq3A_591 = arith.cmpf oeq, %gather3A_588, %get3A_582 : vector<16xf32>
      %lt3A_592 = arith.cmpi slt, %gather3A_589, %get3A_584 : vector<16xi32>
      %and3A_593 = arith.andi %eq3A_591, %lt3A_592 : vector<16xi1>
      %or3A_594 = arith.ori %lt3A_590, %and3A_593 : vector<16xi1>
      %and3A_595 = arith.constant 8 : i32
      %and3A_596 = vector.broadcast %and3A_595 : i32 to vector<16xi32>
      %and3A_597 = arith.andi %add3A_580, %and3A_596 : vector<16xi32>
      %ne3A_598 = arith.constant 0 : i32
      %ne3A_599 = vector.broadcast %ne3A_598 : i32 to vector<16xi32>
      %ne3A_600 = arith.cmpi ne, %and3A_597, %ne3A_599 : vector<16xi32>
      %and3A_601 = arith.constant 4 : i32
      %and3A_602 = vector.broadcast %and3A_601 : i32 to vector<16xi32>
      %and3A_603 = arith.andi %add3A_580, %and3A_602 : vector<16xi32>
      %eq3A_604 = arith.constant 0 : i32
      %eq3A_605 = vector.broadcast %eq3A_604 : i32 to vector<16xi32>
      %eq3A_606 = arith.cmpi eq, %and3A_603, %eq3A_605 : vector<16xi32>
      %ne3A_607 = arith.xori %eq3A_606, %ne3A_600 : vector<16xi1>
      %eq3A_608 = arith.xori %ne3A_607, %or3A_594 : vector<16xi1>
      %eq3A_609 = arith.constant dense<true> : vector<16xi1>
      %eq3A_610 = arith.xori %eq3A_608, %eq3A_609 : vector<16xi1>
      %select_n3A_611 = arith.select %eq3A_610, %gather3A_588, %get3A_582 : vector<16xi1>, vector<16xf32>
      %select_n3A_612 = arith.select %eq3A_610, %gather3A_589, %get3A_584 : vector<16xi1>, vector<16xi32>
      %add3A_613 = arith.constant 32 : i32
      %add3A_614 = vector.broadcast %add3A_613 : i32 to vector<16xi32>
      %add3A_615 = arith.addi %iota3A, %add3A_614 : vector<16xi32>
      %get3A_616 = arith.constant 32 : index
      %get3A_617 = tpu.vector_load %arg15[%get3A_616] {strides = array<i32>} : memref<784xf32, #tpu.memory_space<vmem>>, vector<16xf32>,
      %get3A_618 = arith.constant 32 : index
      %get3A_619 = tpu.vector_load %arg16[%get3A_618] {strides = array<i32>} : memref<784xi32, #tpu.memory_space<vmem>>, vector<16xi32>,
      %xor3A_620 = arith.constant 4 : i32
      %xor3A_621 = vector.broadcast %xor3A_620 : i32 to vector<16xi32>
      %xor3A_622 = arith.xori %add3A_615, %xor3A_621 : vector<16xi32>
      %gather3A_623 = tpu.vector_load_idx %arg15[%xor3A_622] : memref<784xf32, #tpu.memory_space<vmem>>[vector<16xi32>], vector<16xf32>,
      %gather3A_624 = tpu.vector_load_idx %arg16[%xor3A_622] : memref<784xi32, #tpu.memory_space<vmem>>[vector<16xi32>], vector<16xi32>,
      %lt3A_625 = arith.cmpf olt, %gather3A_623, %get3A_617 : vector<16xf32>
      %eq3A_626 = arith.cmpf oeq, %gather3A_623, %get3A_617 : vector<16xf32>
      %lt3A_627 = arith.cmpi slt, %gather3A_624, %get3A_619 : vector<16xi32>
      %and3A_628 = arith.andi %eq3A_626, %lt3A_627 : vector<16xi1>
      %or3A_629 = arith.ori %lt3A_625, %and3A_628 : vector<16xi1>
      %and3A_630 = arith.constant 8 : i32
      %and3A_631 = vector.broadcast %and3A_630 : i32 to vector<16xi32>
      %and3A_632 = arith.andi %add3A_615, %and3A_631 : vector<16xi32>
      %ne3A_633 = arith.constant 0 : i32
      %ne3A_634 = vector.broadcast %ne3A_633 : i32 to vector<16xi32>
      %ne3A_635 = arith.cmpi ne, %and3A_632, %ne3A_634 : vector<16xi32>
      %and3A_636 = arith.constant 4 : i32
      %and3A_637 = vector.broadcast %and3A_636 : i32 to vector<16xi32>
      %and3A_638 = arith.andi %add3A_615, %and3A_637 : vector<16xi32>
      %eq3A_639 = arith.constant 0 : i32
      %eq3A_640 = vector.broadcast %eq3A_639 : i32 to vector<16xi32>
      %eq3A_641 = arith.cmpi eq, %and3A_638, %eq3A_640 : vector<16xi32>
      %ne3A_642 = arith.xori %eq3A_641, %ne3A_635 : vector<16xi1>
      %eq3A_643 = arith.xori %ne3A_642, %or3A_629 : vector<16xi1>
      %eq3A_644 = arith.constant dense<true> : vector<16xi1>
      %eq3A_645 = arith.xori %eq3A_643, %eq3A_644 : vector<16xi1>
      %select_n3A_646 = arith.select %eq3A_645, %gather3A_623, %get3A_617 : vector<16xi1>, vector<16xf32>
      %select_n3A_647 = arith.select %eq3A_645, %gather3A_624, %get3A_619 : vector<16xi1>, vector<16xi32>
      %add3A_648 = arith.constant 48 : i32
      %add3A_649 = vector.broadcast %add3A_648 : i32 to vector<16xi32>
      %add3A_650 = arith.addi %iota3A, %add3A_649 : vector<16xi32>
      %get3A_651 = arith.constant 48 : index
      %get3A_652 = tpu.vector_load %arg15[%get3A_651] {strides = array<i32>} : memref<784xf32, #tpu.memory_space<vmem>>, vector<16xf32>,
      %get3A_653 = arith.constant 48 : index
      %get3A_654 = tpu.vector_load %arg16[%get3A_653] {strides = array<i32>} : memref<784xi32, #tpu.memory_space<vmem>>, vector<16xi32>,
      %xor3A_655 = arith.constant 4 : i32
      %xor3A_656 = vector.broadcast %xor3A_655 : i32 to vector<16xi32>
      %xor3A_657 = arith.xori %add3A_650, %xor3A_656 : vector<16xi32>
      %gather3A_658 = tpu.vector_load_idx %arg15[%xor3A_657] : memref<784xf32, #tpu.memory_space<vmem>>[vector<16xi32>], vector<16xf32>,
      %gather3A_659 = tpu.vector_load_idx %arg16[%xor3A_657] : memref<784xi32, #tpu.memory_space<vmem>>[vector<16xi32>], vector<16xi32>,
      %lt3A_660 = arith.cmpf olt, %gather3A_658, %get3A_652 : vector<16xf32>
      %eq3A_661 = arith.cmpf oeq, %gather3A_658, %get3A_652 : vector<16xf32>
      %lt3A_662 = arith.cmpi slt, %gather3A_659, %get3A_654 : vector<16xi32>
      %and3A_663 = arith.andi %eq3A_661, %lt3A_662 : vector<16xi1>
      %or3A_664 = arith.ori %lt3A_660, %and3A_663 : vector<16xi1>
      %and3A_665 = arith.constant 8 : i32
      %and3A_666 = vector.broadcast %and3A_665 : i32 to vector<16xi32>
      %and3A_667 = arith.andi %add3A_650, %and3A_666 : vector<16xi32>
      %ne3A_668 = arith.constant 0 : i32
      %ne3A_669 = vector.broadcast %ne3A_668 : i32 to vector<16xi32>
      %ne3A_670 = arith.cmpi ne, %and3A_667, %ne3A_669 : vector<16xi32>
      %and3A_671 = arith.constant 4 : i32
      %and3A_672 = vector.broadcast %and3A_671 : i32 to vector<16xi32>
      %and3A_673 = arith.andi %add3A_650, %and3A_672 : vector<16xi32>
      %eq3A_674 = arith.constant 0 : i32
      %eq3A_675 = vector.broadcast %eq3A_674 : i32 to vector<16xi32>
      %eq3A_676 = arith.cmpi eq, %and3A_673, %eq3A_675 : vector<16xi32>
      %ne3A_677 = arith.xori %eq3A_676, %ne3A_670 : vector<16xi1>
      %eq3A_678 = arith.xori %ne3A_677, %or3A_664 : vector<16xi1>
      %eq3A_679 = arith.constant dense<true> : vector<16xi1>
      %eq3A_680 = arith.xori %eq3A_678, %eq3A_679 : vector<16xi1>
      %select_n3A_681 = arith.select %eq3A_680, %gather3A_658, %get3A_652 : vector<16xi1>, vector<16xf32>
      %select_n3A_682 = arith.select %eq3A_680, %gather3A_659, %get3A_654 : vector<16xi1>, vector<16xi32>
      %swap3A_683 = arith.constant 0 : index
      %swap3A_684 = tpu.vector_load %arg15[%swap3A_683] {strides = array<i32>} : memref<784xf32, #tpu.memory_space<vmem>>, vector<16xf32>,
      tpu.vector_store %arg15[%swap3A_683], %select_n3A_576 {strides = array<i32>} : memref<784xf32, #tpu.memory_space<vmem>>, vector<16xf32>,
      %swap3A_685 = arith.constant 0 : index
      %swap3A_686 = tpu.vector_load %arg16[%swap3A_685] {strides = array<i32>} : memref<784xi32, #tpu.memory_space<vmem>>, vector<16xi32>,
      tpu.vector_store %arg16[%swap3A_685], %select_n3A_577 {strides = array<i32>} : memref<784xi32, #tpu.memory_space<vmem>>, vector<16xi32>,
      %swap3A_687 = arith.constant 16 : index
      %swap3A_688 = tpu.vector_load %arg15[%swap3A_687] {strides = array<i32>} : memref<784xf32, #tpu.memory_space<vmem>>, vector<16xf32>,
      tpu.vector_store %arg15[%swap3A_687], %select_n3A_611 {strides = array<i32>} : memref<784xf32, #tpu.memory_space<vmem>>, vector<16xf32>,
      %swap3A_689 = arith.constant 16 : index
      %swap3A_690 = tpu.vector_load %arg16[%swap3A_689] {strides = array<i32>} : memref<784xi32, #tpu.memory_space<vmem>>, vector<16xi32>,
      tpu.vector_store %arg16[%swap3A_689], %select_n3A_612 {strides = array<i32>} : memref<784xi32, #tpu.memory_space<vmem>>, vector<16xi32>,
      %swap3A_691 = arith.constant 32 : index
      %swap3A_692 = tpu.vector_load %arg15[%swap3A_691] {strides = array<i32>} : memref<784xf32, #tpu.memory_space<vmem>>, vector<16xf32>,
      tpu.vector_store %arg15[%swap3A_691], %select_n3A_646 {strides = array<i32>} : memref<784xf32, #tpu.memory_space<vmem>>, vector<16xf32>,
      %swap3A_693 = arith.constant 32 : index
      %swap3A_694 = tpu.vector_load %arg16[%swap3A_693] {strides = array<i32>} : memref<784xi32, #tpu.memory_space<vmem>>, vector<16xi32>,
      tpu.vector_store %arg16[%swap3A_693], %select_n3A_647 {strides = array<i32>} : memref<784xi32, #tpu.memory_space<vmem>>, vector<16xi32>,
      %swap3A_695 = arith.constant 48 : index
      %swap3A_696 = tpu.vector_load %arg15[%swap3A_695] {strides = array<i32>} : memref<784xf32, #tpu.memory_space<vmem>>, vector<16xf32>,
      tpu.vector_store %arg15[%swap3A_695], %select_n3A_681 {strides = array<i32>} : memref<784xf32, #tpu.memory_space<vmem>>, vector<16xf32>,
      %swap3A_697 = arith.constant 48 : index
      %swap3A_698 = tpu.vector_load %arg16[%swap3A_697] {strides = array<i32>} : memref<784xi32, #tpu.memory_space<vmem>>, vector<16xi32>,
      tpu.vector_store %arg16[%swap3A_697], %select_n3A_682 {strides = array<i32>} : memref<784xi32, #tpu.memory_space<vmem>>, vector<16xi32>,
      %add3A_699 = arith.constant 0 : i32
      %add3A_700 = vector.broadcast %add3A_699 : i32 to vector<16xi32>
      %add3A_701 = arith.addi %iota3A, %add3A_700 : vector<16xi32>
      %get3A_702 = arith.constant 0 : index
      %get3A_703 = tpu.vector_load %arg15[%get3A_702] {strides = array<i32>} : memref<784xf32, #tpu.memory_space<vmem>>, vector<16xf32>,
      %get3A_704 = arith.constant 0 : index
      %get3A_705 = tpu.vector_load %arg16[%get3A_704] {strides = array<i32>} : memref<784xi32, #tpu.memory_space<vmem>>, vector<16xi32>,
      %xor3A_706 = arith.constant 2 : i32
      %xor3A_707 = vector.broadcast %xor3A_706 : i32 to vector<16xi32>
      %xor3A_708 = arith.xori %add3A_701, %xor3A_707 : vector<16xi32>
      %gather3A_709 = tpu.vector_load_idx %arg15[%xor3A_708] : memref<784xf32, #tpu.memory_space<vmem>>[vector<16xi32>], vector<16xf32>,
      %gather3A_710 = tpu.vector_load_idx %arg16[%xor3A_708] : memref<784xi32, #tpu.memory_space<vmem>>[vector<16xi32>], vector<16xi32>,
      %lt3A_711 = arith.cmpf olt, %gather3A_709, %get3A_703 : vector<16xf32>
      %eq3A_712 = arith.cmpf oeq, %gather3A_709, %get3A_703 : vector<16xf32>
      %lt3A_713 = arith.cmpi slt, %gather3A_710, %get3A_705 : vector<16xi32>
      %and3A_714 = arith.andi %eq3A_712, %lt3A_713 : vector<16xi1>
      %or3A_715 = arith.ori %lt3A_711, %and3A_714 : vector<16xi1>
      %and3A_716 = arith.constant 8 : i32
      %and3A_717 = vector.broadcast %and3A_716 : i32 to vector<16xi32>
      %and3A_718 = arith.andi %add3A_701, %and3A_717 : vector<16xi32>
      %ne3A_719 = arith.constant 0 : i32
      %ne3A_720 = vector.broadcast %ne3A_719 : i32 to vector<16xi32>
      %ne3A_721 = arith.cmpi ne, %and3A_718, %ne3A_720 : vector<16xi32>
      %and3A_722 = arith.constant 2 : i32
      %and3A_723 = vector.broadcast %and3A_722 : i32 to vector<16xi32>
      %and3A_724 = arith.andi %add3A_701, %and3A_723 : vector<16xi32>
      %eq3A_725 = arith.constant 0 : i32
      %eq3A_726 = vector.broadcast %eq3A_725 : i32 to vector<16xi32>
      %eq3A_727 = arith.cmpi eq, %and3A_724, %eq3A_726 : vector<16xi32>
      %ne3A_728 = arith.xori %eq3A_727, %ne3A_721 : vector<16xi1>
      %eq3A_729 = arith.xori %ne3A_728, %or3A_715 : vector<16xi1>
      %eq3A_730 = arith.constant dense<true> : vector<16xi1>
      %eq3A_731 = arith.xori %eq3A_729, %eq3A_730 : vector<16xi1>
      %select_n3A_732 = arith.select %eq3A_731, %gather3A_709, %get3A_703 : vector<16xi1>, vector<16xf32>
      %select_n3A_733 = arith.select %eq3A_731, %gather3A_710, %get3A_705 : vector<16xi1>, vector<16xi32>
      %add3A_734 = arith.constant 16 : i32
      %add3A_735 = vector.broadcast %add3A_734 : i32 to vector<16xi32>
      %add3A_736 = arith.addi %iota3A, %add3A_735 : vector<16xi32>
      %get3A_737 = arith.constant 16 : index
      %get3A_738 = tpu.vector_load %arg15[%get3A_737] {strides = array<i32>} : memref<784xf32, #tpu.memory_space<vmem>>, vector<16xf32>,
      %get3A_739 = arith.constant 16 : index
      %get3A_740 = tpu.vector_load %arg16[%get3A_739] {strides = array<i32>} : memref<784xi32, #tpu.memory_space<vmem>>, vector<16xi32>,
      %xor3A_741 = arith.constant 2 : i32
      %xor3A_742 = vector.broadcast %xor3A_741 : i32 to vector<16xi32>
      %xor3A_743 = arith.xori %add3A_736, %xor3A_742 : vector<16xi32>
      %gather3A_744 = tpu.vector_load_idx %arg15[%xor3A_743] : memref<784xf32, #tpu.memory_space<vmem>>[vector<16xi32>], vector<16xf32>,
      %gather3A_745 = tpu.vector_load_idx %arg16[%xor3A_743] : memref<784xi32, #tpu.memory_space<vmem>>[vector<16xi32>], vector<16xi32>,
      %lt3A_746 = arith.cmpf olt, %gather3A_744, %get3A_738 : vector<16xf32>
      %eq3A_747 = arith.cmpf oeq, %gather3A_744, %get3A_738 : vector<16xf32>
      %lt3A_748 = arith.cmpi slt, %gather3A_745, %get3A_740 : vector<16xi32>
      %and3A_749 = arith.andi %eq3A_747, %lt3A_748 : vector<16xi1>
      %or3A_750 = arith.ori %lt3A_746, %and3A_749 : vector<16xi1>
      %and3A_751 = arith.constant 8 : i32
      %and3A_752 = vector.broadcast %and3A_751 : i32 to vector<16xi32>
      %and3A_753 = arith.andi %add3A_736, %and3A_752 : vector<16xi32>
      %ne3A_754 = arith.constant 0 : i32
      %ne3A_755 = vector.broadcast %ne3A_754 : i32 to vector<16xi32>
      %ne3A_756 = arith.cmpi ne, %and3A_753, %ne3A_755 : vector<16xi32>
      %and3A_757 = arith.constant 2 : i32
      %and3A_758 = vector.broadcast %and3A_757 : i32 to vector<16xi32>
      %and3A_759 = arith.andi %add3A_736, %and3A_758 : vector<16xi32>
      %eq3A_760 = arith.constant 0 : i32
      %eq3A_761 = vector.broadcast %eq3A_760 : i32 to vector<16xi32>
      %eq3A_762 = arith.cmpi eq, %and3A_759, %eq3A_761 : vector<16xi32>
      %ne3A_763 = arith.xori %eq3A_762, %ne3A_756 : vector<16xi1>
      %eq3A_764 = arith.xori %ne3A_763, %or3A_750 : vector<16xi1>
      %eq3A_765 = arith.constant dense<true> : vector<16xi1>
      %eq3A_766 = arith.xori %eq3A_764, %eq3A_765 : vector<16xi1>
      %select_n3A_767 = arith.select %eq3A_766, %gather3A_744, %get3A_738 : vector<16xi1>, vector<16xf32>
      %select_n3A_768 = arith.select %eq3A_766, %gather3A_745, %get3A_740 : vector<16xi1>, vector<16xi32>
      %add3A_769 = arith.constant 32 : i32
      %add3A_770 = vector.broadcast %add3A_769 : i32 to vector<16xi32>
      %add3A_771 = arith.addi %iota3A, %add3A_770 : vector<16xi32>
      %get3A_772 = arith.constant 32 : index
      %get3A_773 = tpu.vector_load %arg15[%get3A_772] {strides = array<i32>} : memref<784xf32, #tpu.memory_space<vmem>>, vector<16xf32>,
      %get3A_774 = arith.constant 32 : index
      %get3A_775 = tpu.vector_load %arg16[%get3A_774] {strides = array<i32>} : memref<784xi32, #tpu.memory_space<vmem>>, vector<16xi32>,
      %xor3A_776 = arith.constant 2 : i32
      %xor3A_777 = vector.broadcast %xor3A_776 : i32 to vector<16xi32>
      %xor3A_778 = arith.xori %add3A_771, %xor3A_777 : vector<16xi32>
      %gather3A_779 = tpu.vector_load_idx %arg15[%xor3A_778] : memref<784xf32, #tpu.memory_space<vmem>>[vector<16xi32>], vector<16xf32>,
      %gather3A_780 = tpu.vector_load_idx %arg16[%xor3A_778] : memref<784xi32, #tpu.memory_space<vmem>>[vector<16xi32>], vector<16xi32>,
      %lt3A_781 = arith.cmpf olt, %gather3A_779, %get3A_773 : vector<16xf32>
      %eq3A_782 = arith.cmpf oeq, %gather3A_779, %get3A_773 : vector<16xf32>
      %lt3A_783 = arith.cmpi slt, %gather3A_780, %get3A_775 : vector<16xi32>
      %and3A_784 = arith.andi %eq3A_782, %lt3A_783 : vector<16xi1>
      %or3A_785 = arith.ori %lt3A_781, %and3A_784 : vector<16xi1>
      %and3A_786 = arith.constant 8 : i32
      %and3A_787 = vector.broadcast %and3A_786 : i32 to vector<16xi32>
      %and3A_788 = arith.andi %add3A_771, %and3A_787 : vector<16xi32>
      %ne3A_789 = arith.constant 0 : i32
      %ne3A_790 = vector.broadcast %ne3A_789 : i32 to vector<16xi32>
      %ne3A_791 = arith.cmpi ne, %and3A_788, %ne3A_790 : vector<16xi32>
      %and3A_792 = arith.constant 2 : i32
      %and3A_793 = vector.broadcast %and3A_792 : i32 to vector<16xi32>
      %and3A_794 = arith.andi %add3A_771, %and3A_793 : vector<16xi32>
      %eq3A_795 = arith.constant 0 : i32
      %eq3A_796 = vector.broadcast %eq3A_795 : i32 to vector<16xi32>
      %eq3A_797 = arith.cmpi eq, %and3A_794, %eq3A_796 : vector<16xi32>
      %ne3A_798 = arith.xori %eq3A_797, %ne3A_791 : vector<16xi1>
      %eq3A_799 = arith.xori %ne3A_798, %or3A_785 : vector<16xi1>
      %eq3A_800 = arith.constant dense<true> : vector<16xi1>
      %eq3A_801 = arith.xori %eq3A_799, %eq3A_800 : vector<16xi1>
      %select_n3A_802 = arith.select %eq3A_801, %gather3A_779, %get3A_773 : vector<16xi1>, vector<16xf32>
      %select_n3A_803 = arith.select %eq3A_801, %gather3A_780, %get3A_775 : vector<16xi1>, vector<16xi32>
      %add3A_804 = arith.constant 48 : i32
      %add3A_805 = vector.broadcast %add3A_804 : i32 to vector<16xi32>
      %add3A_806 = arith.addi %iota3A, %add3A_805 : vector<16xi32>
      %get3A_807 = arith.constant 48 : index
      %get3A_808 = tpu.vector_load %arg15[%get3A_807] {strides = array<i32>} : memref<784xf32, #tpu.memory_space<vmem>>, vector<16xf32>,
      %get3A_809 = arith.constant 48 : index
      %get3A_810 = tpu.vector_load %arg16[%get3A_809] {strides = array<i32>} : memref<784xi32, #tpu.memory_space<vmem>>, vector<16xi32>,
      %xor3A_811 = arith.constant 2 : i32
      %xor3A_812 = vector.broadcast %xor3A_811 : i32 to vector<16xi32>
      %xor3A_813 = arith.xori %add3A_806, %xor3A_812 : vector<16xi32>
      %gather3A_814 = tpu.vector_load_idx %arg15[%xor3A_813] : memref<784xf32, #tpu.memory_space<vmem>>[vector<16xi32>], vector<16xf32>,
      %gather3A_815 = tpu.vector_load_idx %arg16[%xor3A_813] : memref<784xi32, #tpu.memory_space<vmem>>[vector<16xi32>], vector<16xi32>,
      %lt3A_816 = arith.cmpf olt, %gather3A_814, %get3A_808 : vector<16xf32>
      %eq3A_817 = arith.cmpf oeq, %gather3A_814, %get3A_808 : vector<16xf32>
      %lt3A_818 = arith.cmpi slt, %gather3A_815, %get3A_810 : vector<16xi32>
      %and3A_819 = arith.andi %eq3A_817, %lt3A_818 : vector<16xi1>
      %or3A_820 = arith.ori %lt3A_816, %and3A_819 : vector<16xi1>
      %and3A_821 = arith.constant 8 : i32
      %and3A_822 = vector.broadcast %and3A_821 : i32 to vector<16xi32>
      %and3A_823 = arith.andi %add3A_806, %and3A_822 : vector<16xi32>
      %ne3A_824 = arith.constant 0 : i32
      %ne3A_825 = vector.broadcast %ne3A_824 : i32 to vector<16xi32>
      %ne3A_826 = arith.cmpi ne, %and3A_823, %ne3A_825 : vector<16xi32>
      %and3A_827 = arith.constant 2 : i32
      %and3A_828 = vector.broadcast %and3A_827 : i32 to vector<16xi32>
      %and3A_829 = arith.andi %add3A_806, %and3A_828 : vector<16xi32>
      %eq3A_830 = arith.constant 0 : i32
      %eq3A_831 = vector.broadcast %eq3A_830 : i32 to vector<16xi32>
      %eq3A_832 = arith.cmpi eq, %and3A_829, %eq3A_831 : vector<16xi32>
      %ne3A_833 = arith.xori %eq3A_832, %ne3A_826 : vector<16xi1>
      %eq3A_834 = arith.xori %ne3A_833, %or3A_820 : vector<16xi1>
      %eq3A_835 = arith.constant dense<true> : vector<16xi1>
      %eq3A_836 = arith.xori %eq3A_834, %eq3A_835 : vector<16xi1>
      %select_n3A_837 = arith.select %eq3A_836, %gather3A_814, %get3A_808 : vector<16xi1>, vector<16xf32>
      %select_n3A_838 = arith.select %eq3A_836, %gather3A_815, %get3A_810 : vector<16xi1>, vector<16xi32>
      %swap3A_839 = arith.constant 0 : index
      %swap3A_840 = tpu.vector_load %arg15[%swap3A_839] {strides = array<i32>} : memref<784xf32, #tpu.memory_space<vmem>>, vector<16xf32>,
      tpu.vector_store %arg15[%swap3A_839], %select_n3A_732 {strides = array<i32>} : memref<784xf32, #tpu.memory_space<vmem>>, vector<16xf32>,
      %swap3A_841 = arith.constant 0 : index
      %swap3A_842 = tpu.vector_load %arg16[%swap3A_841] {strides = array<i32>} : memref<784xi32, #tpu.memory_space<vmem>>, vector<16xi32>,
      tpu.vector_store %arg16[%swap3A_841], %select_n3A_733 {strides = array<i32>} : memref<784xi32, #tpu.memory_space<vmem>>, vector<16xi32>,
      %swap3A_843 = arith.constant 16 : index
      %swap3A_844 = tpu.vector_load %arg15[%swap3A_843] {strides = array<i32>} : memref<784xf32, #tpu.memory_space<vmem>>, vector<16xf32>,
      tpu.vector_store %arg15[%swap3A_843], %select_n3A_767 {strides = array<i32>} : memref<784xf32, #tpu.memory_space<vmem>>, vector<16xf32>,
      %swap3A_845 = arith.constant 16 : index
      %swap3A_846 = tpu.vector_load %arg16[%swap3A_845] {strides = array<i32>} : memref<784xi32, #tpu.memory_space<vmem>>, vector<16xi32>,
      tpu.vector_store %arg16[%swap3A_845], %select_n3A_768 {strides = array<i32>} : memref<784xi32, #tpu.memory_space<vmem>>, vector<16xi32>,
      %swap3A_847 = arith.constant 32 : index
      %swap3A_848 = tpu.vector_load %arg15[%swap3A_847] {strides = array<i32>} : memref<784xf32, #tpu.memory_space<vmem>>, vector<16xf32>,
      tpu.vector_store %arg15[%swap3A_847], %select_n3A_802 {strides = array<i32>} : memref<784xf32, #tpu.memory_space<vmem>>, vector<16xf32>,
      %swap3A_849 = arith.constant 32 : index
      %swap3A_850 = tpu.vector_load %arg16[%swap3A_849] {strides = array<i32>} : memref<784xi32, #tpu.memory_space<vmem>>, vector<16xi32>,
      tpu.vector_store %arg16[%swap3A_849], %select_n3A_803 {strides = array<i32>} : memref<784xi32, #tpu.memory_space<vmem>>, vector<16xi32>,
      %swap3A_851 = arith.constant 48 : index
      %swap3A_852 = tpu.vector_load %arg15[%swap3A_851] {strides = array<i32>} : memref<784xf32, #tpu.memory_space<vmem>>, vector<16xf32>,
      tpu.vector_store %arg15[%swap3A_851], %select_n3A_837 {strides = array<i32>} : memref<784xf32, #tpu.memory_space<vmem>>, vector<16xf32>,
      %swap3A_853 = arith.constant 48 : index
      %swap3A_854 = tpu.vector_load %arg16[%swap3A_853] {strides = array<i32>} : memref<784xi32, #tpu.memory_space<vmem>>, vector<16xi32>,
      tpu.vector_store %arg16[%swap3A_853], %select_n3A_838 {strides = array<i32>} : memref<784xi32, #tpu.memory_space<vmem>>, vector<16xi32>,
      %add3A_855 = arith.constant 0 : i32
      %add3A_856 = vector.broadcast %add3A_855 : i32 to vector<16xi32>
      %add3A_857 = arith.addi %iota3A, %add3A_856 : vector<16xi32>
      %get3A_858 = arith.constant 0 : index
      %get3A_859 = tpu.vector_load %arg15[%get3A_858] {strides = array<i32>} : memref<784xf32, #tpu.memory_space<vmem>>, vector<16xf32>,
      %get3A_860 = arith.constant 0 : index
      %get3A_861 = tpu.vector_load %arg16[%get3A_860] {strides = array<i32>} : memref<784xi32, #tpu.memory_space<vmem>>, vector<16xi32>,
      %xor3A_862 = arith.constant 1 : i32
      %xor3A_863 = vector.broadcast %xor3A_862 : i32 to vector<16xi32>
      %xor3A_864 = arith.xori %add3A_857, %xor3A_863 : vector<16xi32>
      %gather3A_865 = tpu.vector_load_idx %arg15[%xor3A_864] : memref<784xf32, #tpu.memory_space<vmem>>[vector<16xi32>], vector<16xf32>,
      %gather3A_866 = tpu.vector_load_idx %arg16[%xor3A_864] : memref<784xi32, #tpu.memory_space<vmem>>[vector<16xi32>], vector<16xi32>,
      %lt3A_867 = arith.cmpf olt, %gather3A_865, %get3A_859 : vector<16xf32>
      %eq3A_868 = arith.cmpf oeq, %gather3A_865, %get3A_859 : vector<16xf32>
      %lt3A_869 = arith.cmpi slt, %gather3A_866, %get3A_861 : vector<16xi32>
      %and3A_870 = arith.andi %eq3A_868, %lt3A_869 : vector<16xi1>
      %or3A_871 = arith.ori %lt3A_867, %and3A_870 : vector<16xi1>
      %and3A_872 = arith.constant 8 : i32
      %and3A_873 = vector.broadcast %and3A_872 : i32 to vector<16xi32>
      %and3A_874 = arith.andi %add3A_857, %and3A_873 : vector<16xi32>
      %ne3A_875 = arith.constant 0 : i32
      %ne3A_876 = vector.broadcast %ne3A_875 : i32 to vector<16xi32>
      %ne3A_877 = arith.cmpi ne, %and3A_874, %ne3A_876 : vector<16xi32>
      %and3A_878 = arith.constant 1 : i32
      %and3A_879 = vector.broadcast %and3A_878 : i32 to vector<16xi32>
      %and3A_880 = arith.andi %add3A_857, %and3A_879 : vector<16xi32>
      %eq3A_881 = arith.constant 0 : i32
      %eq3A_882 = vector.broadcast %eq3A_881 : i32 to vector<16xi32>
      %eq3A_883 = arith.cmpi eq, %and3A_880, %eq3A_882 : vector<16xi32>
      %ne3A_884 = arith.xori %eq3A_883, %ne3A_877 : vector<16xi1>
      %eq3A_885 = arith.xori %ne3A_884, %or3A_871 : vector<16xi1>
      %eq3A_886 = arith.constant dense<true> : vector<16xi1>
      %eq3A_887 = arith.xori %eq3A_885, %eq3A_886 : vector<16xi1>
      %select_n3A_888 = arith.select %eq3A_887, %gather3A_865, %get3A_859 : vector<16xi1>, vector<16xf32>
      %select_n3A_889 = arith.select %eq3A_887, %gather3A_866, %get3A_861 : vector<16xi1>, vector<16xi32>
      %add3A_890 = arith.constant 16 : i32
      %add3A_891 = vector.broadcast %add3A_890 : i32 to vector<16xi32>
      %add3A_892 = arith.addi %iota3A, %add3A_891 : vector<16xi32>
      %get3A_893 = arith.constant 16 : index
      %get3A_894 = tpu.vector_load %arg15[%get3A_893] {strides = array<i32>} : memref<784xf32, #tpu.memory_space<vmem>>, vector<16xf32>,
      %get3A_895 = arith.constant 16 : index
      %get3A_896 = tpu.vector_load %arg16[%get3A_895] {strides = array<i32>} : memref<784xi32, #tpu.memory_space<vmem>>, vector<16xi32>,
      %xor3A_897 = arith.constant 1 : i32
      %xor3A_898 = vector.broadcast %xor3A_897 : i32 to vector<16xi32>
      %xor3A_899 = arith.xori %add3A_892, %xor3A_898 : vector<16xi32>
      %gather3A_900 = tpu.vector_load_idx %arg15[%xor3A_899] : memref<784xf32, #tpu.memory_space<vmem>>[vector<16xi32>], vector<16xf32>,
      %gather3A_901 = tpu.vector_load_idx %arg16[%xor3A_899] : memref<784xi32, #tpu.memory_space<vmem>>[vector<16xi32>], vector<16xi32>,
      %lt3A_902 = arith.cmpf olt, %gather3A_900, %get3A_894 : vector<16xf32>
      %eq3A_903 = arith.cmpf oeq, %gather3A_900, %get3A_894 : vector<16xf32>
      %lt3A_904 = arith.cmpi slt, %gather3A_901, %get3A_896 : vector<16xi32>
      %and3A_905 = arith.andi %eq3A_903, %lt3A_904 : vector<16xi1>
      %or3A_906 = arith.ori %lt3A_902, %and3A_905 : vector<16xi1>
      %and3A_907 = arith.constant 8 : i32
      %and3A_908 = vector.broadcast %and3A_907 : i32 to vector<16xi32>
      %and3A_909 = arith.andi %add3A_892, %and3A_908 : vector<16xi32>
      %ne3A_910 = arith.constant 0 : i32
      %ne3A_911 = vector.broadcast %ne3A_910 : i32 to vector<16xi32>
      %ne3A_912 = arith.cmpi ne, %and3A_909, %ne3A_911 : vector<16xi32>
      %and3A_913 = arith.constant 1 : i32
      %and3A_914 = vector.broadcast %and3A_913 : i32 to vector<16xi32>
      %and3A_915 = arith.andi %add3A_892, %and3A_914 : vector<16xi32>
      %eq3A_916 = arith.constant 0 : i32
      %eq3A_917 = vector.broadcast %eq3A_916 : i32 to vector<16xi32>
      %eq3A_918 = arith.cmpi eq, %and3A_915, %eq3A_917 : vector<16xi32>
      %ne3A_919 = arith.xori %eq3A_918, %ne3A_912 : vector<16xi1>
      %eq3A_920 = arith.xori %ne3A_919, %or3A_906 : vector<16xi1>
      %eq3A_921 = arith.constant dense<true> : vector<16xi1>
      %eq3A_922 = arith.xori %eq3A_920, %eq3A_921 : vector<16xi1>
      %select_n3A_923 = arith.select %eq3A_922, %gather3A_900, %get3A_894 : vector<16xi1>, vector<16xf32>
      %select_n3A_924 = arith.select %eq3A_922, %gather3A_901, %get3A_896 : vector<16xi1>, vector<16xi32>
      %add3A_925 = arith.constant 32 : i32
      %add3A_926 = vector.broadcast %add3A_925 : i32 to vector<16xi32>
      %add3A_927 = arith.addi %iota3A, %add3A_926 : vector<16xi32>
      %get3A_928 = arith.constant 32 : index
      %get3A_929 = tpu.vector_load %arg15[%get3A_928] {strides = array<i32>} : memref<784xf32, #tpu.memory_space<vmem>>, vector<16xf32>,
      %get3A_930 = arith.constant 32 : index
      %get3A_931 = tpu.vector_load %arg16[%get3A_930] {strides = array<i32>} : memref<784xi32, #tpu.memory_space<vmem>>, vector<16xi32>,
      %xor3A_932 = arith.constant 1 : i32
      %xor3A_933 = vector.broadcast %xor3A_932 : i32 to vector<16xi32>
      %xor3A_934 = arith.xori %add3A_927, %xor3A_933 : vector<16xi32>
      %gather3A_935 = tpu.vector_load_idx %arg15[%xor3A_934] : memref<784xf32, #tpu.memory_space<vmem>>[vector<16xi32>], vector<16xf32>,
      %gather3A_936 = tpu.vector_load_idx %arg16[%xor3A_934] : memref<784xi32, #tpu.memory_space<vmem>>[vector<16xi32>], vector<16xi32>,
      %lt3A_937 = arith.cmpf olt, %gather3A_935, %get3A_929 : vector<16xf32>
      %eq3A_938 = arith.cmpf oeq, %gather3A_935, %get3A_929 : vector<16xf32>
      %lt3A_939 = arith.cmpi slt, %gather3A_936, %get3A_931 : vector<16xi32>
      %and3A_940 = arith.andi %eq3A_938, %lt3A_939 : vector<16xi1>
      %or3A_941 = arith.ori %lt3A_937, %and3A_940 : vector<16xi1>
      %and3A_942 = arith.constant 8 : i32
      %and3A_943 = vector.broadcast %and3A_942 : i32 to vector<16xi32>
      %and3A_944 = arith.andi %add3A_927, %and3A_943 : vector<16xi32>
      %ne3A_945 = arith.constant 0 : i32
      %ne3A_946 = vector.broadcast %ne3A_945 : i32 to vector<16xi32>
      %ne3A_947 = arith.cmpi ne, %and3A_944, %ne3A_946 : vector<16xi32>
      %and3A_948 = arith.constant 1 : i32
      %and3A_949 = vector.broadcast %and3A_948 : i32 to vector<16xi32>
      %and3A_950 = arith.andi %add3A_927, %and3A_949 : vector<16xi32>
      %eq3A_951 = arith.constant 0 : i32
      %eq3A_952 = vector.broadcast %eq3A_951 : i32 to vector<16xi32>
      %eq3A_953 = arith.cmpi eq, %and3A_950, %eq3A_952 : vector<16xi32>
      %ne3A_954 = arith.xori %eq3A_953, %ne3A_947 : vector<16xi1>
      %eq3A_955 = arith.xori %ne3A_954, %or3A_941 : vector<16xi1>
      %eq3A_956 = arith.constant dense<true> : vector<16xi1>
      %eq3A_957 = arith.xori %eq3A_955, %eq3A_956 : vector<16xi1>
      %select_n3A_958 = arith.select %eq3A_957, %gather3A_935, %get3A_929 : vector<16xi1>, vector<16xf32>
      %select_n3A_959 = arith.select %eq3A_957, %gather3A_936, %get3A_931 : vector<16xi1>, vector<16xi32>
      %add3A_960 = arith.constant 48 : i32
      %add3A_961 = vector.broadcast %add3A_960 : i32 to vector<16xi32>
      %add3A_962 = arith.addi %iota3A, %add3A_961 : vector<16xi32>
      %get3A_963 = arith.constant 48 : index
      %get3A_964 = tpu.vector_load %arg15[%get3A_963] {strides = array<i32>} : memref<784xf32, #tpu.memory_space<vmem>>, vector<16xf32>,
      %get3A_965 = arith.constant 48 : index
      %get3A_966 = tpu.vector_load %arg16[%get3A_965] {strides = array<i32>} : memref<784xi32, #tpu.memory_space<vmem>>, vector<16xi32>,
      %xor3A_967 = arith.constant 1 : i32
      %xor3A_968 = vector.broadcast %xor3A_967 : i32 to vector<16xi32>
      %xor3A_969 = arith.xori %add3A_962, %xor3A_968 : vector<16xi32>
      %gather3A_970 = tpu.vector_load_idx %arg15[%xor3A_969] : memref<784xf32, #tpu.memory_space<vmem>>[vector<16xi32>], vector<16xf32>,
      %gather3A_971 = tpu.vector_load_idx %arg16[%xor3A_969] : memref<784xi32, #tpu.memory_space<vmem>>[vector<16xi32>], vector<16xi32>,
      %lt3A_972 = arith.cmpf olt, %gather3A_970, %get3A_964 : vector<16xf32>
      %eq3A_973 = arith.cmpf oeq, %gather3A_970, %get3A_964 : vector<16xf32>
      %lt3A_974 = arith.cmpi slt, %gather3A_971, %get3A_966 : vector<16xi32>
      %and3A_975 = arith.andi %eq3A_973, %lt3A_974 : vector<16xi1>
      %or3A_976 = arith.ori %lt3A_972, %and3A_975 : vector<16xi1>
      %and3A_977 = arith.constant 8 : i32
      %and3A_978 = vector.broadcast %and3A_977 : i32 to vector<16xi32>
      %and3A_979 = arith.andi %add3A_962, %and3A_978 : vector<16xi32>
      %ne3A_980 = arith.constant 0 : i32
      %ne3A_981 = vector.broadcast %ne3A_980 : i32 to vector<16xi32>
      %ne3A_982 = arith.cmpi ne, %and3A_979, %ne3A_981 : vector<16xi32>
      %and3A_983 = arith.constant 1 : i32
      %and3A_984 = vector.broadcast %and3A_983 : i32 to vector<16xi32>
      %and3A_985 = arith.andi %add3A_962, %and3A_984 : vector<16xi32>
      %eq3A_986 = arith.constant 0 : i32
      %eq3A_987 = vector.broadcast %eq3A_986 : i32 to vector<16xi32>
      %eq3A_988 = arith.cmpi eq, %and3A_985, %eq3A_987 : vector<16xi32>
      %ne3A_989 = arith.xori %eq3A_988, %ne3A_982 : vector<16xi1>
      %eq3A_990 = arith.xori %ne3A_989, %or3A_976 : vector<16xi1>
      %eq3A_991 = arith.constant dense<true> : vector<16xi1>
      %eq3A_992 = arith.xori %eq3A_990, %eq3A_991 : vector<16xi1>
      %select_n3A_993 = arith.select %eq3A_992, %gather3A_970, %get3A_964 : vector<16xi1>, vector<16xf32>
      %select_n3A_994 = arith.select %eq3A_992, %gather3A_971, %get3A_966 : vector<16xi1>, vector<16xi32>
      %swap3A_995 = arith.constant 0 : index
      %swap3A_996 = tpu.vector_load %arg15[%swap3A_995] {strides = array<i32>} : memref<784xf32, #tpu.memory_space<vmem>>, vector<16xf32>,
      tpu.vector_store %arg15[%swap3A_995], %select_n3A_888 {strides = array<i32>} : memref<784xf32, #tpu.memory_space<vmem>>, vector<16xf32>,
      %swap3A_997 = arith.constant 0 : index
      %swap3A_998 = tpu.vector_load %arg16[%swap3A_997] {strides = array<i32>} : memref<784xi32, #tpu.memory_space<vmem>>, vector<16xi32>,
      tpu.vector_store %arg16[%swap3A_997], %select_n3A_889 {strides = array<i32>} : memref<784xi32, #tpu.memory_space<vmem>>, vector<16xi32>,
      %swap3A_999 = arith.constant 16 : index
      %swap3A_1000 = tpu.vector_load %arg15[%swap3A_999] {strides = array<i32>} : memref<784xf32, #tpu.memory_space<vmem>>, vector<16xf32>,
      tpu.vector_store %arg15[%swap3A_999], %select_n3A_923 {strides = array<i32>} : memref<784xf32, #tpu.memory_space<vmem>>, vector<16xf32>,
      %swap3A_1001 = arith.constant 16 : index
      %swap3A_1002 = tpu.vector_load %arg16[%swap3A_1001] {strides = array<i32>} : memref<784xi32, #tpu.memory_space<vmem>>, vector<16xi32>,
      tpu.vector_store %arg16[%swap3A_1001], %select_n3A_924 {strides = array<i32>} : memref<784xi32, #tpu.memory_space<vmem>>, vector<16xi32>,
      %swap3A_1003 = arith.constant 32 : index
      %swap3A_1004 = tpu.vector_load %arg15[%swap3A_1003] {strides = array<i32>} : memref<784xf32, #tpu.memory_space<vmem>>, vector<16xf32>,
      tpu.vector_store %arg15[%swap3A_1003], %select_n3A_958 {strides = array<i32>} : memref<784xf32, #tpu.memory_space<vmem>>, vector<16xf32>,
      %swap3A_1005 = arith.constant 32 : index
      %swap3A_1006 = tpu.vector_load %arg16[%swap3A_1005] {strides = array<i32>} : memref<784xi32, #tpu.memory_space<vmem>>, vector<16xi32>,
      tpu.vector_store %arg16[%swap3A_1005], %select_n3A_959 {strides = array<i32>} : memref<784xi32, #tpu.memory_space<vmem>>, vector<16xi32>,
      %swap3A_1007 = arith.constant 48 : index
      %swap3A_1008 = tpu.vector_load %arg15[%swap3A_1007] {strides = array<i32>} : memref<784xf32, #tpu.memory_space<vmem>>, vector<16xf32>,
      tpu.vector_store %arg15[%swap3A_1007], %select_n3A_993 {strides = array<i32>} : memref<784xf32, #tpu.memory_space<vmem>>, vector<16xf32>,
      %swap3A_1009 = arith.constant 48 : index
      %swap3A_1010 = tpu.vector_load %arg16[%swap3A_1009] {strides = array<i32>} : memref<784xi32, #tpu.memory_space<vmem>>, vector<16xi32>,
      tpu.vector_store %arg16[%swap3A_1009], %select_n3A_994 {strides = array<i32>} : memref<784xi32, #tpu.memory_space<vmem>>, vector<16xi32>,
      %add3A_1011 = arith.constant 0 : i32
      %add3A_1012 = vector.broadcast %add3A_1011 : i32 to vector<16xi32>
      %add3A_1013 = arith.addi %iota3A, %add3A_1012 : vector<16xi32>
      %get3A_1014 = arith.constant 0 : index
      %get3A_1015 = tpu.vector_load %arg15[%get3A_1014] {strides = array<i32>} : memref<784xf32, #tpu.memory_space<vmem>>, vector<16xf32>,
      %get3A_1016 = arith.constant 0 : index
      %get3A_1017 = tpu.vector_load %arg16[%get3A_1016] {strides = array<i32>} : memref<784xi32, #tpu.memory_space<vmem>>, vector<16xi32>,
      %xor3A_1018 = arith.constant 8 : i32
      %xor3A_1019 = vector.broadcast %xor3A_1018 : i32 to vector<16xi32>
      %xor3A_1020 = arith.xori %add3A_1013, %xor3A_1019 : vector<16xi32>
      %gather3A_1021 = tpu.vector_load_idx %arg15[%xor3A_1020] : memref<784xf32, #tpu.memory_space<vmem>>[vector<16xi32>], vector<16xf32>,
      %gather3A_1022 = tpu.vector_load_idx %arg16[%xor3A_1020] : memref<784xi32, #tpu.memory_space<vmem>>[vector<16xi32>], vector<16xi32>,
      %lt3A_1023 = arith.cmpf olt, %gather3A_1021, %get3A_1015 : vector<16xf32>
      %eq3A_1024 = arith.cmpf oeq, %gather3A_1021, %get3A_1015 : vector<16xf32>
      %lt3A_1025 = arith.cmpi slt, %gather3A_1022, %get3A_1017 : vector<16xi32>
      %and3A_1026 = arith.andi %eq3A_1024, %lt3A_1025 : vector<16xi1>
      %or3A_1027 = arith.ori %lt3A_1023, %and3A_1026 : vector<16xi1>
      %and3A_1028 = arith.constant 16 : i32
      %and3A_1029 = vector.broadcast %and3A_1028 : i32 to vector<16xi32>
      %and3A_1030 = arith.andi %add3A_1013, %and3A_1029 : vector<16xi32>
      %ne3A_1031 = arith.constant 0 : i32
      %ne3A_1032 = vector.broadcast %ne3A_1031 : i32 to vector<16xi32>
      %ne3A_1033 = arith.cmpi ne, %and3A_1030, %ne3A_1032 : vector<16xi32>
      %and3A_1034 = arith.constant 8 : i32
      %and3A_1035 = vector.broadcast %and3A_1034 : i32 to vector<16xi32>
      %and3A_1036 = arith.andi %add3A_1013, %and3A_1035 : vector<16xi32>
      %eq3A_1037 = arith.constant 0 : i32
      %eq3A_1038 = vector.broadcast %eq3A_1037 : i32 to vector<16xi32>
      %eq3A_1039 = arith.cmpi eq, %and3A_1036, %eq3A_1038 : vector<16xi32>
      %ne3A_1040 = arith.xori %eq3A_1039, %ne3A_1033 : vector<16xi1>
      %eq3A_1041 = arith.xori %ne3A_1040, %or3A_1027 : vector<16xi1>
      %eq3A_1042 = arith.constant dense<true> : vector<16xi1>
      %eq3A_1043 = arith.xori %eq3A_1041, %eq3A_1042 : vector<16xi1>
      %select_n3A_1044 = arith.select %eq3A_1043, %gather3A_1021, %get3A_1015 : vector<16xi1>, vector<16xf32>
      %select_n3A_1045 = arith.select %eq3A_1043, %gather3A_1022, %get3A_1017 : vector<16xi1>, vector<16xi32>
      %add3A_1046 = arith.constant 16 : i32
      %add3A_1047 = vector.broadcast %add3A_1046 : i32 to vector<16xi32>
      %add3A_1048 = arith.addi %iota3A, %add3A_1047 : vector<16xi32>
      %get3A_1049 = arith.constant 16 : index
      %get3A_1050 = tpu.vector_load %arg15[%get3A_1049] {strides = array<i32>} : memref<784xf32, #tpu.memory_space<vmem>>, vector<16xf32>,
      %get3A_1051 = arith.constant 16 : index
      %get3A_1052 = tpu.vector_load %arg16[%get3A_1051] {strides = array<i32>} : memref<784xi32, #tpu.memory_space<vmem>>, vector<16xi32>,
      %xor3A_1053 = arith.constant 8 : i32
      %xor3A_1054 = vector.broadcast %xor3A_1053 : i32 to vector<16xi32>
      %xor3A_1055 = arith.xori %add3A_1048, %xor3A_1054 : vector<16xi32>
      %gather3A_1056 = tpu.vector_load_idx %arg15[%xor3A_1055] : memref<784xf32, #tpu.memory_space<vmem>>[vector<16xi32>], vector<16xf32>,
      %gather3A_1057 = tpu.vector_load_idx %arg16[%xor3A_1055] : memref<784xi32, #tpu.memory_space<vmem>>[vector<16xi32>], vector<16xi32>,
      %lt3A_1058 = arith.cmpf olt, %gather3A_1056, %get3A_1050 : vector<16xf32>
      %eq3A_1059 = arith.cmpf oeq, %gather3A_1056, %get3A_1050 : vector<16xf32>
      %lt3A_1060 = arith.cmpi slt, %gather3A_1057, %get3A_1052 : vector<16xi32>
      %and3A_1061 = arith.andi %eq3A_1059, %lt3A_1060 : vector<16xi1>
      %or3A_1062 = arith.ori %lt3A_1058, %and3A_1061 : vector<16xi1>
      %and3A_1063 = arith.constant 16 : i32
      %and3A_1064 = vector.broadcast %and3A_1063 : i32 to vector<16xi32>
      %and3A_1065 = arith.andi %add3A_1048, %and3A_1064 : vector<16xi32>
      %ne3A_1066 = arith.constant 0 : i32
      %ne3A_1067 = vector.broadcast %ne3A_1066 : i32 to vector<16xi32>
      %ne3A_1068 = arith.cmpi ne, %and3A_1065, %ne3A_1067 : vector<16xi32>
      %and3A_1069 = arith.constant 8 : i32
      %and3A_1070 = vector.broadcast %and3A_1069 : i32 to vector<16xi32>
      %and3A_1071 = arith.andi %add3A_1048, %and3A_1070 : vector<16xi32>
      %eq3A_1072 = arith.constant 0 : i32
      %eq3A_1073 = vector.broadcast %eq3A_1072 : i32 to vector<16xi32>
      %eq3A_1074 = arith.cmpi eq, %and3A_1071, %eq3A_1073 : vector<16xi32>
      %ne3A_1075 = arith.xori %eq3A_1074, %ne3A_1068 : vector<16xi1>
      %eq3A_1076 = arith.xori %ne3A_1075, %or3A_1062 : vector<16xi1>
      %eq3A_1077 = arith.constant dense<true> : vector<16xi1>
      %eq3A_1078 = arith.xori %eq3A_1076, %eq3A_1077 : vector<16xi1>
      %select_n3A_1079 = arith.select %eq3A_1078, %gather3A_1056, %get3A_1050 : vector<16xi1>, vector<16xf32>
      %select_n3A_1080 = arith.select %eq3A_1078, %gather3A_1057, %get3A_1052 : vector<16xi1>, vector<16xi32>
      %add3A_1081 = arith.constant 32 : i32
      %add3A_1082 = vector.broadcast %add3A_1081 : i32 to vector<16xi32>
      %add3A_1083 = arith.addi %iota3A, %add3A_1082 : vector<16xi32>
      %get3A_1084 = arith.constant 32 : index
      %get3A_1085 = tpu.vector_load %arg15[%get3A_1084] {strides = array<i32>} : memref<784xf32, #tpu.memory_space<vmem>>, vector<16xf32>,
      %get3A_1086 = arith.constant 32 : index
      %get3A_1087 = tpu.vector_load %arg16[%get3A_1086] {strides = array<i32>} : memref<784xi32, #tpu.memory_space<vmem>>, vector<16xi32>,
      %xor3A_1088 = arith.constant 8 : i32
      %xor3A_1089 = vector.broadcast %xor3A_1088 : i32 to vector<16xi32>
      %xor3A_1090 = arith.xori %add3A_1083, %xor3A_1089 : vector<16xi32>
      %gather3A_1091 = tpu.vector_load_idx %arg15[%xor3A_1090] : memref<784xf32, #tpu.memory_space<vmem>>[vector<16xi32>], vector<16xf32>,
      %gather3A_1092 = tpu.vector_load_idx %arg16[%xor3A_1090] : memref<784xi32, #tpu.memory_space<vmem>>[vector<16xi32>], vector<16xi32>,
      %lt3A_1093 = arith.cmpf olt, %gather3A_1091, %get3A_1085 : vector<16xf32>
      %eq3A_1094 = arith.cmpf oeq, %gather3A_1091, %get3A_1085 : vector<16xf32>
      %lt3A_1095 = arith.cmpi slt, %gather3A_1092, %get3A_1087 : vector<16xi32>
      %and3A_1096 = arith.andi %eq3A_1094, %lt3A_1095 : vector<16xi1>
      %or3A_1097 = arith.ori %lt3A_1093, %and3A_1096 : vector<16xi1>
      %and3A_1098 = arith.constant 16 : i32
      %and3A_1099 = vector.broadcast %and3A_1098 : i32 to vector<16xi32>
      %and3A_1100 = arith.andi %add3A_1083, %and3A_1099 : vector<16xi32>
      %ne3A_1101 = arith.constant 0 : i32
      %ne3A_1102 = vector.broadcast %ne3A_1101 : i32 to vector<16xi32>
      %ne3A_1103 = arith.cmpi ne, %and3A_1100, %ne3A_1102 : vector<16xi32>
      %and3A_1104 = arith.constant 8 : i32
      %and3A_1105 = vector.broadcast %and3A_1104 : i32 to vector<16xi32>
      %and3A_1106 = arith.andi %add3A_1083, %and3A_1105 : vector<16xi32>
      %eq3A_1107 = arith.constant 0 : i32
      %eq3A_1108 = vector.broadcast %eq3A_1107 : i32 to vector<16xi32>
      %eq3A_1109 = arith.cmpi eq, %and3A_1106, %eq3A_1108 : vector<16xi32>
      %ne3A_1110 = arith.xori %eq3A_1109, %ne3A_1103 : vector<16xi1>
      %eq3A_1111 = arith.xori %ne3A_1110, %or3A_1097 : vector<16xi1>
      %eq3A_1112 = arith.constant dense<true> : vector<16xi1>
      %eq3A_1113 = arith.xori %eq3A_1111, %eq3A_1112 : vector<16xi1>
      %select_n3A_1114 = arith.select %eq3A_1113, %gather3A_1091, %get3A_1085 : vector<16xi1>, vector<16xf32>
      %select_n3A_1115 = arith.select %eq3A_1113, %gather3A_1092, %get3A_1087 : vector<16xi1>, vector<16xi32>
      %add3A_1116 = arith.constant 48 : i32
      %add3A_1117 = vector.broadcast %add3A_1116 : i32 to vector<16xi32>
      %add3A_1118 = arith.addi %iota3A, %add3A_1117 : vector<16xi32>
      %get3A_1119 = arith.constant 48 : index
      %get3A_1120 = tpu.vector_load %arg15[%get3A_1119] {strides = array<i32>} : memref<784xf32, #tpu.memory_space<vmem>>, vector<16xf32>,
      %get3A_1121 = arith.constant 48 : index
      %get3A_1122 = tpu.vector_load %arg16[%get3A_1121] {strides = array<i32>} : memref<784xi32, #tpu.memory_space<vmem>>, vector<16xi32>,
      %xor3A_1123 = arith.constant 8 : i32
      %xor3A_1124 = vector.broadcast %xor3A_1123 : i32 to vector<16xi32>
      %xor3A_1125 = arith.xori %add3A_1118, %xor3A_1124 : vector<16xi32>
      %gather3A_1126 = tpu.vector_load_idx %arg15[%xor3A_1125] : memref<784xf32, #tpu.memory_space<vmem>>[vector<16xi32>], vector<16xf32>,
      %gather3A_1127 = tpu.vector_load_idx %arg16[%xor3A_1125] : memref<784xi32, #tpu.memory_space<vmem>>[vector<16xi32>], vector<16xi32>,
      %lt3A_1128 = arith.cmpf olt, %gather3A_1126, %get3A_1120 : vector<16xf32>
      %eq3A_1129 = arith.cmpf oeq, %gather3A_1126, %get3A_1120 : vector<16xf32>
      %lt3A_1130 = arith.cmpi slt, %gather3A_1127, %get3A_1122 : vector<16xi32>
      %and3A_1131 = arith.andi %eq3A_1129, %lt3A_1130 : vector<16xi1>
      %or3A_1132 = arith.ori %lt3A_1128, %and3A_1131 : vector<16xi1>
      %and3A_1133 = arith.constant 16 : i32
      %and3A_1134 = vector.broadcast %and3A_1133 : i32 to vector<16xi32>
      %and3A_1135 = arith.andi %add3A_1118, %and3A_1134 : vector<16xi32>
      %ne3A_1136 = arith.constant 0 : i32
      %ne3A_1137 = vector.broadcast %ne3A_1136 : i32 to vector<16xi32>
      %ne3A_1138 = arith.cmpi ne, %and3A_1135, %ne3A_1137 : vector<16xi32>
      %and3A_1139 = arith.constant 8 : i32
      %and3A_1140 = vector.broadcast %and3A_1139 : i32 to vector<16xi32>
      %and3A_1141 = arith.andi %add3A_1118, %and3A_1140 : vector<16xi32>
      %eq3A_1142 = arith.constant 0 : i32
      %eq3A_1143 = vector.broadcast %eq3A_1142 : i32 to vector<16xi32>
      %eq3A_1144 = arith.cmpi eq, %and3A_1141, %eq3A_1143 : vector<16xi32>
      %ne3A_1145 = arith.xori %eq3A_1144, %ne3A_1138 : vector<16xi1>
      %eq3A_1146 = arith.xori %ne3A_1145, %or3A_1132 : vector<16xi1>
      %eq3A_1147 = arith.constant dense<true> : vector<16xi1>
      %eq3A_1148 = arith.xori %eq3A_1146, %eq3A_1147 : vector<16xi1>
      %select_n3A_1149 = arith.select %eq3A_1148, %gather3A_1126, %get3A_1120 : vector<16xi1>, vector<16xf32>
      %select_n3A_1150 = arith.select %eq3A_1148, %gather3A_1127, %get3A_1122 : vector<16xi1>, vector<16xi32>
      %swap3A_1151 = arith.constant 0 : index
      %swap3A_1152 = tpu.vector_load %arg15[%swap3A_1151] {strides = array<i32>} : memref<784xf32, #tpu.memory_space<vmem>>, vector<16xf32>,
      tpu.vector_store %arg15[%swap3A_1151], %select_n3A_1044 {strides = array<i32>} : memref<784xf32, #tpu.memory_space<vmem>>, vector<16xf32>,
      %swap3A_1153 = arith.constant 0 : index
      %swap3A_1154 = tpu.vector_load %arg16[%swap3A_1153] {strides = array<i32>} : memref<784xi32, #tpu.memory_space<vmem>>, vector<16xi32>,
      tpu.vector_store %arg16[%swap3A_1153], %select_n3A_1045 {strides = array<i32>} : memref<784xi32, #tpu.memory_space<vmem>>, vector<16xi32>,
      %swap3A_1155 = arith.constant 16 : index
      %swap3A_1156 = tpu.vector_load %arg15[%swap3A_1155] {strides = array<i32>} : memref<784xf32, #tpu.memory_space<vmem>>, vector<16xf32>,
      tpu.vector_store %arg15[%swap3A_1155], %select_n3A_1079 {strides = array<i32>} : memref<784xf32, #tpu.memory_space<vmem>>, vector<16xf32>,
      %swap3A_1157 = arith.constant 16 : index
      %swap3A_1158 = tpu.vector_load %arg16[%swap3A_1157] {strides = array<i32>} : memref<784xi32, #tpu.memory_space<vmem>>, vector<16xi32>,
      tpu.vector_store %arg16[%swap3A_1157], %select_n3A_1080 {strides = array<i32>} : memref<784xi32, #tpu.memory_space<vmem>>, vector<16xi32>,
      %swap3A_1159 = arith.constant 32 : index
      %swap3A_1160 = tpu.vector_load %arg15[%swap3A_1159] {strides = array<i32>} : memref<784xf32, #tpu.memory_space<vmem>>, vector<16xf32>,
      tpu.vector_store %arg15[%swap3A_1159], %select_n3A_1114 {strides = array<i32>} : memref<784xf32, #tpu.memory_space<vmem>>, vector<16xf32>,
      %swap3A_1161 = arith.constant 32 : index
      %swap3A_1162 = tpu.vector_load %arg16[%swap3A_1161] {strides = array<i32>} : memref<784xi32, #tpu.memory_space<vmem>>, vector<16xi32>,
      tpu.vector_store %arg16[%swap3A_1161], %select_n3A_1115 {strides = array<i32>} : memref<784xi32, #tpu.memory_space<vmem>>, vector<16xi32>,
      %swap3A_1163 = arith.constant 48 : index
      %swap3A_1164 = tpu.vector_load %arg15[%swap3A_1163] {strides = array<i32>} : memref<784xf32, #tpu.memory_space<vmem>>, vector<16xf32>,
      tpu.vector_store %arg15[%swap3A_1163], %select_n3A_1149 {strides = array<i32>} : memref<784xf32, #tpu.memory_space<vmem>>, vector<16xf32>,
      %swap3A_1165 = arith.constant 48 : index
      %swap3A_1166 = tpu.vector_load %arg16[%swap3A_1165] {strides = array<i32>} : memref<784xi32, #tpu.memory_space<vmem>>, vector<16xi32>,
      tpu.vector_store %arg16[%swap3A_1165], %select_n3A_1150 {strides = array<i32>} : memref<784xi32, #tpu.memory_space<vmem>>, vector<16xi32>,
      %add3A_1167 = arith.constant 0 : i32
      %add3A_1168 = vector.broadcast %add3A_1167 : i32 to vector<16xi32>
      %add3A_1169 = arith.addi %iota3A, %add3A_1168 : vector<16xi32>
      %get3A_1170 = arith.constant 0 : index
      %get3A_1171 = tpu.vector_load %arg15[%get3A_1170] {strides = array<i32>} : memref<784xf32, #tpu.memory_space<vmem>>, vector<16xf32>,
      %get3A_1172 = arith.constant 0 : index
      %get3A_1173 = tpu.vector_load %arg16[%get3A_1172] {strides = array<i32>} : memref<784xi32, #tpu.memory_space<vmem>>, vector<16xi32>,
      %xor3A_1174 = arith.constant 4 : i32
      %xor3A_1175 = vector.broadcast %xor3A_1174 : i32 to vector<16xi32>
      %xor3A_1176 = arith.xori %add3A_1169, %xor3A_1175 : vector<16xi32>
      %gather3A_1177 = tpu.vector_load_idx %arg15[%xor3A_1176] : memref<784xf32, #tpu.memory_space<vmem>>[vector<16xi32>], vector<16xf32>,
      %gather3A_1178 = tpu.vector_load_idx %arg16[%xor3A_1176] : memref<784xi32, #tpu.memory_space<vmem>>[vector<16xi32>], vector<16xi32>,
      %lt3A_1179 = arith.cmpf olt, %gather3A_1177, %get3A_1171 : vector<16xf32>
      %eq3A_1180 = arith.cmpf oeq, %gather3A_1177, %get3A_1171 : vector<16xf32>
      %lt3A_1181 = arith.cmpi slt, %gather3A_1178, %get3A_1173 : vector<16xi32>
      %and3A_1182 = arith.andi %eq3A_1180, %lt3A_1181 : vector<16xi1>
      %or3A_1183 = arith.ori %lt3A_1179, %and3A_1182 : vector<16xi1>
      %and3A_1184 = arith.constant 16 : i32
      %and3A_1185 = vector.broadcast %and3A_1184 : i32 to vector<16xi32>
      %and3A_1186 = arith.andi %add3A_1169, %and3A_1185 : vector<16xi32>
      %ne3A_1187 = arith.constant 0 : i32
      %ne3A_1188 = vector.broadcast %ne3A_1187 : i32 to vector<16xi32>
      %ne3A_1189 = arith.cmpi ne, %and3A_1186, %ne3A_1188 : vector<16xi32>
      %and3A_1190 = arith.constant 4 : i32
      %and3A_1191 = vector.broadcast %and3A_1190 : i32 to vector<16xi32>
      %and3A_1192 = arith.andi %add3A_1169, %and3A_1191 : vector<16xi32>
      %eq3A_1193 = arith.constant 0 : i32
      %eq3A_1194 = vector.broadcast %eq3A_1193 : i32 to vector<16xi32>
      %eq3A_1195 = arith.cmpi eq, %and3A_1192, %eq3A_1194 : vector<16xi32>
      %ne3A_1196 = arith.xori %eq3A_1195, %ne3A_1189 : vector<16xi1>
      %eq3A_1197 = arith.xori %ne3A_1196, %or3A_1183 : vector<16xi1>
      %eq3A_1198 = arith.constant dense<true> : vector<16xi1>
      %eq3A_1199 = arith.xori %eq3A_1197, %eq3A_1198 : vector<16xi1>
      %select_n3A_1200 = arith.select %eq3A_1199, %gather3A_1177, %get3A_1171 : vector<16xi1>, vector<16xf32>
      %select_n3A_1201 = arith.select %eq3A_1199, %gather3A_1178, %get3A_1173 : vector<16xi1>, vector<16xi32>
      %add3A_1202 = arith.constant 16 : i32
      %add3A_1203 = vector.broadcast %add3A_1202 : i32 to vector<16xi32>
      %add3A_1204 = arith.addi %iota3A, %add3A_1203 : vector<16xi32>
      %get3A_1205 = arith.constant 16 : index
      %get3A_1206 = tpu.vector_load %arg15[%get3A_1205] {strides = array<i32>} : memref<784xf32, #tpu.memory_space<vmem>>, vector<16xf32>,
      %get3A_1207 = arith.constant 16 : index
      %get3A_1208 = tpu.vector_load %arg16[%get3A_1207] {strides = array<i32>} : memref<784xi32, #tpu.memory_space<vmem>>, vector<16xi32>,
      %xor3A_1209 = arith.constant 4 : i32
      %xor3A_1210 = vector.broadcast %xor3A_1209 : i32 to vector<16xi32>
      %xor3A_1211 = arith.xori %add3A_1204, %xor3A_1210 : vector<16xi32>
      %gather3A_1212 = tpu.vector_load_idx %arg15[%xor3A_1211] : memref<784xf32, #tpu.memory_space<vmem>>[vector<16xi32>], vector<16xf32>,
      %gather3A_1213 = tpu.vector_load_idx %arg16[%xor3A_1211] : memref<784xi32, #tpu.memory_space<vmem>>[vector<16xi32>], vector<16xi32>,
      %lt3A_1214 = arith.cmpf olt, %gather3A_1212, %get3A_1206 : vector<16xf32>
      %eq3A_1215 = arith.cmpf oeq, %gather3A_1212, %get3A_1206 : vector<16xf32>
      %lt3A_1216 = arith.cmpi slt, %gather3A_1213, %get3A_1208 : vector<16xi32>
      %and3A_1217 = arith.andi %eq3A_1215, %lt3A_1216 : vector<16xi1>
      %or3A_1218 = arith.ori %lt3A_1214, %and3A_1217 : vector<16xi1>
      %and3A_1219 = arith.constant 16 : i32
      %and3A_1220 = vector.broadcast %and3A_1219 : i32 to vector<16xi32>
      %and3A_1221 = arith.andi %add3A_1204, %and3A_1220 : vector<16xi32>
      %ne3A_1222 = arith.constant 0 : i32
      %ne3A_1223 = vector.broadcast %ne3A_1222 : i32 to vector<16xi32>
      %ne3A_1224 = arith.cmpi ne, %and3A_1221, %ne3A_1223 : vector<16xi32>
      %and3A_1225 = arith.constant 4 : i32
      %and3A_1226 = vector.broadcast %and3A_1225 : i32 to vector<16xi32>
      %and3A_1227 = arith.andi %add3A_1204, %and3A_1226 : vector<16xi32>
      %eq3A_1228 = arith.constant 0 : i32
      %eq3A_1229 = vector.broadcast %eq3A_1228 : i32 to vector<16xi32>
      %eq3A_1230 = arith.cmpi eq, %and3A_1227, %eq3A_1229 : vector<16xi32>
      %ne3A_1231 = arith.xori %eq3A_1230, %ne3A_1224 : vector<16xi1>
      %eq3A_1232 = arith.xori %ne3A_1231, %or3A_1218 : vector<16xi1>
      %eq3A_1233 = arith.constant dense<true> : vector<16xi1>
      %eq3A_1234 = arith.xori %eq3A_1232, %eq3A_1233 : vector<16xi1>
      %select_n3A_1235 = arith.select %eq3A_1234, %gather3A_1212, %get3A_1206 : vector<16xi1>, vector<16xf32>
      %select_n3A_1236 = arith.select %eq3A_1234, %gather3A_1213, %get3A_1208 : vector<16xi1>, vector<16xi32>
      %add3A_1237 = arith.constant 32 : i32
      %add3A_1238 = vector.broadcast %add3A_1237 : i32 to vector<16xi32>
      %add3A_1239 = arith.addi %iota3A, %add3A_1238 : vector<16xi32>
      %get3A_1240 = arith.constant 32 : index
      %get3A_1241 = tpu.vector_load %arg15[%get3A_1240] {strides = array<i32>} : memref<784xf32, #tpu.memory_space<vmem>>, vector<16xf32>,
      %get3A_1242 = arith.constant 32 : index
      %get3A_1243 = tpu.vector_load %arg16[%get3A_1242] {strides = array<i32>} : memref<784xi32, #tpu.memory_space<vmem>>, vector<16xi32>,
      %xor3A_1244 = arith.constant 4 : i32
      %xor3A_1245 = vector.broadcast %xor3A_1244 : i32 to vector<16xi32>
      %xor3A_1246 = arith.xori %add3A_1239, %xor3A_1245 : vector<16xi32>
      %gather3A_1247 = tpu.vector_load_idx %arg15[%xor3A_1246] : memref<784xf32, #tpu.memory_space<vmem>>[vector<16xi32>], vector<16xf32>,
      %gather3A_1248 = tpu.vector_load_idx %arg16[%xor3A_1246] : memref<784xi32, #tpu.memory_space<vmem>>[vector<16xi32>], vector<16xi32>,
      %lt3A_1249 = arith.cmpf olt, %gather3A_1247, %get3A_1241 : vector<16xf32>
      %eq3A_1250 = arith.cmpf oeq, %gather3A_1247, %get3A_1241 : vector<16xf32>
      %lt3A_1251 = arith.cmpi slt, %gather3A_1248, %get3A_1243 : vector<16xi32>
      %and3A_1252 = arith.andi %eq3A_1250, %lt3A_1251 : vector<16xi1>
      %or3A_1253 = arith.ori %lt3A_1249, %and3A_1252 : vector<16xi1>
      %and3A_1254 = arith.constant 16 : i32
      %and3A_1255 = vector.broadcast %and3A_1254 : i32 to vector<16xi32>
      %and3A_1256 = arith.andi %add3A_1239, %and3A_1255 : vector<16xi32>
      %ne3A_1257 = arith.constant 0 : i32
      %ne3A_1258 = vector.broadcast %ne3A_1257 : i32 to vector<16xi32>
      %ne3A_1259 = arith.cmpi ne, %and3A_1256, %ne3A_1258 : vector<16xi32>
      %and3A_1260 = arith.constant 4 : i32
      %and3A_1261 = vector.broadcast %and3A_1260 : i32 to vector<16xi32>
      %and3A_1262 = arith.andi %add3A_1239, %and3A_1261 : vector<16xi32>
      %eq3A_1263 = arith.constant 0 : i32
      %eq3A_1264 = vector.broadcast %eq3A_1263 : i32 to vector<16xi32>
      %eq3A_1265 = arith.cmpi eq, %and3A_1262, %eq3A_1264 : vector<16xi32>
      %ne3A_1266 = arith.xori %eq3A_1265, %ne3A_1259 : vector<16xi1>
      %eq3A_1267 = arith.xori %ne3A_1266, %or3A_1253 : vector<16xi1>
      %eq3A_1268 = arith.constant dense<true> : vector<16xi1>
      %eq3A_1269 = arith.xori %eq3A_1267, %eq3A_1268 : vector<16xi1>
      %select_n3A_1270 = arith.select %eq3A_1269, %gather3A_1247, %get3A_1241 : vector<16xi1>, vector<16xf32>
      %select_n3A_1271 = arith.select %eq3A_1269, %gather3A_1248, %get3A_1243 : vector<16xi1>, vector<16xi32>
      %add3A_1272 = arith.constant 48 : i32
      %add3A_1273 = vector.broadcast %add3A_1272 : i32 to vector<16xi32>
      %add3A_1274 = arith.addi %iota3A, %add3A_1273 : vector<16xi32>
      %get3A_1275 = arith.constant 48 : index
      %get3A_1276 = tpu.vector_load %arg15[%get3A_1275] {strides = array<i32>} : memref<784xf32, #tpu.memory_space<vmem>>, vector<16xf32>,
      %get3A_1277 = arith.constant 48 : index
      %get3A_1278 = tpu.vector_load %arg16[%get3A_1277] {strides = array<i32>} : memref<784xi32, #tpu.memory_space<vmem>>, vector<16xi32>,
      %xor3A_1279 = arith.constant 4 : i32
      %xor3A_1280 = vector.broadcast %xor3A_1279 : i32 to vector<16xi32>
      %xor3A_1281 = arith.xori %add3A_1274, %xor3A_1280 : vector<16xi32>
      %gather3A_1282 = tpu.vector_load_idx %arg15[%xor3A_1281] : memref<784xf32, #tpu.memory_space<vmem>>[vector<16xi32>], vector<16xf32>,
      %gather3A_1283 = tpu.vector_load_idx %arg16[%xor3A_1281] : memref<784xi32, #tpu.memory_space<vmem>>[vector<16xi32>], vector<16xi32>,
      %lt3A_1284 = arith.cmpf olt, %gather3A_1282, %get3A_1276 : vector<16xf32>
      %eq3A_1285 = arith.cmpf oeq, %gather3A_1282, %get3A_1276 : vector<16xf32>
      %lt3A_1286 = arith.cmpi slt, %gather3A_1283, %get3A_1278 : vector<16xi32>
      %and3A_1287 = arith.andi %eq3A_1285, %lt3A_1286 : vector<16xi1>
      %or3A_1288 = arith.ori %lt3A_1284, %and3A_1287 : vector<16xi1>
      %and3A_1289 = arith.constant 16 : i32
      %and3A_1290 = vector.broadcast %and3A_1289 : i32 to vector<16xi32>
      %and3A_1291 = arith.andi %add3A_1274, %and3A_1290 : vector<16xi32>
      %ne3A_1292 = arith.constant 0 : i32
      %ne3A_1293 = vector.broadcast %ne3A_1292 : i32 to vector<16xi32>
      %ne3A_1294 = arith.cmpi ne, %and3A_1291, %ne3A_1293 : vector<16xi32>
      %and3A_1295 = arith.constant 4 : i32
      %and3A_1296 = vector.broadcast %and3A_1295 : i32 to vector<16xi32>
      %and3A_1297 = arith.andi %add3A_1274, %and3A_1296 : vector<16xi32>
      %eq3A_1298 = arith.constant 0 : i32
      %eq3A_1299 = vector.broadcast %eq3A_1298 : i32 to vector<16xi32>
      %eq3A_1300 = arith.cmpi eq, %and3A_1297, %eq3A_1299 : vector<16xi32>
      %ne3A_1301 = arith.xori %eq3A_1300, %ne3A_1294 : vector<16xi1>
      %eq3A_1302 = arith.xori %ne3A_1301, %or3A_1288 : vector<16xi1>
      %eq3A_1303 = arith.constant dense<true> : vector<16xi1>
      %eq3A_1304 = arith.xori %eq3A_1302, %eq3A_1303 : vector<16xi1>
      %select_n3A_1305 = arith.select %eq3A_1304, %gather3A_1282, %get3A_1276 : vector<16xi1>, vector<16xf32>
      %select_n3A_1306 = arith.select %eq3A_1304, %gather3A_1283, %get3A_1278 : vector<16xi1>, vector<16xi32>
      %swap3A_1307 = arith.constant 0 : index
      %swap3A_1308 = tpu.vector_load %arg15[%swap3A_1307] {strides = array<i32>} : memref<784xf32, #tpu.memory_space<vmem>>, vector<16xf32>,
      tpu.vector_store %arg15[%swap3A_1307], %select_n3A_1200 {strides = array<i32>} : memref<784xf32, #tpu.memory_space<vmem>>, vector<16xf32>,
      %swap3A_1309 = arith.constant 0 : index
      %swap3A_1310 = tpu.vector_load %arg16[%swap3A_1309] {strides = array<i32>} : memref<784xi32, #tpu.memory_space<vmem>>, vector<16xi32>,
      tpu.vector_store %arg16[%swap3A_1309], %select_n3A_1201 {strides = array<i32>} : memref<784xi32, #tpu.memory_space<vmem>>, vector<16xi32>,
      %swap3A_1311 = arith.constant 16 : index
      %swap3A_1312 = tpu.vector_load %arg15[%swap3A_1311] {strides = array<i32>} : memref<784xf32, #tpu.memory_space<vmem>>, vector<16xf32>,
      tpu.vector_store %arg15[%swap3A_1311], %select_n3A_1235 {strides = array<i32>} : memref<784xf32, #tpu.memory_space<vmem>>, vector<16xf32>,
      %swap3A_1313 = arith.constant 16 : index
      %swap3A_1314 = tpu.vector_load %arg16[%swap3A_1313] {strides = array<i32>} : memref<784xi32, #tpu.memory_space<vmem>>, vector<16xi32>,
      tpu.vector_store %arg16[%swap3A_1313], %select_n3A_1236 {strides = array<i32>} : memref<784xi32, #tpu.memory_space<vmem>>, vector<16xi32>,
      %swap3A_1315 = arith.constant 32 : index
      %swap3A_1316 = tpu.vector_load %arg15[%swap3A_1315] {strides = array<i32>} : memref<784xf32, #tpu.memory_space<vmem>>, vector<16xf32>,
      tpu.vector_store %arg15[%swap3A_1315], %select_n3A_1270 {strides = array<i32>} : memref<784xf32, #tpu.memory_space<vmem>>, vector<16xf32>,
      %swap3A_1317 = arith.constant 32 : index
      %swap3A_1318 = tpu.vector_load %arg16[%swap3A_1317] {strides = array<i32>} : memref<784xi32, #tpu.memory_space<vmem>>, vector<16xi32>,
      tpu.vector_store %arg16[%swap3A_1317], %select_n3A_1271 {strides = array<i32>} : memref<784xi32, #tpu.memory_space<vmem>>, vector<16xi32>,
      %swap3A_1319 = arith.constant 48 : index
      %swap3A_1320 = tpu.vector_load %arg15[%swap3A_1319] {strides = array<i32>} : memref<784xf32, #tpu.memory_space<vmem>>, vector<16xf32>,
      tpu.vector_store %arg15[%swap3A_1319], %select_n3A_1305 {strides = array<i32>} : memref<784xf32, #tpu.memory_space<vmem>>, vector<16xf32>,
      %swap3A_1321 = arith.constant 48 : index
      %swap3A_1322 = tpu.vector_load %arg16[%swap3A_1321] {strides = array<i32>} : memref<784xi32, #tpu.memory_space<vmem>>, vector<16xi32>,
      tpu.vector_store %arg16[%swap3A_1321], %select_n3A_1306 {strides = array<i32>} : memref<784xi32, #tpu.memory_space<vmem>>, vector<16xi32>,
      %add3A_1323 = arith.constant 0 : i32
      %add3A_1324 = vector.broadcast %add3A_1323 : i32 to vector<16xi32>
      %add3A_1325 = arith.addi %iota3A, %add3A_1324 : vector<16xi32>
      %get3A_1326 = arith.constant 0 : index
      %get3A_1327 = tpu.vector_load %arg15[%get3A_1326] {strides = array<i32>} : memref<784xf32, #tpu.memory_space<vmem>>, vector<16xf32>,
      %get3A_1328 = arith.constant 0 : index
      %get3A_1329 = tpu.vector_load %arg16[%get3A_1328] {strides = array<i32>} : memref<784xi32, #tpu.memory_space<vmem>>, vector<16xi32>,
      %xor3A_1330 = arith.constant 2 : i32
      %xor3A_1331 = vector.broadcast %xor3A_1330 : i32 to vector<16xi32>
      %xor3A_1332 = arith.xori %add3A_1325, %xor3A_1331 : vector<16xi32>
      %gather3A_1333 = tpu.vector_load_idx %arg15[%xor3A_1332] : memref<784xf32, #tpu.memory_space<vmem>>[vector<16xi32>], vector<16xf32>,
      %gather3A_1334 = tpu.vector_load_idx %arg16[%xor3A_1332] : memref<784xi32, #tpu.memory_space<vmem>>[vector<16xi32>], vector<16xi32>,
      %lt3A_1335 = arith.cmpf olt, %gather3A_1333, %get3A_1327 : vector<16xf32>
      %eq3A_1336 = arith.cmpf oeq, %gather3A_1333, %get3A_1327 : vector<16xf32>
      %lt3A_1337 = arith.cmpi slt, %gather3A_1334, %get3A_1329 : vector<16xi32>
      %and3A_1338 = arith.andi %eq3A_1336, %lt3A_1337 : vector<16xi1>
      %or3A_1339 = arith.ori %lt3A_1335, %and3A_1338 : vector<16xi1>
      %and3A_1340 = arith.constant 16 : i32
      %and3A_1341 = vector.broadcast %and3A_1340 : i32 to vector<16xi32>
      %and3A_1342 = arith.andi %add3A_1325, %and3A_1341 : vector<16xi32>
      %ne3A_1343 = arith.constant 0 : i32
      %ne3A_1344 = vector.broadcast %ne3A_1343 : i32 to vector<16xi32>
      %ne3A_1345 = arith.cmpi ne, %and3A_1342, %ne3A_1344 : vector<16xi32>
      %and3A_1346 = arith.constant 2 : i32
      %and3A_1347 = vector.broadcast %and3A_1346 : i32 to vector<16xi32>
      %and3A_1348 = arith.andi %add3A_1325, %and3A_1347 : vector<16xi32>
      %eq3A_1349 = arith.constant 0 : i32
      %eq3A_1350 = vector.broadcast %eq3A_1349 : i32 to vector<16xi32>
      %eq3A_1351 = arith.cmpi eq, %and3A_1348, %eq3A_1350 : vector<16xi32>
      %ne3A_1352 = arith.xori %eq3A_1351, %ne3A_1345 : vector<16xi1>
      %eq3A_1353 = arith.xori %ne3A_1352, %or3A_1339 : vector<16xi1>
      %eq3A_1354 = arith.constant dense<true> : vector<16xi1>
      %eq3A_1355 = arith.xori %eq3A_1353, %eq3A_1354 : vector<16xi1>
      %select_n3A_1356 = arith.select %eq3A_1355, %gather3A_1333, %get3A_1327 : vector<16xi1>, vector<16xf32>
      %select_n3A_1357 = arith.select %eq3A_1355, %gather3A_1334, %get3A_1329 : vector<16xi1>, vector<16xi32>
      %add3A_1358 = arith.constant 16 : i32
      %add3A_1359 = vector.broadcast %add3A_1358 : i32 to vector<16xi32>
      %add3A_1360 = arith.addi %iota3A, %add3A_1359 : vector<16xi32>
      %get3A_1361 = arith.constant 16 : index
      %get3A_1362 = tpu.vector_load %arg15[%get3A_1361] {strides = array<i32>} : memref<784xf32, #tpu.memory_space<vmem>>, vector<16xf32>,
      %get3A_1363 = arith.constant 16 : index
      %get3A_1364 = tpu.vector_load %arg16[%get3A_1363] {strides = array<i32>} : memref<784xi32, #tpu.memory_space<vmem>>, vector<16xi32>,
      %xor3A_1365 = arith.constant 2 : i32
      %xor3A_1366 = vector.broadcast %xor3A_1365 : i32 to vector<16xi32>
      %xor3A_1367 = arith.xori %add3A_1360, %xor3A_1366 : vector<16xi32>
      %gather3A_1368 = tpu.vector_load_idx %arg15[%xor3A_1367] : memref<784xf32, #tpu.memory_space<vmem>>[vector<16xi32>], vector<16xf32>,
      %gather3A_1369 = tpu.vector_load_idx %arg16[%xor3A_1367] : memref<784xi32, #tpu.memory_space<vmem>>[vector<16xi32>], vector<16xi32>,
      %lt3A_1370 = arith.cmpf olt, %gather3A_1368, %get3A_1362 : vector<16xf32>
      %eq3A_1371 = arith.cmpf oeq, %gather3A_1368, %get3A_1362 : vector<16xf32>
      %lt3A_1372 = arith.cmpi slt, %gather3A_1369, %get3A_1364 : vector<16xi32>
      %and3A_1373 = arith.andi %eq3A_1371, %lt3A_1372 : vector<16xi1>
      %or3A_1374 = arith.ori %lt3A_1370, %and3A_1373 : vector<16xi1>
      %and3A_1375 = arith.constant 16 : i32
      %and3A_1376 = vector.broadcast %and3A_1375 : i32 to vector<16xi32>
      %and3A_1377 = arith.andi %add3A_1360, %and3A_1376 : vector<16xi32>
      %ne3A_1378 = arith.constant 0 : i32
      %ne3A_1379 = vector.broadcast %ne3A_1378 : i32 to vector<16xi32>
      %ne3A_1380 = arith.cmpi ne, %and3A_1377, %ne3A_1379 : vector<16xi32>
      %and3A_1381 = arith.constant 2 : i32
      %and3A_1382 = vector.broadcast %and3A_1381 : i32 to vector<16xi32>
      %and3A_1383 = arith.andi %add3A_1360, %and3A_1382 : vector<16xi32>
      %eq3A_1384 = arith.constant 0 : i32
      %eq3A_1385 = vector.broadcast %eq3A_1384 : i32 to vector<16xi32>
      %eq3A_1386 = arith.cmpi eq, %and3A_1383, %eq3A_1385 : vector<16xi32>
      %ne3A_1387 = arith.xori %eq3A_1386, %ne3A_1380 : vector<16xi1>
      %eq3A_1388 = arith.xori %ne3A_1387, %or3A_1374 : vector<16xi1>
      %eq3A_1389 = arith.constant dense<true> : vector<16xi1>
      %eq3A_1390 = arith.xori %eq3A_1388, %eq3A_1389 : vector<16xi1>
      %select_n3A_1391 = arith.select %eq3A_1390, %gather3A_1368, %get3A_1362 : vector<16xi1>, vector<16xf32>
      %select_n3A_1392 = arith.select %eq3A_1390, %gather3A_1369, %get3A_1364 : vector<16xi1>, vector<16xi32>
      %add3A_1393 = arith.constant 32 : i32
      %add3A_1394 = vector.broadcast %add3A_1393 : i32 to vector<16xi32>
      %add3A_1395 = arith.addi %iota3A, %add3A_1394 : vector<16xi32>
      %get3A_1396 = arith.constant 32 : index
      %get3A_1397 = tpu.vector_load %arg15[%get3A_1396] {strides = array<i32>} : memref<784xf32, #tpu.memory_space<vmem>>, vector<16xf32>,
      %get3A_1398 = arith.constant 32 : index
      %get3A_1399 = tpu.vector_load %arg16[%get3A_1398] {strides = array<i32>} : memref<784xi32, #tpu.memory_space<vmem>>, vector<16xi32>,
      %xor3A_1400 = arith.constant 2 : i32
      %xor3A_1401 = vector.broadcast %xor3A_1400 : i32 to vector<16xi32>
      %xor3A_1402 = arith.xori %add3A_1395, %xor3A_1401 : vector<16xi32>
      %gather3A_1403 = tpu.vector_load_idx %arg15[%xor3A_1402] : memref<784xf32, #tpu.memory_space<vmem>>[vector<16xi32>], vector<16xf32>,
      %gather3A_1404 = tpu.vector_load_idx %arg16[%xor3A_1402] : memref<784xi32, #tpu.memory_space<vmem>>[vector<16xi32>], vector<16xi32>,
      %lt3A_1405 = arith.cmpf olt, %gather3A_1403, %get3A_1397 : vector<16xf32>
      %eq3A_1406 = arith.cmpf oeq, %gather3A_1403, %get3A_1397 : vector<16xf32>
      %lt3A_1407 = arith.cmpi slt, %gather3A_1404, %get3A_1399 : vector<16xi32>
      %and3A_1408 = arith.andi %eq3A_1406, %lt3A_1407 : vector<16xi1>
      %or3A_1409 = arith.ori %lt3A_1405, %and3A_1408 : vector<16xi1>
      %and3A_1410 = arith.constant 16 : i32
      %and3A_1411 = vector.broadcast %and3A_1410 : i32 to vector<16xi32>
      %and3A_1412 = arith.andi %add3A_1395, %and3A_1411 : vector<16xi32>
      %ne3A_1413 = arith.constant 0 : i32
      %ne3A_1414 = vector.broadcast %ne3A_1413 : i32 to vector<16xi32>
      %ne3A_1415 = arith.cmpi ne, %and3A_1412, %ne3A_1414 : vector<16xi32>
      %and3A_1416 = arith.constant 2 : i32
      %and3A_1417 = vector.broadcast %and3A_1416 : i32 to vector<16xi32>
      %and3A_1418 = arith.andi %add3A_1395, %and3A_1417 : vector<16xi32>
      %eq3A_1419 = arith.constant 0 : i32
      %eq3A_1420 = vector.broadcast %eq3A_1419 : i32 to vector<16xi32>
      %eq3A_1421 = arith.cmpi eq, %and3A_1418, %eq3A_1420 : vector<16xi32>
      %ne3A_1422 = arith.xori %eq3A_1421, %ne3A_1415 : vector<16xi1>
      %eq3A_1423 = arith.xori %ne3A_1422, %or3A_1409 : vector<16xi1>
      %eq3A_1424 = arith.constant dense<true> : vector<16xi1>
      %eq3A_1425 = arith.xori %eq3A_1423, %eq3A_1424 : vector<16xi1>
      %select_n3A_1426 = arith.select %eq3A_1425, %gather3A_1403, %get3A_1397 : vector<16xi1>, vector<16xf32>
      %select_n3A_1427 = arith.select %eq3A_1425, %gather3A_1404, %get3A_1399 : vector<16xi1>, vector<16xi32>
      %add3A_1428 = arith.constant 48 : i32
      %add3A_1429 = vector.broadcast %add3A_1428 : i32 to vector<16xi32>
      %add3A_1430 = arith.addi %iota3A, %add3A_1429 : vector<16xi32>
      %get3A_1431 = arith.constant 48 : index
      %get3A_1432 = tpu.vector_load %arg15[%get3A_1431] {strides = array<i32>} : memref<784xf32, #tpu.memory_space<vmem>>, vector<16xf32>,
      %get3A_1433 = arith.constant 48 : index
      %get3A_1434 = tpu.vector_load %arg16[%get3A_1433] {strides = array<i32>} : memref<784xi32, #tpu.memory_space<vmem>>, vector<16xi32>,
      %xor3A_1435 = arith.constant 2 : i32
      %xor3A_1436 = vector.broadcast %xor3A_1435 : i32 to vector<16xi32>
      %xor3A_1437 = arith.xori %add3A_1430, %xor3A_1436 : vector<16xi32>
      %gather3A_1438 = tpu.vector_load_idx %arg15[%xor3A_1437] : memref<784xf32, #tpu.memory_space<vmem>>[vector<16xi32>], vector<16xf32>,
      %gather3A_1439 = tpu.vector_load_idx %arg16[%xor3A_1437] : memref<784xi32, #tpu.memory_space<vmem>>[vector<16xi32>], vector<16xi32>,
      %lt3A_1440 = arith.cmpf olt, %gather3A_1438, %get3A_1432 : vector<16xf32>
      %eq3A_1441 = arith.cmpf oeq, %gather3A_1438, %get3A_1432 : vector<16xf32>
      %lt3A_1442 = arith.cmpi slt, %gather3A_1439, %get3A_1434 : vector<16xi32>
      %and3A_1443 = arith.andi %eq3A_1441, %lt3A_1442 : vector<16xi1>
      %or3A_1444 = arith.ori %lt3A_1440, %and3A_1443 : vector<16xi1>
      %and3A_1445 = arith.constant 16 : i32
      %and3A_1446 = vector.broadcast %and3A_1445 : i32 to vector<16xi32>
      %and3A_1447 = arith.andi %add3A_1430, %and3A_1446 : vector<16xi32>
      %ne3A_1448 = arith.constant 0 : i32
      %ne3A_1449 = vector.broadcast %ne3A_1448 : i32 to vector<16xi32>
      %ne3A_1450 = arith.cmpi ne, %and3A_1447, %ne3A_1449 : vector<16xi32>
      %and3A_1451 = arith.constant 2 : i32
      %and3A_1452 = vector.broadcast %and3A_1451 : i32 to vector<16xi32>
      %and3A_1453 = arith.andi %add3A_1430, %and3A_1452 : vector<16xi32>
      %eq3A_1454 = arith.constant 0 : i32
      %eq3A_1455 = vector.broadcast %eq3A_1454 : i32 to vector<16xi32>
      %eq3A_1456 = arith.cmpi eq, %and3A_1453, %eq3A_1455 : vector<16xi32>
      %ne3A_1457 = arith.xori %eq3A_1456, %ne3A_1450 : vector<16xi1>
      %eq3A_1458 = arith.xori %ne3A_1457, %or3A_1444 : vector<16xi1>
      %eq3A_1459 = arith.constant dense<true> : vector<16xi1>
      %eq3A_1460 = arith.xori %eq3A_1458, %eq3A_1459 : vector<16xi1>
      %select_n3A_1461 = arith.select %eq3A_1460, %gather3A_1438, %get3A_1432 : vector<16xi1>, vector<16xf32>
      %select_n3A_1462 = arith.select %eq3A_1460, %gather3A_1439, %get3A_1434 : vector<16xi1>, vector<16xi32>
      %swap3A_1463 = arith.constant 0 : index
      %swap3A_1464 = tpu.vector_load %arg15[%swap3A_1463] {strides = array<i32>} : memref<784xf32, #tpu.memory_space<vmem>>, vector<16xf32>,
      tpu.vector_store %arg15[%swap3A_1463], %select_n3A_1356 {strides = array<i32>} : memref<784xf32, #tpu.memory_space<vmem>>, vector<16xf32>,
      %swap3A_1465 = arith.constant 0 : index
      %swap3A_1466 = tpu.vector_load %arg16[%swap3A_1465] {strides = array<i32>} : memref<784xi32, #tpu.memory_space<vmem>>, vector<16xi32>,
      tpu.vector_store %arg16[%swap3A_1465], %select_n3A_1357 {strides = array<i32>} : memref<784xi32, #tpu.memory_space<vmem>>, vector<16xi32>,
      %swap3A_1467 = arith.constant 16 : index
      %swap3A_1468 = tpu.vector_load %arg15[%swap3A_1467] {strides = array<i32>} : memref<784xf32, #tpu.memory_space<vmem>>, vector<16xf32>,
      tpu.vector_store %arg15[%swap3A_1467], %select_n3A_1391 {strides = array<i32>} : memref<784xf32, #tpu.memory_space<vmem>>, vector<16xf32>,
      %swap3A_1469 = arith.constant 16 : index
      %swap3A_1470 = tpu.vector_load %arg16[%swap3A_1469] {strides = array<i32>} : memref<784xi32, #tpu.memory_space<vmem>>, vector<16xi32>,
      tpu.vector_store %arg16[%swap3A_1469], %select_n3A_1392 {strides = array<i32>} : memref<784xi32, #tpu.memory_space<vmem>>, vector<16xi32>,
      %swap3A_1471 = arith.constant 32 : index
      %swap3A_1472 = tpu.vector_load %arg15[%swap3A_1471] {strides = array<i32>} : memref<784xf32, #tpu.memory_space<vmem>>, vector<16xf32>,
      tpu.vector_store %arg15[%swap3A_1471], %select_n3A_1426 {strides = array<i32>} : memref<784xf32, #tpu.memory_space<vmem>>, vector<16xf32>,
      %swap3A_1473 = arith.constant 32 : index
      %swap3A_1474 = tpu.vector_load %arg16[%swap3A_1473] {strides = array<i32>} : memref<784xi32, #tpu.memory_space<vmem>>, vector<16xi32>,
      tpu.vector_store %arg16[%swap3A_1473], %select_n3A_1427 {strides = array<i32>} : memref<784xi32, #tpu.memory_space<vmem>>, vector<16xi32>,
      %swap3A_1475 = arith.constant 48 : index
      %swap3A_1476 = tpu.vector_load %arg15[%swap3A_1475] {strides = array<i32>} : memref<784xf32, #tpu.memory_space<vmem>>, vector<16xf32>,
      tpu.vector_store %arg15[%swap3A_1475], %select_n3A_1461 {strides = array<i32>} : memref<784xf32, #tpu.memory_space<vmem>>, vector<16xf32>,
      %swap3A_1477 = arith.constant 48 : index
      %swap3A_1478 = tpu.vector_load %arg16[%swap3A_1477] {strides = array<i32>} : memref<784xi32, #tpu.memory_space<vmem>>, vector<16xi32>,
      tpu.vector_store %arg16[%swap3A_1477], %select_n3A_1462 {strides = array<i32>} : memref<784xi32, #tpu.memory_space<vmem>>, vector<16xi32>,
      %add3A_1479 = arith.constant 0 : i32
      %add3A_1480 = vector.broadcast %add3A_1479 : i32 to vector<16xi32>
      %add3A_1481 = arith.addi %iota3A, %add3A_1480 : vector<16xi32>
      %get3A_1482 = arith.constant 0 : index
      %get3A_1483 = tpu.vector_load %arg15[%get3A_1482] {strides = array<i32>} : memref<784xf32, #tpu.memory_space<vmem>>, vector<16xf32>,
      %get3A_1484 = arith.constant 0 : index
      %get3A_1485 = tpu.vector_load %arg16[%get3A_1484] {strides = array<i32>} : memref<784xi32, #tpu.memory_space<vmem>>, vector<16xi32>,
      %xor3A_1486 = arith.constant 1 : i32
      %xor3A_1487 = vector.broadcast %xor3A_1486 : i32 to vector<16xi32>
      %xor3A_1488 = arith.xori %add3A_1481, %xor3A_1487 : vector<16xi32>
      %gather3A_1489 = tpu.vector_load_idx %arg15[%xor3A_1488] : memref<784xf32, #tpu.memory_space<vmem>>[vector<16xi32>], vector<16xf32>,
      %gather3A_1490 = tpu.vector_load_idx %arg16[%xor3A_1488] : memref<784xi32, #tpu.memory_space<vmem>>[vector<16xi32>], vector<16xi32>,
      %lt3A_1491 = arith.cmpf olt, %gather3A_1489, %get3A_1483 : vector<16xf32>
      %eq3A_1492 = arith.cmpf oeq, %gather3A_1489, %get3A_1483 : vector<16xf32>
      %lt3A_1493 = arith.cmpi slt, %gather3A_1490, %get3A_1485 : vector<16xi32>
      %and3A_1494 = arith.andi %eq3A_1492, %lt3A_1493 : vector<16xi1>
      %or3A_1495 = arith.ori %lt3A_1491, %and3A_1494 : vector<16xi1>
      %and3A_1496 = arith.constant 16 : i32
      %and3A_1497 = vector.broadcast %and3A_1496 : i32 to vector<16xi32>
      %and3A_1498 = arith.andi %add3A_1481, %and3A_1497 : vector<16xi32>
      %ne3A_1499 = arith.constant 0 : i32
      %ne3A_1500 = vector.broadcast %ne3A_1499 : i32 to vector<16xi32>
      %ne3A_1501 = arith.cmpi ne, %and3A_1498, %ne3A_1500 : vector<16xi32>
      %and3A_1502 = arith.constant 1 : i32
      %and3A_1503 = vector.broadcast %and3A_1502 : i32 to vector<16xi32>
      %and3A_1504 = arith.andi %add3A_1481, %and3A_1503 : vector<16xi32>
      %eq3A_1505 = arith.constant 0 : i32
      %eq3A_1506 = vector.broadcast %eq3A_1505 : i32 to vector<16xi32>
      %eq3A_1507 = arith.cmpi eq, %and3A_1504, %eq3A_1506 : vector<16xi32>
      %ne3A_1508 = arith.xori %eq3A_1507, %ne3A_1501 : vector<16xi1>
      %eq3A_1509 = arith.xori %ne3A_1508, %or3A_1495 : vector<16xi1>
      %eq3A_1510 = arith.constant dense<true> : vector<16xi1>
      %eq3A_1511 = arith.xori %eq3A_1509, %eq3A_1510 : vector<16xi1>
      %select_n3A_1512 = arith.select %eq3A_1511, %gather3A_1489, %get3A_1483 : vector<16xi1>, vector<16xf32>
      %select_n3A_1513 = arith.select %eq3A_1511, %gather3A_1490, %get3A_1485 : vector<16xi1>, vector<16xi32>
      %add3A_1514 = arith.constant 16 : i32
      %add3A_1515 = vector.broadcast %add3A_1514 : i32 to vector<16xi32>
      %add3A_1516 = arith.addi %iota3A, %add3A_1515 : vector<16xi32>
      %get3A_1517 = arith.constant 16 : index
      %get3A_1518 = tpu.vector_load %arg15[%get3A_1517] {strides = array<i32>} : memref<784xf32, #tpu.memory_space<vmem>>, vector<16xf32>,
      %get3A_1519 = arith.constant 16 : index
      %get3A_1520 = tpu.vector_load %arg16[%get3A_1519] {strides = array<i32>} : memref<784xi32, #tpu.memory_space<vmem>>, vector<16xi32>,
      %xor3A_1521 = arith.constant 1 : i32
      %xor3A_1522 = vector.broadcast %xor3A_1521 : i32 to vector<16xi32>
      %xor3A_1523 = arith.xori %add3A_1516, %xor3A_1522 : vector<16xi32>
      %gather3A_1524 = tpu.vector_load_idx %arg15[%xor3A_1523] : memref<784xf32, #tpu.memory_space<vmem>>[vector<16xi32>], vector<16xf32>,
      %gather3A_1525 = tpu.vector_load_idx %arg16[%xor3A_1523] : memref<784xi32, #tpu.memory_space<vmem>>[vector<16xi32>], vector<16xi32>,
      %lt3A_1526 = arith.cmpf olt, %gather3A_1524, %get3A_1518 : vector<16xf32>
      %eq3A_1527 = arith.cmpf oeq, %gather3A_1524, %get3A_1518 : vector<16xf32>
      %lt3A_1528 = arith.cmpi slt, %gather3A_1525, %get3A_1520 : vector<16xi32>
      %and3A_1529 = arith.andi %eq3A_1527, %lt3A_1528 : vector<16xi1>
      %or3A_1530 = arith.ori %lt3A_1526, %and3A_1529 : vector<16xi1>
      %and3A_1531 = arith.constant 16 : i32
      %and3A_1532 = vector.broadcast %and3A_1531 : i32 to vector<16xi32>
      %and3A_1533 = arith.andi %add3A_1516, %and3A_1532 : vector<16xi32>
      %ne3A_1534 = arith.constant 0 : i32
      %ne3A_1535 = vector.broadcast %ne3A_1534 : i32 to vector<16xi32>
      %ne3A_1536 = arith.cmpi ne, %and3A_1533, %ne3A_1535 : vector<16xi32>
      %and3A_1537 = arith.constant 1 : i32
      %and3A_1538 = vector.broadcast %and3A_1537 : i32 to vector<16xi32>
      %and3A_1539 = arith.andi %add3A_1516, %and3A_1538 : vector<16xi32>
      %eq3A_1540 = arith.constant 0 : i32
      %eq3A_1541 = vector.broadcast %eq3A_1540 : i32 to vector<16xi32>
      %eq3A_1542 = arith.cmpi eq, %and3A_1539, %eq3A_1541 : vector<16xi32>
      %ne3A_1543 = arith.xori %eq3A_1542, %ne3A_1536 : vector<16xi1>
      %eq3A_1544 = arith.xori %ne3A_1543, %or3A_1530 : vector<16xi1>
      %eq3A_1545 = arith.constant dense<true> : vector<16xi1>
      %eq3A_1546 = arith.xori %eq3A_1544, %eq3A_1545 : vector<16xi1>
      %select_n3A_1547 = arith.select %eq3A_1546, %gather3A_1524, %get3A_1518 : vector<16xi1>, vector<16xf32>
      %select_n3A_1548 = arith.select %eq3A_1546, %gather3A_1525, %get3A_1520 : vector<16xi1>, vector<16xi32>
      %add3A_1549 = arith.constant 32 : i32
      %add3A_1550 = vector.broadcast %add3A_1549 : i32 to vector<16xi32>
      %add3A_1551 = arith.addi %iota3A, %add3A_1550 : vector<16xi32>
      %get3A_1552 = arith.constant 32 : index
      %get3A_1553 = tpu.vector_load %arg15[%get3A_1552] {strides = array<i32>} : memref<784xf32, #tpu.memory_space<vmem>>, vector<16xf32>,
      %get3A_1554 = arith.constant 32 : index
      %get3A_1555 = tpu.vector_load %arg16[%get3A_1554] {strides = array<i32>} : memref<784xi32, #tpu.memory_space<vmem>>, vector<16xi32>,
      %xor3A_1556 = arith.constant 1 : i32
      %xor3A_1557 = vector.broadcast %xor3A_1556 : i32 to vector<16xi32>
      %xor3A_1558 = arith.xori %add3A_1551, %xor3A_1557 : vector<16xi32>
      %gather3A_1559 = tpu.vector_load_idx %arg15[%xor3A_1558] : memref<784xf32, #tpu.memory_space<vmem>>[vector<16xi32>], vector<16xf32>,
      %gather3A_1560 = tpu.vector_load_idx %arg16[%xor3A_1558] : memref<784xi32, #tpu.memory_space<vmem>>[vector<16xi32>], vector<16xi32>,
      %lt3A_1561 = arith.cmpf olt, %gather3A_1559, %get3A_1553 : vector<16xf32>
      %eq3A_1562 = arith.cmpf oeq, %gather3A_1559, %get3A_1553 : vector<16xf32>
      %lt3A_1563 = arith.cmpi slt, %gather3A_1560, %get3A_1555 : vector<16xi32>
      %and3A_1564 = arith.andi %eq3A_1562, %lt3A_1563 : vector<16xi1>
      %or3A_1565 = arith.ori %lt3A_1561, %and3A_1564 : vector<16xi1>
      %and3A_1566 = arith.constant 16 : i32
      %and3A_1567 = vector.broadcast %and3A_1566 : i32 to vector<16xi32>
      %and3A_1568 = arith.andi %add3A_1551, %and3A_1567 : vector<16xi32>
      %ne3A_1569 = arith.constant 0 : i32
      %ne3A_1570 = vector.broadcast %ne3A_1569 : i32 to vector<16xi32>
      %ne3A_1571 = arith.cmpi ne, %and3A_1568, %ne3A_1570 : vector<16xi32>
      %and3A_1572 = arith.constant 1 : i32
      %and3A_1573 = vector.broadcast %and3A_1572 : i32 to vector<16xi32>
      %and3A_1574 = arith.andi %add3A_1551, %and3A_1573 : vector<16xi32>
      %eq3A_1575 = arith.constant 0 : i32
      %eq3A_1576 = vector.broadcast %eq3A_1575 : i32 to vector<16xi32>
      %eq3A_1577 = arith.cmpi eq, %and3A_1574, %eq3A_1576 : vector<16xi32>
      %ne3A_1578 = arith.xori %eq3A_1577, %ne3A_1571 : vector<16xi1>
      %eq3A_1579 = arith.xori %ne3A_1578, %or3A_1565 : vector<16xi1>
      %eq3A_1580 = arith.constant dense<true> : vector<16xi1>
      %eq3A_1581 = arith.xori %eq3A_1579, %eq3A_1580 : vector<16xi1>
      %select_n3A_1582 = arith.select %eq3A_1581, %gather3A_1559, %get3A_1553 : vector<16xi1>, vector<16xf32>
      %select_n3A_1583 = arith.select %eq3A_1581, %gather3A_1560, %get3A_1555 : vector<16xi1>, vector<16xi32>
      %add3A_1584 = arith.constant 48 : i32
      %add3A_1585 = vector.broadcast %add3A_1584 : i32 to vector<16xi32>
      %add3A_1586 = arith.addi %iota3A, %add3A_1585 : vector<16xi32>
      %get3A_1587 = arith.constant 48 : index
      %get3A_1588 = tpu.vector_load %arg15[%get3A_1587] {strides = array<i32>} : memref<784xf32, #tpu.memory_space<vmem>>, vector<16xf32>,
      %get3A_1589 = arith.constant 48 : index
      %get3A_1590 = tpu.vector_load %arg16[%get3A_1589] {strides = array<i32>} : memref<784xi32, #tpu.memory_space<vmem>>, vector<16xi32>,
      %xor3A_1591 = arith.constant 1 : i32
      %xor3A_1592 = vector.broadcast %xor3A_1591 : i32 to vector<16xi32>
      %xor3A_1593 = arith.xori %add3A_1586, %xor3A_1592 : vector<16xi32>
      %gather3A_1594 = tpu.vector_load_idx %arg15[%xor3A_1593] : memref<784xf32, #tpu.memory_space<vmem>>[vector<16xi32>], vector<16xf32>,
      %gather3A_1595 = tpu.vector_load_idx %arg16[%xor3A_1593] : memref<784xi32, #tpu.memory_space<vmem>>[vector<16xi32>], vector<16xi32>,
      %lt3A_1596 = arith.cmpf olt, %gather3A_1594, %get3A_1588 : vector<16xf32>
      %eq3A_1597 = arith.cmpf oeq, %gather3A_1594, %get3A_1588 : vector<16xf32>
      %lt3A_1598 = arith.cmpi slt, %gather3A_1595, %get3A_1590 : vector<16xi32>
      %and3A_1599 = arith.andi %eq3A_1597, %lt3A_1598 : vector<16xi1>
      %or3A_1600 = arith.ori %lt3A_1596, %and3A_1599 : vector<16xi1>
      %and3A_1601 = arith.constant 16 : i32
      %and3A_1602 = vector.broadcast %and3A_1601 : i32 to vector<16xi32>
      %and3A_1603 = arith.andi %add3A_1586, %and3A_1602 : vector<16xi32>
      %ne3A_1604 = arith.constant 0 : i32
      %ne3A_1605 = vector.broadcast %ne3A_1604 : i32 to vector<16xi32>
      %ne3A_1606 = arith.cmpi ne, %and3A_1603, %ne3A_1605 : vector<16xi32>
      %and3A_1607 = arith.constant 1 : i32
      %and3A_1608 = vector.broadcast %and3A_1607 : i32 to vector<16xi32>
      %and3A_1609 = arith.andi %add3A_1586, %and3A_1608 : vector<16xi32>
      %eq3A_1610 = arith.constant 0 : i32
      %eq3A_1611 = vector.broadcast %eq3A_1610 : i32 to vector<16xi32>
      %eq3A_1612 = arith.cmpi eq, %and3A_1609, %eq3A_1611 : vector<16xi32>
      %ne3A_1613 = arith.xori %eq3A_1612, %ne3A_1606 : vector<16xi1>
      %eq3A_1614 = arith.xori %ne3A_1613, %or3A_1600 : vector<16xi1>
      %eq3A_1615 = arith.constant dense<true> : vector<16xi1>
      %eq3A_1616 = arith.xori %eq3A_1614, %eq3A_1615 : vector<16xi1>
      %select_n3A_1617 = arith.select %eq3A_1616, %gather3A_1594, %get3A_1588 : vector<16xi1>, vector<16xf32>
      %select_n3A_1618 = arith.select %eq3A_1616, %gather3A_1595, %get3A_1590 : vector<16xi1>, vector<16xi32>
      %swap3A_1619 = arith.constant 0 : index
      %swap3A_1620 = tpu.vector_load %arg15[%swap3A_1619] {strides = array<i32>} : memref<784xf32, #tpu.memory_space<vmem>>, vector<16xf32>,
      tpu.vector_store %arg15[%swap3A_1619], %select_n3A_1512 {strides = array<i32>} : memref<784xf32, #tpu.memory_space<vmem>>, vector<16xf32>,
      %swap3A_1621 = arith.constant 0 : index
      %swap3A_1622 = tpu.vector_load %arg16[%swap3A_1621] {strides = array<i32>} : memref<784xi32, #tpu.memory_space<vmem>>, vector<16xi32>,
      tpu.vector_store %arg16[%swap3A_1621], %select_n3A_1513 {strides = array<i32>} : memref<784xi32, #tpu.memory_space<vmem>>, vector<16xi32>,
      %swap3A_1623 = arith.constant 16 : index
      %swap3A_1624 = tpu.vector_load %arg15[%swap3A_1623] {strides = array<i32>} : memref<784xf32, #tpu.memory_space<vmem>>, vector<16xf32>,
      tpu.vector_store %arg15[%swap3A_1623], %select_n3A_1547 {strides = array<i32>} : memref<784xf32, #tpu.memory_space<vmem>>, vector<16xf32>,
      %swap3A_1625 = arith.constant 16 : index
      %swap3A_1626 = tpu.vector_load %arg16[%swap3A_1625] {strides = array<i32>} : memref<784xi32, #tpu.memory_space<vmem>>, vector<16xi32>,
      tpu.vector_store %arg16[%swap3A_1625], %select_n3A_1548 {strides = array<i32>} : memref<784xi32, #tpu.memory_space<vmem>>, vector<16xi32>,
      %swap3A_1627 = arith.constant 32 : index
      %swap3A_1628 = tpu.vector_load %arg15[%swap3A_1627] {strides = array<i32>} : memref<784xf32, #tpu.memory_space<vmem>>, vector<16xf32>,
      tpu.vector_store %arg15[%swap3A_1627], %select_n3A_1582 {strides = array<i32>} : memref<784xf32, #tpu.memory_space<vmem>>, vector<16xf32>,
      %swap3A_1629 = arith.constant 32 : index
      %swap3A_1630 = tpu.vector_load %arg16[%swap3A_1629] {strides = array<i32>} : memref<784xi32, #tpu.memory_space<vmem>>, vector<16xi32>,
      tpu.vector_store %arg16[%swap3A_1629], %select_n3A_1583 {strides = array<i32>} : memref<784xi32, #tpu.memory_space<vmem>>, vector<16xi32>,
      %swap3A_1631 = arith.constant 48 : index
      %swap3A_1632 = tpu.vector_load %arg15[%swap3A_1631] {strides = array<i32>} : memref<784xf32, #tpu.memory_space<vmem>>, vector<16xf32>,
      tpu.vector_store %arg15[%swap3A_1631], %select_n3A_1617 {strides = array<i32>} : memref<784xf32, #tpu.memory_space<vmem>>, vector<16xf32>,
      %swap3A_1633 = arith.constant 48 : index
      %swap3A_1634 = tpu.vector_load %arg16[%swap3A_1633] {strides = array<i32>} : memref<784xi32, #tpu.memory_space<vmem>>, vector<16xi32>,
      tpu.vector_store %arg16[%swap3A_1633], %select_n3A_1618 {strides = array<i32>} : memref<784xi32, #tpu.memory_space<vmem>>, vector<16xi32>,
      %add3A_1635 = arith.constant 0 : i32
      %add3A_1636 = vector.broadcast %add3A_1635 : i32 to vector<16xi32>
      %add3A_1637 = arith.addi %iota3A, %add3A_1636 : vector<16xi32>
      %get3A_1638 = arith.constant 0 : index
      %get3A_1639 = tpu.vector_load %arg15[%get3A_1638] {strides = array<i32>} : memref<784xf32, #tpu.memory_space<vmem>>, vector<16xf32>,
      %get3A_1640 = arith.constant 0 : index
      %get3A_1641 = tpu.vector_load %arg16[%get3A_1640] {strides = array<i32>} : memref<784xi32, #tpu.memory_space<vmem>>, vector<16xi32>,
      %xor3A_1642 = arith.constant 16 : i32
      %xor3A_1643 = vector.broadcast %xor3A_1642 : i32 to vector<16xi32>
      %xor3A_1644 = arith.xori %add3A_1637, %xor3A_1643 : vector<16xi32>
      %gather3A_1645 = tpu.vector_load_idx %arg15[%xor3A_1644] : memref<784xf32, #tpu.memory_space<vmem>>[vector<16xi32>], vector<16xf32>,
      %gather3A_1646 = tpu.vector_load_idx %arg16[%xor3A_1644] : memref<784xi32, #tpu.memory_space<vmem>>[vector<16xi32>], vector<16xi32>,
      %lt3A_1647 = arith.cmpf olt, %gather3A_1645, %get3A_1639 : vector<16xf32>
      %eq3A_1648 = arith.cmpf oeq, %gather3A_1645, %get3A_1639 : vector<16xf32>
      %lt3A_1649 = arith.cmpi slt, %gather3A_1646, %get3A_1641 : vector<16xi32>
      %and3A_1650 = arith.andi %eq3A_1648, %lt3A_1649 : vector<16xi1>
      %or3A_1651 = arith.ori %lt3A_1647, %and3A_1650 : vector<16xi1>
      %and3A_1652 = arith.constant 32 : i32
      %and3A_1653 = vector.broadcast %and3A_1652 : i32 to vector<16xi32>
      %and3A_1654 = arith.andi %add3A_1637, %and3A_1653 : vector<16xi32>
      %ne3A_1655 = arith.constant 0 : i32
      %ne3A_1656 = vector.broadcast %ne3A_1655 : i32 to vector<16xi32>
      %ne3A_1657 = arith.cmpi ne, %and3A_1654, %ne3A_1656 : vector<16xi32>
      %and3A_1658 = arith.constant 16 : i32
      %and3A_1659 = vector.broadcast %and3A_1658 : i32 to vector<16xi32>
      %and3A_1660 = arith.andi %add3A_1637, %and3A_1659 : vector<16xi32>
      %eq3A_1661 = arith.constant 0 : i32
      %eq3A_1662 = vector.broadcast %eq3A_1661 : i32 to vector<16xi32>
      %eq3A_1663 = arith.cmpi eq, %and3A_1660, %eq3A_1662 : vector<16xi32>
      %ne3A_1664 = arith.xori %eq3A_1663, %ne3A_1657 : vector<16xi1>
      %eq3A_1665 = arith.xori %ne3A_1664, %or3A_1651 : vector<16xi1>
      %eq3A_1666 = arith.constant dense<true> : vector<16xi1>
      %eq3A_1667 = arith.xori %eq3A_1665, %eq3A_1666 : vector<16xi1>
      %select_n3A_1668 = arith.select %eq3A_1667, %gather3A_1645, %get3A_1639 : vector<16xi1>, vector<16xf32>
      %select_n3A_1669 = arith.select %eq3A_1667, %gather3A_1646, %get3A_1641 : vector<16xi1>, vector<16xi32>
      %add3A_1670 = arith.constant 16 : i32
      %add3A_1671 = vector.broadcast %add3A_1670 : i32 to vector<16xi32>
      %add3A_1672 = arith.addi %iota3A, %add3A_1671 : vector<16xi32>
      %get3A_1673 = arith.constant 16 : index
      %get3A_1674 = tpu.vector_load %arg15[%get3A_1673] {strides = array<i32>} : memref<784xf32, #tpu.memory_space<vmem>>, vector<16xf32>,
      %get3A_1675 = arith.constant 16 : index
      %get3A_1676 = tpu.vector_load %arg16[%get3A_1675] {strides = array<i32>} : memref<784xi32, #tpu.memory_space<vmem>>, vector<16xi32>,
      %xor3A_1677 = arith.constant 16 : i32
      %xor3A_1678 = vector.broadcast %xor3A_1677 : i32 to vector<16xi32>
      %xor3A_1679 = arith.xori %add3A_1672, %xor3A_1678 : vector<16xi32>
      %gather3A_1680 = tpu.vector_load_idx %arg15[%xor3A_1679] : memref<784xf32, #tpu.memory_space<vmem>>[vector<16xi32>], vector<16xf32>,
      %gather3A_1681 = tpu.vector_load_idx %arg16[%xor3A_1679] : memref<784xi32, #tpu.memory_space<vmem>>[vector<16xi32>], vector<16xi32>,
      %lt3A_1682 = arith.cmpf olt, %gather3A_1680, %get3A_1674 : vector<16xf32>
      %eq3A_1683 = arith.cmpf oeq, %gather3A_1680, %get3A_1674 : vector<16xf32>
      %lt3A_1684 = arith.cmpi slt, %gather3A_1681, %get3A_1676 : vector<16xi32>
      %and3A_1685 = arith.andi %eq3A_1683, %lt3A_1684 : vector<16xi1>
      %or3A_1686 = arith.ori %lt3A_1682, %and3A_1685 : vector<16xi1>
      %and3A_1687 = arith.constant 32 : i32
      %and3A_1688 = vector.broadcast %and3A_1687 : i32 to vector<16xi32>
      %and3A_1689 = arith.andi %add3A_1672, %and3A_1688 : vector<16xi32>
      %ne3A_1690 = arith.constant 0 : i32
      %ne3A_1691 = vector.broadcast %ne3A_1690 : i32 to vector<16xi32>
      %ne3A_1692 = arith.cmpi ne, %and3A_1689, %ne3A_1691 : vector<16xi32>
      %and3A_1693 = arith.constant 16 : i32
      %and3A_1694 = vector.broadcast %and3A_1693 : i32 to vector<16xi32>
      %and3A_1695 = arith.andi %add3A_1672, %and3A_1694 : vector<16xi32>
      %eq3A_1696 = arith.constant 0 : i32
      %eq3A_1697 = vector.broadcast %eq3A_1696 : i32 to vector<16xi32>
      %eq3A_1698 = arith.cmpi eq, %and3A_1695, %eq3A_1697 : vector<16xi32>
      %ne3A_1699 = arith.xori %eq3A_1698, %ne3A_1692 : vector<16xi1>
      %eq3A_1700 = arith.xori %ne3A_1699, %or3A_1686 : vector<16xi1>
      %eq3A_1701 = arith.constant dense<true> : vector<16xi1>
      %eq3A_1702 = arith.xori %eq3A_1700, %eq3A_1701 : vector<16xi1>
      %select_n3A_1703 = arith.select %eq3A_1702, %gather3A_1680, %get3A_1674 : vector<16xi1>, vector<16xf32>
      %select_n3A_1704 = arith.select %eq3A_1702, %gather3A_1681, %get3A_1676 : vector<16xi1>, vector<16xi32>
      %add3A_1705 = arith.constant 32 : i32
      %add3A_1706 = vector.broadcast %add3A_1705 : i32 to vector<16xi32>
      %add3A_1707 = arith.addi %iota3A, %add3A_1706 : vector<16xi32>
      %get3A_1708 = arith.constant 32 : index
      %get3A_1709 = tpu.vector_load %arg15[%get3A_1708] {strides = array<i32>} : memref<784xf32, #tpu.memory_space<vmem>>, vector<16xf32>,
      %get3A_1710 = arith.constant 32 : index
      %get3A_1711 = tpu.vector_load %arg16[%get3A_1710] {strides = array<i32>} : memref<784xi32, #tpu.memory_space<vmem>>, vector<16xi32>,
      %xor3A_1712 = arith.constant 16 : i32
      %xor3A_1713 = vector.broadcast %xor3A_1712 : i32 to vector<16xi32>
      %xor3A_1714 = arith.xori %add3A_1707, %xor3A_1713 : vector<16xi32>
      %gather3A_1715 = tpu.vector_load_idx %arg15[%xor3A_1714] : memref<784xf32, #tpu.memory_space<vmem>>[vector<16xi32>], vector<16xf32>,
      %gather3A_1716 = tpu.vector_load_idx %arg16[%xor3A_1714] : memref<784xi32, #tpu.memory_space<vmem>>[vector<16xi32>], vector<16xi32>,
      %lt3A_1717 = arith.cmpf olt, %gather3A_1715, %get3A_1709 : vector<16xf32>
      %eq3A_1718 = arith.cmpf oeq, %gather3A_1715, %get3A_1709 : vector<16xf32>
      %lt3A_1719 = arith.cmpi slt, %gather3A_1716, %get3A_1711 : vector<16xi32>
      %and3A_1720 = arith.andi %eq3A_1718, %lt3A_1719 : vector<16xi1>
      %or3A_1721 = arith.ori %lt3A_1717, %and3A_1720 : vector<16xi1>
      %and3A_1722 = arith.constant 32 : i32
      %and3A_1723 = vector.broadcast %and3A_1722 : i32 to vector<16xi32>
      %and3A_1724 = arith.andi %add3A_1707, %and3A_1723 : vector<16xi32>
      %ne3A_1725 = arith.constant 0 : i32
      %ne3A_1726 = vector.broadcast %ne3A_1725 : i32 to vector<16xi32>
      %ne3A_1727 = arith.cmpi ne, %and3A_1724, %ne3A_1726 : vector<16xi32>
      %and3A_1728 = arith.constant 16 : i32
      %and3A_1729 = vector.broadcast %and3A_1728 : i32 to vector<16xi32>
      %and3A_1730 = arith.andi %add3A_1707, %and3A_1729 : vector<16xi32>
      %eq3A_1731 = arith.constant 0 : i32
      %eq3A_1732 = vector.broadcast %eq3A_1731 : i32 to vector<16xi32>
      %eq3A_1733 = arith.cmpi eq, %and3A_1730, %eq3A_1732 : vector<16xi32>
      %ne3A_1734 = arith.xori %eq3A_1733, %ne3A_1727 : vector<16xi1>
      %eq3A_1735 = arith.xori %ne3A_1734, %or3A_1721 : vector<16xi1>
      %eq3A_1736 = arith.constant dense<true> : vector<16xi1>
      %eq3A_1737 = arith.xori %eq3A_1735, %eq3A_1736 : vector<16xi1>
      %select_n3A_1738 = arith.select %eq3A_1737, %gather3A_1715, %get3A_1709 : vector<16xi1>, vector<16xf32>
      %select_n3A_1739 = arith.select %eq3A_1737, %gather3A_1716, %get3A_1711 : vector<16xi1>, vector<16xi32>
      %add3A_1740 = arith.constant 48 : i32
      %add3A_1741 = vector.broadcast %add3A_1740 : i32 to vector<16xi32>
      %add3A_1742 = arith.addi %iota3A, %add3A_1741 : vector<16xi32>
      %get3A_1743 = arith.constant 48 : index
      %get3A_1744 = tpu.vector_load %arg15[%get3A_1743] {strides = array<i32>} : memref<784xf32, #tpu.memory_space<vmem>>, vector<16xf32>,
      %get3A_1745 = arith.constant 48 : index
      %get3A_1746 = tpu.vector_load %arg16[%get3A_1745] {strides = array<i32>} : memref<784xi32, #tpu.memory_space<vmem>>, vector<16xi32>,
      %xor3A_1747 = arith.constant 16 : i32
      %xor3A_1748 = vector.broadcast %xor3A_1747 : i32 to vector<16xi32>
      %xor3A_1749 = arith.xori %add3A_1742, %xor3A_1748 : vector<16xi32>
      %gather3A_1750 = tpu.vector_load_idx %arg15[%xor3A_1749] : memref<784xf32, #tpu.memory_space<vmem>>[vector<16xi32>], vector<16xf32>,
      %gather3A_1751 = tpu.vector_load_idx %arg16[%xor3A_1749] : memref<784xi32, #tpu.memory_space<vmem>>[vector<16xi32>], vector<16xi32>,
      %lt3A_1752 = arith.cmpf olt, %gather3A_1750, %get3A_1744 : vector<16xf32>
      %eq3A_1753 = arith.cmpf oeq, %gather3A_1750, %get3A_1744 : vector<16xf32>
      %lt3A_1754 = arith.cmpi slt, %gather3A_1751, %get3A_1746 : vector<16xi32>
      %and3A_1755 = arith.andi %eq3A_1753, %lt3A_1754 : vector<16xi1>
      %or3A_1756 = arith.ori %lt3A_1752, %and3A_1755 : vector<16xi1>
      %and3A_1757 = arith.constant 32 : i32
      %and3A_1758 = vector.broadcast %and3A_1757 : i32 to vector<16xi32>
      %and3A_1759 = arith.andi %add3A_1742, %and3A_1758 : vector<16xi32>
      %ne3A_1760 = arith.constant 0 : i32
      %ne3A_1761 = vector.broadcast %ne3A_1760 : i32 to vector<16xi32>
      %ne3A_1762 = arith.cmpi ne, %and3A_1759, %ne3A_1761 : vector<16xi32>
      %and3A_1763 = arith.constant 16 : i32
      %and3A_1764 = vector.broadcast %and3A_1763 : i32 to vector<16xi32>
      %and3A_1765 = arith.andi %add3A_1742, %and3A_1764 : vector<16xi32>
      %eq3A_1766 = arith.constant 0 : i32
      %eq3A_1767 = vector.broadcast %eq3A_1766 : i32 to vector<16xi32>
      %eq3A_1768 = arith.cmpi eq, %and3A_1765, %eq3A_1767 : vector<16xi32>
      %ne3A_1769 = arith.xori %eq3A_1768, %ne3A_1762 : vector<16xi1>
      %eq3A_1770 = arith.xori %ne3A_1769, %or3A_1756 : vector<16xi1>
      %eq3A_1771 = arith.constant dense<true> : vector<16xi1>
      %eq3A_1772 = arith.xori %eq3A_1770, %eq3A_1771 : vector<16xi1>
      %select_n3A_1773 = arith.select %eq3A_1772, %gather3A_1750, %get3A_1744 : vector<16xi1>, vector<16xf32>
      %select_n3A_1774 = arith.select %eq3A_1772, %gather3A_1751, %get3A_1746 : vector<16xi1>, vector<16xi32>
      %swap3A_1775 = arith.constant 0 : index
      %swap3A_1776 = tpu.vector_load %arg15[%swap3A_1775] {strides = array<i32>} : memref<784xf32, #tpu.memory_space<vmem>>, vector<16xf32>,
      tpu.vector_store %arg15[%swap3A_1775], %select_n3A_1668 {strides = array<i32>} : memref<784xf32, #tpu.memory_space<vmem>>, vector<16xf32>,
      %swap3A_1777 = arith.constant 0 : index
      %swap3A_1778 = tpu.vector_load %arg16[%swap3A_1777] {strides = array<i32>} : memref<784xi32, #tpu.memory_space<vmem>>, vector<16xi32>,
      tpu.vector_store %arg16[%swap3A_1777], %select_n3A_1669 {strides = array<i32>} : memref<784xi32, #tpu.memory_space<vmem>>, vector<16xi32>,
      %swap3A_1779 = arith.constant 16 : index
      %swap3A_1780 = tpu.vector_load %arg15[%swap3A_1779] {strides = array<i32>} : memref<784xf32, #tpu.memory_space<vmem>>, vector<16xf32>,
      tpu.vector_store %arg15[%swap3A_1779], %select_n3A_1703 {strides = array<i32>} : memref<784xf32, #tpu.memory_space<vmem>>, vector<16xf32>,
      %swap3A_1781 = arith.constant 16 : index
      %swap3A_1782 = tpu.vector_load %arg16[%swap3A_1781] {strides = array<i32>} : memref<784xi32, #tpu.memory_space<vmem>>, vector<16xi32>,
      tpu.vector_store %arg16[%swap3A_1781], %select_n3A_1704 {strides = array<i32>} : memref<784xi32, #tpu.memory_space<vmem>>, vector<16xi32>,
      %swap3A_1783 = arith.constant 32 : index
      %swap3A_1784 = tpu.vector_load %arg15[%swap3A_1783] {strides = array<i32>} : memref<784xf32, #tpu.memory_space<vmem>>, vector<16xf32>,
      tpu.vector_store %arg15[%swap3A_1783], %select_n3A_1738 {strides = array<i32>} : memref<784xf32, #tpu.memory_space<vmem>>, vector<16xf32>,
      %swap3A_1785 = arith.constant 32 : index
      %swap3A_1786 = tpu.vector_load %arg16[%swap3A_1785] {strides = array<i32>} : memref<784xi32, #tpu.memory_space<vmem>>, vector<16xi32>,
      tpu.vector_store %arg16[%swap3A_1785], %select_n3A_1739 {strides = array<i32>} : memref<784xi32, #tpu.memory_space<vmem>>, vector<16xi32>,
      %swap3A_1787 = arith.constant 48 : index
      %swap3A_1788 = tpu.vector_load %arg15[%swap3A_1787] {strides = array<i32>} : memref<784xf32, #tpu.memory_space<vmem>>, vector<16xf32>,
      tpu.vector_store %arg15[%swap3A_1787], %select_n3A_1773 {strides = array<i32>} : memref<784xf32, #tpu.memory_space<vmem>>, vector<16xf32>,
      %swap3A_1789 = arith.constant 48 : index
      %swap3A_1790 = tpu.vector_load %arg16[%swap3A_1789] {strides = array<i32>} : memref<784xi32, #tpu.memory_space<vmem>>, vector<16xi32>,
      tpu.vector_store %arg16[%swap3A_1789], %select_n3A_1774 {strides = array<i32>} : memref<784xi32, #tpu.memory_space<vmem>>, vector<16xi32>,
      %add3A_1791 = arith.constant 0 : i32
      %add3A_1792 = vector.broadcast %add3A_1791 : i32 to vector<16xi32>
      %add3A_1793 = arith.addi %iota3A, %add3A_1792 : vector<16xi32>
      %get3A_1794 = arith.constant 0 : index
      %get3A_1795 = tpu.vector_load %arg15[%get3A_1794] {strides = array<i32>} : memref<784xf32, #tpu.memory_space<vmem>>, vector<16xf32>,
      %get3A_1796 = arith.constant 0 : index
      %get3A_1797 = tpu.vector_load %arg16[%get3A_1796] {strides = array<i32>} : memref<784xi32, #tpu.memory_space<vmem>>, vector<16xi32>,
      %xor3A_1798 = arith.constant 8 : i32
      %xor3A_1799 = vector.broadcast %xor3A_1798 : i32 to vector<16xi32>
      %xor3A_1800 = arith.xori %add3A_1793, %xor3A_1799 : vector<16xi32>
      %gather3A_1801 = tpu.vector_load_idx %arg15[%xor3A_1800] : memref<784xf32, #tpu.memory_space<vmem>>[vector<16xi32>], vector<16xf32>,
      %gather3A_1802 = tpu.vector_load_idx %arg16[%xor3A_1800] : memref<784xi32, #tpu.memory_space<vmem>>[vector<16xi32>], vector<16xi32>,
      %lt3A_1803 = arith.cmpf olt, %gather3A_1801, %get3A_1795 : vector<16xf32>
      %eq3A_1804 = arith.cmpf oeq, %gather3A_1801, %get3A_1795 : vector<16xf32>
      %lt3A_1805 = arith.cmpi slt, %gather3A_1802, %get3A_1797 : vector<16xi32>
      %and3A_1806 = arith.andi %eq3A_1804, %lt3A_1805 : vector<16xi1>
      %or3A_1807 = arith.ori %lt3A_1803, %and3A_1806 : vector<16xi1>
      %and3A_1808 = arith.constant 32 : i32
      %and3A_1809 = vector.broadcast %and3A_1808 : i32 to vector<16xi32>
      %and3A_1810 = arith.andi %add3A_1793, %and3A_1809 : vector<16xi32>
      %ne3A_1811 = arith.constant 0 : i32
      %ne3A_1812 = vector.broadcast %ne3A_1811 : i32 to vector<16xi32>
      %ne3A_1813 = arith.cmpi ne, %and3A_1810, %ne3A_1812 : vector<16xi32>
      %and3A_1814 = arith.constant 8 : i32
      %and3A_1815 = vector.broadcast %and3A_1814 : i32 to vector<16xi32>
      %and3A_1816 = arith.andi %add3A_1793, %and3A_1815 : vector<16xi32>
      %eq3A_1817 = arith.constant 0 : i32
      %eq3A_1818 = vector.broadcast %eq3A_1817 : i32 to vector<16xi32>
      %eq3A_1819 = arith.cmpi eq, %and3A_1816, %eq3A_1818 : vector<16xi32>
      %ne3A_1820 = arith.xori %eq3A_1819, %ne3A_1813 : vector<16xi1>
      %eq3A_1821 = arith.xori %ne3A_1820, %or3A_1807 : vector<16xi1>
      %eq3A_1822 = arith.constant dense<true> : vector<16xi1>
      %eq3A_1823 = arith.xori %eq3A_1821, %eq3A_1822 : vector<16xi1>
      %select_n3A_1824 = arith.select %eq3A_1823, %gather3A_1801, %get3A_1795 : vector<16xi1>, vector<16xf32>
      %select_n3A_1825 = arith.select %eq3A_1823, %gather3A_1802, %get3A_1797 : vector<16xi1>, vector<16xi32>
      %add3A_1826 = arith.constant 16 : i32
      %add3A_1827 = vector.broadcast %add3A_1826 : i32 to vector<16xi32>
      %add3A_1828 = arith.addi %iota3A, %add3A_1827 : vector<16xi32>
      %get3A_1829 = arith.constant 16 : index
      %get3A_1830 = tpu.vector_load %arg15[%get3A_1829] {strides = array<i32>} : memref<784xf32, #tpu.memory_space<vmem>>, vector<16xf32>,
      %get3A_1831 = arith.constant 16 : index
      %get3A_1832 = tpu.vector_load %arg16[%get3A_1831] {strides = array<i32>} : memref<784xi32, #tpu.memory_space<vmem>>, vector<16xi32>,
      %xor3A_1833 = arith.constant 8 : i32
      %xor3A_1834 = vector.broadcast %xor3A_1833 : i32 to vector<16xi32>
      %xor3A_1835 = arith.xori %add3A_1828, %xor3A_1834 : vector<16xi32>
      %gather3A_1836 = tpu.vector_load_idx %arg15[%xor3A_1835] : memref<784xf32, #tpu.memory_space<vmem>>[vector<16xi32>], vector<16xf32>,
      %gather3A_1837 = tpu.vector_load_idx %arg16[%xor3A_1835] : memref<784xi32, #tpu.memory_space<vmem>>[vector<16xi32>], vector<16xi32>,
      %lt3A_1838 = arith.cmpf olt, %gather3A_1836, %get3A_1830 : vector<16xf32>
      %eq3A_1839 = arith.cmpf oeq, %gather3A_1836, %get3A_1830 : vector<16xf32>
      %lt3A_1840 = arith.cmpi slt, %gather3A_1837, %get3A_1832 : vector<16xi32>
      %and3A_1841 = arith.andi %eq3A_1839, %lt3A_1840 : vector<16xi1>
      %or3A_1842 = arith.ori %lt3A_1838, %and3A_1841 : vector<16xi1>
      %and3A_1843 = arith.constant 32 : i32
      %and3A_1844 = vector.broadcast %and3A_1843 : i32 to vector<16xi32>
      %and3A_1845 = arith.andi %add3A_1828, %and3A_1844 : vector<16xi32>
      %ne3A_1846 = arith.constant 0 : i32
      %ne3A_1847 = vector.broadcast %ne3A_1846 : i32 to vector<16xi32>
      %ne3A_1848 = arith.cmpi ne, %and3A_1845, %ne3A_1847 : vector<16xi32>
      %and3A_1849 = arith.constant 8 : i32
      %and3A_1850 = vector.broadcast %and3A_1849 : i32 to vector<16xi32>
      %and3A_1851 = arith.andi %add3A_1828, %and3A_1850 : vector<16xi32>
      %eq3A_1852 = arith.constant 0 : i32
      %eq3A_1853 = vector.broadcast %eq3A_1852 : i32 to vector<16xi32>
      %eq3A_1854 = arith.cmpi eq, %and3A_1851, %eq3A_1853 : vector<16xi32>
      %ne3A_1855 = arith.xori %eq3A_1854, %ne3A_1848 : vector<16xi1>
      %eq3A_1856 = arith.xori %ne3A_1855, %or3A_1842 : vector<16xi1>
      %eq3A_1857 = arith.constant dense<true> : vector<16xi1>
      %eq3A_1858 = arith.xori %eq3A_1856, %eq3A_1857 : vector<16xi1>
      %select_n3A_1859 = arith.select %eq3A_1858, %gather3A_1836, %get3A_1830 : vector<16xi1>, vector<16xf32>
      %select_n3A_1860 = arith.select %eq3A_1858, %gather3A_1837, %get3A_1832 : vector<16xi1>, vector<16xi32>
      %add3A_1861 = arith.constant 32 : i32
      %add3A_1862 = vector.broadcast %add3A_1861 : i32 to vector<16xi32>
      %add3A_1863 = arith.addi %iota3A, %add3A_1862 : vector<16xi32>
      %get3A_1864 = arith.constant 32 : index
      %get3A_1865 = tpu.vector_load %arg15[%get3A_1864] {strides = array<i32>} : memref<784xf32, #tpu.memory_space<vmem>>, vector<16xf32>,
      %get3A_1866 = arith.constant 32 : index
      %get3A_1867 = tpu.vector_load %arg16[%get3A_1866] {strides = array<i32>} : memref<784xi32, #tpu.memory_space<vmem>>, vector<16xi32>,
      %xor3A_1868 = arith.constant 8 : i32
      %xor3A_1869 = vector.broadcast %xor3A_1868 : i32 to vector<16xi32>
      %xor3A_1870 = arith.xori %add3A_1863, %xor3A_1869 : vector<16xi32>
      %gather3A_1871 = tpu.vector_load_idx %arg15[%xor3A_1870] : memref<784xf32, #tpu.memory_space<vmem>>[vector<16xi32>], vector<16xf32>,
      %gather3A_1872 = tpu.vector_load_idx %arg16[%xor3A_1870] : memref<784xi32, #tpu.memory_space<vmem>>[vector<16xi32>], vector<16xi32>,
      %lt3A_1873 = arith.cmpf olt, %gather3A_1871, %get3A_1865 : vector<16xf32>
      %eq3A_1874 = arith.cmpf oeq, %gather3A_1871, %get3A_1865 : vector<16xf32>
      %lt3A_1875 = arith.cmpi slt, %gather3A_1872, %get3A_1867 : vector<16xi32>
      %and3A_1876 = arith.andi %eq3A_1874, %lt3A_1875 : vector<16xi1>
      %or3A_1877 = arith.ori %lt3A_1873, %and3A_1876 : vector<16xi1>
      %and3A_1878 = arith.constant 32 : i32
      %and3A_1879 = vector.broadcast %and3A_1878 : i32 to vector<16xi32>
      %and3A_1880 = arith.andi %add3A_1863, %and3A_1879 : vector<16xi32>
      %ne3A_1881 = arith.constant 0 : i32
      %ne3A_1882 = vector.broadcast %ne3A_1881 : i32 to vector<16xi32>
      %ne3A_1883 = arith.cmpi ne, %and3A_1880, %ne3A_1882 : vector<16xi32>
      %and3A_1884 = arith.constant 8 : i32
      %and3A_1885 = vector.broadcast %and3A_1884 : i32 to vector<16xi32>
      %and3A_1886 = arith.andi %add3A_1863, %and3A_1885 : vector<16xi32>
      %eq3A_1887 = arith.constant 0 : i32
      %eq3A_1888 = vector.broadcast %eq3A_1887 : i32 to vector<16xi32>
      %eq3A_1889 = arith.cmpi eq, %and3A_1886, %eq3A_1888 : vector<16xi32>
      %ne3A_1890 = arith.xori %eq3A_1889, %ne3A_1883 : vector<16xi1>
      %eq3A_1891 = arith.xori %ne3A_1890, %or3A_1877 : vector<16xi1>
      %eq3A_1892 = arith.constant dense<true> : vector<16xi1>
      %eq3A_1893 = arith.xori %eq3A_1891, %eq3A_1892 : vector<16xi1>
      %select_n3A_1894 = arith.select %eq3A_1893, %gather3A_1871, %get3A_1865 : vector<16xi1>, vector<16xf32>
      %select_n3A_1895 = arith.select %eq3A_1893, %gather3A_1872, %get3A_1867 : vector<16xi1>, vector<16xi32>
      %add3A_1896 = arith.constant 48 : i32
      %add3A_1897 = vector.broadcast %add3A_1896 : i32 to vector<16xi32>
      %add3A_1898 = arith.addi %iota3A, %add3A_1897 : vector<16xi32>
      %get3A_1899 = arith.constant 48 : index
      %get3A_1900 = tpu.vector_load %arg15[%get3A_1899] {strides = array<i32>} : memref<784xf32, #tpu.memory_space<vmem>>, vector<16xf32>,
      %get3A_1901 = arith.constant 48 : index
      %get3A_1902 = tpu.vector_load %arg16[%get3A_1901] {strides = array<i32>} : memref<784xi32, #tpu.memory_space<vmem>>, vector<16xi32>,
      %xor3A_1903 = arith.constant 8 : i32
      %xor3A_1904 = vector.broadcast %xor3A_1903 : i32 to vector<16xi32>
      %xor3A_1905 = arith.xori %add3A_1898, %xor3A_1904 : vector<16xi32>
      %gather3A_1906 = tpu.vector_load_idx %arg15[%xor3A_1905] : memref<784xf32, #tpu.memory_space<vmem>>[vector<16xi32>], vector<16xf32>,
      %gather3A_1907 = tpu.vector_load_idx %arg16[%xor3A_1905] : memref<784xi32, #tpu.memory_space<vmem>>[vector<16xi32>], vector<16xi32>,
      %lt3A_1908 = arith.cmpf olt, %gather3A_1906, %get3A_1900 : vector<16xf32>
      %eq3A_1909 = arith.cmpf oeq, %gather3A_1906, %get3A_1900 : vector<16xf32>
      %lt3A_1910 = arith.cmpi slt, %gather3A_1907, %get3A_1902 : vector<16xi32>
      %and3A_1911 = arith.andi %eq3A_1909, %lt3A_1910 : vector<16xi1>
      %or3A_1912 = arith.ori %lt3A_1908, %and3A_1911 : vector<16xi1>
      %and3A_1913 = arith.constant 32 : i32
      %and3A_1914 = vector.broadcast %and3A_1913 : i32 to vector<16xi32>
      %and3A_1915 = arith.andi %add3A_1898, %and3A_1914 : vector<16xi32>
      %ne3A_1916 = arith.constant 0 : i32
      %ne3A_1917 = vector.broadcast %ne3A_1916 : i32 to vector<16xi32>
      %ne3A_1918 = arith.cmpi ne, %and3A_1915, %ne3A_1917 : vector<16xi32>
      %and3A_1919 = arith.constant 8 : i32
      %and3A_1920 = vector.broadcast %and3A_1919 : i32 to vector<16xi32>
      %and3A_1921 = arith.andi %add3A_1898, %and3A_1920 : vector<16xi32>
      %eq3A_1922 = arith.constant 0 : i32
      %eq3A_1923 = vector.broadcast %eq3A_1922 : i32 to vector<16xi32>
      %eq3A_1924 = arith.cmpi eq, %and3A_1921, %eq3A_1923 : vector<16xi32>
      %ne3A_1925 = arith.xori %eq3A_1924, %ne3A_1918 : vector<16xi1>
      %eq3A_1926 = arith.xori %ne3A_1925, %or3A_1912 : vector<16xi1>
      %eq3A_1927 = arith.constant dense<true> : vector<16xi1>
      %eq3A_1928 = arith.xori %eq3A_1926, %eq3A_1927 : vector<16xi1>
      %select_n3A_1929 = arith.select %eq3A_1928, %gather3A_1906, %get3A_1900 : vector<16xi1>, vector<16xf32>
      %select_n3A_1930 = arith.select %eq3A_1928, %gather3A_1907, %get3A_1902 : vector<16xi1>, vector<16xi32>
      %swap3A_1931 = arith.constant 0 : index
      %swap3A_1932 = tpu.vector_load %arg15[%swap3A_1931] {strides = array<i32>} : memref<784xf32, #tpu.memory_space<vmem>>, vector<16xf32>,
      tpu.vector_store %arg15[%swap3A_1931], %select_n3A_1824 {strides = array<i32>} : memref<784xf32, #tpu.memory_space<vmem>>, vector<16xf32>,
      %swap3A_1933 = arith.constant 0 : index
      %swap3A_1934 = tpu.vector_load %arg16[%swap3A_1933] {strides = array<i32>} : memref<784xi32, #tpu.memory_space<vmem>>, vector<16xi32>,
      tpu.vector_store %arg16[%swap3A_1933], %select_n3A_1825 {strides = array<i32>} : memref<784xi32, #tpu.memory_space<vmem>>, vector<16xi32>,
      %swap3A_1935 = arith.constant 16 : index
      %swap3A_1936 = tpu.vector_load %arg15[%swap3A_1935] {strides = array<i32>} : memref<784xf32, #tpu.memory_space<vmem>>, vector<16xf32>,
      tpu.vector_store %arg15[%swap3A_1935], %select_n3A_1859 {strides = array<i32>} : memref<784xf32, #tpu.memory_space<vmem>>, vector<16xf32>,
      %swap3A_1937 = arith.constant 16 : index
      %swap3A_1938 = tpu.vector_load %arg16[%swap3A_1937] {strides = array<i32>} : memref<784xi32, #tpu.memory_space<vmem>>, vector<16xi32>,
      tpu.vector_store %arg16[%swap3A_1937], %select_n3A_1860 {strides = array<i32>} : memref<784xi32, #tpu.memory_space<vmem>>, vector<16xi32>,
      %swap3A_1939 = arith.constant 32 : index
      %swap3A_1940 = tpu.vector_load %arg15[%swap3A_1939] {strides = array<i32>} : memref<784xf32, #tpu.memory_space<vmem>>, vector<16xf32>,
      tpu.vector_store %arg15[%swap3A_1939], %select_n3A_1894 {strides = array<i32>} : memref<784xf32, #tpu.memory_space<vmem>>, vector<16xf32>,
      %swap3A_1941 = arith.constant 32 : index
      %swap3A_1942 = tpu.vector_load %arg16[%swap3A_1941] {strides = array<i32>} : memref<784xi32, #tpu.memory_space<vmem>>, vector<16xi32>,
      tpu.vector_store %arg16[%swap3A_1941], %select_n3A_1895 {strides = array<i32>} : memref<784xi32, #tpu.memory_space<vmem>>, vector<16xi32>,
      %swap3A_1943 = arith.constant 48 : index
      %swap3A_1944 = tpu.vector_load %arg15[%swap3A_1943] {strides = array<i32>} : memref<784xf32, #tpu.memory_space<vmem>>, vector<16xf32>,
      tpu.vector_store %arg15[%swap3A_1943], %select_n3A_1929 {strides = array<i32>} : memref<784xf32, #tpu.memory_space<vmem>>, vector<16xf32>,
      %swap3A_1945 = arith.constant 48 : index
      %swap3A_1946 = tpu.vector_load %arg16[%swap3A_1945] {strides = array<i32>} : memref<784xi32, #tpu.memory_space<vmem>>, vector<16xi32>,
      tpu.vector_store %arg16[%swap3A_1945], %select_n3A_1930 {strides = array<i32>} : memref<784xi32, #tpu.memory_space<vmem>>, vector<16xi32>,
      %add3A_1947 = arith.constant 0 : i32
      %add3A_1948 = vector.broadcast %add3A_1947 : i32 to vector<16xi32>
      %add3A_1949 = arith.addi %iota3A, %add3A_1948 : vector<16xi32>
      %get3A_1950 = arith.constant 0 : index
      %get3A_1951 = tpu.vector_load %arg15[%get3A_1950] {strides = array<i32>} : memref<784xf32, #tpu.memory_space<vmem>>, vector<16xf32>,
      %get3A_1952 = arith.constant 0 : index
      %get3A_1953 = tpu.vector_load %arg16[%get3A_1952] {strides = array<i32>} : memref<784xi32, #tpu.memory_space<vmem>>, vector<16xi32>,
      %xor3A_1954 = arith.constant 4 : i32
      %xor3A_1955 = vector.broadcast %xor3A_1954 : i32 to vector<16xi32>
      %xor3A_1956 = arith.xori %add3A_1949, %xor3A_1955 : vector<16xi32>
      %gather3A_1957 = tpu.vector_load_idx %arg15[%xor3A_1956] : memref<784xf32, #tpu.memory_space<vmem>>[vector<16xi32>], vector<16xf32>,
      %gather3A_1958 = tpu.vector_load_idx %arg16[%xor3A_1956] : memref<784xi32, #tpu.memory_space<vmem>>[vector<16xi32>], vector<16xi32>,
      %lt3A_1959 = arith.cmpf olt, %gather3A_1957, %get3A_1951 : vector<16xf32>
      %eq3A_1960 = arith.cmpf oeq, %gather3A_1957, %get3A_1951 : vector<16xf32>
      %lt3A_1961 = arith.cmpi slt, %gather3A_1958, %get3A_1953 : vector<16xi32>
      %and3A_1962 = arith.andi %eq3A_1960, %lt3A_1961 : vector<16xi1>
      %or3A_1963 = arith.ori %lt3A_1959, %and3A_1962 : vector<16xi1>
      %and3A_1964 = arith.constant 32 : i32
      %and3A_1965 = vector.broadcast %and3A_1964 : i32 to vector<16xi32>
      %and3A_1966 = arith.andi %add3A_1949, %and3A_1965 : vector<16xi32>
      %ne3A_1967 = arith.constant 0 : i32
      %ne3A_1968 = vector.broadcast %ne3A_1967 : i32 to vector<16xi32>
      %ne3A_1969 = arith.cmpi ne, %and3A_1966, %ne3A_1968 : vector<16xi32>
      %and3A_1970 = arith.constant 4 : i32
      %and3A_1971 = vector.broadcast %and3A_1970 : i32 to vector<16xi32>
      %and3A_1972 = arith.andi %add3A_1949, %and3A_1971 : vector<16xi32>
      %eq3A_1973 = arith.constant 0 : i32
      %eq3A_1974 = vector.broadcast %eq3A_1973 : i32 to vector<16xi32>
      %eq3A_1975 = arith.cmpi eq, %and3A_1972, %eq3A_1974 : vector<16xi32>
      %ne3A_1976 = arith.xori %eq3A_1975, %ne3A_1969 : vector<16xi1>
      %eq3A_1977 = arith.xori %ne3A_1976, %or3A_1963 : vector<16xi1>
      %eq3A_1978 = arith.constant dense<true> : vector<16xi1>
      %eq3A_1979 = arith.xori %eq3A_1977, %eq3A_1978 : vector<16xi1>
      %select_n3A_1980 = arith.select %eq3A_1979, %gather3A_1957, %get3A_1951 : vector<16xi1>, vector<16xf32>
      %select_n3A_1981 = arith.select %eq3A_1979, %gather3A_1958, %get3A_1953 : vector<16xi1>, vector<16xi32>
      %add3A_1982 = arith.constant 16 : i32
      %add3A_1983 = vector.broadcast %add3A_1982 : i32 to vector<16xi32>
      %add3A_1984 = arith.addi %iota3A, %add3A_1983 : vector<16xi32>
      %get3A_1985 = arith.constant 16 : index
      %get3A_1986 = tpu.vector_load %arg15[%get3A_1985] {strides = array<i32>} : memref<784xf32, #tpu.memory_space<vmem>>, vector<16xf32>,
      %get3A_1987 = arith.constant 16 : index
      %get3A_1988 = tpu.vector_load %arg16[%get3A_1987] {strides = array<i32>} : memref<784xi32, #tpu.memory_space<vmem>>, vector<16xi32>,
      %xor3A_1989 = arith.constant 4 : i32
      %xor3A_1990 = vector.broadcast %xor3A_1989 : i32 to vector<16xi32>
      %xor3A_1991 = arith.xori %add3A_1984, %xor3A_1990 : vector<16xi32>
      %gather3A_1992 = tpu.vector_load_idx %arg15[%xor3A_1991] : memref<784xf32, #tpu.memory_space<vmem>>[vector<16xi32>], vector<16xf32>,
      %gather3A_1993 = tpu.vector_load_idx %arg16[%xor3A_1991] : memref<784xi32, #tpu.memory_space<vmem>>[vector<16xi32>], vector<16xi32>,
      %lt3A_1994 = arith.cmpf olt, %gather3A_1992, %get3A_1986 : vector<16xf32>
      %eq3A_1995 = arith.cmpf oeq, %gather3A_1992, %get3A_1986 : vector<16xf32>
      %lt3A_1996 = arith.cmpi slt, %gather3A_1993, %get3A_1988 : vector<16xi32>
      %and3A_1997 = arith.andi %eq3A_1995, %lt3A_1996 : vector<16xi1>
      %or3A_1998 = arith.ori %lt3A_1994, %and3A_1997 : vector<16xi1>
      %and3A_1999 = arith.constant 32 : i32
      %and3A_2000 = vector.broadcast %and3A_1999 : i32 to vector<16xi32>
      %and3A_2001 = arith.andi %add3A_1984, %and3A_2000 : vector<16xi32>
      %ne3A_2002 = arith.constant 0 : i32
      %ne3A_2003 = vector.broadcast %ne3A_2002 : i32 to vector<16xi32>
      %ne3A_2004 = arith.cmpi ne, %and3A_2001, %ne3A_2003 : vector<16xi32>
      %and3A_2005 = arith.constant 4 : i32
      %and3A_2006 = vector.broadcast %and3A_2005 : i32 to vector<16xi32>
      %and3A_2007 = arith.andi %add3A_1984, %and3A_2006 : vector<16xi32>
      %eq3A_2008 = arith.constant 0 : i32
      %eq3A_2009 = vector.broadcast %eq3A_2008 : i32 to vector<16xi32>
      %eq3A_2010 = arith.cmpi eq, %and3A_2007, %eq3A_2009 : vector<16xi32>
      %ne3A_2011 = arith.xori %eq3A_2010, %ne3A_2004 : vector<16xi1>
      %eq3A_2012 = arith.xori %ne3A_2011, %or3A_1998 : vector<16xi1>
      %eq3A_2013 = arith.constant dense<true> : vector<16xi1>
      %eq3A_2014 = arith.xori %eq3A_2012, %eq3A_2013 : vector<16xi1>
      %select_n3A_2015 = arith.select %eq3A_2014, %gather3A_1992, %get3A_1986 : vector<16xi1>, vector<16xf32>
      %select_n3A_2016 = arith.select %eq3A_2014, %gather3A_1993, %get3A_1988 : vector<16xi1>, vector<16xi32>
      %add3A_2017 = arith.constant 32 : i32
      %add3A_2018 = vector.broadcast %add3A_2017 : i32 to vector<16xi32>
      %add3A_2019 = arith.addi %iota3A, %add3A_2018 : vector<16xi32>
      %get3A_2020 = arith.constant 32 : index
      %get3A_2021 = tpu.vector_load %arg15[%get3A_2020] {strides = array<i32>} : memref<784xf32, #tpu.memory_space<vmem>>, vector<16xf32>,
      %get3A_2022 = arith.constant 32 : index
      %get3A_2023 = tpu.vector_load %arg16[%get3A_2022] {strides = array<i32>} : memref<784xi32, #tpu.memory_space<vmem>>, vector<16xi32>,
      %xor3A_2024 = arith.constant 4 : i32
      %xor3A_2025 = vector.broadcast %xor3A_2024 : i32 to vector<16xi32>
      %xor3A_2026 = arith.xori %add3A_2019, %xor3A_2025 : vector<16xi32>
      %gather3A_2027 = tpu.vector_load_idx %arg15[%xor3A_2026] : memref<784xf32, #tpu.memory_space<vmem>>[vector<16xi32>], vector<16xf32>,
      %gather3A_2028 = tpu.vector_load_idx %arg16[%xor3A_2026] : memref<784xi32, #tpu.memory_space<vmem>>[vector<16xi32>], vector<16xi32>,
      %lt3A_2029 = arith.cmpf olt, %gather3A_2027, %get3A_2021 : vector<16xf32>
      %eq3A_2030 = arith.cmpf oeq, %gather3A_2027, %get3A_2021 : vector<16xf32>
      %lt3A_2031 = arith.cmpi slt, %gather3A_2028, %get3A_2023 : vector<16xi32>
      %and3A_2032 = arith.andi %eq3A_2030, %lt3A_2031 : vector<16xi1>
      %or3A_2033 = arith.ori %lt3A_2029, %and3A_2032 : vector<16xi1>
      %and3A_2034 = arith.constant 32 : i32
      %and3A_2035 = vector.broadcast %and3A_2034 : i32 to vector<16xi32>
      %and3A_2036 = arith.andi %add3A_2019, %and3A_2035 : vector<16xi32>
      %ne3A_2037 = arith.constant 0 : i32
      %ne3A_2038 = vector.broadcast %ne3A_2037 : i32 to vector<16xi32>
      %ne3A_2039 = arith.cmpi ne, %and3A_2036, %ne3A_2038 : vector<16xi32>
      %and3A_2040 = arith.constant 4 : i32
      %and3A_2041 = vector.broadcast %and3A_2040 : i32 to vector<16xi32>
      %and3A_2042 = arith.andi %add3A_2019, %and3A_2041 : vector<16xi32>
      %eq3A_2043 = arith.constant 0 : i32
      %eq3A_2044 = vector.broadcast %eq3A_2043 : i32 to vector<16xi32>
      %eq3A_2045 = arith.cmpi eq, %and3A_2042, %eq3A_2044 : vector<16xi32>
      %ne3A_2046 = arith.xori %eq3A_2045, %ne3A_2039 : vector<16xi1>
      %eq3A_2047 = arith.xori %ne3A_2046, %or3A_2033 : vector<16xi1>
      %eq3A_2048 = arith.constant dense<true> : vector<16xi1>
      %eq3A_2049 = arith.xori %eq3A_2047, %eq3A_2048 : vector<16xi1>
      %select_n3A_2050 = arith.select %eq3A_2049, %gather3A_2027, %get3A_2021 : vector<16xi1>, vector<16xf32>
      %select_n3A_2051 = arith.select %eq3A_2049, %gather3A_2028, %get3A_2023 : vector<16xi1>, vector<16xi32>
      %add3A_2052 = arith.constant 48 : i32
      %add3A_2053 = vector.broadcast %add3A_2052 : i32 to vector<16xi32>
      %add3A_2054 = arith.addi %iota3A, %add3A_2053 : vector<16xi32>
      %get3A_2055 = arith.constant 48 : index
      %get3A_2056 = tpu.vector_load %arg15[%get3A_2055] {strides = array<i32>} : memref<784xf32, #tpu.memory_space<vmem>>, vector<16xf32>,
      %get3A_2057 = arith.constant 48 : index
      %get3A_2058 = tpu.vector_load %arg16[%get3A_2057] {strides = array<i32>} : memref<784xi32, #tpu.memory_space<vmem>>, vector<16xi32>,
      %xor3A_2059 = arith.constant 4 : i32
      %xor3A_2060 = vector.broadcast %xor3A_2059 : i32 to vector<16xi32>
      %xor3A_2061 = arith.xori %add3A_2054, %xor3A_2060 : vector<16xi32>
      %gather3A_2062 = tpu.vector_load_idx %arg15[%xor3A_2061] : memref<784xf32, #tpu.memory_space<vmem>>[vector<16xi32>], vector<16xf32>,
      %gather3A_2063 = tpu.vector_load_idx %arg16[%xor3A_2061] : memref<784xi32, #tpu.memory_space<vmem>>[vector<16xi32>], vector<16xi32>,
      %lt3A_2064 = arith.cmpf olt, %gather3A_2062, %get3A_2056 : vector<16xf32>
      %eq3A_2065 = arith.cmpf oeq, %gather3A_2062, %get3A_2056 : vector<16xf32>
      %lt3A_2066 = arith.cmpi slt, %gather3A_2063, %get3A_2058 : vector<16xi32>
      %and3A_2067 = arith.andi %eq3A_2065, %lt3A_2066 : vector<16xi1>
      %or3A_2068 = arith.ori %lt3A_2064, %and3A_2067 : vector<16xi1>
      %and3A_2069 = arith.constant 32 : i32
      %and3A_2070 = vector.broadcast %and3A_2069 : i32 to vector<16xi32>
      %and3A_2071 = arith.andi %add3A_2054, %and3A_2070 : vector<16xi32>
      %ne3A_2072 = arith.constant 0 : i32
      %ne3A_2073 = vector.broadcast %ne3A_2072 : i32 to vector<16xi32>
      %ne3A_2074 = arith.cmpi ne, %and3A_2071, %ne3A_2073 : vector<16xi32>
      %and3A_2075 = arith.constant 4 : i32
      %and3A_2076 = vector.broadcast %and3A_2075 : i32 to vector<16xi32>
      %and3A_2077 = arith.andi %add3A_2054, %and3A_2076 : vector<16xi32>
      %eq3A_2078 = arith.constant 0 : i32
      %eq3A_2079 = vector.broadcast %eq3A_2078 : i32 to vector<16xi32>
      %eq3A_2080 = arith.cmpi eq, %and3A_2077, %eq3A_2079 : vector<16xi32>
      %ne3A_2081 = arith.xori %eq3A_2080, %ne3A_2074 : vector<16xi1>
      %eq3A_2082 = arith.xori %ne3A_2081, %or3A_2068 : vector<16xi1>
      %eq3A_2083 = arith.constant dense<true> : vector<16xi1>
      %eq3A_2084 = arith.xori %eq3A_2082, %eq3A_2083 : vector<16xi1>
      %select_n3A_2085 = arith.select %eq3A_2084, %gather3A_2062, %get3A_2056 : vector<16xi1>, vector<16xf32>
      %select_n3A_2086 = arith.select %eq3A_2084, %gather3A_2063, %get3A_2058 : vector<16xi1>, vector<16xi32>
      %swap3A_2087 = arith.constant 0 : index
      %swap3A_2088 = tpu.vector_load %arg15[%swap3A_2087] {strides = array<i32>} : memref<784xf32, #tpu.memory_space<vmem>>, vector<16xf32>,
      tpu.vector_store %arg15[%swap3A_2087], %select_n3A_1980 {strides = array<i32>} : memref<784xf32, #tpu.memory_space<vmem>>, vector<16xf32>,
      %swap3A_2089 = arith.constant 0 : index
      %swap3A_2090 = tpu.vector_load %arg16[%swap3A_2089] {strides = array<i32>} : memref<784xi32, #tpu.memory_space<vmem>>, vector<16xi32>,
      tpu.vector_store %arg16[%swap3A_2089], %select_n3A_1981 {strides = array<i32>} : memref<784xi32, #tpu.memory_space<vmem>>, vector<16xi32>,
      %swap3A_2091 = arith.constant 16 : index
      %swap3A_2092 = tpu.vector_load %arg15[%swap3A_2091] {strides = array<i32>} : memref<784xf32, #tpu.memory_space<vmem>>, vector<16xf32>,
      tpu.vector_store %arg15[%swap3A_2091], %select_n3A_2015 {strides = array<i32>} : memref<784xf32, #tpu.memory_space<vmem>>, vector<16xf32>,
      %swap3A_2093 = arith.constant 16 : index
      %swap3A_2094 = tpu.vector_load %arg16[%swap3A_2093] {strides = array<i32>} : memref<784xi32, #tpu.memory_space<vmem>>, vector<16xi32>,
      tpu.vector_store %arg16[%swap3A_2093], %select_n3A_2016 {strides = array<i32>} : memref<784xi32, #tpu.memory_space<vmem>>, vector<16xi32>,
      %swap3A_2095 = arith.constant 32 : index
      %swap3A_2096 = tpu.vector_load %arg15[%swap3A_2095] {strides = array<i32>} : memref<784xf32, #tpu.memory_space<vmem>>, vector<16xf32>,
      tpu.vector_store %arg15[%swap3A_2095], %select_n3A_2050 {strides = array<i32>} : memref<784xf32, #tpu.memory_space<vmem>>, vector<16xf32>,
      %swap3A_2097 = arith.constant 32 : index
      %swap3A_2098 = tpu.vector_load %arg16[%swap3A_2097] {strides = array<i32>} : memref<784xi32, #tpu.memory_space<vmem>>, vector<16xi32>,
      tpu.vector_store %arg16[%swap3A_2097], %select_n3A_2051 {strides = array<i32>} : memref<784xi32, #tpu.memory_space<vmem>>, vector<16xi32>,
      %swap3A_2099 = arith.constant 48 : index
      %swap3A_2100 = tpu.vector_load %arg15[%swap3A_2099] {strides = array<i32>} : memref<784xf32, #tpu.memory_space<vmem>>, vector<16xf32>,
      tpu.vector_store %arg15[%swap3A_2099], %select_n3A_2085 {strides = array<i32>} : memref<784xf32, #tpu.memory_space<vmem>>, vector<16xf32>,
      %swap3A_2101 = arith.constant 48 : index
      %swap3A_2102 = tpu.vector_load %arg16[%swap3A_2101] {strides = array<i32>} : memref<784xi32, #tpu.memory_space<vmem>>, vector<16xi32>,
      tpu.vector_store %arg16[%swap3A_2101], %select_n3A_2086 {strides = array<i32>} : memref<784xi32, #tpu.memory_space<vmem>>, vector<16xi32>,
      %add3A_2103 = arith.constant 0 : i32
      %add3A_2104 = vector.broadcast %add3A_2103 : i32 to vector<16xi32>
      %add3A_2105 = arith.addi %iota3A, %add3A_2104 : vector<16xi32>
      %get3A_2106 = arith.constant 0 : index
      %get3A_2107 = tpu.vector_load %arg15[%get3A_2106] {strides = array<i32>} : memref<784xf32, #tpu.memory_space<vmem>>, vector<16xf32>,
      %get3A_2108 = arith.constant 0 : index
      %get3A_2109 = tpu.vector_load %arg16[%get3A_2108] {strides = array<i32>} : memref<784xi32, #tpu.memory_space<vmem>>, vector<16xi32>,
      %xor3A_2110 = arith.constant 2 : i32
      %xor3A_2111 = vector.broadcast %xor3A_2110 : i32 to vector<16xi32>
      %xor3A_2112 = arith.xori %add3A_2105, %xor3A_2111 : vector<16xi32>
      %gather3A_2113 = tpu.vector_load_idx %arg15[%xor3A_2112] : memref<784xf32, #tpu.memory_space<vmem>>[vector<16xi32>], vector<16xf32>,
      %gather3A_2114 = tpu.vector_load_idx %arg16[%xor3A_2112] : memref<784xi32, #tpu.memory_space<vmem>>[vector<16xi32>], vector<16xi32>,
      %lt3A_2115 = arith.cmpf olt, %gather3A_2113, %get3A_2107 : vector<16xf32>
      %eq3A_2116 = arith.cmpf oeq, %gather3A_2113, %get3A_2107 : vector<16xf32>
      %lt3A_2117 = arith.cmpi slt, %gather3A_2114, %get3A_2109 : vector<16xi32>
      %and3A_2118 = arith.andi %eq3A_2116, %lt3A_2117 : vector<16xi1>
      %or3A_2119 = arith.ori %lt3A_2115, %and3A_2118 : vector<16xi1>
      %and3A_2120 = arith.constant 32 : i32
      %and3A_2121 = vector.broadcast %and3A_2120 : i32 to vector<16xi32>
      %and3A_2122 = arith.andi %add3A_2105, %and3A_2121 : vector<16xi32>
      %ne3A_2123 = arith.constant 0 : i32
      %ne3A_2124 = vector.broadcast %ne3A_2123 : i32 to vector<16xi32>
      %ne3A_2125 = arith.cmpi ne, %and3A_2122, %ne3A_2124 : vector<16xi32>
      %and3A_2126 = arith.constant 2 : i32
      %and3A_2127 = vector.broadcast %and3A_2126 : i32 to vector<16xi32>
      %and3A_2128 = arith.andi %add3A_2105, %and3A_2127 : vector<16xi32>
      %eq3A_2129 = arith.constant 0 : i32
      %eq3A_2130 = vector.broadcast %eq3A_2129 : i32 to vector<16xi32>
      %eq3A_2131 = arith.cmpi eq, %and3A_2128, %eq3A_2130 : vector<16xi32>
      %ne3A_2132 = arith.xori %eq3A_2131, %ne3A_2125 : vector<16xi1>
      %eq3A_2133 = arith.xori %ne3A_2132, %or3A_2119 : vector<16xi1>
      %eq3A_2134 = arith.constant dense<true> : vector<16xi1>
      %eq3A_2135 = arith.xori %eq3A_2133, %eq3A_2134 : vector<16xi1>
      %select_n3A_2136 = arith.select %eq3A_2135, %gather3A_2113, %get3A_2107 : vector<16xi1>, vector<16xf32>
      %select_n3A_2137 = arith.select %eq3A_2135, %gather3A_2114, %get3A_2109 : vector<16xi1>, vector<16xi32>
      %add3A_2138 = arith.constant 16 : i32
      %add3A_2139 = vector.broadcast %add3A_2138 : i32 to vector<16xi32>
      %add3A_2140 = arith.addi %iota3A, %add3A_2139 : vector<16xi32>
      %get3A_2141 = arith.constant 16 : index
      %get3A_2142 = tpu.vector_load %arg15[%get3A_2141] {strides = array<i32>} : memref<784xf32, #tpu.memory_space<vmem>>, vector<16xf32>,
      %get3A_2143 = arith.constant 16 : index
      %get3A_2144 = tpu.vector_load %arg16[%get3A_2143] {strides = array<i32>} : memref<784xi32, #tpu.memory_space<vmem>>, vector<16xi32>,
      %xor3A_2145 = arith.constant 2 : i32
      %xor3A_2146 = vector.broadcast %xor3A_2145 : i32 to vector<16xi32>
      %xor3A_2147 = arith.xori %add3A_2140, %xor3A_2146 : vector<16xi32>
      %gather3A_2148 = tpu.vector_load_idx %arg15[%xor3A_2147] : memref<784xf32, #tpu.memory_space<vmem>>[vector<16xi32>], vector<16xf32>,
      %gather3A_2149 = tpu.vector_load_idx %arg16[%xor3A_2147] : memref<784xi32, #tpu.memory_space<vmem>>[vector<16xi32>], vector<16xi32>,
      %lt3A_2150 = arith.cmpf olt, %gather3A_2148, %get3A_2142 : vector<16xf32>
      %eq3A_2151 = arith.cmpf oeq, %gather3A_2148, %get3A_2142 : vector<16xf32>
      %lt3A_2152 = arith.cmpi slt, %gather3A_2149, %get3A_2144 : vector<16xi32>
      %and3A_2153 = arith.andi %eq3A_2151, %lt3A_2152 : vector<16xi1>
      %or3A_2154 = arith.ori %lt3A_2150, %and3A_2153 : vector<16xi1>
      %and3A_2155 = arith.constant 32 : i32
      %and3A_2156 = vector.broadcast %and3A_2155 : i32 to vector<16xi32>
      %and3A_2157 = arith.andi %add3A_2140, %and3A_2156 : vector<16xi32>
      %ne3A_2158 = arith.constant 0 : i32
      %ne3A_2159 = vector.broadcast %ne3A_2158 : i32 to vector<16xi32>
      %ne3A_2160 = arith.cmpi ne, %and3A_2157, %ne3A_2159 : vector<16xi32>
      %and3A_2161 = arith.constant 2 : i32
      %and3A_2162 = vector.broadcast %and3A_2161 : i32 to vector<16xi32>
      %and3A_2163 = arith.andi %add3A_2140, %and3A_2162 : vector<16xi32>
      %eq3A_2164 = arith.constant 0 : i32
      %eq3A_2165 = vector.broadcast %eq3A_2164 : i32 to vector<16xi32>
      %eq3A_2166 = arith.cmpi eq, %and3A_2163, %eq3A_2165 : vector<16xi32>
      %ne3A_2167 = arith.xori %eq3A_2166, %ne3A_2160 : vector<16xi1>
      %eq3A_2168 = arith.xori %ne3A_2167, %or3A_2154 : vector<16xi1>
      %eq3A_2169 = arith.constant dense<true> : vector<16xi1>
      %eq3A_2170 = arith.xori %eq3A_2168, %eq3A_2169 : vector<16xi1>
      %select_n3A_2171 = arith.select %eq3A_2170, %gather3A_2148, %get3A_2142 : vector<16xi1>, vector<16xf32>
      %select_n3A_2172 = arith.select %eq3A_2170, %gather3A_2149, %get3A_2144 : vector<16xi1>, vector<16xi32>
      %add3A_2173 = arith.constant 32 : i32
      %add3A_2174 = vector.broadcast %add3A_2173 : i32 to vector<16xi32>
      %add3A_2175 = arith.addi %iota3A, %add3A_2174 : vector<16xi32>
      %get3A_2176 = arith.constant 32 : index
      %get3A_2177 = tpu.vector_load %arg15[%get3A_2176] {strides = array<i32>} : memref<784xf32, #tpu.memory_space<vmem>>, vector<16xf32>,
      %get3A_2178 = arith.constant 32 : index
      %get3A_2179 = tpu.vector_load %arg16[%get3A_2178] {strides = array<i32>} : memref<784xi32, #tpu.memory_space<vmem>>, vector<16xi32>,
      %xor3A_2180 = arith.constant 2 : i32
      %xor3A_2181 = vector.broadcast %xor3A_2180 : i32 to vector<16xi32>
      %xor3A_2182 = arith.xori %add3A_2175, %xor3A_2181 : vector<16xi32>
      %gather3A_2183 = tpu.vector_load_idx %arg15[%xor3A_2182] : memref<784xf32, #tpu.memory_space<vmem>>[vector<16xi32>], vector<16xf32>,
      %gather3A_2184 = tpu.vector_load_idx %arg16[%xor3A_2182] : memref<784xi32, #tpu.memory_space<vmem>>[vector<16xi32>], vector<16xi32>,
      %lt3A_2185 = arith.cmpf olt, %gather3A_2183, %get3A_2177 : vector<16xf32>
      %eq3A_2186 = arith.cmpf oeq, %gather3A_2183, %get3A_2177 : vector<16xf32>
      %lt3A_2187 = arith.cmpi slt, %gather3A_2184, %get3A_2179 : vector<16xi32>
      %and3A_2188 = arith.andi %eq3A_2186, %lt3A_2187 : vector<16xi1>
      %or3A_2189 = arith.ori %lt3A_2185, %and3A_2188 : vector<16xi1>
      %and3A_2190 = arith.constant 32 : i32
      %and3A_2191 = vector.broadcast %and3A_2190 : i32 to vector<16xi32>
      %and3A_2192 = arith.andi %add3A_2175, %and3A_2191 : vector<16xi32>
      %ne3A_2193 = arith.constant 0 : i32
      %ne3A_2194 = vector.broadcast %ne3A_2193 : i32 to vector<16xi32>
      %ne3A_2195 = arith.cmpi ne, %and3A_2192, %ne3A_2194 : vector<16xi32>
      %and3A_2196 = arith.constant 2 : i32
      %and3A_2197 = vector.broadcast %and3A_2196 : i32 to vector<16xi32>
      %and3A_2198 = arith.andi %add3A_2175, %and3A_2197 : vector<16xi32>
      %eq3A_2199 = arith.constant 0 : i32
      %eq3A_2200 = vector.broadcast %eq3A_2199 : i32 to vector<16xi32>
      %eq3A_2201 = arith.cmpi eq, %and3A_2198, %eq3A_2200 : vector<16xi32>
      %ne3A_2202 = arith.xori %eq3A_2201, %ne3A_2195 : vector<16xi1>
      %eq3A_2203 = arith.xori %ne3A_2202, %or3A_2189 : vector<16xi1>
      %eq3A_2204 = arith.constant dense<true> : vector<16xi1>
      %eq3A_2205 = arith.xori %eq3A_2203, %eq3A_2204 : vector<16xi1>
      %select_n3A_2206 = arith.select %eq3A_2205, %gather3A_2183, %get3A_2177 : vector<16xi1>, vector<16xf32>
      %select_n3A_2207 = arith.select %eq3A_2205, %gather3A_2184, %get3A_2179 : vector<16xi1>, vector<16xi32>
      %add3A_2208 = arith.constant 48 : i32
      %add3A_2209 = vector.broadcast %add3A_2208 : i32 to vector<16xi32>
      %add3A_2210 = arith.addi %iota3A, %add3A_2209 : vector<16xi32>
      %get3A_2211 = arith.constant 48 : index
      %get3A_2212 = tpu.vector_load %arg15[%get3A_2211] {strides = array<i32>} : memref<784xf32, #tpu.memory_space<vmem>>, vector<16xf32>,
      %get3A_2213 = arith.constant 48 : index
      %get3A_2214 = tpu.vector_load %arg16[%get3A_2213] {strides = array<i32>} : memref<784xi32, #tpu.memory_space<vmem>>, vector<16xi32>,
      %xor3A_2215 = arith.constant 2 : i32
      %xor3A_2216 = vector.broadcast %xor3A_2215 : i32 to vector<16xi32>
      %xor3A_2217 = arith.xori %add3A_2210, %xor3A_2216 : vector<16xi32>
      %gather3A_2218 = tpu.vector_load_idx %arg15[%xor3A_2217] : memref<784xf32, #tpu.memory_space<vmem>>[vector<16xi32>], vector<16xf32>,
      %gather3A_2219 = tpu.vector_load_idx %arg16[%xor3A_2217] : memref<784xi32, #tpu.memory_space<vmem>>[vector<16xi32>], vector<16xi32>,
      %lt3A_2220 = arith.cmpf olt, %gather3A_2218, %get3A_2212 : vector<16xf32>
      %eq3A_2221 = arith.cmpf oeq, %gather3A_2218, %get3A_2212 : vector<16xf32>
      %lt3A_2222 = arith.cmpi slt, %gather3A_2219, %get3A_2214 : vector<16xi32>
      %and3A_2223 = arith.andi %eq3A_2221, %lt3A_2222 : vector<16xi1>
      %or3A_2224 = arith.ori %lt3A_2220, %and3A_2223 : vector<16xi1>
      %and3A_2225 = arith.constant 32 : i32
      %and3A_2226 = vector.broadcast %and3A_2225 : i32 to vector<16xi32>
      %and3A_2227 = arith.andi %add3A_2210, %and3A_2226 : vector<16xi32>
      %ne3A_2228 = arith.constant 0 : i32
      %ne3A_2229 = vector.broadcast %ne3A_2228 : i32 to vector<16xi32>
      %ne3A_2230 = arith.cmpi ne, %and3A_2227, %ne3A_2229 : vector<16xi32>
      %and3A_2231 = arith.constant 2 : i32
      %and3A_2232 = vector.broadcast %and3A_2231 : i32 to vector<16xi32>
      %and3A_2233 = arith.andi %add3A_2210, %and3A_2232 : vector<16xi32>
      %eq3A_2234 = arith.constant 0 : i32
      %eq3A_2235 = vector.broadcast %eq3A_2234 : i32 to vector<16xi32>
      %eq3A_2236 = arith.cmpi eq, %and3A_2233, %eq3A_2235 : vector<16xi32>
      %ne3A_2237 = arith.xori %eq3A_2236, %ne3A_2230 : vector<16xi1>
      %eq3A_2238 = arith.xori %ne3A_2237, %or3A_2224 : vector<16xi1>
      %eq3A_2239 = arith.constant dense<true> : vector<16xi1>
      %eq3A_2240 = arith.xori %eq3A_2238, %eq3A_2239 : vector<16xi1>
      %select_n3A_2241 = arith.select %eq3A_2240, %gather3A_2218, %get3A_2212 : vector<16xi1>, vector<16xf32>
      %select_n3A_2242 = arith.select %eq3A_2240, %gather3A_2219, %get3A_2214 : vector<16xi1>, vector<16xi32>
      %swap3A_2243 = arith.constant 0 : index
      %swap3A_2244 = tpu.vector_load %arg15[%swap3A_2243] {strides = array<i32>} : memref<784xf32, #tpu.memory_space<vmem>>, vector<16xf32>,
      tpu.vector_store %arg15[%swap3A_2243], %select_n3A_2136 {strides = array<i32>} : memref<784xf32, #tpu.memory_space<vmem>>, vector<16xf32>,
      %swap3A_2245 = arith.constant 0 : index
      %swap3A_2246 = tpu.vector_load %arg16[%swap3A_2245] {strides = array<i32>} : memref<784xi32, #tpu.memory_space<vmem>>, vector<16xi32>,
      tpu.vector_store %arg16[%swap3A_2245], %select_n3A_2137 {strides = array<i32>} : memref<784xi32, #tpu.memory_space<vmem>>, vector<16xi32>,
      %swap3A_2247 = arith.constant 16 : index
      %swap3A_2248 = tpu.vector_load %arg15[%swap3A_2247] {strides = array<i32>} : memref<784xf32, #tpu.memory_space<vmem>>, vector<16xf32>,
      tpu.vector_store %arg15[%swap3A_2247], %select_n3A_2171 {strides = array<i32>} : memref<784xf32, #tpu.memory_space<vmem>>, vector<16xf32>,
      %swap3A_2249 = arith.constant 16 : index
      %swap3A_2250 = tpu.vector_load %arg16[%swap3A_2249] {strides = array<i32>} : memref<784xi32, #tpu.memory_space<vmem>>, vector<16xi32>,
      tpu.vector_store %arg16[%swap3A_2249], %select_n3A_2172 {strides = array<i32>} : memref<784xi32, #tpu.memory_space<vmem>>, vector<16xi32>,
      %swap3A_2251 = arith.constant 32 : index
      %swap3A_2252 = tpu.vector_load %arg15[%swap3A_2251] {strides = array<i32>} : memref<784xf32, #tpu.memory_space<vmem>>, vector<16xf32>,
      tpu.vector_store %arg15[%swap3A_2251], %select_n3A_2206 {strides = array<i32>} : memref<784xf32, #tpu.memory_space<vmem>>, vector<16xf32>,
      %swap3A_2253 = arith.constant 32 : index
      %swap3A_2254 = tpu.vector_load %arg16[%swap3A_2253] {strides = array<i32>} : memref<784xi32, #tpu.memory_space<vmem>>, vector<16xi32>,
      tpu.vector_store %arg16[%swap3A_2253], %select_n3A_2207 {strides = array<i32>} : memref<784xi32, #tpu.memory_space<vmem>>, vector<16xi32>,
      %swap3A_2255 = arith.constant 48 : index
      %swap3A_2256 = tpu.vector_load %arg15[%swap3A_2255] {strides = array<i32>} : memref<784xf32, #tpu.memory_space<vmem>>, vector<16xf32>,
      tpu.vector_store %arg15[%swap3A_2255], %select_n3A_2241 {strides = array<i32>} : memref<784xf32, #tpu.memory_space<vmem>>, vector<16xf32>,
      %swap3A_2257 = arith.constant 48 : index
      %swap3A_2258 = tpu.vector_load %arg16[%swap3A_2257] {strides = array<i32>} : memref<784xi32, #tpu.memory_space<vmem>>, vector<16xi32>,
      tpu.vector_store %arg16[%swap3A_2257], %select_n3A_2242 {strides = array<i32>} : memref<784xi32, #tpu.memory_space<vmem>>, vector<16xi32>,
      %add3A_2259 = arith.constant 0 : i32
      %add3A_2260 = vector.broadcast %add3A_2259 : i32 to vector<16xi32>
      %add3A_2261 = arith.addi %iota3A, %add3A_2260 : vector<16xi32>
      %get3A_2262 = arith.constant 0 : index
      %get3A_2263 = tpu.vector_load %arg15[%get3A_2262] {strides = array<i32>} : memref<784xf32, #tpu.memory_space<vmem>>, vector<16xf32>,
      %get3A_2264 = arith.constant 0 : index
      %get3A_2265 = tpu.vector_load %arg16[%get3A_2264] {strides = array<i32>} : memref<784xi32, #tpu.memory_space<vmem>>, vector<16xi32>,
      %xor3A_2266 = arith.constant 1 : i32
      %xor3A_2267 = vector.broadcast %xor3A_2266 : i32 to vector<16xi32>
      %xor3A_2268 = arith.xori %add3A_2261, %xor3A_2267 : vector<16xi32>
      %gather3A_2269 = tpu.vector_load_idx %arg15[%xor3A_2268] : memref<784xf32, #tpu.memory_space<vmem>>[vector<16xi32>], vector<16xf32>,
      %gather3A_2270 = tpu.vector_load_idx %arg16[%xor3A_2268] : memref<784xi32, #tpu.memory_space<vmem>>[vector<16xi32>], vector<16xi32>,
      %lt3A_2271 = arith.cmpf olt, %gather3A_2269, %get3A_2263 : vector<16xf32>
      %eq3A_2272 = arith.cmpf oeq, %gather3A_2269, %get3A_2263 : vector<16xf32>
      %lt3A_2273 = arith.cmpi slt, %gather3A_2270, %get3A_2265 : vector<16xi32>
      %and3A_2274 = arith.andi %eq3A_2272, %lt3A_2273 : vector<16xi1>
      %or3A_2275 = arith.ori %lt3A_2271, %and3A_2274 : vector<16xi1>
      %and3A_2276 = arith.constant 32 : i32
      %and3A_2277 = vector.broadcast %and3A_2276 : i32 to vector<16xi32>
      %and3A_2278 = arith.andi %add3A_2261, %and3A_2277 : vector<16xi32>
      %ne3A_2279 = arith.constant 0 : i32
      %ne3A_2280 = vector.broadcast %ne3A_2279 : i32 to vector<16xi32>
      %ne3A_2281 = arith.cmpi ne, %and3A_2278, %ne3A_2280 : vector<16xi32>
      %and3A_2282 = arith.constant 1 : i32
      %and3A_2283 = vector.broadcast %and3A_2282 : i32 to vector<16xi32>
      %and3A_2284 = arith.andi %add3A_2261, %and3A_2283 : vector<16xi32>
      %eq3A_2285 = arith.constant 0 : i32
      %eq3A_2286 = vector.broadcast %eq3A_2285 : i32 to vector<16xi32>
      %eq3A_2287 = arith.cmpi eq, %and3A_2284, %eq3A_2286 : vector<16xi32>
      %ne3A_2288 = arith.xori %eq3A_2287, %ne3A_2281 : vector<16xi1>
      %eq3A_2289 = arith.xori %ne3A_2288, %or3A_2275 : vector<16xi1>
      %eq3A_2290 = arith.constant dense<true> : vector<16xi1>
      %eq3A_2291 = arith.xori %eq3A_2289, %eq3A_2290 : vector<16xi1>
      %select_n3A_2292 = arith.select %eq3A_2291, %gather3A_2269, %get3A_2263 : vector<16xi1>, vector<16xf32>
      %select_n3A_2293 = arith.select %eq3A_2291, %gather3A_2270, %get3A_2265 : vector<16xi1>, vector<16xi32>
      %add3A_2294 = arith.constant 16 : i32
      %add3A_2295 = vector.broadcast %add3A_2294 : i32 to vector<16xi32>
      %add3A_2296 = arith.addi %iota3A, %add3A_2295 : vector<16xi32>
      %get3A_2297 = arith.constant 16 : index
      %get3A_2298 = tpu.vector_load %arg15[%get3A_2297] {strides = array<i32>} : memref<784xf32, #tpu.memory_space<vmem>>, vector<16xf32>,
      %get3A_2299 = arith.constant 16 : index
      %get3A_2300 = tpu.vector_load %arg16[%get3A_2299] {strides = array<i32>} : memref<784xi32, #tpu.memory_space<vmem>>, vector<16xi32>,
      %xor3A_2301 = arith.constant 1 : i32
      %xor3A_2302 = vector.broadcast %xor3A_2301 : i32 to vector<16xi32>
      %xor3A_2303 = arith.xori %add3A_2296, %xor3A_2302 : vector<16xi32>
      %gather3A_2304 = tpu.vector_load_idx %arg15[%xor3A_2303] : memref<784xf32, #tpu.memory_space<vmem>>[vector<16xi32>], vector<16xf32>,
      %gather3A_2305 = tpu.vector_load_idx %arg16[%xor3A_2303] : memref<784xi32, #tpu.memory_space<vmem>>[vector<16xi32>], vector<16xi32>,
      %lt3A_2306 = arith.cmpf olt, %gather3A_2304, %get3A_2298 : vector<16xf32>
      %eq3A_2307 = arith.cmpf oeq, %gather3A_2304, %get3A_2298 : vector<16xf32>
      %lt3A_2308 = arith.cmpi slt, %gather3A_2305, %get3A_2300 : vector<16xi32>
      %and3A_2309 = arith.andi %eq3A_2307, %lt3A_2308 : vector<16xi1>
      %or3A_2310 = arith.ori %lt3A_2306, %and3A_2309 : vector<16xi1>
      %and3A_2311 = arith.constant 32 : i32
      %and3A_2312 = vector.broadcast %and3A_2311 : i32 to vector<16xi32>
      %and3A_2313 = arith.andi %add3A_2296, %and3A_2312 : vector<16xi32>
      %ne3A_2314 = arith.constant 0 : i32
      %ne3A_2315 = vector.broadcast %ne3A_2314 : i32 to vector<16xi32>
      %ne3A_2316 = arith.cmpi ne, %and3A_2313, %ne3A_2315 : vector<16xi32>
      %and3A_2317 = arith.constant 1 : i32
      %and3A_2318 = vector.broadcast %and3A_2317 : i32 to vector<16xi32>
      %and3A_2319 = arith.andi %add3A_2296, %and3A_2318 : vector<16xi32>
      %eq3A_2320 = arith.constant 0 : i32
      %eq3A_2321 = vector.broadcast %eq3A_2320 : i32 to vector<16xi32>
      %eq3A_2322 = arith.cmpi eq, %and3A_2319, %eq3A_2321 : vector<16xi32>
      %ne3A_2323 = arith.xori %eq3A_2322, %ne3A_2316 : vector<16xi1>
      %eq3A_2324 = arith.xori %ne3A_2323, %or3A_2310 : vector<16xi1>
      %eq3A_2325 = arith.constant dense<true> : vector<16xi1>
      %eq3A_2326 = arith.xori %eq3A_2324, %eq3A_2325 : vector<16xi1>
      %select_n3A_2327 = arith.select %eq3A_2326, %gather3A_2304, %get3A_2298 : vector<16xi1>, vector<16xf32>
      %select_n3A_2328 = arith.select %eq3A_2326, %gather3A_2305, %get3A_2300 : vector<16xi1>, vector<16xi32>
      %add3A_2329 = arith.constant 32 : i32
      %add3A_2330 = vector.broadcast %add3A_2329 : i32 to vector<16xi32>
      %add3A_2331 = arith.addi %iota3A, %add3A_2330 : vector<16xi32>
      %get3A_2332 = arith.constant 32 : index
      %get3A_2333 = tpu.vector_load %arg15[%get3A_2332] {strides = array<i32>} : memref<784xf32, #tpu.memory_space<vmem>>, vector<16xf32>,
      %get3A_2334 = arith.constant 32 : index
      %get3A_2335 = tpu.vector_load %arg16[%get3A_2334] {strides = array<i32>} : memref<784xi32, #tpu.memory_space<vmem>>, vector<16xi32>,
      %xor3A_2336 = arith.constant 1 : i32
      %xor3A_2337 = vector.broadcast %xor3A_2336 : i32 to vector<16xi32>
      %xor3A_2338 = arith.xori %add3A_2331, %xor3A_2337 : vector<16xi32>
      %gather3A_2339 = tpu.vector_load_idx %arg15[%xor3A_2338] : memref<784xf32, #tpu.memory_space<vmem>>[vector<16xi32>], vector<16xf32>,
      %gather3A_2340 = tpu.vector_load_idx %arg16[%xor3A_2338] : memref<784xi32, #tpu.memory_space<vmem>>[vector<16xi32>], vector<16xi32>,
      %lt3A_2341 = arith.cmpf olt, %gather3A_2339, %get3A_2333 : vector<16xf32>
      %eq3A_2342 = arith.cmpf oeq, %gather3A_2339, %get3A_2333 : vector<16xf32>
      %lt3A_2343 = arith.cmpi slt, %gather3A_2340, %get3A_2335 : vector<16xi32>
      %and3A_2344 = arith.andi %eq3A_2342, %lt3A_2343 : vector<16xi1>
      %or3A_2345 = arith.ori %lt3A_2341, %and3A_2344 : vector<16xi1>
      %and3A_2346 = arith.constant 32 : i32
      %and3A_2347 = vector.broadcast %and3A_2346 : i32 to vector<16xi32>
      %and3A_2348 = arith.andi %add3A_2331, %and3A_2347 : vector<16xi32>
      %ne3A_2349 = arith.constant 0 : i32
      %ne3A_2350 = vector.broadcast %ne3A_2349 : i32 to vector<16xi32>
      %ne3A_2351 = arith.cmpi ne, %and3A_2348, %ne3A_2350 : vector<16xi32>
      %and3A_2352 = arith.constant 1 : i32
      %and3A_2353 = vector.broadcast %and3A_2352 : i32 to vector<16xi32>
      %and3A_2354 = arith.andi %add3A_2331, %and3A_2353 : vector<16xi32>
      %eq3A_2355 = arith.constant 0 : i32
      %eq3A_2356 = vector.broadcast %eq3A_2355 : i32 to vector<16xi32>
      %eq3A_2357 = arith.cmpi eq, %and3A_2354, %eq3A_2356 : vector<16xi32>
      %ne3A_2358 = arith.xori %eq3A_2357, %ne3A_2351 : vector<16xi1>
      %eq3A_2359 = arith.xori %ne3A_2358, %or3A_2345 : vector<16xi1>
      %eq3A_2360 = arith.constant dense<true> : vector<16xi1>
      %eq3A_2361 = arith.xori %eq3A_2359, %eq3A_2360 : vector<16xi1>
      %select_n3A_2362 = arith.select %eq3A_2361, %gather3A_2339, %get3A_2333 : vector<16xi1>, vector<16xf32>
      %select_n3A_2363 = arith.select %eq3A_2361, %gather3A_2340, %get3A_2335 : vector<16xi1>, vector<16xi32>
      %add3A_2364 = arith.constant 48 : i32
      %add3A_2365 = vector.broadcast %add3A_2364 : i32 to vector<16xi32>
      %add3A_2366 = arith.addi %iota3A, %add3A_2365 : vector<16xi32>
      %get3A_2367 = arith.constant 48 : index
      %get3A_2368 = tpu.vector_load %arg15[%get3A_2367] {strides = array<i32>} : memref<784xf32, #tpu.memory_space<vmem>>, vector<16xf32>,
      %get3A_2369 = arith.constant 48 : index
      %get3A_2370 = tpu.vector_load %arg16[%get3A_2369] {strides = array<i32>} : memref<784xi32, #tpu.memory_space<vmem>>, vector<16xi32>,
      %xor3A_2371 = arith.constant 1 : i32
      %xor3A_2372 = vector.broadcast %xor3A_2371 : i32 to vector<16xi32>
      %xor3A_2373 = arith.xori %add3A_2366, %xor3A_2372 : vector<16xi32>
      %gather3A_2374 = tpu.vector_load_idx %arg15[%xor3A_2373] : memref<784xf32, #tpu.memory_space<vmem>>[vector<16xi32>], vector<16xf32>,
      %gather3A_2375 = tpu.vector_load_idx %arg16[%xor3A_2373] : memref<784xi32, #tpu.memory_space<vmem>>[vector<16xi32>], vector<16xi32>,
      %lt3A_2376 = arith.cmpf olt, %gather3A_2374, %get3A_2368 : vector<16xf32>
      %eq3A_2377 = arith.cmpf oeq, %gather3A_2374, %get3A_2368 : vector<16xf32>
      %lt3A_2378 = arith.cmpi slt, %gather3A_2375, %get3A_2370 : vector<16xi32>
      %and3A_2379 = arith.andi %eq3A_2377, %lt3A_2378 : vector<16xi1>
      %or3A_2380 = arith.ori %lt3A_2376, %and3A_2379 : vector<16xi1>
      %and3A_2381 = arith.constant 32 : i32
      %and3A_2382 = vector.broadcast %and3A_2381 : i32 to vector<16xi32>
      %and3A_2383 = arith.andi %add3A_2366, %and3A_2382 : vector<16xi32>
      %ne3A_2384 = arith.constant 0 : i32
      %ne3A_2385 = vector.broadcast %ne3A_2384 : i32 to vector<16xi32>
      %ne3A_2386 = arith.cmpi ne, %and3A_2383, %ne3A_2385 : vector<16xi32>
      %and3A_2387 = arith.constant 1 : i32
      %and3A_2388 = vector.broadcast %and3A_2387 : i32 to vector<16xi32>
      %and3A_2389 = arith.andi %add3A_2366, %and3A_2388 : vector<16xi32>
      %eq3A_2390 = arith.constant 0 : i32
      %eq3A_2391 = vector.broadcast %eq3A_2390 : i32 to vector<16xi32>
      %eq3A_2392 = arith.cmpi eq, %and3A_2389, %eq3A_2391 : vector<16xi32>
      %ne3A_2393 = arith.xori %eq3A_2392, %ne3A_2386 : vector<16xi1>
      %eq3A_2394 = arith.xori %ne3A_2393, %or3A_2380 : vector<16xi1>
      %eq3A_2395 = arith.constant dense<true> : vector<16xi1>
      %eq3A_2396 = arith.xori %eq3A_2394, %eq3A_2395 : vector<16xi1>
      %select_n3A_2397 = arith.select %eq3A_2396, %gather3A_2374, %get3A_2368 : vector<16xi1>, vector<16xf32>
      %select_n3A_2398 = arith.select %eq3A_2396, %gather3A_2375, %get3A_2370 : vector<16xi1>, vector<16xi32>
      %swap3A_2399 = arith.constant 0 : index
      %swap3A_2400 = tpu.vector_load %arg15[%swap3A_2399] {strides = array<i32>} : memref<784xf32, #tpu.memory_space<vmem>>, vector<16xf32>,
      tpu.vector_store %arg15[%swap3A_2399], %select_n3A_2292 {strides = array<i32>} : memref<784xf32, #tpu.memory_space<vmem>>, vector<16xf32>,
      %swap3A_2401 = arith.constant 0 : index
      %swap3A_2402 = tpu.vector_load %arg16[%swap3A_2401] {strides = array<i32>} : memref<784xi32, #tpu.memory_space<vmem>>, vector<16xi32>,
      tpu.vector_store %arg16[%swap3A_2401], %select_n3A_2293 {strides = array<i32>} : memref<784xi32, #tpu.memory_space<vmem>>, vector<16xi32>,
      %swap3A_2403 = arith.constant 16 : index
      %swap3A_2404 = tpu.vector_load %arg15[%swap3A_2403] {strides = array<i32>} : memref<784xf32, #tpu.memory_space<vmem>>, vector<16xf32>,
      tpu.vector_store %arg15[%swap3A_2403], %select_n3A_2327 {strides = array<i32>} : memref<784xf32, #tpu.memory_space<vmem>>, vector<16xf32>,
      %swap3A_2405 = arith.constant 16 : index
      %swap3A_2406 = tpu.vector_load %arg16[%swap3A_2405] {strides = array<i32>} : memref<784xi32, #tpu.memory_space<vmem>>, vector<16xi32>,
      tpu.vector_store %arg16[%swap3A_2405], %select_n3A_2328 {strides = array<i32>} : memref<784xi32, #tpu.memory_space<vmem>>, vector<16xi32>,
      %swap3A_2407 = arith.constant 32 : index
      %swap3A_2408 = tpu.vector_load %arg15[%swap3A_2407] {strides = array<i32>} : memref<784xf32, #tpu.memory_space<vmem>>, vector<16xf32>,
      tpu.vector_store %arg15[%swap3A_2407], %select_n3A_2362 {strides = array<i32>} : memref<784xf32, #tpu.memory_space<vmem>>, vector<16xf32>,
      %swap3A_2409 = arith.constant 32 : index
      %swap3A_2410 = tpu.vector_load %arg16[%swap3A_2409] {strides = array<i32>} : memref<784xi32, #tpu.memory_space<vmem>>, vector<16xi32>,
      tpu.vector_store %arg16[%swap3A_2409], %select_n3A_2363 {strides = array<i32>} : memref<784xi32, #tpu.memory_space<vmem>>, vector<16xi32>,
      %swap3A_2411 = arith.constant 48 : index
      %swap3A_2412 = tpu.vector_load %arg15[%swap3A_2411] {strides = array<i32>} : memref<784xf32, #tpu.memory_space<vmem>>, vector<16xf32>,
      tpu.vector_store %arg15[%swap3A_2411], %select_n3A_2397 {strides = array<i32>} : memref<784xf32, #tpu.memory_space<vmem>>, vector<16xf32>,
      %swap3A_2413 = arith.constant 48 : index
      %swap3A_2414 = tpu.vector_load %arg16[%swap3A_2413] {strides = array<i32>} : memref<784xi32, #tpu.memory_space<vmem>>, vector<16xi32>,
      tpu.vector_store %arg16[%swap3A_2413], %select_n3A_2398 {strides = array<i32>} : memref<784xi32, #tpu.memory_space<vmem>>, vector<16xi32>,
      %add3A_2415 = arith.constant 0 : i32
      %add3A_2416 = vector.broadcast %add3A_2415 : i32 to vector<16xi32>
      %add3A_2417 = arith.addi %iota3A, %add3A_2416 : vector<16xi32>
      %get3A_2418 = arith.constant 0 : index
      %get3A_2419 = tpu.vector_load %arg15[%get3A_2418] {strides = array<i32>} : memref<784xf32, #tpu.memory_space<vmem>>, vector<16xf32>,
      %get3A_2420 = arith.constant 0 : index
      %get3A_2421 = tpu.vector_load %arg16[%get3A_2420] {strides = array<i32>} : memref<784xi32, #tpu.memory_space<vmem>>, vector<16xi32>,
      %xor3A_2422 = arith.constant 32 : i32
      %xor3A_2423 = vector.broadcast %xor3A_2422 : i32 to vector<16xi32>
      %xor3A_2424 = arith.xori %add3A_2417, %xor3A_2423 : vector<16xi32>
      %gather3A_2425 = tpu.vector_load_idx %arg15[%xor3A_2424] : memref<784xf32, #tpu.memory_space<vmem>>[vector<16xi32>], vector<16xf32>,
      %gather3A_2426 = tpu.vector_load_idx %arg16[%xor3A_2424] : memref<784xi32, #tpu.memory_space<vmem>>[vector<16xi32>], vector<16xi32>,
      %lt3A_2427 = arith.cmpf olt, %gather3A_2425, %get3A_2419 : vector<16xf32>
      %eq3A_2428 = arith.cmpf oeq, %gather3A_2425, %get3A_2419 : vector<16xf32>
      %lt3A_2429 = arith.cmpi slt, %gather3A_2426, %get3A_2421 : vector<16xi32>
      %and3A_2430 = arith.andi %eq3A_2428, %lt3A_2429 : vector<16xi1>
      %or3A_2431 = arith.ori %lt3A_2427, %and3A_2430 : vector<16xi1>
      %and3A_2432 = arith.constant 64 : i32
      %and3A_2433 = vector.broadcast %and3A_2432 : i32 to vector<16xi32>
      %and3A_2434 = arith.andi %add3A_2417, %and3A_2433 : vector<16xi32>
      %ne3A_2435 = arith.constant 0 : i32
      %ne3A_2436 = vector.broadcast %ne3A_2435 : i32 to vector<16xi32>
      %ne3A_2437 = arith.cmpi ne, %and3A_2434, %ne3A_2436 : vector<16xi32>
      %and3A_2438 = arith.constant 32 : i32
      %and3A_2439 = vector.broadcast %and3A_2438 : i32 to vector<16xi32>
      %and3A_2440 = arith.andi %add3A_2417, %and3A_2439 : vector<16xi32>
      %eq3A_2441 = arith.constant 0 : i32
      %eq3A_2442 = vector.broadcast %eq3A_2441 : i32 to vector<16xi32>
      %eq3A_2443 = arith.cmpi eq, %and3A_2440, %eq3A_2442 : vector<16xi32>
      %ne3A_2444 = arith.xori %eq3A_2443, %ne3A_2437 : vector<16xi1>
      %eq3A_2445 = arith.xori %ne3A_2444, %or3A_2431 : vector<16xi1>
      %eq3A_2446 = arith.constant dense<true> : vector<16xi1>
      %eq3A_2447 = arith.xori %eq3A_2445, %eq3A_2446 : vector<16xi1>
      %select_n3A_2448 = arith.select %eq3A_2447, %gather3A_2425, %get3A_2419 : vector<16xi1>, vector<16xf32>
      %select_n3A_2449 = arith.select %eq3A_2447, %gather3A_2426, %get3A_2421 : vector<16xi1>, vector<16xi32>
      %add3A_2450 = arith.constant 16 : i32
      %add3A_2451 = vector.broadcast %add3A_2450 : i32 to vector<16xi32>
      %add3A_2452 = arith.addi %iota3A, %add3A_2451 : vector<16xi32>
      %get3A_2453 = arith.constant 16 : index
      %get3A_2454 = tpu.vector_load %arg15[%get3A_2453] {strides = array<i32>} : memref<784xf32, #tpu.memory_space<vmem>>, vector<16xf32>,
      %get3A_2455 = arith.constant 16 : index
      %get3A_2456 = tpu.vector_load %arg16[%get3A_2455] {strides = array<i32>} : memref<784xi32, #tpu.memory_space<vmem>>, vector<16xi32>,
      %xor3A_2457 = arith.constant 32 : i32
      %xor3A_2458 = vector.broadcast %xor3A_2457 : i32 to vector<16xi32>
      %xor3A_2459 = arith.xori %add3A_2452, %xor3A_2458 : vector<16xi32>
      %gather3A_2460 = tpu.vector_load_idx %arg15[%xor3A_2459] : memref<784xf32, #tpu.memory_space<vmem>>[vector<16xi32>], vector<16xf32>,
      %gather3A_2461 = tpu.vector_load_idx %arg16[%xor3A_2459] : memref<784xi32, #tpu.memory_space<vmem>>[vector<16xi32>], vector<16xi32>,
      %lt3A_2462 = arith.cmpf olt, %gather3A_2460, %get3A_2454 : vector<16xf32>
      %eq3A_2463 = arith.cmpf oeq, %gather3A_2460, %get3A_2454 : vector<16xf32>
      %lt3A_2464 = arith.cmpi slt, %gather3A_2461, %get3A_2456 : vector<16xi32>
      %and3A_2465 = arith.andi %eq3A_2463, %lt3A_2464 : vector<16xi1>
      %or3A_2466 = arith.ori %lt3A_2462, %and3A_2465 : vector<16xi1>
      %and3A_2467 = arith.constant 64 : i32
      %and3A_2468 = vector.broadcast %and3A_2467 : i32 to vector<16xi32>
      %and3A_2469 = arith.andi %add3A_2452, %and3A_2468 : vector<16xi32>
      %ne3A_2470 = arith.constant 0 : i32
      %ne3A_2471 = vector.broadcast %ne3A_2470 : i32 to vector<16xi32>
      %ne3A_2472 = arith.cmpi ne, %and3A_2469, %ne3A_2471 : vector<16xi32>
      %and3A_2473 = arith.constant 32 : i32
      %and3A_2474 = vector.broadcast %and3A_2473 : i32 to vector<16xi32>
      %and3A_2475 = arith.andi %add3A_2452, %and3A_2474 : vector<16xi32>
      %eq3A_2476 = arith.constant 0 : i32
      %eq3A_2477 = vector.broadcast %eq3A_2476 : i32 to vector<16xi32>
      %eq3A_2478 = arith.cmpi eq, %and3A_2475, %eq3A_2477 : vector<16xi32>
      %ne3A_2479 = arith.xori %eq3A_2478, %ne3A_2472 : vector<16xi1>
      %eq3A_2480 = arith.xori %ne3A_2479, %or3A_2466 : vector<16xi1>
      %eq3A_2481 = arith.constant dense<true> : vector<16xi1>
      %eq3A_2482 = arith.xori %eq3A_2480, %eq3A_2481 : vector<16xi1>
      %select_n3A_2483 = arith.select %eq3A_2482, %gather3A_2460, %get3A_2454 : vector<16xi1>, vector<16xf32>
      %select_n3A_2484 = arith.select %eq3A_2482, %gather3A_2461, %get3A_2456 : vector<16xi1>, vector<16xi32>
      %add3A_2485 = arith.constant 32 : i32
      %add3A_2486 = vector.broadcast %add3A_2485 : i32 to vector<16xi32>
      %add3A_2487 = arith.addi %iota3A, %add3A_2486 : vector<16xi32>
      %get3A_2488 = arith.constant 32 : index
      %get3A_2489 = tpu.vector_load %arg15[%get3A_2488] {strides = array<i32>} : memref<784xf32, #tpu.memory_space<vmem>>, vector<16xf32>,
      %get3A_2490 = arith.constant 32 : index
      %get3A_2491 = tpu.vector_load %arg16[%get3A_2490] {strides = array<i32>} : memref<784xi32, #tpu.memory_space<vmem>>, vector<16xi32>,
      %xor3A_2492 = arith.constant 32 : i32
      %xor3A_2493 = vector.broadcast %xor3A_2492 : i32 to vector<16xi32>
      %xor3A_2494 = arith.xori %add3A_2487, %xor3A_2493 : vector<16xi32>
      %gather3A_2495 = tpu.vector_load_idx %arg15[%xor3A_2494] : memref<784xf32, #tpu.memory_space<vmem>>[vector<16xi32>], vector<16xf32>,
      %gather3A_2496 = tpu.vector_load_idx %arg16[%xor3A_2494] : memref<784xi32, #tpu.memory_space<vmem>>[vector<16xi32>], vector<16xi32>,
      %lt3A_2497 = arith.cmpf olt, %gather3A_2495, %get3A_2489 : vector<16xf32>
      %eq3A_2498 = arith.cmpf oeq, %gather3A_2495, %get3A_2489 : vector<16xf32>
      %lt3A_2499 = arith.cmpi slt, %gather3A_2496, %get3A_2491 : vector<16xi32>
      %and3A_2500 = arith.andi %eq3A_2498, %lt3A_2499 : vector<16xi1>
      %or3A_2501 = arith.ori %lt3A_2497, %and3A_2500 : vector<16xi1>
      %and3A_2502 = arith.constant 64 : i32
      %and3A_2503 = vector.broadcast %and3A_2502 : i32 to vector<16xi32>
      %and3A_2504 = arith.andi %add3A_2487, %and3A_2503 : vector<16xi32>
      %ne3A_2505 = arith.constant 0 : i32
      %ne3A_2506 = vector.broadcast %ne3A_2505 : i32 to vector<16xi32>
      %ne3A_2507 = arith.cmpi ne, %and3A_2504, %ne3A_2506 : vector<16xi32>
      %and3A_2508 = arith.constant 32 : i32
      %and3A_2509 = vector.broadcast %and3A_2508 : i32 to vector<16xi32>
      %and3A_2510 = arith.andi %add3A_2487, %and3A_2509 : vector<16xi32>
      %eq3A_2511 = arith.constant 0 : i32
      %eq3A_2512 = vector.broadcast %eq3A_2511 : i32 to vector<16xi32>
      %eq3A_2513 = arith.cmpi eq, %and3A_2510, %eq3A_2512 : vector<16xi32>
      %ne3A_2514 = arith.xori %eq3A_2513, %ne3A_2507 : vector<16xi1>
      %eq3A_2515 = arith.xori %ne3A_2514, %or3A_2501 : vector<16xi1>
      %eq3A_2516 = arith.constant dense<true> : vector<16xi1>
      %eq3A_2517 = arith.xori %eq3A_2515, %eq3A_2516 : vector<16xi1>
      %select_n3A_2518 = arith.select %eq3A_2517, %gather3A_2495, %get3A_2489 : vector<16xi1>, vector<16xf32>
      %select_n3A_2519 = arith.select %eq3A_2517, %gather3A_2496, %get3A_2491 : vector<16xi1>, vector<16xi32>
      %add3A_2520 = arith.constant 48 : i32
      %add3A_2521 = vector.broadcast %add3A_2520 : i32 to vector<16xi32>
      %add3A_2522 = arith.addi %iota3A, %add3A_2521 : vector<16xi32>
      %get3A_2523 = arith.constant 48 : index
      %get3A_2524 = tpu.vector_load %arg15[%get3A_2523] {strides = array<i32>} : memref<784xf32, #tpu.memory_space<vmem>>, vector<16xf32>,
      %get3A_2525 = arith.constant 48 : index
      %get3A_2526 = tpu.vector_load %arg16[%get3A_2525] {strides = array<i32>} : memref<784xi32, #tpu.memory_space<vmem>>, vector<16xi32>,
      %xor3A_2527 = arith.constant 32 : i32
      %xor3A_2528 = vector.broadcast %xor3A_2527 : i32 to vector<16xi32>
      %xor3A_2529 = arith.xori %add3A_2522, %xor3A_2528 : vector<16xi32>
      %gather3A_2530 = tpu.vector_load_idx %arg15[%xor3A_2529] : memref<784xf32, #tpu.memory_space<vmem>>[vector<16xi32>], vector<16xf32>,
      %gather3A_2531 = tpu.vector_load_idx %arg16[%xor3A_2529] : memref<784xi32, #tpu.memory_space<vmem>>[vector<16xi32>], vector<16xi32>,
      %lt3A_2532 = arith.cmpf olt, %gather3A_2530, %get3A_2524 : vector<16xf32>
      %eq3A_2533 = arith.cmpf oeq, %gather3A_2530, %get3A_2524 : vector<16xf32>
      %lt3A_2534 = arith.cmpi slt, %gather3A_2531, %get3A_2526 : vector<16xi32>
      %and3A_2535 = arith.andi %eq3A_2533, %lt3A_2534 : vector<16xi1>
      %or3A_2536 = arith.ori %lt3A_2532, %and3A_2535 : vector<16xi1>
      %and3A_2537 = arith.constant 64 : i32
      %and3A_2538 = vector.broadcast %and3A_2537 : i32 to vector<16xi32>
      %and3A_2539 = arith.andi %add3A_2522, %and3A_2538 : vector<16xi32>
      %ne3A_2540 = arith.constant 0 : i32
      %ne3A_2541 = vector.broadcast %ne3A_2540 : i32 to vector<16xi32>
      %ne3A_2542 = arith.cmpi ne, %and3A_2539, %ne3A_2541 : vector<16xi32>
      %and3A_2543 = arith.constant 32 : i32
      %and3A_2544 = vector.broadcast %and3A_2543 : i32 to vector<16xi32>
      %and3A_2545 = arith.andi %add3A_2522, %and3A_2544 : vector<16xi32>
      %eq3A_2546 = arith.constant 0 : i32
      %eq3A_2547 = vector.broadcast %eq3A_2546 : i32 to vector<16xi32>
      %eq3A_2548 = arith.cmpi eq, %and3A_2545, %eq3A_2547 : vector<16xi32>
      %ne3A_2549 = arith.xori %eq3A_2548, %ne3A_2542 : vector<16xi1>
      %eq3A_2550 = arith.xori %ne3A_2549, %or3A_2536 : vector<16xi1>
      %eq3A_2551 = arith.constant dense<true> : vector<16xi1>
      %eq3A_2552 = arith.xori %eq3A_2550, %eq3A_2551 : vector<16xi1>
      %select_n3A_2553 = arith.select %eq3A_2552, %gather3A_2530, %get3A_2524 : vector<16xi1>, vector<16xf32>
      %select_n3A_2554 = arith.select %eq3A_2552, %gather3A_2531, %get3A_2526 : vector<16xi1>, vector<16xi32>
      %swap3A_2555 = arith.constant 0 : index
      %swap3A_2556 = tpu.vector_load %arg15[%swap3A_2555] {strides = array<i32>} : memref<784xf32, #tpu.memory_space<vmem>>, vector<16xf32>,
      tpu.vector_store %arg15[%swap3A_2555], %select_n3A_2448 {strides = array<i32>} : memref<784xf32, #tpu.memory_space<vmem>>, vector<16xf32>,
      %swap3A_2557 = arith.constant 0 : index
      %swap3A_2558 = tpu.vector_load %arg16[%swap3A_2557] {strides = array<i32>} : memref<784xi32, #tpu.memory_space<vmem>>, vector<16xi32>,
      tpu.vector_store %arg16[%swap3A_2557], %select_n3A_2449 {strides = array<i32>} : memref<784xi32, #tpu.memory_space<vmem>>, vector<16xi32>,
      %swap3A_2559 = arith.constant 16 : index
      %swap3A_2560 = tpu.vector_load %arg15[%swap3A_2559] {strides = array<i32>} : memref<784xf32, #tpu.memory_space<vmem>>, vector<16xf32>,
      tpu.vector_store %arg15[%swap3A_2559], %select_n3A_2483 {strides = array<i32>} : memref<784xf32, #tpu.memory_space<vmem>>, vector<16xf32>,
      %swap3A_2561 = arith.constant 16 : index
      %swap3A_2562 = tpu.vector_load %arg16[%swap3A_2561] {strides = array<i32>} : memref<784xi32, #tpu.memory_space<vmem>>, vector<16xi32>,
      tpu.vector_store %arg16[%swap3A_2561], %select_n3A_2484 {strides = array<i32>} : memref<784xi32, #tpu.memory_space<vmem>>, vector<16xi32>,
      %swap3A_2563 = arith.constant 32 : index
      %swap3A_2564 = tpu.vector_load %arg15[%swap3A_2563] {strides = array<i32>} : memref<784xf32, #tpu.memory_space<vmem>>, vector<16xf32>,
      tpu.vector_store %arg15[%swap3A_2563], %select_n3A_2518 {strides = array<i32>} : memref<784xf32, #tpu.memory_space<vmem>>, vector<16xf32>,
      %swap3A_2565 = arith.constant 32 : index
      %swap3A_2566 = tpu.vector_load %arg16[%swap3A_2565] {strides = array<i32>} : memref<784xi32, #tpu.memory_space<vmem>>, vector<16xi32>,
      tpu.vector_store %arg16[%swap3A_2565], %select_n3A_2519 {strides = array<i32>} : memref<784xi32, #tpu.memory_space<vmem>>, vector<16xi32>,
      %swap3A_2567 = arith.constant 48 : index
      %swap3A_2568 = tpu.vector_load %arg15[%swap3A_2567] {strides = array<i32>} : memref<784xf32, #tpu.memory_space<vmem>>, vector<16xf32>,
      tpu.vector_store %arg15[%swap3A_2567], %select_n3A_2553 {strides = array<i32>} : memref<784xf32, #tpu.memory_space<vmem>>, vector<16xf32>,
      %swap3A_2569 = arith.constant 48 : index
      %swap3A_2570 = tpu.vector_load %arg16[%swap3A_2569] {strides = array<i32>} : memref<784xi32, #tpu.memory_space<vmem>>, vector<16xi32>,
      tpu.vector_store %arg16[%swap3A_2569], %select_n3A_2554 {strides = array<i32>} : memref<784xi32, #tpu.memory_space<vmem>>, vector<16xi32>,
      %add3A_2571 = arith.constant 0 : i32
      %add3A_2572 = vector.broadcast %add3A_2571 : i32 to vector<16xi32>
      %add3A_2573 = arith.addi %iota3A, %add3A_2572 : vector<16xi32>
      %get3A_2574 = arith.constant 0 : index
      %get3A_2575 = tpu.vector_load %arg15[%get3A_2574] {strides = array<i32>} : memref<784xf32, #tpu.memory_space<vmem>>, vector<16xf32>,
      %get3A_2576 = arith.constant 0 : index
      %get3A_2577 = tpu.vector_load %arg16[%get3A_2576] {strides = array<i32>} : memref<784xi32, #tpu.memory_space<vmem>>, vector<16xi32>,
      %xor3A_2578 = arith.constant 16 : i32
      %xor3A_2579 = vector.broadcast %xor3A_2578 : i32 to vector<16xi32>
      %xor3A_2580 = arith.xori %add3A_2573, %xor3A_2579 : vector<16xi32>
      %gather3A_2581 = tpu.vector_load_idx %arg15[%xor3A_2580] : memref<784xf32, #tpu.memory_space<vmem>>[vector<16xi32>], vector<16xf32>,
      %gather3A_2582 = tpu.vector_load_idx %arg16[%xor3A_2580] : memref<784xi32, #tpu.memory_space<vmem>>[vector<16xi32>], vector<16xi32>,
      %lt3A_2583 = arith.cmpf olt, %gather3A_2581, %get3A_2575 : vector<16xf32>
      %eq3A_2584 = arith.cmpf oeq, %gather3A_2581, %get3A_2575 : vector<16xf32>
      %lt3A_2585 = arith.cmpi slt, %gather3A_2582, %get3A_2577 : vector<16xi32>
      %and3A_2586 = arith.andi %eq3A_2584, %lt3A_2585 : vector<16xi1>
      %or3A_2587 = arith.ori %lt3A_2583, %and3A_2586 : vector<16xi1>
      %and3A_2588 = arith.constant 64 : i32
      %and3A_2589 = vector.broadcast %and3A_2588 : i32 to vector<16xi32>
      %and3A_2590 = arith.andi %add3A_2573, %and3A_2589 : vector<16xi32>
      %ne3A_2591 = arith.constant 0 : i32
      %ne3A_2592 = vector.broadcast %ne3A_2591 : i32 to vector<16xi32>
      %ne3A_2593 = arith.cmpi ne, %and3A_2590, %ne3A_2592 : vector<16xi32>
      %and3A_2594 = arith.constant 16 : i32
      %and3A_2595 = vector.broadcast %and3A_2594 : i32 to vector<16xi32>
      %and3A_2596 = arith.andi %add3A_2573, %and3A_2595 : vector<16xi32>
      %eq3A_2597 = arith.constant 0 : i32
      %eq3A_2598 = vector.broadcast %eq3A_2597 : i32 to vector<16xi32>
      %eq3A_2599 = arith.cmpi eq, %and3A_2596, %eq3A_2598 : vector<16xi32>
      %ne3A_2600 = arith.xori %eq3A_2599, %ne3A_2593 : vector<16xi1>
      %eq3A_2601 = arith.xori %ne3A_2600, %or3A_2587 : vector<16xi1>
      %eq3A_2602 = arith.constant dense<true> : vector<16xi1>
      %eq3A_2603 = arith.xori %eq3A_2601, %eq3A_2602 : vector<16xi1>
      %select_n3A_2604 = arith.select %eq3A_2603, %gather3A_2581, %get3A_2575 : vector<16xi1>, vector<16xf32>
      %select_n3A_2605 = arith.select %eq3A_2603, %gather3A_2582, %get3A_2577 : vector<16xi1>, vector<16xi32>
      %add3A_2606 = arith.constant 16 : i32
      %add3A_2607 = vector.broadcast %add3A_2606 : i32 to vector<16xi32>
      %add3A_2608 = arith.addi %iota3A, %add3A_2607 : vector<16xi32>
      %get3A_2609 = arith.constant 16 : index
      %get3A_2610 = tpu.vector_load %arg15[%get3A_2609] {strides = array<i32>} : memref<784xf32, #tpu.memory_space<vmem>>, vector<16xf32>,
      %get3A_2611 = arith.constant 16 : index
      %get3A_2612 = tpu.vector_load %arg16[%get3A_2611] {strides = array<i32>} : memref<784xi32, #tpu.memory_space<vmem>>, vector<16xi32>,
      %xor3A_2613 = arith.constant 16 : i32
      %xor3A_2614 = vector.broadcast %xor3A_2613 : i32 to vector<16xi32>
      %xor3A_2615 = arith.xori %add3A_2608, %xor3A_2614 : vector<16xi32>
      %gather3A_2616 = tpu.vector_load_idx %arg15[%xor3A_2615] : memref<784xf32, #tpu.memory_space<vmem>>[vector<16xi32>], vector<16xf32>,
      %gather3A_2617 = tpu.vector_load_idx %arg16[%xor3A_2615] : memref<784xi32, #tpu.memory_space<vmem>>[vector<16xi32>], vector<16xi32>,
      %lt3A_2618 = arith.cmpf olt, %gather3A_2616, %get3A_2610 : vector<16xf32>
      %eq3A_2619 = arith.cmpf oeq, %gather3A_2616, %get3A_2610 : vector<16xf32>
      %lt3A_2620 = arith.cmpi slt, %gather3A_2617, %get3A_2612 : vector<16xi32>
      %and3A_2621 = arith.andi %eq3A_2619, %lt3A_2620 : vector<16xi1>
      %or3A_2622 = arith.ori %lt3A_2618, %and3A_2621 : vector<16xi1>
      %and3A_2623 = arith.constant 64 : i32
      %and3A_2624 = vector.broadcast %and3A_2623 : i32 to vector<16xi32>
      %and3A_2625 = arith.andi %add3A_2608, %and3A_2624 : vector<16xi32>
      %ne3A_2626 = arith.constant 0 : i32
      %ne3A_2627 = vector.broadcast %ne3A_2626 : i32 to vector<16xi32>
      %ne3A_2628 = arith.cmpi ne, %and3A_2625, %ne3A_2627 : vector<16xi32>
      %and3A_2629 = arith.constant 16 : i32
      %and3A_2630 = vector.broadcast %and3A_2629 : i32 to vector<16xi32>
      %and3A_2631 = arith.andi %add3A_2608, %and3A_2630 : vector<16xi32>
      %eq3A_2632 = arith.constant 0 : i32
      %eq3A_2633 = vector.broadcast %eq3A_2632 : i32 to vector<16xi32>
      %eq3A_2634 = arith.cmpi eq, %and3A_2631, %eq3A_2633 : vector<16xi32>
      %ne3A_2635 = arith.xori %eq3A_2634, %ne3A_2628 : vector<16xi1>
      %eq3A_2636 = arith.xori %ne3A_2635, %or3A_2622 : vector<16xi1>
      %eq3A_2637 = arith.constant dense<true> : vector<16xi1>
      %eq3A_2638 = arith.xori %eq3A_2636, %eq3A_2637 : vector<16xi1>
      %select_n3A_2639 = arith.select %eq3A_2638, %gather3A_2616, %get3A_2610 : vector<16xi1>, vector<16xf32>
      %select_n3A_2640 = arith.select %eq3A_2638, %gather3A_2617, %get3A_2612 : vector<16xi1>, vector<16xi32>
      %add3A_2641 = arith.constant 32 : i32
      %add3A_2642 = vector.broadcast %add3A_2641 : i32 to vector<16xi32>
      %add3A_2643 = arith.addi %iota3A, %add3A_2642 : vector<16xi32>
      %get3A_2644 = arith.constant 32 : index
      %get3A_2645 = tpu.vector_load %arg15[%get3A_2644] {strides = array<i32>} : memref<784xf32, #tpu.memory_space<vmem>>, vector<16xf32>,
      %get3A_2646 = arith.constant 32 : index
      %get3A_2647 = tpu.vector_load %arg16[%get3A_2646] {strides = array<i32>} : memref<784xi32, #tpu.memory_space<vmem>>, vector<16xi32>,
      %xor3A_2648 = arith.constant 16 : i32
      %xor3A_2649 = vector.broadcast %xor3A_2648 : i32 to vector<16xi32>
      %xor3A_2650 = arith.xori %add3A_2643, %xor3A_2649 : vector<16xi32>
      %gather3A_2651 = tpu.vector_load_idx %arg15[%xor3A_2650] : memref<784xf32, #tpu.memory_space<vmem>>[vector<16xi32>], vector<16xf32>,
      %gather3A_2652 = tpu.vector_load_idx %arg16[%xor3A_2650] : memref<784xi32, #tpu.memory_space<vmem>>[vector<16xi32>], vector<16xi32>,
      %lt3A_2653 = arith.cmpf olt, %gather3A_2651, %get3A_2645 : vector<16xf32>
      %eq3A_2654 = arith.cmpf oeq, %gather3A_2651, %get3A_2645 : vector<16xf32>
      %lt3A_2655 = arith.cmpi slt, %gather3A_2652, %get3A_2647 : vector<16xi32>
      %and3A_2656 = arith.andi %eq3A_2654, %lt3A_2655 : vector<16xi1>
      %or3A_2657 = arith.ori %lt3A_2653, %and3A_2656 : vector<16xi1>
      %and3A_2658 = arith.constant 64 : i32
      %and3A_2659 = vector.broadcast %and3A_2658 : i32 to vector<16xi32>
      %and3A_2660 = arith.andi %add3A_2643, %and3A_2659 : vector<16xi32>
      %ne3A_2661 = arith.constant 0 : i32
      %ne3A_2662 = vector.broadcast %ne3A_2661 : i32 to vector<16xi32>
      %ne3A_2663 = arith.cmpi ne, %and3A_2660, %ne3A_2662 : vector<16xi32>
      %and3A_2664 = arith.constant 16 : i32
      %and3A_2665 = vector.broadcast %and3A_2664 : i32 to vector<16xi32>
      %and3A_2666 = arith.andi %add3A_2643, %and3A_2665 : vector<16xi32>
      %eq3A_2667 = arith.constant 0 : i32
      %eq3A_2668 = vector.broadcast %eq3A_2667 : i32 to vector<16xi32>
      %eq3A_2669 = arith.cmpi eq, %and3A_2666, %eq3A_2668 : vector<16xi32>
      %ne3A_2670 = arith.xori %eq3A_2669, %ne3A_2663 : vector<16xi1>
      %eq3A_2671 = arith.xori %ne3A_2670, %or3A_2657 : vector<16xi1>
      %eq3A_2672 = arith.constant dense<true> : vector<16xi1>
      %eq3A_2673 = arith.xori %eq3A_2671, %eq3A_2672 : vector<16xi1>
      %select_n3A_2674 = arith.select %eq3A_2673, %gather3A_2651, %get3A_2645 : vector<16xi1>, vector<16xf32>
      %select_n3A_2675 = arith.select %eq3A_2673, %gather3A_2652, %get3A_2647 : vector<16xi1>, vector<16xi32>
      %add3A_2676 = arith.constant 48 : i32
      %add3A_2677 = vector.broadcast %add3A_2676 : i32 to vector<16xi32>
      %add3A_2678 = arith.addi %iota3A, %add3A_2677 : vector<16xi32>
      %get3A_2679 = arith.constant 48 : index
      %get3A_2680 = tpu.vector_load %arg15[%get3A_2679] {strides = array<i32>} : memref<784xf32, #tpu.memory_space<vmem>>, vector<16xf32>,
      %get3A_2681 = arith.constant 48 : index
      %get3A_2682 = tpu.vector_load %arg16[%get3A_2681] {strides = array<i32>} : memref<784xi32, #tpu.memory_space<vmem>>, vector<16xi32>,
      %xor3A_2683 = arith.constant 16 : i32
      %xor3A_2684 = vector.broadcast %xor3A_2683 : i32 to vector<16xi32>
      %xor3A_2685 = arith.xori %add3A_2678, %xor3A_2684 : vector<16xi32>
      %gather3A_2686 = tpu.vector_load_idx %arg15[%xor3A_2685] : memref<784xf32, #tpu.memory_space<vmem>>[vector<16xi32>], vector<16xf32>,
      %gather3A_2687 = tpu.vector_load_idx %arg16[%xor3A_2685] : memref<784xi32, #tpu.memory_space<vmem>>[vector<16xi32>], vector<16xi32>,
      %lt3A_2688 = arith.cmpf olt, %gather3A_2686, %get3A_2680 : vector<16xf32>
      %eq3A_2689 = arith.cmpf oeq, %gather3A_2686, %get3A_2680 : vector<16xf32>
      %lt3A_2690 = arith.cmpi slt, %gather3A_2687, %get3A_2682 : vector<16xi32>
      %and3A_2691 = arith.andi %eq3A_2689, %lt3A_2690 : vector<16xi1>
      %or3A_2692 = arith.ori %lt3A_2688, %and3A_2691 : vector<16xi1>
      %and3A_2693 = arith.constant 64 : i32
      %and3A_2694 = vector.broadcast %and3A_2693 : i32 to vector<16xi32>
      %and3A_2695 = arith.andi %add3A_2678, %and3A_2694 : vector<16xi32>
      %ne3A_2696 = arith.constant 0 : i32
      %ne3A_2697 = vector.broadcast %ne3A_2696 : i32 to vector<16xi32>
      %ne3A_2698 = arith.cmpi ne, %and3A_2695, %ne3A_2697 : vector<16xi32>
      %and3A_2699 = arith.constant 16 : i32
      %and3A_2700 = vector.broadcast %and3A_2699 : i32 to vector<16xi32>
      %and3A_2701 = arith.andi %add3A_2678, %and3A_2700 : vector<16xi32>
      %eq3A_2702 = arith.constant 0 : i32
      %eq3A_2703 = vector.broadcast %eq3A_2702 : i32 to vector<16xi32>
      %eq3A_2704 = arith.cmpi eq, %and3A_2701, %eq3A_2703 : vector<16xi32>
      %ne3A_2705 = arith.xori %eq3A_2704, %ne3A_2698 : vector<16xi1>
      %eq3A_2706 = arith.xori %ne3A_2705, %or3A_2692 : vector<16xi1>
      %eq3A_2707 = arith.constant dense<true> : vector<16xi1>
      %eq3A_2708 = arith.xori %eq3A_2706, %eq3A_2707 : vector<16xi1>
      %select_n3A_2709 = arith.select %eq3A_2708, %gather3A_2686, %get3A_2680 : vector<16xi1>, vector<16xf32>
      %select_n3A_2710 = arith.select %eq3A_2708, %gather3A_2687, %get3A_2682 : vector<16xi1>, vector<16xi32>
      %swap3A_2711 = arith.constant 0 : index
      %swap3A_2712 = tpu.vector_load %arg15[%swap3A_2711] {strides = array<i32>} : memref<784xf32, #tpu.memory_space<vmem>>, vector<16xf32>,
      tpu.vector_store %arg15[%swap3A_2711], %select_n3A_2604 {strides = array<i32>} : memref<784xf32, #tpu.memory_space<vmem>>, vector<16xf32>,
      %swap3A_2713 = arith.constant 0 : index
      %swap3A_2714 = tpu.vector_load %arg16[%swap3A_2713] {strides = array<i32>} : memref<784xi32, #tpu.memory_space<vmem>>, vector<16xi32>,
      tpu.vector_store %arg16[%swap3A_2713], %select_n3A_2605 {strides = array<i32>} : memref<784xi32, #tpu.memory_space<vmem>>, vector<16xi32>,
      %swap3A_2715 = arith.constant 16 : index
      %swap3A_2716 = tpu.vector_load %arg15[%swap3A_2715] {strides = array<i32>} : memref<784xf32, #tpu.memory_space<vmem>>, vector<16xf32>,
      tpu.vector_store %arg15[%swap3A_2715], %select_n3A_2639 {strides = array<i32>} : memref<784xf32, #tpu.memory_space<vmem>>, vector<16xf32>,
      %swap3A_2717 = arith.constant 16 : index
      %swap3A_2718 = tpu.vector_load %arg16[%swap3A_2717] {strides = array<i32>} : memref<784xi32, #tpu.memory_space<vmem>>, vector<16xi32>,
      tpu.vector_store %arg16[%swap3A_2717], %select_n3A_2640 {strides = array<i32>} : memref<784xi32, #tpu.memory_space<vmem>>, vector<16xi32>,
      %swap3A_2719 = arith.constant 32 : index
      %swap3A_2720 = tpu.vector_load %arg15[%swap3A_2719] {strides = array<i32>} : memref<784xf32, #tpu.memory_space<vmem>>, vector<16xf32>,
      tpu.vector_store %arg15[%swap3A_2719], %select_n3A_2674 {strides = array<i32>} : memref<784xf32, #tpu.memory_space<vmem>>, vector<16xf32>,
      %swap3A_2721 = arith.constant 32 : index
      %swap3A_2722 = tpu.vector_load %arg16[%swap3A_2721] {strides = array<i32>} : memref<784xi32, #tpu.memory_space<vmem>>, vector<16xi32>,
      tpu.vector_store %arg16[%swap3A_2721], %select_n3A_2675 {strides = array<i32>} : memref<784xi32, #tpu.memory_space<vmem>>, vector<16xi32>,
      %swap3A_2723 = arith.constant 48 : index
      %swap3A_2724 = tpu.vector_load %arg15[%swap3A_2723] {strides = array<i32>} : memref<784xf32, #tpu.memory_space<vmem>>, vector<16xf32>,
      tpu.vector_store %arg15[%swap3A_2723], %select_n3A_2709 {strides = array<i32>} : memref<784xf32, #tpu.memory_space<vmem>>, vector<16xf32>,
      %swap3A_2725 = arith.constant 48 : index
      %swap3A_2726 = tpu.vector_load %arg16[%swap3A_2725] {strides = array<i32>} : memref<784xi32, #tpu.memory_space<vmem>>, vector<16xi32>,
      tpu.vector_store %arg16[%swap3A_2725], %select_n3A_2710 {strides = array<i32>} : memref<784xi32, #tpu.memory_space<vmem>>, vector<16xi32>,
      %add3A_2727 = arith.constant 0 : i32
      %add3A_2728 = vector.broadcast %add3A_2727 : i32 to vector<16xi32>
      %add3A_2729 = arith.addi %iota3A, %add3A_2728 : vector<16xi32>
      %get3A_2730 = arith.constant 0 : index
      %get3A_2731 = tpu.vector_load %arg15[%get3A_2730] {strides = array<i32>} : memref<784xf32, #tpu.memory_space<vmem>>, vector<16xf32>,
      %get3A_2732 = arith.constant 0 : index
      %get3A_2733 = tpu.vector_load %arg16[%get3A_2732] {strides = array<i32>} : memref<784xi32, #tpu.memory_space<vmem>>, vector<16xi32>,
      %xor3A_2734 = arith.constant 8 : i32
      %xor3A_2735 = vector.broadcast %xor3A_2734 : i32 to vector<16xi32>
      %xor3A_2736 = arith.xori %add3A_2729, %xor3A_2735 : vector<16xi32>
      %gather3A_2737 = tpu.vector_load_idx %arg15[%xor3A_2736] : memref<784xf32, #tpu.memory_space<vmem>>[vector<16xi32>], vector<16xf32>,
      %gather3A_2738 = tpu.vector_load_idx %arg16[%xor3A_2736] : memref<784xi32, #tpu.memory_space<vmem>>[vector<16xi32>], vector<16xi32>,
      %lt3A_2739 = arith.cmpf olt, %gather3A_2737, %get3A_2731 : vector<16xf32>
      %eq3A_2740 = arith.cmpf oeq, %gather3A_2737, %get3A_2731 : vector<16xf32>
      %lt3A_2741 = arith.cmpi slt, %gather3A_2738, %get3A_2733 : vector<16xi32>
      %and3A_2742 = arith.andi %eq3A_2740, %lt3A_2741 : vector<16xi1>
      %or3A_2743 = arith.ori %lt3A_2739, %and3A_2742 : vector<16xi1>
      %and3A_2744 = arith.constant 64 : i32
      %and3A_2745 = vector.broadcast %and3A_2744 : i32 to vector<16xi32>
      %and3A_2746 = arith.andi %add3A_2729, %and3A_2745 : vector<16xi32>
      %ne3A_2747 = arith.constant 0 : i32
      %ne3A_2748 = vector.broadcast %ne3A_2747 : i32 to vector<16xi32>
      %ne3A_2749 = arith.cmpi ne, %and3A_2746, %ne3A_2748 : vector<16xi32>
      %and3A_2750 = arith.constant 8 : i32
      %and3A_2751 = vector.broadcast %and3A_2750 : i32 to vector<16xi32>
      %and3A_2752 = arith.andi %add3A_2729, %and3A_2751 : vector<16xi32>
      %eq3A_2753 = arith.constant 0 : i32
      %eq3A_2754 = vector.broadcast %eq3A_2753 : i32 to vector<16xi32>
      %eq3A_2755 = arith.cmpi eq, %and3A_2752, %eq3A_2754 : vector<16xi32>
      %ne3A_2756 = arith.xori %eq3A_2755, %ne3A_2749 : vector<16xi1>
      %eq3A_2757 = arith.xori %ne3A_2756, %or3A_2743 : vector<16xi1>
      %eq3A_2758 = arith.constant dense<true> : vector<16xi1>
      %eq3A_2759 = arith.xori %eq3A_2757, %eq3A_2758 : vector<16xi1>
      %select_n3A_2760 = arith.select %eq3A_2759, %gather3A_2737, %get3A_2731 : vector<16xi1>, vector<16xf32>
      %select_n3A_2761 = arith.select %eq3A_2759, %gather3A_2738, %get3A_2733 : vector<16xi1>, vector<16xi32>
      %add3A_2762 = arith.constant 16 : i32
      %add3A_2763 = vector.broadcast %add3A_2762 : i32 to vector<16xi32>
      %add3A_2764 = arith.addi %iota3A, %add3A_2763 : vector<16xi32>
      %get3A_2765 = arith.constant 16 : index
      %get3A_2766 = tpu.vector_load %arg15[%get3A_2765] {strides = array<i32>} : memref<784xf32, #tpu.memory_space<vmem>>, vector<16xf32>,
      %get3A_2767 = arith.constant 16 : index
      %get3A_2768 = tpu.vector_load %arg16[%get3A_2767] {strides = array<i32>} : memref<784xi32, #tpu.memory_space<vmem>>, vector<16xi32>,
      %xor3A_2769 = arith.constant 8 : i32
      %xor3A_2770 = vector.broadcast %xor3A_2769 : i32 to vector<16xi32>
      %xor3A_2771 = arith.xori %add3A_2764, %xor3A_2770 : vector<16xi32>
      %gather3A_2772 = tpu.vector_load_idx %arg15[%xor3A_2771] : memref<784xf32, #tpu.memory_space<vmem>>[vector<16xi32>], vector<16xf32>,
      %gather3A_2773 = tpu.vector_load_idx %arg16[%xor3A_2771] : memref<784xi32, #tpu.memory_space<vmem>>[vector<16xi32>], vector<16xi32>,
      %lt3A_2774 = arith.cmpf olt, %gather3A_2772, %get3A_2766 : vector<16xf32>
      %eq3A_2775 = arith.cmpf oeq, %gather3A_2772, %get3A_2766 : vector<16xf32>
      %lt3A_2776 = arith.cmpi slt, %gather3A_2773, %get3A_2768 : vector<16xi32>
      %and3A_2777 = arith.andi %eq3A_2775, %lt3A_2776 : vector<16xi1>
      %or3A_2778 = arith.ori %lt3A_2774, %and3A_2777 : vector<16xi1>
      %and3A_2779 = arith.constant 64 : i32
      %and3A_2780 = vector.broadcast %and3A_2779 : i32 to vector<16xi32>
      %and3A_2781 = arith.andi %add3A_2764, %and3A_2780 : vector<16xi32>
      %ne3A_2782 = arith.constant 0 : i32
      %ne3A_2783 = vector.broadcast %ne3A_2782 : i32 to vector<16xi32>
      %ne3A_2784 = arith.cmpi ne, %and3A_2781, %ne3A_2783 : vector<16xi32>
      %and3A_2785 = arith.constant 8 : i32
      %and3A_2786 = vector.broadcast %and3A_2785 : i32 to vector<16xi32>
      %and3A_2787 = arith.andi %add3A_2764, %and3A_2786 : vector<16xi32>
      %eq3A_2788 = arith.constant 0 : i32
      %eq3A_2789 = vector.broadcast %eq3A_2788 : i32 to vector<16xi32>
      %eq3A_2790 = arith.cmpi eq, %and3A_2787, %eq3A_2789 : vector<16xi32>
      %ne3A_2791 = arith.xori %eq3A_2790, %ne3A_2784 : vector<16xi1>
      %eq3A_2792 = arith.xori %ne3A_2791, %or3A_2778 : vector<16xi1>
      %eq3A_2793 = arith.constant dense<true> : vector<16xi1>
      %eq3A_2794 = arith.xori %eq3A_2792, %eq3A_2793 : vector<16xi1>
      %select_n3A_2795 = arith.select %eq3A_2794, %gather3A_2772, %get3A_2766 : vector<16xi1>, vector<16xf32>
      %select_n3A_2796 = arith.select %eq3A_2794, %gather3A_2773, %get3A_2768 : vector<16xi1>, vector<16xi32>
      %add3A_2797 = arith.constant 32 : i32
      %add3A_2798 = vector.broadcast %add3A_2797 : i32 to vector<16xi32>
      %add3A_2799 = arith.addi %iota3A, %add3A_2798 : vector<16xi32>
      %get3A_2800 = arith.constant 32 : index
      %get3A_2801 = tpu.vector_load %arg15[%get3A_2800] {strides = array<i32>} : memref<784xf32, #tpu.memory_space<vmem>>, vector<16xf32>,
      %get3A_2802 = arith.constant 32 : index
      %get3A_2803 = tpu.vector_load %arg16[%get3A_2802] {strides = array<i32>} : memref<784xi32, #tpu.memory_space<vmem>>, vector<16xi32>,
      %xor3A_2804 = arith.constant 8 : i32
      %xor3A_2805 = vector.broadcast %xor3A_2804 : i32 to vector<16xi32>
      %xor3A_2806 = arith.xori %add3A_2799, %xor3A_2805 : vector<16xi32>
      %gather3A_2807 = tpu.vector_load_idx %arg15[%xor3A_2806] : memref<784xf32, #tpu.memory_space<vmem>>[vector<16xi32>], vector<16xf32>,
      %gather3A_2808 = tpu.vector_load_idx %arg16[%xor3A_2806] : memref<784xi32, #tpu.memory_space<vmem>>[vector<16xi32>], vector<16xi32>,
      %lt3A_2809 = arith.cmpf olt, %gather3A_2807, %get3A_2801 : vector<16xf32>
      %eq3A_2810 = arith.cmpf oeq, %gather3A_2807, %get3A_2801 : vector<16xf32>
      %lt3A_2811 = arith.cmpi slt, %gather3A_2808, %get3A_2803 : vector<16xi32>
      %and3A_2812 = arith.andi %eq3A_2810, %lt3A_2811 : vector<16xi1>
      %or3A_2813 = arith.ori %lt3A_2809, %and3A_2812 : vector<16xi1>
      %and3A_2814 = arith.constant 64 : i32
      %and3A_2815 = vector.broadcast %and3A_2814 : i32 to vector<16xi32>
      %and3A_2816 = arith.andi %add3A_2799, %and3A_2815 : vector<16xi32>
      %ne3A_2817 = arith.constant 0 : i32
      %ne3A_2818 = vector.broadcast %ne3A_2817 : i32 to vector<16xi32>
      %ne3A_2819 = arith.cmpi ne, %and3A_2816, %ne3A_2818 : vector<16xi32>
      %and3A_2820 = arith.constant 8 : i32
      %and3A_2821 = vector.broadcast %and3A_2820 : i32 to vector<16xi32>
      %and3A_2822 = arith.andi %add3A_2799, %and3A_2821 : vector<16xi32>
      %eq3A_2823 = arith.constant 0 : i32
      %eq3A_2824 = vector.broadcast %eq3A_2823 : i32 to vector<16xi32>
      %eq3A_2825 = arith.cmpi eq, %and3A_2822, %eq3A_2824 : vector<16xi32>
      %ne3A_2826 = arith.xori %eq3A_2825, %ne3A_2819 : vector<16xi1>
      %eq3A_2827 = arith.xori %ne3A_2826, %or3A_2813 : vector<16xi1>
      %eq3A_2828 = arith.constant dense<true> : vector<16xi1>
      %eq3A_2829 = arith.xori %eq3A_2827, %eq3A_2828 : vector<16xi1>
      %select_n3A_2830 = arith.select %eq3A_2829, %gather3A_2807, %get3A_2801 : vector<16xi1>, vector<16xf32>
      %select_n3A_2831 = arith.select %eq3A_2829, %gather3A_2808, %get3A_2803 : vector<16xi1>, vector<16xi32>
      %add3A_2832 = arith.constant 48 : i32
      %add3A_2833 = vector.broadcast %add3A_2832 : i32 to vector<16xi32>
      %add3A_2834 = arith.addi %iota3A, %add3A_2833 : vector<16xi32>
      %get3A_2835 = arith.constant 48 : index
      %get3A_2836 = tpu.vector_load %arg15[%get3A_2835] {strides = array<i32>} : memref<784xf32, #tpu.memory_space<vmem>>, vector<16xf32>,
      %get3A_2837 = arith.constant 48 : index
      %get3A_2838 = tpu.vector_load %arg16[%get3A_2837] {strides = array<i32>} : memref<784xi32, #tpu.memory_space<vmem>>, vector<16xi32>,
      %xor3A_2839 = arith.constant 8 : i32
      %xor3A_2840 = vector.broadcast %xor3A_2839 : i32 to vector<16xi32>
      %xor3A_2841 = arith.xori %add3A_2834, %xor3A_2840 : vector<16xi32>
      %gather3A_2842 = tpu.vector_load_idx %arg15[%xor3A_2841] : memref<784xf32, #tpu.memory_space<vmem>>[vector<16xi32>], vector<16xf32>,
      %gather3A_2843 = tpu.vector_load_idx %arg16[%xor3A_2841] : memref<784xi32, #tpu.memory_space<vmem>>[vector<16xi32>], vector<16xi32>,
      %lt3A_2844 = arith.cmpf olt, %gather3A_2842, %get3A_2836 : vector<16xf32>
      %eq3A_2845 = arith.cmpf oeq, %gather3A_2842, %get3A_2836 : vector<16xf32>
      %lt3A_2846 = arith.cmpi slt, %gather3A_2843, %get3A_2838 : vector<16xi32>
      %and3A_2847 = arith.andi %eq3A_2845, %lt3A_2846 : vector<16xi1>
      %or3A_2848 = arith.ori %lt3A_2844, %and3A_2847 : vector<16xi1>
      %and3A_2849 = arith.constant 64 : i32
      %and3A_2850 = vector.broadcast %and3A_2849 : i32 to vector<16xi32>
      %and3A_2851 = arith.andi %add3A_2834, %and3A_2850 : vector<16xi32>
      %ne3A_2852 = arith.constant 0 : i32
      %ne3A_2853 = vector.broadcast %ne3A_2852 : i32 to vector<16xi32>
      %ne3A_2854 = arith.cmpi ne, %and3A_2851, %ne3A_2853 : vector<16xi32>
      %and3A_2855 = arith.constant 8 : i32
      %and3A_2856 = vector.broadcast %and3A_2855 : i32 to vector<16xi32>
      %and3A_2857 = arith.andi %add3A_2834, %and3A_2856 : vector<16xi32>
      %eq3A_2858 = arith.constant 0 : i32
      %eq3A_2859 = vector.broadcast %eq3A_2858 : i32 to vector<16xi32>
      %eq3A_2860 = arith.cmpi eq, %and3A_2857, %eq3A_2859 : vector<16xi32>
      %ne3A_2861 = arith.xori %eq3A_2860, %ne3A_2854 : vector<16xi1>
      %eq3A_2862 = arith.xori %ne3A_2861, %or3A_2848 : vector<16xi1>
      %eq3A_2863 = arith.constant dense<true> : vector<16xi1>
      %eq3A_2864 = arith.xori %eq3A_2862, %eq3A_2863 : vector<16xi1>
      %select_n3A_2865 = arith.select %eq3A_2864, %gather3A_2842, %get3A_2836 : vector<16xi1>, vector<16xf32>
      %select_n3A_2866 = arith.select %eq3A_2864, %gather3A_2843, %get3A_2838 : vector<16xi1>, vector<16xi32>
      %swap3A_2867 = arith.constant 0 : index
      %swap3A_2868 = tpu.vector_load %arg15[%swap3A_2867] {strides = array<i32>} : memref<784xf32, #tpu.memory_space<vmem>>, vector<16xf32>,
      tpu.vector_store %arg15[%swap3A_2867], %select_n3A_2760 {strides = array<i32>} : memref<784xf32, #tpu.memory_space<vmem>>, vector<16xf32>,
      %swap3A_2869 = arith.constant 0 : index
      %swap3A_2870 = tpu.vector_load %arg16[%swap3A_2869] {strides = array<i32>} : memref<784xi32, #tpu.memory_space<vmem>>, vector<16xi32>,
      tpu.vector_store %arg16[%swap3A_2869], %select_n3A_2761 {strides = array<i32>} : memref<784xi32, #tpu.memory_space<vmem>>, vector<16xi32>,
      %swap3A_2871 = arith.constant 16 : index
      %swap3A_2872 = tpu.vector_load %arg15[%swap3A_2871] {strides = array<i32>} : memref<784xf32, #tpu.memory_space<vmem>>, vector<16xf32>,
      tpu.vector_store %arg15[%swap3A_2871], %select_n3A_2795 {strides = array<i32>} : memref<784xf32, #tpu.memory_space<vmem>>, vector<16xf32>,
      %swap3A_2873 = arith.constant 16 : index
      %swap3A_2874 = tpu.vector_load %arg16[%swap3A_2873] {strides = array<i32>} : memref<784xi32, #tpu.memory_space<vmem>>, vector<16xi32>,
      tpu.vector_store %arg16[%swap3A_2873], %select_n3A_2796 {strides = array<i32>} : memref<784xi32, #tpu.memory_space<vmem>>, vector<16xi32>,
      %swap3A_2875 = arith.constant 32 : index
      %swap3A_2876 = tpu.vector_load %arg15[%swap3A_2875] {strides = array<i32>} : memref<784xf32, #tpu.memory_space<vmem>>, vector<16xf32>,
      tpu.vector_store %arg15[%swap3A_2875], %select_n3A_2830 {strides = array<i32>} : memref<784xf32, #tpu.memory_space<vmem>>, vector<16xf32>,
      %swap3A_2877 = arith.constant 32 : index
      %swap3A_2878 = tpu.vector_load %arg16[%swap3A_2877] {strides = array<i32>} : memref<784xi32, #tpu.memory_space<vmem>>, vector<16xi32>,
      tpu.vector_store %arg16[%swap3A_2877], %select_n3A_2831 {strides = array<i32>} : memref<784xi32, #tpu.memory_space<vmem>>, vector<16xi32>,
      %swap3A_2879 = arith.constant 48 : index
      %swap3A_2880 = tpu.vector_load %arg15[%swap3A_2879] {strides = array<i32>} : memref<784xf32, #tpu.memory_space<vmem>>, vector<16xf32>,
      tpu.vector_store %arg15[%swap3A_2879], %select_n3A_2865 {strides = array<i32>} : memref<784xf32, #tpu.memory_space<vmem>>, vector<16xf32>,
      %swap3A_2881 = arith.constant 48 : index
      %swap3A_2882 = tpu.vector_load %arg16[%swap3A_2881] {strides = array<i32>} : memref<784xi32, #tpu.memory_space<vmem>>, vector<16xi32>,
      tpu.vector_store %arg16[%swap3A_2881], %select_n3A_2866 {strides = array<i32>} : memref<784xi32, #tpu.memory_space<vmem>>, vector<16xi32>,
      %add3A_2883 = arith.constant 0 : i32
      %add3A_2884 = vector.broadcast %add3A_2883 : i32 to vector<16xi32>
      %add3A_2885 = arith.addi %iota3A, %add3A_2884 : vector<16xi32>
      %get3A_2886 = arith.constant 0 : index
      %get3A_2887 = tpu.vector_load %arg15[%get3A_2886] {strides = array<i32>} : memref<784xf32, #tpu.memory_space<vmem>>, vector<16xf32>,
      %get3A_2888 = arith.constant 0 : index
      %get3A_2889 = tpu.vector_load %arg16[%get3A_2888] {strides = array<i32>} : memref<784xi32, #tpu.memory_space<vmem>>, vector<16xi32>,
      %xor3A_2890 = arith.constant 4 : i32
      %xor3A_2891 = vector.broadcast %xor3A_2890 : i32 to vector<16xi32>
      %xor3A_2892 = arith.xori %add3A_2885, %xor3A_2891 : vector<16xi32>
      %gather3A_2893 = tpu.vector_load_idx %arg15[%xor3A_2892] : memref<784xf32, #tpu.memory_space<vmem>>[vector<16xi32>], vector<16xf32>,
      %gather3A_2894 = tpu.vector_load_idx %arg16[%xor3A_2892] : memref<784xi32, #tpu.memory_space<vmem>>[vector<16xi32>], vector<16xi32>,
      %lt3A_2895 = arith.cmpf olt, %gather3A_2893, %get3A_2887 : vector<16xf32>
      %eq3A_2896 = arith.cmpf oeq, %gather3A_2893, %get3A_2887 : vector<16xf32>
      %lt3A_2897 = arith.cmpi slt, %gather3A_2894, %get3A_2889 : vector<16xi32>
      %and3A_2898 = arith.andi %eq3A_2896, %lt3A_2897 : vector<16xi1>
      %or3A_2899 = arith.ori %lt3A_2895, %and3A_2898 : vector<16xi1>
      %and3A_2900 = arith.constant 64 : i32
      %and3A_2901 = vector.broadcast %and3A_2900 : i32 to vector<16xi32>
      %and3A_2902 = arith.andi %add3A_2885, %and3A_2901 : vector<16xi32>
      %ne3A_2903 = arith.constant 0 : i32
      %ne3A_2904 = vector.broadcast %ne3A_2903 : i32 to vector<16xi32>
      %ne3A_2905 = arith.cmpi ne, %and3A_2902, %ne3A_2904 : vector<16xi32>
      %and3A_2906 = arith.constant 4 : i32
      %and3A_2907 = vector.broadcast %and3A_2906 : i32 to vector<16xi32>
      %and3A_2908 = arith.andi %add3A_2885, %and3A_2907 : vector<16xi32>
      %eq3A_2909 = arith.constant 0 : i32
      %eq3A_2910 = vector.broadcast %eq3A_2909 : i32 to vector<16xi32>
      %eq3A_2911 = arith.cmpi eq, %and3A_2908, %eq3A_2910 : vector<16xi32>
      %ne3A_2912 = arith.xori %eq3A_2911, %ne3A_2905 : vector<16xi1>
      %eq3A_2913 = arith.xori %ne3A_2912, %or3A_2899 : vector<16xi1>
      %eq3A_2914 = arith.constant dense<true> : vector<16xi1>
      %eq3A_2915 = arith.xori %eq3A_2913, %eq3A_2914 : vector<16xi1>
      %select_n3A_2916 = arith.select %eq3A_2915, %gather3A_2893, %get3A_2887 : vector<16xi1>, vector<16xf32>
      %select_n3A_2917 = arith.select %eq3A_2915, %gather3A_2894, %get3A_2889 : vector<16xi1>, vector<16xi32>
      %add3A_2918 = arith.constant 16 : i32
      %add3A_2919 = vector.broadcast %add3A_2918 : i32 to vector<16xi32>
      %add3A_2920 = arith.addi %iota3A, %add3A_2919 : vector<16xi32>
      %get3A_2921 = arith.constant 16 : index
      %get3A_2922 = tpu.vector_load %arg15[%get3A_2921] {strides = array<i32>} : memref<784xf32, #tpu.memory_space<vmem>>, vector<16xf32>,
      %get3A_2923 = arith.constant 16 : index
      %get3A_2924 = tpu.vector_load %arg16[%get3A_2923] {strides = array<i32>} : memref<784xi32, #tpu.memory_space<vmem>>, vector<16xi32>,
      %xor3A_2925 = arith.constant 4 : i32
      %xor3A_2926 = vector.broadcast %xor3A_2925 : i32 to vector<16xi32>
      %xor3A_2927 = arith.xori %add3A_2920, %xor3A_2926 : vector<16xi32>
      %gather3A_2928 = tpu.vector_load_idx %arg15[%xor3A_2927] : memref<784xf32, #tpu.memory_space<vmem>>[vector<16xi32>], vector<16xf32>,
      %gather3A_2929 = tpu.vector_load_idx %arg16[%xor3A_2927] : memref<784xi32, #tpu.memory_space<vmem>>[vector<16xi32>], vector<16xi32>,
      %lt3A_2930 = arith.cmpf olt, %gather3A_2928, %get3A_2922 : vector<16xf32>
      %eq3A_2931 = arith.cmpf oeq, %gather3A_2928, %get3A_2922 : vector<16xf32>
      %lt3A_2932 = arith.cmpi slt, %gather3A_2929, %get3A_2924 : vector<16xi32>
      %and3A_2933 = arith.andi %eq3A_2931, %lt3A_2932 : vector<16xi1>
      %or3A_2934 = arith.ori %lt3A_2930, %and3A_2933 : vector<16xi1>
      %and3A_2935 = arith.constant 64 : i32
      %and3A_2936 = vector.broadcast %and3A_2935 : i32 to vector<16xi32>
      %and3A_2937 = arith.andi %add3A_2920, %and3A_2936 : vector<16xi32>
      %ne3A_2938 = arith.constant 0 : i32
      %ne3A_2939 = vector.broadcast %ne3A_2938 : i32 to vector<16xi32>
      %ne3A_2940 = arith.cmpi ne, %and3A_2937, %ne3A_2939 : vector<16xi32>
      %and3A_2941 = arith.constant 4 : i32
      %and3A_2942 = vector.broadcast %and3A_2941 : i32 to vector<16xi32>
      %and3A_2943 = arith.andi %add3A_2920, %and3A_2942 : vector<16xi32>
      %eq3A_2944 = arith.constant 0 : i32
      %eq3A_2945 = vector.broadcast %eq3A_2944 : i32 to vector<16xi32>
      %eq3A_2946 = arith.cmpi eq, %and3A_2943, %eq3A_2945 : vector<16xi32>
      %ne3A_2947 = arith.xori %eq3A_2946, %ne3A_2940 : vector<16xi1>
      %eq3A_2948 = arith.xori %ne3A_2947, %or3A_2934 : vector<16xi1>
      %eq3A_2949 = arith.constant dense<true> : vector<16xi1>
      %eq3A_2950 = arith.xori %eq3A_2948, %eq3A_2949 : vector<16xi1>
      %select_n3A_2951 = arith.select %eq3A_2950, %gather3A_2928, %get3A_2922 : vector<16xi1>, vector<16xf32>
      %select_n3A_2952 = arith.select %eq3A_2950, %gather3A_2929, %get3A_2924 : vector<16xi1>, vector<16xi32>
      %add3A_2953 = arith.constant 32 : i32
      %add3A_2954 = vector.broadcast %add3A_2953 : i32 to vector<16xi32>
      %add3A_2955 = arith.addi %iota3A, %add3A_2954 : vector<16xi32>
      %get3A_2956 = arith.constant 32 : index
      %get3A_2957 = tpu.vector_load %arg15[%get3A_2956] {strides = array<i32>} : memref<784xf32, #tpu.memory_space<vmem>>, vector<16xf32>,
      %get3A_2958 = arith.constant 32 : index
      %get3A_2959 = tpu.vector_load %arg16[%get3A_2958] {strides = array<i32>} : memref<784xi32, #tpu.memory_space<vmem>>, vector<16xi32>,
      %xor3A_2960 = arith.constant 4 : i32
      %xor3A_2961 = vector.broadcast %xor3A_2960 : i32 to vector<16xi32>
      %xor3A_2962 = arith.xori %add3A_2955, %xor3A_2961 : vector<16xi32>
      %gather3A_2963 = tpu.vector_load_idx %arg15[%xor3A_2962] : memref<784xf32, #tpu.memory_space<vmem>>[vector<16xi32>], vector<16xf32>,
      %gather3A_2964 = tpu.vector_load_idx %arg16[%xor3A_2962] : memref<784xi32, #tpu.memory_space<vmem>>[vector<16xi32>], vector<16xi32>,
      %lt3A_2965 = arith.cmpf olt, %gather3A_2963, %get3A_2957 : vector<16xf32>
      %eq3A_2966 = arith.cmpf oeq, %gather3A_2963, %get3A_2957 : vector<16xf32>
      %lt3A_2967 = arith.cmpi slt, %gather3A_2964, %get3A_2959 : vector<16xi32>
      %and3A_2968 = arith.andi %eq3A_2966, %lt3A_2967 : vector<16xi1>
      %or3A_2969 = arith.ori %lt3A_2965, %and3A_2968 : vector<16xi1>
      %and3A_2970 = arith.constant 64 : i32
      %and3A_2971 = vector.broadcast %and3A_2970 : i32 to vector<16xi32>
      %and3A_2972 = arith.andi %add3A_2955, %and3A_2971 : vector<16xi32>
      %ne3A_2973 = arith.constant 0 : i32
      %ne3A_2974 = vector.broadcast %ne3A_2973 : i32 to vector<16xi32>
      %ne3A_2975 = arith.cmpi ne, %and3A_2972, %ne3A_2974 : vector<16xi32>
      %and3A_2976 = arith.constant 4 : i32
      %and3A_2977 = vector.broadcast %and3A_2976 : i32 to vector<16xi32>
      %and3A_2978 = arith.andi %add3A_2955, %and3A_2977 : vector<16xi32>
      %eq3A_2979 = arith.constant 0 : i32
      %eq3A_2980 = vector.broadcast %eq3A_2979 : i32 to vector<16xi32>
      %eq3A_2981 = arith.cmpi eq, %and3A_2978, %eq3A_2980 : vector<16xi32>
      %ne3A_2982 = arith.xori %eq3A_2981, %ne3A_2975 : vector<16xi1>
      %eq3A_2983 = arith.xori %ne3A_2982, %or3A_2969 : vector<16xi1>
      %eq3A_2984 = arith.constant dense<true> : vector<16xi1>
      %eq3A_2985 = arith.xori %eq3A_2983, %eq3A_2984 : vector<16xi1>
      %select_n3A_2986 = arith.select %eq3A_2985, %gather3A_2963, %get3A_2957 : vector<16xi1>, vector<16xf32>
      %select_n3A_2987 = arith.select %eq3A_2985, %gather3A_2964, %get3A_2959 : vector<16xi1>, vector<16xi32>
      %add3A_2988 = arith.constant 48 : i32
      %add3A_2989 = vector.broadcast %add3A_2988 : i32 to vector<16xi32>
      %add3A_2990 = arith.addi %iota3A, %add3A_2989 : vector<16xi32>
      %get3A_2991 = arith.constant 48 : index
      %get3A_2992 = tpu.vector_load %arg15[%get3A_2991] {strides = array<i32>} : memref<784xf32, #tpu.memory_space<vmem>>, vector<16xf32>,
      %get3A_2993 = arith.constant 48 : index
      %get3A_2994 = tpu.vector_load %arg16[%get3A_2993] {strides = array<i32>} : memref<784xi32, #tpu.memory_space<vmem>>, vector<16xi32>,
      %xor3A_2995 = arith.constant 4 : i32
      %xor3A_2996 = vector.broadcast %xor3A_2995 : i32 to vector<16xi32>
      %xor3A_2997 = arith.xori %add3A_2990, %xor3A_2996 : vector<16xi32>
      %gather3A_2998 = tpu.vector_load_idx %arg15[%xor3A_2997] : memref<784xf32, #tpu.memory_space<vmem>>[vector<16xi32>], vector<16xf32>,
      %gather3A_2999 = tpu.vector_load_idx %arg16[%xor3A_2997] : memref<784xi32, #tpu.memory_space<vmem>>[vector<16xi32>], vector<16xi32>,
      %lt3A_3000 = arith.cmpf olt, %gather3A_2998, %get3A_2992 : vector<16xf32>
      %eq3A_3001 = arith.cmpf oeq, %gather3A_2998, %get3A_2992 : vector<16xf32>
      %lt3A_3002 = arith.cmpi slt, %gather3A_2999, %get3A_2994 : vector<16xi32>
      %and3A_3003 = arith.andi %eq3A_3001, %lt3A_3002 : vector<16xi1>
      %or3A_3004 = arith.ori %lt3A_3000, %and3A_3003 : vector<16xi1>
      %and3A_3005 = arith.constant 64 : i32
      %and3A_3006 = vector.broadcast %and3A_3005 : i32 to vector<16xi32>
      %and3A_3007 = arith.andi %add3A_2990, %and3A_3006 : vector<16xi32>
      %ne3A_3008 = arith.constant 0 : i32
      %ne3A_3009 = vector.broadcast %ne3A_3008 : i32 to vector<16xi32>
      %ne3A_3010 = arith.cmpi ne, %and3A_3007, %ne3A_3009 : vector<16xi32>
      %and3A_3011 = arith.constant 4 : i32
      %and3A_3012 = vector.broadcast %and3A_3011 : i32 to vector<16xi32>
      %and3A_3013 = arith.andi %add3A_2990, %and3A_3012 : vector<16xi32>
      %eq3A_3014 = arith.constant 0 : i32
      %eq3A_3015 = vector.broadcast %eq3A_3014 : i32 to vector<16xi32>
      %eq3A_3016 = arith.cmpi eq, %and3A_3013, %eq3A_3015 : vector<16xi32>
      %ne3A_3017 = arith.xori %eq3A_3016, %ne3A_3010 : vector<16xi1>
      %eq3A_3018 = arith.xori %ne3A_3017, %or3A_3004 : vector<16xi1>
      %eq3A_3019 = arith.constant dense<true> : vector<16xi1>
      %eq3A_3020 = arith.xori %eq3A_3018, %eq3A_3019 : vector<16xi1>
      %select_n3A_3021 = arith.select %eq3A_3020, %gather3A_2998, %get3A_2992 : vector<16xi1>, vector<16xf32>
      %select_n3A_3022 = arith.select %eq3A_3020, %gather3A_2999, %get3A_2994 : vector<16xi1>, vector<16xi32>
      %swap3A_3023 = arith.constant 0 : index
      %swap3A_3024 = tpu.vector_load %arg15[%swap3A_3023] {strides = array<i32>} : memref<784xf32, #tpu.memory_space<vmem>>, vector<16xf32>,
      tpu.vector_store %arg15[%swap3A_3023], %select_n3A_2916 {strides = array<i32>} : memref<784xf32, #tpu.memory_space<vmem>>, vector<16xf32>,
      %swap3A_3025 = arith.constant 0 : index
      %swap3A_3026 = tpu.vector_load %arg16[%swap3A_3025] {strides = array<i32>} : memref<784xi32, #tpu.memory_space<vmem>>, vector<16xi32>,
      tpu.vector_store %arg16[%swap3A_3025], %select_n3A_2917 {strides = array<i32>} : memref<784xi32, #tpu.memory_space<vmem>>, vector<16xi32>,
      %swap3A_3027 = arith.constant 16 : index
      %swap3A_3028 = tpu.vector_load %arg15[%swap3A_3027] {strides = array<i32>} : memref<784xf32, #tpu.memory_space<vmem>>, vector<16xf32>,
      tpu.vector_store %arg15[%swap3A_3027], %select_n3A_2951 {strides = array<i32>} : memref<784xf32, #tpu.memory_space<vmem>>, vector<16xf32>,
      %swap3A_3029 = arith.constant 16 : index
      %swap3A_3030 = tpu.vector_load %arg16[%swap3A_3029] {strides = array<i32>} : memref<784xi32, #tpu.memory_space<vmem>>, vector<16xi32>,
      tpu.vector_store %arg16[%swap3A_3029], %select_n3A_2952 {strides = array<i32>} : memref<784xi32, #tpu.memory_space<vmem>>, vector<16xi32>,
      %swap3A_3031 = arith.constant 32 : index
      %swap3A_3032 = tpu.vector_load %arg15[%swap3A_3031] {strides = array<i32>} : memref<784xf32, #tpu.memory_space<vmem>>, vector<16xf32>,
      tpu.vector_store %arg15[%swap3A_3031], %select_n3A_2986 {strides = array<i32>} : memref<784xf32, #tpu.memory_space<vmem>>, vector<16xf32>,
      %swap3A_3033 = arith.constant 32 : index
      %swap3A_3034 = tpu.vector_load %arg16[%swap3A_3033] {strides = array<i32>} : memref<784xi32, #tpu.memory_space<vmem>>, vector<16xi32>,
      tpu.vector_store %arg16[%swap3A_3033], %select_n3A_2987 {strides = array<i32>} : memref<784xi32, #tpu.memory_space<vmem>>, vector<16xi32>,
      %swap3A_3035 = arith.constant 48 : index
      %swap3A_3036 = tpu.vector_load %arg15[%swap3A_3035] {strides = array<i32>} : memref<784xf32, #tpu.memory_space<vmem>>, vector<16xf32>,
      tpu.vector_store %arg15[%swap3A_3035], %select_n3A_3021 {strides = array<i32>} : memref<784xf32, #tpu.memory_space<vmem>>, vector<16xf32>,
      %swap3A_3037 = arith.constant 48 : index
      %swap3A_3038 = tpu.vector_load %arg16[%swap3A_3037] {strides = array<i32>} : memref<784xi32, #tpu.memory_space<vmem>>, vector<16xi32>,
      tpu.vector_store %arg16[%swap3A_3037], %select_n3A_3022 {strides = array<i32>} : memref<784xi32, #tpu.memory_space<vmem>>, vector<16xi32>,
      %add3A_3039 = arith.constant 0 : i32
      %add3A_3040 = vector.broadcast %add3A_3039 : i32 to vector<16xi32>
      %add3A_3041 = arith.addi %iota3A, %add3A_3040 : vector<16xi32>
      %get3A_3042 = arith.constant 0 : index
      %get3A_3043 = tpu.vector_load %arg15[%get3A_3042] {strides = array<i32>} : memref<784xf32, #tpu.memory_space<vmem>>, vector<16xf32>,
      %get3A_3044 = arith.constant 0 : index
      %get3A_3045 = tpu.vector_load %arg16[%get3A_3044] {strides = array<i32>} : memref<784xi32, #tpu.memory_space<vmem>>, vector<16xi32>,
      %xor3A_3046 = arith.constant 2 : i32
      %xor3A_3047 = vector.broadcast %xor3A_3046 : i32 to vector<16xi32>
      %xor3A_3048 = arith.xori %add3A_3041, %xor3A_3047 : vector<16xi32>
      %gather3A_3049 = tpu.vector_load_idx %arg15[%xor3A_3048] : memref<784xf32, #tpu.memory_space<vmem>>[vector<16xi32>], vector<16xf32>,
      %gather3A_3050 = tpu.vector_load_idx %arg16[%xor3A_3048] : memref<784xi32, #tpu.memory_space<vmem>>[vector<16xi32>], vector<16xi32>,
      %lt3A_3051 = arith.cmpf olt, %gather3A_3049, %get3A_3043 : vector<16xf32>
      %eq3A_3052 = arith.cmpf oeq, %gather3A_3049, %get3A_3043 : vector<16xf32>
      %lt3A_3053 = arith.cmpi slt, %gather3A_3050, %get3A_3045 : vector<16xi32>
      %and3A_3054 = arith.andi %eq3A_3052, %lt3A_3053 : vector<16xi1>
      %or3A_3055 = arith.ori %lt3A_3051, %and3A_3054 : vector<16xi1>
      %and3A_3056 = arith.constant 64 : i32
      %and3A_3057 = vector.broadcast %and3A_3056 : i32 to vector<16xi32>
      %and3A_3058 = arith.andi %add3A_3041, %and3A_3057 : vector<16xi32>
      %ne3A_3059 = arith.constant 0 : i32
      %ne3A_3060 = vector.broadcast %ne3A_3059 : i32 to vector<16xi32>
      %ne3A_3061 = arith.cmpi ne, %and3A_3058, %ne3A_3060 : vector<16xi32>
      %and3A_3062 = arith.constant 2 : i32
      %and3A_3063 = vector.broadcast %and3A_3062 : i32 to vector<16xi32>
      %and3A_3064 = arith.andi %add3A_3041, %and3A_3063 : vector<16xi32>
      %eq3A_3065 = arith.constant 0 : i32
      %eq3A_3066 = vector.broadcast %eq3A_3065 : i32 to vector<16xi32>
      %eq3A_3067 = arith.cmpi eq, %and3A_3064, %eq3A_3066 : vector<16xi32>
      %ne3A_3068 = arith.xori %eq3A_3067, %ne3A_3061 : vector<16xi1>
      %eq3A_3069 = arith.xori %ne3A_3068, %or3A_3055 : vector<16xi1>
      %eq3A_3070 = arith.constant dense<true> : vector<16xi1>
      %eq3A_3071 = arith.xori %eq3A_3069, %eq3A_3070 : vector<16xi1>
      %select_n3A_3072 = arith.select %eq3A_3071, %gather3A_3049, %get3A_3043 : vector<16xi1>, vector<16xf32>
      %select_n3A_3073 = arith.select %eq3A_3071, %gather3A_3050, %get3A_3045 : vector<16xi1>, vector<16xi32>
      %add3A_3074 = arith.constant 16 : i32
      %add3A_3075 = vector.broadcast %add3A_3074 : i32 to vector<16xi32>
      %add3A_3076 = arith.addi %iota3A, %add3A_3075 : vector<16xi32>
      %get3A_3077 = arith.constant 16 : index
      %get3A_3078 = tpu.vector_load %arg15[%get3A_3077] {strides = array<i32>} : memref<784xf32, #tpu.memory_space<vmem>>, vector<16xf32>,
      %get3A_3079 = arith.constant 16 : index
      %get3A_3080 = tpu.vector_load %arg16[%get3A_3079] {strides = array<i32>} : memref<784xi32, #tpu.memory_space<vmem>>, vector<16xi32>,
      %xor3A_3081 = arith.constant 2 : i32
      %xor3A_3082 = vector.broadcast %xor3A_3081 : i32 to vector<16xi32>
      %xor3A_3083 = arith.xori %add3A_3076, %xor3A_3082 : vector<16xi32>
      %gather3A_3084 = tpu.vector_load_idx %arg15[%xor3A_3083] : memref<784xf32, #tpu.memory_space<vmem>>[vector<16xi32>], vector<16xf32>,
      %gather3A_3085 = tpu.vector_load_idx %arg16[%xor3A_3083] : memref<784xi32, #tpu.memory_space<vmem>>[vector<16xi32>], vector<16xi32>,
      %lt3A_3086 = arith.cmpf olt, %gather3A_3084, %get3A_3078 : vector<16xf32>
      %eq3A_3087 = arith.cmpf oeq, %gather3A_3084, %get3A_3078 : vector<16xf32>
      %lt3A_3088 = arith.cmpi slt, %gather3A_3085, %get3A_3080 : vector<16xi32>
      %and3A_3089 = arith.andi %eq3A_3087, %lt3A_3088 : vector<16xi1>
      %or3A_3090 = arith.ori %lt3A_3086, %and3A_3089 : vector<16xi1>
      %and3A_3091 = arith.constant 64 : i32
      %and3A_3092 = vector.broadcast %and3A_3091 : i32 to vector<16xi32>
      %and3A_3093 = arith.andi %add3A_3076, %and3A_3092 : vector<16xi32>
      %ne3A_3094 = arith.constant 0 : i32
      %ne3A_3095 = vector.broadcast %ne3A_3094 : i32 to vector<16xi32>
      %ne3A_3096 = arith.cmpi ne, %and3A_3093, %ne3A_3095 : vector<16xi32>
      %and3A_3097 = arith.constant 2 : i32
      %and3A_3098 = vector.broadcast %and3A_3097 : i32 to vector<16xi32>
      %and3A_3099 = arith.andi %add3A_3076, %and3A_3098 : vector<16xi32>
      %eq3A_3100 = arith.constant 0 : i32
      %eq3A_3101 = vector.broadcast %eq3A_3100 : i32 to vector<16xi32>
      %eq3A_3102 = arith.cmpi eq, %and3A_3099, %eq3A_3101 : vector<16xi32>
      %ne3A_3103 = arith.xori %eq3A_3102, %ne3A_3096 : vector<16xi1>
      %eq3A_3104 = arith.xori %ne3A_3103, %or3A_3090 : vector<16xi1>
      %eq3A_3105 = arith.constant dense<true> : vector<16xi1>
      %eq3A_3106 = arith.xori %eq3A_3104, %eq3A_3105 : vector<16xi1>
      %select_n3A_3107 = arith.select %eq3A_3106, %gather3A_3084, %get3A_3078 : vector<16xi1>, vector<16xf32>
      %select_n3A_3108 = arith.select %eq3A_3106, %gather3A_3085, %get3A_3080 : vector<16xi1>, vector<16xi32>
      %add3A_3109 = arith.constant 32 : i32
      %add3A_3110 = vector.broadcast %add3A_3109 : i32 to vector<16xi32>
      %add3A_3111 = arith.addi %iota3A, %add3A_3110 : vector<16xi32>
      %get3A_3112 = arith.constant 32 : index
      %get3A_3113 = tpu.vector_load %arg15[%get3A_3112] {strides = array<i32>} : memref<784xf32, #tpu.memory_space<vmem>>, vector<16xf32>,
      %get3A_3114 = arith.constant 32 : index
      %get3A_3115 = tpu.vector_load %arg16[%get3A_3114] {strides = array<i32>} : memref<784xi32, #tpu.memory_space<vmem>>, vector<16xi32>,
      %xor3A_3116 = arith.constant 2 : i32
      %xor3A_3117 = vector.broadcast %xor3A_3116 : i32 to vector<16xi32>
      %xor3A_3118 = arith.xori %add3A_3111, %xor3A_3117 : vector<16xi32>
      %gather3A_3119 = tpu.vector_load_idx %arg15[%xor3A_3118] : memref<784xf32, #tpu.memory_space<vmem>>[vector<16xi32>], vector<16xf32>,
      %gather3A_3120 = tpu.vector_load_idx %arg16[%xor3A_3118] : memref<784xi32, #tpu.memory_space<vmem>>[vector<16xi32>], vector<16xi32>,
      %lt3A_3121 = arith.cmpf olt, %gather3A_3119, %get3A_3113 : vector<16xf32>
      %eq3A_3122 = arith.cmpf oeq, %gather3A_3119, %get3A_3113 : vector<16xf32>
      %lt3A_3123 = arith.cmpi slt, %gather3A_3120, %get3A_3115 : vector<16xi32>
      %and3A_3124 = arith.andi %eq3A_3122, %lt3A_3123 : vector<16xi1>
      %or3A_3125 = arith.ori %lt3A_3121, %and3A_3124 : vector<16xi1>
      %and3A_3126 = arith.constant 64 : i32
      %and3A_3127 = vector.broadcast %and3A_3126 : i32 to vector<16xi32>
      %and3A_3128 = arith.andi %add3A_3111, %and3A_3127 : vector<16xi32>
      %ne3A_3129 = arith.constant 0 : i32
      %ne3A_3130 = vector.broadcast %ne3A_3129 : i32 to vector<16xi32>
      %ne3A_3131 = arith.cmpi ne, %and3A_3128, %ne3A_3130 : vector<16xi32>
      %and3A_3132 = arith.constant 2 : i32
      %and3A_3133 = vector.broadcast %and3A_3132 : i32 to vector<16xi32>
      %and3A_3134 = arith.andi %add3A_3111, %and3A_3133 : vector<16xi32>
      %eq3A_3135 = arith.constant 0 : i32
      %eq3A_3136 = vector.broadcast %eq3A_3135 : i32 to vector<16xi32>
      %eq3A_3137 = arith.cmpi eq, %and3A_3134, %eq3A_3136 : vector<16xi32>
      %ne3A_3138 = arith.xori %eq3A_3137, %ne3A_3131 : vector<16xi1>
      %eq3A_3139 = arith.xori %ne3A_3138, %or3A_3125 : vector<16xi1>
      %eq3A_3140 = arith.constant dense<true> : vector<16xi1>
      %eq3A_3141 = arith.xori %eq3A_3139, %eq3A_3140 : vector<16xi1>
      %select_n3A_3142 = arith.select %eq3A_3141, %gather3A_3119, %get3A_3113 : vector<16xi1>, vector<16xf32>
      %select_n3A_3143 = arith.select %eq3A_3141, %gather3A_3120, %get3A_3115 : vector<16xi1>, vector<16xi32>
      %add3A_3144 = arith.constant 48 : i32
      %add3A_3145 = vector.broadcast %add3A_3144 : i32 to vector<16xi32>
      %add3A_3146 = arith.addi %iota3A, %add3A_3145 : vector<16xi32>
      %get3A_3147 = arith.constant 48 : index
      %get3A_3148 = tpu.vector_load %arg15[%get3A_3147] {strides = array<i32>} : memref<784xf32, #tpu.memory_space<vmem>>, vector<16xf32>,
      %get3A_3149 = arith.constant 48 : index
      %get3A_3150 = tpu.vector_load %arg16[%get3A_3149] {strides = array<i32>} : memref<784xi32, #tpu.memory_space<vmem>>, vector<16xi32>,
      %xor3A_3151 = arith.constant 2 : i32
      %xor3A_3152 = vector.broadcast %xor3A_3151 : i32 to vector<16xi32>
      %xor3A_3153 = arith.xori %add3A_3146, %xor3A_3152 : vector<16xi32>
      %gather3A_3154 = tpu.vector_load_idx %arg15[%xor3A_3153] : memref<784xf32, #tpu.memory_space<vmem>>[vector<16xi32>], vector<16xf32>,
      %gather3A_3155 = tpu.vector_load_idx %arg16[%xor3A_3153] : memref<784xi32, #tpu.memory_space<vmem>>[vector<16xi32>], vector<16xi32>,
      %lt3A_3156 = arith.cmpf olt, %gather3A_3154, %get3A_3148 : vector<16xf32>
      %eq3A_3157 = arith.cmpf oeq, %gather3A_3154, %get3A_3148 : vector<16xf32>
      %lt3A_3158 = arith.cmpi slt, %gather3A_3155, %get3A_3150 : vector<16xi32>
      %and3A_3159 = arith.andi %eq3A_3157, %lt3A_3158 : vector<16xi1>
      %or3A_3160 = arith.ori %lt3A_3156, %and3A_3159 : vector<16xi1>
      %and3A_3161 = arith.constant 64 : i32
      %and3A_3162 = vector.broadcast %and3A_3161 : i32 to vector<16xi32>
      %and3A_3163 = arith.andi %add3A_3146, %and3A_3162 : vector<16xi32>
      %ne3A_3164 = arith.constant 0 : i32
      %ne3A_3165 = vector.broadcast %ne3A_3164 : i32 to vector<16xi32>
      %ne3A_3166 = arith.cmpi ne, %and3A_3163, %ne3A_3165 : vector<16xi32>
      %and3A_3167 = arith.constant 2 : i32
      %and3A_3168 = vector.broadcast %and3A_3167 : i32 to vector<16xi32>
      %and3A_3169 = arith.andi %add3A_3146, %and3A_3168 : vector<16xi32>
      %eq3A_3170 = arith.constant 0 : i32
      %eq3A_3171 = vector.broadcast %eq3A_3170 : i32 to vector<16xi32>
      %eq3A_3172 = arith.cmpi eq, %and3A_3169, %eq3A_3171 : vector<16xi32>
      %ne3A_3173 = arith.xori %eq3A_3172, %ne3A_3166 : vector<16xi1>
      %eq3A_3174 = arith.xori %ne3A_3173, %or3A_3160 : vector<16xi1>
      %eq3A_3175 = arith.constant dense<true> : vector<16xi1>
      %eq3A_3176 = arith.xori %eq3A_3174, %eq3A_3175 : vector<16xi1>
      %select_n3A_3177 = arith.select %eq3A_3176, %gather3A_3154, %get3A_3148 : vector<16xi1>, vector<16xf32>
      %select_n3A_3178 = arith.select %eq3A_3176, %gather3A_3155, %get3A_3150 : vector<16xi1>, vector<16xi32>
      %swap3A_3179 = arith.constant 0 : index
      %swap3A_3180 = tpu.vector_load %arg15[%swap3A_3179] {strides = array<i32>} : memref<784xf32, #tpu.memory_space<vmem>>, vector<16xf32>,
      tpu.vector_store %arg15[%swap3A_3179], %select_n3A_3072 {strides = array<i32>} : memref<784xf32, #tpu.memory_space<vmem>>, vector<16xf32>,
      %swap3A_3181 = arith.constant 0 : index
      %swap3A_3182 = tpu.vector_load %arg16[%swap3A_3181] {strides = array<i32>} : memref<784xi32, #tpu.memory_space<vmem>>, vector<16xi32>,
      tpu.vector_store %arg16[%swap3A_3181], %select_n3A_3073 {strides = array<i32>} : memref<784xi32, #tpu.memory_space<vmem>>, vector<16xi32>,
      %swap3A_3183 = arith.constant 16 : index
      %swap3A_3184 = tpu.vector_load %arg15[%swap3A_3183] {strides = array<i32>} : memref<784xf32, #tpu.memory_space<vmem>>, vector<16xf32>,
      tpu.vector_store %arg15[%swap3A_3183], %select_n3A_3107 {strides = array<i32>} : memref<784xf32, #tpu.memory_space<vmem>>, vector<16xf32>,
      %swap3A_3185 = arith.constant 16 : index
      %swap3A_3186 = tpu.vector_load %arg16[%swap3A_3185] {strides = array<i32>} : memref<784xi32, #tpu.memory_space<vmem>>, vector<16xi32>,
      tpu.vector_store %arg16[%swap3A_3185], %select_n3A_3108 {strides = array<i32>} : memref<784xi32, #tpu.memory_space<vmem>>, vector<16xi32>,
      %swap3A_3187 = arith.constant 32 : index
      %swap3A_3188 = tpu.vector_load %arg15[%swap3A_3187] {strides = array<i32>} : memref<784xf32, #tpu.memory_space<vmem>>, vector<16xf32>,
      tpu.vector_store %arg15[%swap3A_3187], %select_n3A_3142 {strides = array<i32>} : memref<784xf32, #tpu.memory_space<vmem>>, vector<16xf32>,
      %swap3A_3189 = arith.constant 32 : index
      %swap3A_3190 = tpu.vector_load %arg16[%swap3A_3189] {strides = array<i32>} : memref<784xi32, #tpu.memory_space<vmem>>, vector<16xi32>,
      tpu.vector_store %arg16[%swap3A_3189], %select_n3A_3143 {strides = array<i32>} : memref<784xi32, #tpu.memory_space<vmem>>, vector<16xi32>,
      %swap3A_3191 = arith.constant 48 : index
      %swap3A_3192 = tpu.vector_load %arg15[%swap3A_3191] {strides = array<i32>} : memref<784xf32, #tpu.memory_space<vmem>>, vector<16xf32>,
      tpu.vector_store %arg15[%swap3A_3191], %select_n3A_3177 {strides = array<i32>} : memref<784xf32, #tpu.memory_space<vmem>>, vector<16xf32>,
      %swap3A_3193 = arith.constant 48 : index
      %swap3A_3194 = tpu.vector_load %arg16[%swap3A_3193] {strides = array<i32>} : memref<784xi32, #tpu.memory_space<vmem>>, vector<16xi32>,
      tpu.vector_store %arg16[%swap3A_3193], %select_n3A_3178 {strides = array<i32>} : memref<784xi32, #tpu.memory_space<vmem>>, vector<16xi32>,
      %add3A_3195 = arith.constant 0 : i32
      %add3A_3196 = vector.broadcast %add3A_3195 : i32 to vector<16xi32>
      %add3A_3197 = arith.addi %iota3A, %add3A_3196 : vector<16xi32>
      %get3A_3198 = arith.constant 0 : index
      %get3A_3199 = tpu.vector_load %arg15[%get3A_3198] {strides = array<i32>} : memref<784xf32, #tpu.memory_space<vmem>>, vector<16xf32>,
      %get3A_3200 = arith.constant 0 : index
      %get3A_3201 = tpu.vector_load %arg16[%get3A_3200] {strides = array<i32>} : memref<784xi32, #tpu.memory_space<vmem>>, vector<16xi32>,
      %xor3A_3202 = arith.constant 1 : i32
      %xor3A_3203 = vector.broadcast %xor3A_3202 : i32 to vector<16xi32>
      %xor3A_3204 = arith.xori %add3A_3197, %xor3A_3203 : vector<16xi32>
      %gather3A_3205 = tpu.vector_load_idx %arg15[%xor3A_3204] : memref<784xf32, #tpu.memory_space<vmem>>[vector<16xi32>], vector<16xf32>,
      %gather3A_3206 = tpu.vector_load_idx %arg16[%xor3A_3204] : memref<784xi32, #tpu.memory_space<vmem>>[vector<16xi32>], vector<16xi32>,
      %lt3A_3207 = arith.cmpf olt, %gather3A_3205, %get3A_3199 : vector<16xf32>
      %eq3A_3208 = arith.cmpf oeq, %gather3A_3205, %get3A_3199 : vector<16xf32>
      %lt3A_3209 = arith.cmpi slt, %gather3A_3206, %get3A_3201 : vector<16xi32>
      %and3A_3210 = arith.andi %eq3A_3208, %lt3A_3209 : vector<16xi1>
      %or3A_3211 = arith.ori %lt3A_3207, %and3A_3210 : vector<16xi1>
      %and3A_3212 = arith.constant 64 : i32
      %and3A_3213 = vector.broadcast %and3A_3212 : i32 to vector<16xi32>
      %and3A_3214 = arith.andi %add3A_3197, %and3A_3213 : vector<16xi32>
      %ne3A_3215 = arith.constant 0 : i32
      %ne3A_3216 = vector.broadcast %ne3A_3215 : i32 to vector<16xi32>
      %ne3A_3217 = arith.cmpi ne, %and3A_3214, %ne3A_3216 : vector<16xi32>
      %and3A_3218 = arith.constant 1 : i32
      %and3A_3219 = vector.broadcast %and3A_3218 : i32 to vector<16xi32>
      %and3A_3220 = arith.andi %add3A_3197, %and3A_3219 : vector<16xi32>
      %eq3A_3221 = arith.constant 0 : i32
      %eq3A_3222 = vector.broadcast %eq3A_3221 : i32 to vector<16xi32>
      %eq3A_3223 = arith.cmpi eq, %and3A_3220, %eq3A_3222 : vector<16xi32>
      %ne3A_3224 = arith.xori %eq3A_3223, %ne3A_3217 : vector<16xi1>
      %eq3A_3225 = arith.xori %ne3A_3224, %or3A_3211 : vector<16xi1>
      %eq3A_3226 = arith.constant dense<true> : vector<16xi1>
      %eq3A_3227 = arith.xori %eq3A_3225, %eq3A_3226 : vector<16xi1>
      %select_n3A_3228 = arith.select %eq3A_3227, %gather3A_3205, %get3A_3199 : vector<16xi1>, vector<16xf32>
      %select_n3A_3229 = arith.select %eq3A_3227, %gather3A_3206, %get3A_3201 : vector<16xi1>, vector<16xi32>
      %add3A_3230 = arith.constant 16 : i32
      %add3A_3231 = vector.broadcast %add3A_3230 : i32 to vector<16xi32>
      %add3A_3232 = arith.addi %iota3A, %add3A_3231 : vector<16xi32>
      %get3A_3233 = arith.constant 16 : index
      %get3A_3234 = tpu.vector_load %arg15[%get3A_3233] {strides = array<i32>} : memref<784xf32, #tpu.memory_space<vmem>>, vector<16xf32>,
      %get3A_3235 = arith.constant 16 : index
      %get3A_3236 = tpu.vector_load %arg16[%get3A_3235] {strides = array<i32>} : memref<784xi32, #tpu.memory_space<vmem>>, vector<16xi32>,
      %xor3A_3237 = arith.constant 1 : i32
      %xor3A_3238 = vector.broadcast %xor3A_3237 : i32 to vector<16xi32>
      %xor3A_3239 = arith.xori %add3A_3232, %xor3A_3238 : vector<16xi32>
      %gather3A_3240 = tpu.vector_load_idx %arg15[%xor3A_3239] : memref<784xf32, #tpu.memory_space<vmem>>[vector<16xi32>], vector<16xf32>,
      %gather3A_3241 = tpu.vector_load_idx %arg16[%xor3A_3239] : memref<784xi32, #tpu.memory_space<vmem>>[vector<16xi32>], vector<16xi32>,
      %lt3A_3242 = arith.cmpf olt, %gather3A_3240, %get3A_3234 : vector<16xf32>
      %eq3A_3243 = arith.cmpf oeq, %gather3A_3240, %get3A_3234 : vector<16xf32>
      %lt3A_3244 = arith.cmpi slt, %gather3A_3241, %get3A_3236 : vector<16xi32>
      %and3A_3245 = arith.andi %eq3A_3243, %lt3A_3244 : vector<16xi1>
      %or3A_3246 = arith.ori %lt3A_3242, %and3A_3245 : vector<16xi1>
      %and3A_3247 = arith.constant 64 : i32
      %and3A_3248 = vector.broadcast %and3A_3247 : i32 to vector<16xi32>
      %and3A_3249 = arith.andi %add3A_3232, %and3A_3248 : vector<16xi32>
      %ne3A_3250 = arith.constant 0 : i32
      %ne3A_3251 = vector.broadcast %ne3A_3250 : i32 to vector<16xi32>
      %ne3A_3252 = arith.cmpi ne, %and3A_3249, %ne3A_3251 : vector<16xi32>
      %and3A_3253 = arith.constant 1 : i32
      %and3A_3254 = vector.broadcast %and3A_3253 : i32 to vector<16xi32>
      %and3A_3255 = arith.andi %add3A_3232, %and3A_3254 : vector<16xi32>
      %eq3A_3256 = arith.constant 0 : i32
      %eq3A_3257 = vector.broadcast %eq3A_3256 : i32 to vector<16xi32>
      %eq3A_3258 = arith.cmpi eq, %and3A_3255, %eq3A_3257 : vector<16xi32>
      %ne3A_3259 = arith.xori %eq3A_3258, %ne3A_3252 : vector<16xi1>
      %eq3A_3260 = arith.xori %ne3A_3259, %or3A_3246 : vector<16xi1>
      %eq3A_3261 = arith.constant dense<true> : vector<16xi1>
      %eq3A_3262 = arith.xori %eq3A_3260, %eq3A_3261 : vector<16xi1>
      %select_n3A_3263 = arith.select %eq3A_3262, %gather3A_3240, %get3A_3234 : vector<16xi1>, vector<16xf32>
      %select_n3A_3264 = arith.select %eq3A_3262, %gather3A_3241, %get3A_3236 : vector<16xi1>, vector<16xi32>
      %add3A_3265 = arith.constant 32 : i32
      %add3A_3266 = vector.broadcast %add3A_3265 : i32 to vector<16xi32>
      %add3A_3267 = arith.addi %iota3A, %add3A_3266 : vector<16xi32>
      %get3A_3268 = arith.constant 32 : index
      %get3A_3269 = tpu.vector_load %arg15[%get3A_3268] {strides = array<i32>} : memref<784xf32, #tpu.memory_space<vmem>>, vector<16xf32>,
      %get3A_3270 = arith.constant 32 : index
      %get3A_3271 = tpu.vector_load %arg16[%get3A_3270] {strides = array<i32>} : memref<784xi32, #tpu.memory_space<vmem>>, vector<16xi32>,
      %xor3A_3272 = arith.constant 1 : i32
      %xor3A_3273 = vector.broadcast %xor3A_3272 : i32 to vector<16xi32>
      %xor3A_3274 = arith.xori %add3A_3267, %xor3A_3273 : vector<16xi32>
      %gather3A_3275 = tpu.vector_load_idx %arg15[%xor3A_3274] : memref<784xf32, #tpu.memory_space<vmem>>[vector<16xi32>], vector<16xf32>,
      %gather3A_3276 = tpu.vector_load_idx %arg16[%xor3A_3274] : memref<784xi32, #tpu.memory_space<vmem>>[vector<16xi32>], vector<16xi32>,
      %lt3A_3277 = arith.cmpf olt, %gather3A_3275, %get3A_3269 : vector<16xf32>
      %eq3A_3278 = arith.cmpf oeq, %gather3A_3275, %get3A_3269 : vector<16xf32>
      %lt3A_3279 = arith.cmpi slt, %gather3A_3276, %get3A_3271 : vector<16xi32>
      %and3A_3280 = arith.andi %eq3A_3278, %lt3A_3279 : vector<16xi1>
      %or3A_3281 = arith.ori %lt3A_3277, %and3A_3280 : vector<16xi1>
      %and3A_3282 = arith.constant 64 : i32
      %and3A_3283 = vector.broadcast %and3A_3282 : i32 to vector<16xi32>
      %and3A_3284 = arith.andi %add3A_3267, %and3A_3283 : vector<16xi32>
      %ne3A_3285 = arith.constant 0 : i32
      %ne3A_3286 = vector.broadcast %ne3A_3285 : i32 to vector<16xi32>
      %ne3A_3287 = arith.cmpi ne, %and3A_3284, %ne3A_3286 : vector<16xi32>
      %and3A_3288 = arith.constant 1 : i32
      %and3A_3289 = vector.broadcast %and3A_3288 : i32 to vector<16xi32>
      %and3A_3290 = arith.andi %add3A_3267, %and3A_3289 : vector<16xi32>
      %eq3A_3291 = arith.constant 0 : i32
      %eq3A_3292 = vector.broadcast %eq3A_3291 : i32 to vector<16xi32>
      %eq3A_3293 = arith.cmpi eq, %and3A_3290, %eq3A_3292 : vector<16xi32>
      %ne3A_3294 = arith.xori %eq3A_3293, %ne3A_3287 : vector<16xi1>
      %eq3A_3295 = arith.xori %ne3A_3294, %or3A_3281 : vector<16xi1>
      %eq3A_3296 = arith.constant dense<true> : vector<16xi1>
      %eq3A_3297 = arith.xori %eq3A_3295, %eq3A_3296 : vector<16xi1>
      %select_n3A_3298 = arith.select %eq3A_3297, %gather3A_3275, %get3A_3269 : vector<16xi1>, vector<16xf32>
      %select_n3A_3299 = arith.select %eq3A_3297, %gather3A_3276, %get3A_3271 : vector<16xi1>, vector<16xi32>
      %add3A_3300 = arith.constant 48 : i32
      %add3A_3301 = vector.broadcast %add3A_3300 : i32 to vector<16xi32>
      %add3A_3302 = arith.addi %iota3A, %add3A_3301 : vector<16xi32>
      %get3A_3303 = arith.constant 48 : index
      %get3A_3304 = tpu.vector_load %arg15[%get3A_3303] {strides = array<i32>} : memref<784xf32, #tpu.memory_space<vmem>>, vector<16xf32>,
      %get3A_3305 = arith.constant 48 : index
      %get3A_3306 = tpu.vector_load %arg16[%get3A_3305] {strides = array<i32>} : memref<784xi32, #tpu.memory_space<vmem>>, vector<16xi32>,
      %xor3A_3307 = arith.constant 1 : i32
      %xor3A_3308 = vector.broadcast %xor3A_3307 : i32 to vector<16xi32>
      %xor3A_3309 = arith.xori %add3A_3302, %xor3A_3308 : vector<16xi32>
      %gather3A_3310 = tpu.vector_load_idx %arg15[%xor3A_3309] : memref<784xf32, #tpu.memory_space<vmem>>[vector<16xi32>], vector<16xf32>,
      %gather3A_3311 = tpu.vector_load_idx %arg16[%xor3A_3309] : memref<784xi32, #tpu.memory_space<vmem>>[vector<16xi32>], vector<16xi32>,
      %lt3A_3312 = arith.cmpf olt, %gather3A_3310, %get3A_3304 : vector<16xf32>
      %eq3A_3313 = arith.cmpf oeq, %gather3A_3310, %get3A_3304 : vector<16xf32>
      %lt3A_3314 = arith.cmpi slt, %gather3A_3311, %get3A_3306 : vector<16xi32>
      %and3A_3315 = arith.andi %eq3A_3313, %lt3A_3314 : vector<16xi1>
      %or3A_3316 = arith.ori %lt3A_3312, %and3A_3315 : vector<16xi1>
      %and3A_3317 = arith.constant 64 : i32
      %and3A_3318 = vector.broadcast %and3A_3317 : i32 to vector<16xi32>
      %and3A_3319 = arith.andi %add3A_3302, %and3A_3318 : vector<16xi32>
      %ne3A_3320 = arith.constant 0 : i32
      %ne3A_3321 = vector.broadcast %ne3A_3320 : i32 to vector<16xi32>
      %ne3A_3322 = arith.cmpi ne, %and3A_3319, %ne3A_3321 : vector<16xi32>
      %and3A_3323 = arith.constant 1 : i32
      %and3A_3324 = vector.broadcast %and3A_3323 : i32 to vector<16xi32>
      %and3A_3325 = arith.andi %add3A_3302, %and3A_3324 : vector<16xi32>
      %eq3A_3326 = arith.constant 0 : i32
      %eq3A_3327 = vector.broadcast %eq3A_3326 : i32 to vector<16xi32>
      %eq3A_3328 = arith.cmpi eq, %and3A_3325, %eq3A_3327 : vector<16xi32>
      %ne3A_3329 = arith.xori %eq3A_3328, %ne3A_3322 : vector<16xi1>
      %eq3A_3330 = arith.xori %ne3A_3329, %or3A_3316 : vector<16xi1>
      %eq3A_3331 = arith.constant dense<true> : vector<16xi1>
      %eq3A_3332 = arith.xori %eq3A_3330, %eq3A_3331 : vector<16xi1>
      %select_n3A_3333 = arith.select %eq3A_3332, %gather3A_3310, %get3A_3304 : vector<16xi1>, vector<16xf32>
      %select_n3A_3334 = arith.select %eq3A_3332, %gather3A_3311, %get3A_3306 : vector<16xi1>, vector<16xi32>
      %swap3A_3335 = arith.constant 0 : index
      %swap3A_3336 = tpu.vector_load %arg15[%swap3A_3335] {strides = array<i32>} : memref<784xf32, #tpu.memory_space<vmem>>, vector<16xf32>,
      tpu.vector_store %arg15[%swap3A_3335], %select_n3A_3228 {strides = array<i32>} : memref<784xf32, #tpu.memory_space<vmem>>, vector<16xf32>,
      %swap3A_3337 = arith.constant 0 : index
      %swap3A_3338 = tpu.vector_load %arg16[%swap3A_3337] {strides = array<i32>} : memref<784xi32, #tpu.memory_space<vmem>>, vector<16xi32>,
      tpu.vector_store %arg16[%swap3A_3337], %select_n3A_3229 {strides = array<i32>} : memref<784xi32, #tpu.memory_space<vmem>>, vector<16xi32>,
      %swap3A_3339 = arith.constant 16 : index
      %swap3A_3340 = tpu.vector_load %arg15[%swap3A_3339] {strides = array<i32>} : memref<784xf32, #tpu.memory_space<vmem>>, vector<16xf32>,
      tpu.vector_store %arg15[%swap3A_3339], %select_n3A_3263 {strides = array<i32>} : memref<784xf32, #tpu.memory_space<vmem>>, vector<16xf32>,
      %swap3A_3341 = arith.constant 16 : index
      %swap3A_3342 = tpu.vector_load %arg16[%swap3A_3341] {strides = array<i32>} : memref<784xi32, #tpu.memory_space<vmem>>, vector<16xi32>,
      tpu.vector_store %arg16[%swap3A_3341], %select_n3A_3264 {strides = array<i32>} : memref<784xi32, #tpu.memory_space<vmem>>, vector<16xi32>,
      %swap3A_3343 = arith.constant 32 : index
      %swap3A_3344 = tpu.vector_load %arg15[%swap3A_3343] {strides = array<i32>} : memref<784xf32, #tpu.memory_space<vmem>>, vector<16xf32>,
      tpu.vector_store %arg15[%swap3A_3343], %select_n3A_3298 {strides = array<i32>} : memref<784xf32, #tpu.memory_space<vmem>>, vector<16xf32>,
      %swap3A_3345 = arith.constant 32 : index
      %swap3A_3346 = tpu.vector_load %arg16[%swap3A_3345] {strides = array<i32>} : memref<784xi32, #tpu.memory_space<vmem>>, vector<16xi32>,
      tpu.vector_store %arg16[%swap3A_3345], %select_n3A_3299 {strides = array<i32>} : memref<784xi32, #tpu.memory_space<vmem>>, vector<16xi32>,
      %swap3A_3347 = arith.constant 48 : index
      %swap3A_3348 = tpu.vector_load %arg15[%swap3A_3347] {strides = array<i32>} : memref<784xf32, #tpu.memory_space<vmem>>, vector<16xf32>,
      tpu.vector_store %arg15[%swap3A_3347], %select_n3A_3333 {strides = array<i32>} : memref<784xf32, #tpu.memory_space<vmem>>, vector<16xf32>,
      %swap3A_3349 = arith.constant 48 : index
      %swap3A_3350 = tpu.vector_load %arg16[%swap3A_3349] {strides = array<i32>} : memref<784xi32, #tpu.memory_space<vmem>>, vector<16xi32>,
      tpu.vector_store %arg16[%swap3A_3349], %select_n3A_3334 {strides = array<i32>} : memref<784xi32, #tpu.memory_space<vmem>>, vector<16xi32>,
      %mul3A_3351 = arith.constant 64 : i32
      %mul3A_3352 = arith.muli %add3A_14, %mul3A_3351 : i32
      "tpu.region"() ({
        %run_scoped3A = tpu.sem_alloc : memref<!tpu.dma_semaphore, #tpu.memory_space<semaphore_mem>>
        %dma_start3A = arith.constant 0 : i32
        %dma_start3A_3353 = tpu.memref_slice %arg16[%dma_start3A] : memref<784xi32, #tpu.memory_space<vmem>> -> memref<64xi32, #tpu.memory_space<vmem>>
        %dma_start3A_3354 = tpu.memref_slice %arg7[%mul3A_3352] : memref<8192xi32, #tpu.memory_space<hbm>> -> memref<64xi32, #tpu.memory_space<hbm>>
        %dma_start3A_3355 = tpu.memref_slice %arg7[%mul3A_3352] : memref<8192xi32, #tpu.memory_space<hbm>> -> memref<64xi32, #tpu.memory_space<hbm>>
        %dma_start3A_3356 = arith.constant 0 : i32
        %dma_start3A_3357 = tpu.memref_slice %arg16[%dma_start3A_3356] : memref<784xi32, #tpu.memory_space<vmem>> -> memref<64xi32, #tpu.memory_space<vmem>>
        tpu.enqueue_dma source(%dma_start3A_3357 : memref<64xi32, #tpu.memory_space<vmem>>) target(%dma_start3A_3355 : memref<64xi32, #tpu.memory_space<hbm>>) target_semaphore(%run_scoped3A : memref<!tpu.dma_semaphore, #tpu.memory_space<semaphore_mem>>)
        %dma_wait3A = arith.constant 0 : i32
        %dma_wait3A_3358 = tpu.memref_slice %arg16[%dma_wait3A] : memref<784xi32, #tpu.memory_space<vmem>> -> memref<64xi32, #tpu.memory_space<vmem>>
        %dma_wait3A_3359 = tpu.memref_slice %arg7[%mul3A_3352] : memref<8192xi32, #tpu.memory_space<hbm>> -> memref<64xi32, #tpu.memory_space<hbm>>
        %dma_wait3A_3360 = tpu.memref_slice %arg7[%mul3A_3352] : memref<8192xi32, #tpu.memory_space<hbm>> -> memref<64xi32, #tpu.memory_space<hbm>>
        %dma_wait3A_3361 = arith.constant 0 : i32
        %dma_wait3A_3362 = tpu.memref_slice %arg16[%dma_wait3A_3361] : memref<784xi32, #tpu.memory_space<vmem>> -> memref<64xi32, #tpu.memory_space<vmem>>
        tpu.wait_dma2 semaphore(%run_scoped3A : memref<!tpu.dma_semaphore, #tpu.memory_space<semaphore_mem>>) src(%dma_wait3A_3362 : memref<64xi32, #tpu.memory_space<vmem>>) dst(%dma_wait3A_3360 : memref<64xi32, #tpu.memory_space<hbm>>)
        tpu.yield
      }) : () -> ()
    }
    %scan3A_10 = arith.constant 4 : i32
    return
  }
}

</mosaic_0001>

<sc_bundles>
// kernel: kernel.3.cloned.1.call-start
scs
__scs_entry_jumppad:
0x0: {  	(pc) =	sbr.rel $0x88, $3  }
0x1: {  	(tag) =	ssettag $0x0;
	lr =	simm.s32 $0x1  }
0x2: {  	[smem:$0x3F9B] =	sst lr;
	_ =	strace $0xD0000000  }
0x3: {  	_ = 	snop  }
0x4: {  	_ = 	snop  }
0x5: {  	_ = 	snop  }
0x6: {  	_ = 	snop  }
0x7: {  	_ = 	snop  }
__scs_overlays_trampoline_lowered:
0x8: {  	[smem:$0x3FAA] =	sst s0  }
0x9: {  	[smem:$0x3FAB] =	sst s1  }
0xa: {  	[smem:$0x3FAC] =	sst s2  }
0xb: {  	[smem:$0x3FAD] =	sst s3  }
0xc: {  	[smem:$0x3FAE] =	sst s4  }
0xd: {  	[smem:$0x3FAF] =	sst s5  }
0xe: {  	[smem:$0x3FB0] =	sst s6  }
0xf: {  	[smem:$0x3FB1] =	sst s7  }
0x10: {  	[smem:$0x3FB2] =	sst s8  }
0x11: {  	[smem:$0x3FB3] =	sst s9;
	s0 =	simm.s32 @!p0 $0x0  }
0x12: {  	s1 =	sld [smem:$0x3F99];
	s0 =	simm.s32 @p0 $0x1  }
0x13: {  	[smem:$0x3FB4] =	sst s0;
	s0 =	simm.s32 @!p1 $0x0  }
0x14: {  	s2 =	sld [smem:$0x3F98];
	s0 =	simm.s32 @p1 $0x1  }
0x15: {  	[smem:$0x3FB5] =	sst s0;
	s0 =	simm.s32 @!p2 $0x0  }
0x16: {  	s3 =	sld [smem:$0x3FDB];
	s0 =	simm.s32 @p2 $0x1  }
0x17: {  	s4 =	simm.s32 $0x1BF5;
	[smem:$0x3FB7] =	sst s0  }
0x18: {  	s0 =	sld [smem:$0x3F9A];
	_ =	swait.ge [sflag:s4], $0x0  }
0x19: {  	s7 =	sld [smem:$0x3F9B]  }
0x1a: {  	s8 =	sadd.s32 $0xFFFFE003, lr  }
0x1b: {  	s9 =	sadd.s32 $0xFFFFFEF7, lr;
	s5 =	simm.s32 $0xFFFFFFFF;
	p2 =	slt.u32 s8, $0xFFFFF086  }
0x1c: {  	p1 =	slt.u32 s9, $0xF7A;
	s5 =	simm.s32 @!p2 $0x0  }
0x1d: {  	s5 =	simm.s32 @p1 $0x1;
	p0 =	seq.s32 s7, s2  }
0x1e: {  	s7 =	smul.u32 @!p0 $0xF7A, s2;
	p2 =	seq.s32 @!p0 s5, $0x0  }
0x1f: {  	s9 =	smul.u32 $0xF7A, s1;
	s8 =	simm.s32 @!p0 $0x1BF5;
	p2 =	por !p2, p0  }
0x20: {  	[sflag:s8] =	ssyncset.s32 @!p0 $0xFFFFF086;
	s6 =	sadd.s32 @!p0 s3, s7;
	s7 =	simm.s32 @!p0 $0x108  }
0x21: {  	s3 =	sadd.s32 s3, s9;
	s6 =	sadd.s32 @!p0 $0x88, s6;
	s7 =	simm.s32 @p2 $0x1082  }
0x22: {  	[simem:s7], [sflag:s8] =	dma.local @!p0 [hbm:s6], $0xF7A  }
0x23: {  	s9 =	sor.u32 $0xD0000000, s2;
	s6 =	simm.s32 $0x108;
	_ =	swait.ge @!p0 [sflag:s8], $0x0  }
0x24: {  	s3 =	sadd.s32 $0x88, s3;
	s6 =	simm.s32 @!p1 $0x1082;
	[sflag:s4] =	ssyncset.s32 $0xFFFFF086  }
0x25: {  	[simem:s6], [sflag:s4] =	dma.local [hbm:s3], $0xF7A  }
0x26: {  	[smem:$0x3F9B] =	sst s1;
	(tag) =	ssettag s2;
	_ =	strace s9  }
0x27: {  	s1 =	sld [smem:$0x3FAB]  }
0x28: {  	s2 =	sld [smem:$0x3FAC]  }
0x29: {  	s4 =	sld [smem:$0x3FAE]  }
0x2a: {  	p0 =	seq.s32 s5, $0x0;
	s5 =	sld [smem:$0x3FAF]  }
0x2b: {  	s6 =	sld [smem:$0x3FB0]  }
0x2c: {  	s7 =	sld [smem:$0x3FB1]  }
0x2d: {  	s3 =	simm.s32 $0x108;
	s8 =	sld [smem:$0x3FB2]  }
0x2e: {  	s3 =	simm.s32 @!p0 $0x1082;
	s9 =	sld [smem:$0x3FB3]  }
0x2f: {  	lr =	sadd.s32 s0, s3;
	s0 =	sld [smem:$0x3FAA]  }
0x30: {  	s3 =	sld [smem:$0x3FAD]  }
0x31: {  	[smem:$0x3FB6] =	sst s10  }
0x32: {  	s10 =	sld [smem:$0x3FB4];
	_ =	sdelay $0x3  }
0x33: {  	p0 =	seq.s32 s10, $0x1;
	s10 =	sld [smem:$0x3FB6];
	_ =	sdelay $0x3  }
0x34: {  	[smem:$0x3FB6] =	sst s10  }
0x35: {  	s10 =	sld [smem:$0x3FB5];
	_ =	sdelay $0x3  }
0x36: {  	p1 =	seq.s32 s10, $0x1;
	s10 =	sld [smem:$0x3FB6];
	_ =	sdelay $0x3  }
0x37: {  	[smem:$0x3FB6] =	sst s10  }
0x38: {  	s10 =	sld [smem:$0x3FB7]  }
0x39: {  	_ = 	snop;
	(pc) =	sbr.ind lr, $3  }
0x3a: {  	_ = 	snop  }
0x3b: {  	_ = 	snop  }
0x3c: {  	p2 =	seq.s32 s10, $0x1;
	s10 =	sld [smem:$0x3FB6]  }
0x3d: {  	_ =	shalt  }
0x3e: {  	_ =	shalt  }
0x3f: {  	_ =	shalt  }
0x40: {  	_ =	shalt  }
0x41: {  	_ =	shalt  }
0x42: {  	_ =	shalt  }
0x43: {  	_ =	shalt  }
0x44: {  	_ =	shalt  }
0x45: {  	_ =	shalt  }
0x46: {  	_ =	shalt  }
0x47: {  	_ =	shalt  }
0x48: {  	_ =	shalt  }
0x49: {  	_ =	shalt  }
0x4a: {  	_ =	shalt  }
0x4b: {  	_ =	shalt  }
0x4c: {  	_ =	shalt  }
0x4d: {  	_ =	shalt  }
0x4e: {  	_ =	shalt  }
0x4f: {  	_ =	shalt  }
0x50: {  	_ =	shalt  }
0x51: {  	_ =	shalt  }
0x52: {  	_ =	shalt  }
0x53: {  	_ =	shalt  }
0x54: {  	_ =	shalt  }
0x55: {  	_ =	shalt  }
0x56: {  	_ =	shalt  }
0x57: {  	_ =	shalt  }
0x58: {  	_ =	shalt  }
0x59: {  	_ =	shalt  }
0x5a: {  	_ =	shalt  }
0x5b: {  	_ =	shalt  }
0x5c: {  	_ =	shalt  }
0x5d: {  	_ =	shalt  }
0x5e: {  	_ =	shalt  }
0x5f: {  	_ =	shalt  }
0x60: {  	_ =	shalt  }
0x61: {  	_ =	shalt  }
0x62: {  	_ =	shalt  }
0x63: {  	_ =	shalt  }
0x64: {  	_ =	shalt  }
0x65: {  	_ =	shalt  }
0x66: {  	_ =	shalt  }
0x67: {  	_ =	shalt  }
0x68: {  	_ =	shalt  }
0x69: {  	_ =	shalt  }
0x6a: {  	_ =	shalt  }
0x6b: {  	_ =	shalt  }
0x6c: {  	_ =	shalt  }
0x6d: {  	_ =	shalt  }
0x6e: {  	_ =	shalt  }
0x6f: {  	_ =	shalt  }
0x70: {  	_ =	shalt  }
0x71: {  	_ =	shalt  }
0x72: {  	_ =	shalt  }
0x73: {  	_ =	shalt  }
0x74: {  	_ =	shalt  }
0x75: {  	_ =	shalt  }
0x76: {  	_ =	shalt  }
0x77: {  	_ =	shalt  }
0x78: {  	_ =	shalt  }
0x79: {  	_ =	shalt  }
0x7a: {  	_ =	shalt  }
0x7b: {  	_ =	shalt  }
0x7c: {  	_ =	shalt  }
0x7d: {  	_ =	shalt  }
0x7e: {  	_ =	shalt  }
0x7f: {  	_ =	shalt  }
0x80: {  	_ =	shalt  }
0x81: {  	_ =	shalt  }
0x82: {  	_ =	shalt  }
0x83: {  	_ =	shalt  }
0x84: {  	_ =	shalt  }
0x85: {  	_ =	shalt  }
0x86: {  	_ =	shalt  }
0x87: {  	_ =	shalt  }
.Lfunc_end0:
.L_simem_size_0:
called_computation_lowered:
.L_overlay_start_0:
0x88: {  	s2 =	sld [smem:$0x3FD9]  }
0x89: {  	s3 =	sld [smem:$0x3FFE];
	_ =	sdelay $0x1  }
0x8a: {  	s1 =	srdreg.scid  }
0x8b: {  	s0 =	sand.u32 $0x1, s1  }
0x8c: {  	s17 =	sshll.u32 s0, $0xA;
	s2 =	sadd.s32 s3, s2  }
0x8d: {  	s2 =	sadd.s32 s2, s17  }
0x8e: {  	[smem:$0x3FC2] =	sst s2  }
0x8f: {  	_ = 	snop  }
0x90: {  	s2 =	sld [smem:$0x3FC9]  }
0x91: {  	s18 =	sld [smem:$0x3FC8]  }
0x92: {  	s4 =	sld [smem:$0x3FD0];
	(tm) =	ssettm $0x1  }
0x93: {  	s5 =	sld [smem:$0x3FFB];
	_ =	sdelay $0x3  }
0x94: {  	_ =	strace s5  }
0x95: {  	s5 =	sld [smem:$0x3FFC];
	_ =	sdelay $0x3  }
0x96: {  	_ =	strace s5  }
0x97: {  	s5 =	sld [smem:$0x3FFD];
	_ =	sdelay $0x3  }
0x98: {  	_ =	strace s5  }
0x99: {  	_ =	strace $0x8FFFFFFF  }
0x9a: {  	s19 =	sld [smem:$0x3FDB];
	_ =	sdelay $0x1  }
0x9b: {  	s6 =	simm.s32 $_scs_section_size  }
0x9c: {  	s7 =	simm.s32 $_size__tile_overlayer_lowered;
	s8 =	simm.s32 $_tile_overlayer_lowered  }
0x9d: {  	s22 =	simm.s32 $0x1BFF;
	s21 =	sshll.u32 s8, $0x1;
	s5 =	sadd.s32 s6, s19  }
0x9e: {  	s9 =	simm.s32 $0x0;
	s20 =	sshll.u32 s7, $0x1;
	s7 =	sadd.s32 s21, s5  }
0x9f: {  	[timem:s9], [sflag:s22] =	dma.local [hbm:s7], s20  }
0xa0: {  	_ =	swait.ge [sflag:s22], s20  }
0xa1: {  	s6 =	ssub.s32 $0x0, s20;
	[sflag:s22] =	ssyncset.done $0x0  }
0xa2: {  	[sflag:s22] =	ssyncadd.s32 s6;
	_ =	sdelay $0x1  }
0xa3: {  	s23 =	simm.s32 $0x1B8B  }
0xa4: {  	_ =	swait.ge [sflag:s23], $0x1  }
0xa5: {  	[sflag:s23] =	ssyncset.done $0x0  }
0xa6: {  	s25 =	simm.s32 $0x1B8E;
	s24 =	sld [smem:$0x3FFE];
	[sflag:s23] =	ssyncadd.s32 $0xFFFFFFFF  }
0xa7: {  	s26 =	simm.s32 $execute0_lowered;
	[smem:$0x3FD2] =	sst s25  }
0xa8: {  	s7 =	sshll.u32 s26, $0x1;
	_ =	strace $0x80000046;
	[dreg:$0x1] =	wrdreg $0xFFFFFFFF  }
0xa9: {  	s28 =	simm.s32 $_size_execute0_lowered;
	s5 =	sadd.s32 s5, s7;
	[dreg:$0x0] =	wrdreg $0x0  }
0xaa: {  	s7 =	sshll.u32 s28, $0x1;
	[dreg:$0x2] =	wrdreg s5  }
0xab: {  	[dreg:$0x3] =	wrdreg s7  }
0xac: {  	[dreg:$0x4] =	wrdreg $0xC0  }
0xad: {  	_ =	task [dreg:s9], $0x5FFFF  }
0xae: {  	[dreg:$0x1] =	wrdreg $0xFFFFFFFF  }
0xaf: {  	[dreg:$0x0] =	wrdreg $0x60  }
0xb0: {  	[dreg:$0x2] =	wrdreg s2  }
0xb1: {  	[dreg:$0x3] =	wrdreg s18  }
0xb2: {  	[dreg:$0x4] =	wrdreg s24  }
0xb3: {  	[dreg:$0x5] =	wrdreg s4  }
0xb4: {  	[dreg:$0x6] =	wrdreg $0x9  }
0xb5: {  	_ =	task.clear_ibuf [dreg:s9], $0x7FFFF;
	_ =	strace $0x90000046  }
0xb6: {  	s29 =	simm.s32 $0x9;
	_ =	strace $0x80000048  }
0xb7: {  	_ =	swait.ge [sflag:s29], $0x1  }
0xb8: {  	[sflag:s29] =	ssyncadd.s32 $0xFFFFFFFF  }
0xb9: {  	_ =	strace $0x90000048  }
0xba: {  	_ =	sfence  }
0xbb: {  	s30 =	sld [smem:$0x0];
	_ =	sdelay $0x2  }
0xbc: {  	s31 =	sshll.u32 s1, $0xD;
	s1 =	sshrl.u32 s1, $0x2  }
0xbd: {  	s3 =	sand.u32 $0x4000, s31;
	s1 =	sadd.s32 s1, s30  }
0xbe: {  	s0 =	sor.u32 s3, s0;
	s1 =	sshll.u32 s1, $0x11  }
0xbf: {  	s0 =	sor.u32 s1, s0  }
0xc0: {  	s0 =	sadd.s32 $0x8F2B, s0  }
0xc1: {  	[sflag:s0] =	ssyncadd.remote.s32 $0x1  }
0xc2: {  	_ =	sfence.sel $0xFFFF  }
0xc3: {  	[dreg:$0x0] =	wrdreg $0xFFFFFFFF;
	(pc) =	sbr.abs _section_cstart, $3  }
0xc4: {  	[dreg:$0x1] =	wrdreg $0xFFFFFFFF  }
0xc5: {  	_ =	task.clear_ibuf [dreg:s9], $0x2FFFF;
	_ =	strace $0x9FFFFFFF  }
0xc6: {  	(tm) =	ssettm $0x7FFFFFFF  }
0xc7: {  	_ =	shalt  }
tec
execute0_lowered:
.L_overlay_start_1:
0x0: {  	(tag) =	ssettag $0x1  }
0x1: {  	v0 =	vimm.s32 $0xEFCDAB89;
	v1 =	vimm.s32 $0x67452301  }
0x2: {  	vm0 =	vcmask $0x1B14;
	vm1 =	vcmask $0xB04;
	vm5 =	vcmask $0x2B24  }
0x3: {  	v3 =	vimm.s32 $0x1E1F1C1D;
	v4 =	vimm.s32 $0x12131011;
	v5 =	vimm.s32 $0x16171415  }
0x4: {  	vm10 =	vcmask $0x1F10;
	vm4 =	vcmask $0x3B34;
	v6 =	vimm.s32 $0x26272425  }
0x5: {  	v7 =	vimm.s32 $0x3A3B3839;
	v8 =	vimm.s32 $0x3E3F3C3D;
	v9 =	vimm.s32 $0x32333031  }
0x6: {  	v10 =	vimm.s32 $0x36373435;
	v11 =	vimm.s32 $0xDCFE98BA;
	v12 =	vimm.s32 $0x54761032  }
0x7: {  	v43 =	vimm.s32 $0x11101312;
	v44 =	vimm.s32 $0x15141716;
	v45 =	vimm.s32 $0x29282B2A  }
0x8: {  	v46 =	vimm.s32 $0x2D2C2F2E;
	v48 =	vimm.s32 $0x21202322;
	v49 =	vimm.s32 $0x25242726  }
0x9: {  	v50 =	vimm.s32 $0x39383B3A;
	v51 =	vimm.s32 $0x3D3C3F3E;
	v13 =	vimm.s32 $0x31303332  }
0xa: {  	v14 =	vimm.s32 $0x35343736;
	vm2 =	vcmask $0x704;
	vm3 =	vcmask $0x2724  }
0xb: {  	v56 =	vimm.s32 $0xBA98FEDC;
	v57 =	vimm.s32 $0x32107654;
	vm6 =	vcmask $0xF0C  }
0xc: {  	vm7 =	vcmask $0x2F20;
	vm8 =	vcmask $0x1F18;
	vm9 =	vcmask $0xF00  }
0xd: {  	v0 =	vunpack.c.l.s4.s8 v0;
	v1 =	vunpack.c.l.s4.s8 v1;
	vm0 =	vmor vm1, vm0  }
0xe: {  	v3 =	vunpack.c.0.s8.s32 v3;
	v4 =	vunpack.c.0.s8.s32 v4;
	v5 =	vunpack.c.0.s8.s32 v5  }
0xf: {  	v6 =	vunpack.c.0.s8.s32 v6;
	v7 =	vunpack.c.0.s8.s32 v7;
	v8 =	vunpack.c.0.s8.s32 v8  }
0x10: {  	v9 =	vunpack.c.0.s8.s32 v9;
	v2 =	vunpack.c.0.s8.s32 v0;
	v1 =	vunpack.c.0.s8.s32 v1  }
0x11: {  	v10 =	vunpack.c.0.s8.s32 v10;
	v11 =	vunpack.c.l.s4.s8 v11;
	v12 =	vunpack.c.l.s4.s8 v12  }
0x12: {  	v52 =	vunpack.c.0.s8.s32 v13;
	v1 =	vcombine.low v1, v2;
	v2 =	vimm.s32 $0x1A1B1819  }
0x13: {  	v53 =	vunpack.c.0.s8.s32 v14;
	vm0 =	vmor vm0, vm5;
	v2 =	vunpack.c.0.s8.s32 v2  }
0x14: {  	vm5 =	vcmask $0x3728;
	v42 =	vunpack.c.0.s8.s32 v12;
	v1 =	vand.u32 $0xF, v1  }
0x15: {  	v2 =	vsel vm10, v3, v2;
	v3 =	vsel vm10, v5, v4;
	v4 =	vimm.s32 $0x2A2B2829  }
0x16: {  	[tilespmem:$0x1FE20] =	vst v1;
	v1 =	vcombine.low v3, v2;
	v3 =	vunpack.c.0.s8.s32 v4;
	v4 =	vimm.s32 $0x2E2F2C2D  }
0x17: {  	vm0 =	vmor vm0, vm4;
	v5 =	vimm.s32 $0x22232021;
	v4 =	vunpack.c.0.s8.s32 v4  }
0x18: {  	vm4 =	vcmask $0x1708;
	v12 =	vunpack.c.0.s8.s32 v51;
	v5 =	vunpack.c.0.s8.s32 v5  }
0x19: {  	v55 =	vsel vm10, v53, v52;
	[tilespmem:$0x1FE30] =	vst v1;
	v1 =	vimm.s32 $0x0;
	v3 =	vsel vm10, v4, v3  }
0x1a: {  	v4 =	vsel vm10, v6, v5;
	v5 =	vsel vm10, v8, v7;
	v6 =	vsel vm10, v10, v9  }
0x1b: {  	v7 =	vunpack.c.0.s8.s32 v11;
	v1 =	vsel vm0, $0xFFFFFFFF, v1;
	v8 =	vunpack.c.0.s8.s32 v43  }
0x1c: {  	v9 =	vunpack.c.0.s8.s32 v44;
	v10 =	vunpack.c.0.s8.s32 v45;
	v11 =	vunpack.c.0.s8.s32 v46  }
0x1d: {  	vm0 =	vmor vm4, vm5;
	[tilespmem:$0x1FE40] =	vst v1;
	v1 =	vcombine.low v4, v3;
	v4 =	vcombine.low v6, v5  }
0x1e: {  	v6 =	vimm.s32 $0x19181B1A;
	v5 =	vcombine.low v42, v7;
	v7 =	vimm.s32 $0x1D1C1F1E  }
0x1f: {  	vm5 =	vcmask $0x130C;
	v6 =	vunpack.c.0.s8.s32 v6;
	v7 =	vunpack.c.0.s8.s32 v7  }
0x20: {  	vm4 =	vmor vm2, vm5;
	v47 =	vsel vm10, v11, v10;
	[tilespmem:$0x1FE50] =	vst v1;
	v1 =	vand.u32 $0xF, v5  }
0x21: {  	v10 =	vunpack.c.0.s8.s32 v49;
	[tilespmem:$0x1FE60] =	vst v1;
	v1 =	vimm.s32 $0x0;
	v6 =	vsel vm10, v7, v6  }
0x22: {  	v7 =	vsel vm10, v9, v8;
	v9 =	vunpack.c.0.s8.s32 v48;
	v1 =	vsel vm0, $0xFFFFFFFF, v1  }
0x23: {  	vm5 =	vcmask $0xF08;
	vm2 =	vmor vm2, vm6;
	[tilespmem:$0x1FE70] =	vst v1;
	v1 =	vcombine.low v7, v6  }
0x24: {  	vm6 =	vcmask $0x1714;
	v11 =	vunpack.c.0.s8.s32 v50;
	v9 =	vsel vm10, v10, v9  }
0x25: {  	vm6 =	vmor vm2, vm6;
	vm0 =	vcmask $0x1B18;
	[tilespmem:$0x1FE80] =	vst v1;
	v1 =	vcombine.low v9, v47  }
0x26: {  	vm2 =	vmor vm9, vm7;
	v54 =	vsel vm10, v12, v11;
	vm1 =	vmor vm4, vm0  }
0x27: {  	vm4 =	vcmask $0x332C;
	vm1 =	vmor vm1, vm3;
	[tilespmem:$0x1FE90] =	vst v1;
	v1 =	vcombine.low v55, v54  }
0x28: {  	vm7 =	vcmask $0x1710;
	vm4 =	vmor vm1, vm4;
	vm1 =	vcmask $0x3B38  }
0x29: {  	v10 =	vunpack.c.l.s4.s8 v57;
	vm4 =	vmor vm4, vm1;
	[tilespmem:$0x1FEA0] =	vst v1;
	v1 =	vimm.s32 $0x0  }
0x2a: {  	v9 =	vunpack.c.l.s4.s8 v56;
	v1 =	vsel vm4, $0xFFFFFFFF, v1;
	vm4 =	vcmask $0x2718  }
0x2b: {  	v10 =	vunpack.c.0.s8.s32 v10;
	[tilespmem:$0x1FEB0] =	vst v1;
	vm4 =	vmor vm5, vm4;
	v1 =	vimm.s32 $0x0  }
0x2c: {  	vm5 =	vmor vm5, vm8;
	vm8 =	vcmask $0x2F28;
	v1 =	vsel vm2, $0xFFFFFFFF, v1  }
0x2d: {  	vm2 =	vmor vm5, vm8;
	vm5 =	vcmask $0x3F38;
	vm8 =	vcmask $0x700  }
0x2e: {  	[tilespmem:$0x1FEC0] =	vst v1;
	vm2 =	vmor vm2, vm5;
	v1 =	vimm.s32 $0x0;
	vm5 =	vcmask $0x2720  }
0x2f: {  	v1 =	vsel vm2, $0xFFFFFFFF, v1;
	vm2 =	vmor vm8, vm7;
	vm7 =	vcmask $0x231C  }
0x30: {  	vm5 =	vmor vm2, vm5;
	vm2 =	vmor vm6, vm7;
	vm7 =	vcmask $0x3730  }
0x31: {  	v9 =	vunpack.c.0.s8.s32 v9;
	[tilespmem:$0x1FED0] =	vst v1;
	v1 =	vimm.s32 $0x0;
	vm4 =	vmor vm4, vm7  }
0x32: {  	v1 =	vsel vm4, $0xFFFFFFFF, v1  }
0x33: {  	v9 =	vcombine.low v10, v9;
	vm5 =	vmor vm5, vm7;
	[tilespmem:$0x1FEE0] =	vst v1;
	v1 =	vimm.s32 $0x0  }
0x34: {  	v1 =	vsel vm5, $0xFFFFFFFF, v1  }
0x35: {  	v58 =	vimm.s32 $0x1F1E1D1C;
	[tilespmem:$0x1FEF0] =	vst v1;
	v1 =	vand.u32 $0xF, v9  }
0x36: {  	[tilespmem:$0x1FF00] =	vst v1;
	v1 =	vunpack.c.0.s8.s32 v58  }
0x37: {  	v59 =	vimm.s32 $0x1B1A1918  }
0x38: {  	[tilespmem:$0x1FF10] =	vst v1;
	v1 =	vunpack.c.0.s8.s32 v59  }
0x39: {  	v60 =	vimm.s32 $0x17161514  }
0x3a: {  	[tilespmem:$0x1FF20] =	vst v1;
	v1 =	vunpack.c.0.s8.s32 v60  }
0x3b: {  	v61 =	vimm.s32 $0x13121110  }
0x3c: {  	[tilespmem:$0x1FF30] =	vst v1;
	v1 =	vunpack.c.0.s8.s32 v61  }
0x3d: {  	v62 =	vimm.s32 $0x2F2E2D2C  }
0x3e: {  	[tilespmem:$0x1FF40] =	vst v1;
	v1 =	vunpack.c.0.s8.s32 v62  }
0x3f: {  	v15 =	vimm.s32 $0x2B2A2928  }
0x40: {  	vm8 =	vcmask $0x1F1C;
	[tilespmem:$0x1FF50] =	vst v1;
	v1 =	vunpack.c.0.s8.s32 v15  }
0x41: {  	v16 =	vimm.s32 $0x27262524;
	v17 =	vimm.s32 $0x23222120;
	vm6 =	vmor vm6, vm8  }
0x42: {  	vm3 =	vmor vm6, vm3;
	vm6 =	vcmask $0x2F2C;
	[tilespmem:$0x1FF60] =	vst v1;
	v1 =	vunpack.c.0.s8.s32 v16  }
0x43: {  	v18 =	vimm.s32 $0x3F3E3D3C;
	vm3 =	vmor vm3, vm6;
	vm4 =	vcmask $0x3734  }
0x44: {  	vm3 =	vmor vm3, vm4;
	vm4 =	vcmask $0x3F3C;
	[tilespmem:$0x1FF70] =	vst v1;
	v1 =	vunpack.c.0.s8.s32 v17  }
0x45: {  	v19 =	vimm.s32 $0x3B3A3938;
	v20 =	vimm.s32 $0x37363534;
	vm8 =	vmor vm3, vm4  }
0x46: {  	s0 =	rddreg [dreg:$0x0];
	vm3 =	vcmask $0xB08;
	vm4 =	vcmask $0x300;
	[tilespmem:$0x1FF80] =	vst v1;
	v1 =	vunpack.c.0.s8.s32 v18  }
0x47: {  	s1 =	rddreg [dreg:$0x1];
	v21 =	vimm.s32 $0xFEDCBA98;
	vm3 =	vmor vm4, vm3;
	vm4 =	vcmask $0x1310  }
0x48: {  	s2 =	rddreg [dreg:$0x2];
	s4 =	simm.s32 $0x0;
	v22 =	vimm.s32 $0x76543210;
	vm3 =	vmor vm3, vm4;
	[tilespmem:$0x1FF90] =	vst v1;
	v1 =	vunpack.c.0.s8.s32 v19  }
0x49: {  	v63 =	vimm.s32 $0x33323130;
	[smem:$0x7FF] =	sst s4;
	vm0 =	vmor vm3, vm0;
	vm3 =	vcmask $0x2320  }
0x4a: {  	s3 =	rddreg [dreg:$0x3];
	vm0 =	vmor vm0, vm3;
	vm3 =	vcmask $0x2B28;
	_ =	strace $0x80000047;
	[tilespmem:$0x1FFA0] =	vst v1;
	v1 =	vunpack.c.0.s8.s32 v20  }
0x4b: {  	v21 =	vunpack.c.l.s4.s8 v21;
	v22 =	vunpack.c.l.s4.s8 v22;
	vm2 =	vmor vm2, vm3  }
0x4c: {  	vm0 =	vmor vm0, vm3;
	vm3 =	vcmask $0x3330;
	[tilespmem:$0x1FFB0] =	vst v1;
	v1 =	vunpack.c.0.s8.s32 v63  }
0x4d: {  	s6 =	srdreg.scid;
	v23 =	vunpack.c.0.s8.s32 v21;
	vm2 =	vmor vm2, vm3  }
0x4e: {  	s12 =	stileid.u32;
	s13 =	simm.s32 $0x1;
	s16 =	simm.s32 $0x80;
	v22 =	vunpack.c.0.s8.s32 v22;
	vm2 =	vmor vm2, vm1;
	[tilespmem:$0x1FFC0] =	vst v1;
	v1 =	vimm.s32 $0x0  }
0x4f: {  	s17 =	simm.s32 $0x400;
	s18 =	simm.s32 $0x8000;
	s19 =	simm.s32 $0x10780;
	v23 =	vand.u32 $0xF, v23;
	v1 =	vsel vm2, $0xFFFFFFFF, v1  }
.Ltmp0:
0x50: {  	s20 =	simm.s32 $0x10B00;
	s6 =	sand.u32 $0x1, s6;
	[tilespmem:$0x1FFD0] =	vst v1;
	v1 =	vcombine.low v23, v22;
	(pc) =	sbr.rel .LBB2_1-.Ltmp0, $4  }
0x51: {  	s21 =	simm.s32 $0x0;
	s5 =	sadd.s32 $0x600, s2;
	s9 =	ssub.s32 $0x2, s6;
	vm0 =	vmor vm0, vm3  }
0x52: {  	s7 =	sadd.s32 $0x800, s2;
	s11 =	sshll.u32 s12, $0x3;
	s10 =	sshrl.u32 s9, $0x1;
	vm0 =	vmor vm0, vm1;
	[tilespmem:$0x1FFE0] =	vst v1;
	v1 =	vimm.s32 $0x0  }
0x53: {  	s8 =	sadd.s32 $0xA00, s2;
	s6 =	sshll.u32 s6, $0x2;
	s31 =	ssub.s32 s9, s10;
	vm5 =	vcmask $0x3F30;
	v1 =	vsel vm0, $0xFFFFFFFF, v1  }
0x54: {  	v0 =	vlaneseq.u32;
	s9 =	sor.u32 s6, s11;
	s10 =	sshll.u32 s12, $0xF;
	s11 =	smax.u32 s31, $0x1;
	vm13 =	vmor vm10, vm5;
	[tilespmem:$0x1FFF0] =	vst v1  }
.LBB2_43:
0x55: {  	s21 =	sadd.s32 $0x1, s21  }
0x56: {  	p0 =	sne.s32 s21, s11  }
.Ltmp1:
0x57: {  	_ = 	snop;
	(pc) =	sbr.rel @!p0 .LBB2_44-.Ltmp1, $1  }
0x58: {  	_ =	sdelay $0x3  }
.LBB2_1:
0x59: {  	s2 =	simm.s32 $0x10000  }
0x5a: {  	[tilespmem:s2], [sflag:$0x1] =	stream.linear.gather [hbm4b:s5+s4], $0x80, $0x38;
	[tilespmem:$0x10E80] =	vst v63  }
0x5b: {  	_ =	swait.ge [sflag:s13], $0x80  }
0x5c: {  	[sflag:s13] =	ssyncset.done $0x0  }
0x5d: {  	s30 =	simm.s32 $0x10080;
	[sflag:s13] =	ssyncadd.s32 $0xFFFFFF80  }
0x5e: {  	[tilespmem:s30], [sflag:$0x1] =	stream.linear.gather [hbm4b:s7+s4], $0x80, $0x38;
	[tilespmem:$0x10E80] =	vst v63  }
0x5f: {  	_ =	swait.ge [sflag:s13], $0x80  }
0x60: {  	[sflag:s13] =	ssyncset.done $0x0  }
0x61: {  	s31 =	simm.s32 $0x10100;
	[sflag:s13] =	ssyncadd.s32 $0xFFFFFF80  }
0x62: {  	[tilespmem:s31], [sflag:$0x1] =	stream.linear.gather [hbm4b:s8+s4], $0x80, $0x38;
	[tilespmem:$0x10E80] =	vst v63  }
0x63: {  	_ =	swait.ge [sflag:s13], $0x80  }
.Ltmp2:
0x64: {  	[sflag:s13] =	ssyncset.done $0x0;
	(pc) =	sbr.rel .LBB2_2-.Ltmp2, $4  }
0x65: {  	[sflag:s13] =	ssyncadd.s32 $0xFFFFFF80  }
0x66: {  	v23 =	vld [tilespmem:$0x10000]  }
0x67: {  	v24 =	vld [tilespmem:$0x10080]  }
0x68: {  	s22 =	simm.s32 $0x0;
	v25 =	vld [tilespmem:$0x10100]  }
.LBB2_37:
0x69: {  	s6 =	simm.s32 $0x0;
	s2 =	simm.s32 $0x10480;
	s26 =	smov.u32 s29  }
.LBB2_41:
0x6a: {  	s6 =	sadd.s32 @p0 $0x10, s6  }
0x6b: {  	s25 =	smov.u32 @p0 s6  }
0x6c: {  	v1 =	vor.u32 s25, v0  }
0x6d: {  	vm1 =	veq.f32 v29, v27;
	vm0 =	vlt.s32 v1, v26  }
0x6e: {  	vm0 =	vmand vm0, vm1  }
0x6f: {  	v1 =	vmpcnt.ones.xlane vm0;
	_ =	sdelay $0x1  }
0x70: {  	(v2sf) =	vpush v1, $0x0;
	_ =	sdelay $0x7  }
0x71: {  	s2 =	sadd.s32 @p0 $0x10, s2  }
0x72: {  	s24 =	smov.u32 @p0 s2  }
0x73: {  	v1 =	vld [tilespmem:s24+$0x0]  }
0x74: {  	s2 =	spop @p0 (v2sf)  }
0x75: {  	s2 =	sadd.s32 @p0 s26, s2  }
0x76: {  	s29 =	smov.u32 @p0 s2  }
0x77: {  	[tilespmem:s29+$0x10780] =	vst.msk vm0, v29  }
0x78: {  	[tilespmem:s29+$0x10B00] =	vst.msk vm0, v1;
	s31 =	spop (v2sf)  }
.LBB2_42:
0x79: {  	v1 =	vld [tilespmem:$0x10780]  }
0x7a: {  	v2 =	vld [tilespmem:$0x10B00]  }
0x7b: {  	v18 =	vld [tilespmem:$0x1FE20]  }
0x7c: {  	v6 =	vld [tilespmem:$0x10790]  }
0x7d: {  	v7 =	vld [tilespmem:$0x10B10]  }
0x7e: {  	v19 =	vld [tilespmem:$0x1FE30]  }
0x7f: {  	v10 =	vld [tilespmem:$0x107A0]  }
0x80: {  	v20 =	vld [tilespmem:$0x1FE50]  }
0x81: {  	v11 =	vld [tilespmem:$0x10B20]  }
0x82: {  	v14 =	vld [tilespmem:$0x107B0]  }
0x83: {  	v15 =	vld [tilespmem:$0x10B30]  }
0x84: {  	v3 =	vld.idx.msk [tilespmem:v18+s19+$0x0], $0xffff  }
0x85: {  	v5 =	vld.idx.msk [tilespmem:v18+s20+$0x0], $0xffff  }
0x86: {  	v8 =	vld.idx.msk [tilespmem:v19+s19+$0x0], $0xffff  }
0x87: {  	v9 =	vld.idx.msk [tilespmem:v19+s20+$0x0], $0xffff  }
0x88: {  	v12 =	vld.idx.msk [tilespmem:v20+s19+$0x0], $0xffff  }
0x89: {  	v13 =	vld.idx.msk [tilespmem:v20+s20+$0x0], $0xffff  }
0x8a: {  	v16 =	vld.idx.msk [tilespmem:v4+s19+$0x0], $0xffff  }
0x8b: {  	v21 =	vld [tilespmem:$0x1FE40];
	_ =	sdelay $0x2  }
0x8c: {  	vm0 =	vlt.f32 v3, v1  }
0x8d: {  	vm1 =	veq.f32 v3, v1;
	vm2 =	vlt.s32 v5, v2;
	vm3 =	vlt.s32 v9, v7  }
0x8e: {  	vm4 =	vnez.u8 v21;
	vm1 =	vmand vm1, vm2;
	vm2 =	veq.f32 v8, v6  }
0x8f: {  	v17 =	vld.idx.msk [tilespmem:v4+s20+$0x0], $0xffff;
	vm0 =	vmor vm0, vm1;
	vm1 =	vlt.f32 v8, v6;
	vm2 =	vmand vm2, vm3  }
0x90: {  	vm0 =	vmxor vm0, vm4;
	vm1 =	vmor vm1, vm2  }
0x91: {  	vm2 =	vlt.s32 v13, v11;
	v1 =	vsel vm0, v3, v1;
	vm5 =	vmxor vm1, vm4  }
0x92: {  	v22 =	vld [tilespmem:$0x1FE80];
	v2 =	vsel vm0, v5, v2;
	vm1 =	veq.f32 v12, v10;
	v3 =	vsel vm5, v8, v6  }
0x93: {  	v21 =	vld [tilespmem:$0x1FE60];
	v5 =	vsel vm5, v9, v7;
	vm5 =	vlt.f32 v12, v10;
	vm1 =	vmand vm1, vm2;
	[tilespmem:$0x10780] =	vst v1  }
0x94: {  	v35 =	vld [tilespmem:$0x1FE90];
	vm2 =	vlt.s32 v17, v15;
	[tilespmem:$0x10B00] =	vst v2;
	vm0 =	vmor vm5, vm1;
	vm1 =	veq.f32 v16, v14  }
0x95: {  	v36 =	vld [tilespmem:$0x1FEA0];
	vm3 =	vlt.f32 v16, v14;
	[tilespmem:$0x10790] =	vst v3;
	vm0 =	vmxor vm0, vm4;
	vm1 =	vmand vm1, vm2  }
0x96: {  	v26 =	vld [tilespmem:$0x1FE70];
	[tilespmem:$0x10B10] =	vst v5;
	v1 =	vsel vm0, v12, v10;
	vm1 =	vmor vm3, vm1  }
0x97: {  	v3 =	vld [tilespmem:$0x10B00];
	v2 =	vsel vm0, v13, v11;
	vm4 =	vmxor vm1, vm4;
	[tilespmem:$0x107A0] =	vst v1  }
0x98: {  	v7 =	vld [tilespmem:$0x10790];
	[tilespmem:$0x10B20] =	vst v2;
	v1 =	vsel vm4, v16, v14  }
0x99: {  	v60 =	vld [tilespmem:$0x10B10];
	v2 =	vsel vm4, v17, v15;
	[tilespmem:$0x107B0] =	vst v1  }
0x9a: {  	v1 =	vld [tilespmem:$0x10780];
	[tilespmem:$0x10B30] =	vst v2  }
0x9b: {  	v5 =	vld.idx.msk [tilespmem:v21+s19+$0x0], $0xffff  }
0x9c: {  	v6 =	vld.idx.msk [tilespmem:v21+s20+$0x0], $0xffff  }
0x9d: {  	v61 =	vld.idx.msk [tilespmem:v22+s19+$0x0], $0xffff  }
0x9e: {  	v62 =	vld.idx.msk [tilespmem:v22+s20+$0x0], $0xffff  }
0x9f: {  	v63 =	vld [tilespmem:$0x107A0]  }
0xa0: {  	v28 =	vld [tilespmem:$0x10B20]  }
0xa1: {  	v29 =	vld.idx.msk [tilespmem:v35+s19+$0x0], $0xffff  }
0xa2: {  	v30 =	vld.idx.msk [tilespmem:v35+s20+$0x0], $0xffff;
	vm5 =	veq.f32 v5, v1  }
0xa3: {  	v31 =	vld [tilespmem:$0x107B0];
	vm4 =	vlt.s32 v6, v3;
	vm2 =	veq.f32 v61, v7;
	vm3 =	vlt.s32 v62, v60  }
0xa4: {  	v32 =	vld.idx.msk [tilespmem:v36+s19+$0x0], $0xffff;
	vm0 =	vlt.f32 v5, v1;
	vm1 =	vmand vm5, vm4;
	vm2 =	vmand vm2, vm3  }
0xa5: {  	v33 =	vld.idx.msk [tilespmem:v36+s20+$0x0], $0xffff;
	vm4 =	vnez.u8 v26;
	vm0 =	vmor vm0, vm1;
	vm1 =	vlt.f32 v61, v7  }
0xa6: {  	vm0 =	vmxor vm0, vm4;
	vm1 =	vmor vm1, vm2  }
0xa7: {  	vm2 =	vlt.s32 v30, v28;
	v1 =	vsel vm0, v5, v1;
	vm5 =	vmxor vm1, vm4  }
0xa8: {  	v3 =	vsel vm0, v6, v3;
	vm1 =	veq.f32 v29, v63;
	v5 =	vsel vm5, v61, v7  }
0xa9: {  	v26 =	vld [tilespmem:$0x1FEB0];
	v6 =	vsel vm5, v62, v60;
	vm5 =	vlt.f32 v29, v63;
	vm1 =	vmand vm1, vm2;
	[tilespmem:$0x10790] =	vst v5  }
0xaa: {  	vm2 =	vlt.s32 v33, v2;
	vm0 =	vmor vm5, vm1;
	vm1 =	veq.f32 v32, v31;
	[tilespmem:$0x10B10] =	vst v6;
	v7 =	vld [tilespmem:$0x10790]  }
0xab: {  	vm3 =	vlt.f32 v32, v31;
	[tilespmem:$0x10780] =	vst v1;
	vm0 =	vmxor vm0, vm4;
	vm1 =	vmand vm1, vm2;
	v34 =	vld [tilespmem:$0x10B10]  }
0xac: {  	[tilespmem:$0x10B00] =	vst v3;
	v1 =	vsel vm0, v29, v63;
	vm1 =	vmor vm3, vm1;
	v29 =	vld [tilespmem:$0x1FF10]  }
0xad: {  	v3 =	vsel vm0, v30, v28;
	v30 =	vld [tilespmem:$0x1FF20];
	vm4 =	vmxor vm1, vm4;
	[tilespmem:$0x107A0] =	vst v1  }
0xae: {  	[tilespmem:$0x10B20] =	vst v3;
	v3 =	vld [tilespmem:$0x10B00];
	v1 =	vsel vm4, v32, v31  }
0xaf: {  	v2 =	vsel vm4, v33, v2;
	v39 =	vld [tilespmem:$0x107A0];
	[tilespmem:$0x107B0] =	vst v1  }
0xb0: {  	v1 =	vld [tilespmem:$0x10780];
	[tilespmem:$0x10B30] =	vst v2  }
0xb1: {  	v5 =	vld.idx.msk [tilespmem:v18+s19+$0x0], $0xffff  }
0xb2: {  	v6 =	vld.idx.msk [tilespmem:v18+s20+$0x0], $0xffff  }
0xb3: {  	v37 =	vld.idx.msk [tilespmem:v19+s19+$0x0], $0xffff  }
0xb4: {  	v38 =	vld.idx.msk [tilespmem:v19+s20+$0x0], $0xffff  }
0xb5: {  	v40 =	vld [tilespmem:$0x10B20]  }
0xb6: {  	v31 =	vld [tilespmem:$0x1FF30]  }
0xb7: {  	v32 =	vld [tilespmem:$0x1FF40]  }
0xb8: {  	v42 =	vld.idx.msk [tilespmem:v20+s20+$0x0], $0xffff;
	vm5 =	veq.f32 v5, v1  }
0xb9: {  	v41 =	vld.idx.msk [tilespmem:v20+s19+$0x0], $0xffff;
	vm4 =	vlt.s32 v6, v3;
	vm2 =	veq.f32 v37, v7;
	vm3 =	vlt.s32 v38, v34  }
0xba: {  	v33 =	vld [tilespmem:$0x1FF50];
	vm0 =	vlt.f32 v5, v1;
	vm1 =	vmand vm5, vm4;
	vm2 =	vmand vm2, vm3  }
0xbb: {  	v43 =	vld [tilespmem:$0x107B0];
	vm4 =	vnez.u8 v26;
	vm0 =	vmor vm0, vm1;
	vm1 =	vlt.f32 v37, v7  }
0xbc: {  	v44 =	vld.idx.msk [tilespmem:v4+s19+$0x0], $0xffff;
	vm0 =	vmxor vm0, vm4;
	vm1 =	vmor vm1, vm2  }
0xbd: {  	v45 =	vld.idx.msk [tilespmem:v4+s20+$0x0], $0xffff;
	vm2 =	vlt.s32 v42, v40;
	v1 =	vsel vm0, v5, v1;
	vm5 =	vmxor vm1, vm4  }
0xbe: {  	v3 =	vsel vm0, v6, v3;
	vm1 =	veq.f32 v41, v39;
	v5 =	vsel vm5, v37, v7;
	v37 =	vld [tilespmem:$0x1FF00]  }
0xbf: {  	v6 =	vsel vm5, v38, v34;
	vm5 =	vlt.f32 v41, v39;
	vm1 =	vmand vm1, vm2;
	v34 =	vld [tilespmem:$0x1FF60]  }
0xc0: {  	v38 =	vld [tilespmem:$0x1FF70];
	vm0 =	vmor vm5, vm1;
	[tilespmem:$0x10790] =	vst v5  }
0xc1: {  	vm0 =	vmxor vm0, vm4;
	v47 =	vld [tilespmem:$0x10790]  }
0xc2: {  	[tilespmem:$0x10780] =	vst v1;
	vm2 =	vlt.s32 v45, v2;
	vm1 =	veq.f32 v44, v43;
	v1 =	vsel vm0, v41, v39;
	v39 =	vld [tilespmem:$0x1FF80]  }
0xc3: {  	vm3 =	vlt.f32 v44, v43;
	[tilespmem:$0x10B00] =	vst v3;
	vm1 =	vmand vm1, vm2;
	v3 =	vsel vm0, v42, v40;
	v40 =	vld [tilespmem:$0x1FF90]  }
0xc4: {  	vm1 =	vmor vm3, vm1;
	v41 =	vld [tilespmem:$0x1FFA0]  }
0xc5: {  	v42 =	vld [tilespmem:$0x1FFB0];
	vm0 =	vmxor vm1, vm4;
	[tilespmem:$0x107A0] =	vst v1;
	vm4 =	vcmask $0x1F10  }
0xc6: {  	[tilespmem:$0x10B20] =	vst v3;
	v1 =	vsel vm0, v44, v43;
	v3 =	vsel vm4, v30, v29;
	v5 =	vsel vm4, v32, v31;
	v43 =	vld [tilespmem:$0x1FFC0]  }
0xc7: {  	[tilespmem:$0x10B10] =	vst v6;
	v52 =	vld [tilespmem:$0x107A0];
	v27 =	vcombine.low v5, v3  }
0xc8: {  	v2 =	vsel vm0, v45, v2;
	[tilespmem:$0x107B0] =	vst v1;
	v1 =	vld [tilespmem:$0x10780]  }
0xc9: {  	[tilespmem:$0x10B30] =	vst v2;
	v3 =	vld [tilespmem:$0x10B00]  }
0xca: {  	v7 =	vsel vm4, v34, v33;
	v5 =	vld.idx.msk [tilespmem:v37+s19+$0x0], $0xffff;
	v46 =	vsel vm4, v39, v38  }
0xcb: {  	v6 =	vld.idx.msk [tilespmem:v37+s20+$0x0], $0xffff;
	v28 =	vcombine.low v46, v7  }
0xcc: {  	v49 =	vsel vm4, v41, v40;
	v7 =	vld [tilespmem:$0x10B10];
	v50 =	vsel vm4, v43, v42  }
0xcd: {  	v26 =	vcombine.low v50, v49;
	v48 =	vld.idx.msk [tilespmem:v27+s19+$0x0], $0xffff  }
0xce: {  	v51 =	vld.idx.msk [tilespmem:v27+s20+$0x0], $0xffff  }
0xcf: {  	v53 =	vld [tilespmem:$0x10B20]  }
0xd0: {  	v56 =	vld [tilespmem:$0x107B0]  }
0xd1: {  	vm1 =	veq.f32 v5, v1;
	vm5 =	vlt.s32 v6, v3;
	v54 =	vld.idx.msk [tilespmem:v28+s19+$0x0], $0xffff  }
0xd2: {  	vm0 =	vlt.f32 v5, v1;
	vm1 =	vmand vm1, vm5;
	v55 =	vld.idx.msk [tilespmem:v28+s20+$0x0], $0xffff  }
0xd3: {  	vm5 =	vcmask $0x2F10;
	vm2 =	veq.f32 v48, v47;
	vm3 =	vlt.s32 v51, v7;
	v57 =	vld.idx.msk [tilespmem:v26+s19+$0x0], $0xffff  }
0xd4: {  	vm0 =	vmor vm0, vm1;
	vm1 =	vlt.f32 v48, v47;
	v58 =	vld.idx.msk [tilespmem:v26+s20+$0x0], $0xffff;
	vm2 =	vmand vm2, vm3  }
0xd5: {  	vm0 =	vmxor vm0, vm5;
	vm1 =	vmor vm1, vm2  }
0xd6: {  	v1 =	vsel vm0, v5, v1;
	v3 =	vsel vm0, v6, v3;
	vm0 =	vmxor vm1, vm5  }
0xd7: {  	vm1 =	veq.f32 v54, v52;
	vm2 =	vlt.s32 v55, v53;
	v5 =	vsel vm0, v48, v47  }
0xd8: {  	[tilespmem:$0x10780] =	vst v1;
	v6 =	vsel vm0, v51, v7;
	vm0 =	vlt.f32 v54, v52;
	vm1 =	vmand vm1, vm2  }
0xd9: {  	[tilespmem:$0x10B00] =	vst v3;
	vm0 =	vmor vm0, vm1;
	vm1 =	veq.f32 v57, v56;
	vm2 =	vlt.s32 v58, v2  }
0xda: {  	vm3 =	vlt.f32 v57, v56;
	[tilespmem:$0x10790] =	vst v5;
	vm0 =	vmxor vm0, vm5;
	vm1 =	vmand vm1, vm2  }
0xdb: {  	v44 =	vld [tilespmem:$0x1FEE0];
	[tilespmem:$0x10B10] =	vst v6;
	v1 =	vsel vm0, v54, v52;
	vm1 =	vmor vm3, vm1  }
0xdc: {  	v7 =	vld [tilespmem:$0x10790];
	v3 =	vsel vm0, v55, v53;
	vm5 =	vmxor vm1, vm5;
	[tilespmem:$0x107A0] =	vst v1  }
0xdd: {  	v59 =	vld [tilespmem:$0x10B10];
	[tilespmem:$0x10B20] =	vst v3;
	v1 =	vsel vm5, v57, v56  }
0xde: {  	v3 =	vld [tilespmem:$0x10B00];
	v2 =	vsel vm5, v58, v2;
	[tilespmem:$0x107B0] =	vst v1  }
0xdf: {  	v1 =	vld [tilespmem:$0x10780];
	[tilespmem:$0x10B30] =	vst v2  }
0xe0: {  	v5 =	vld.idx.msk [tilespmem:v21+s19+$0x0], $0xffff  }
0xe1: {  	v6 =	vld.idx.msk [tilespmem:v21+s20+$0x0], $0xffff  }
0xe2: {  	v60 =	vld.idx.msk [tilespmem:v22+s19+$0x0], $0xffff  }
0xe3: {  	v61 =	vld.idx.msk [tilespmem:v22+s20+$0x0], $0xffff  }
0xe4: {  	v62 =	vld [tilespmem:$0x107A0]  }
0xe5: {  	v63 =	vld [tilespmem:$0x10B20]  }
0xe6: {  	v48 =	vld.idx.msk [tilespmem:v35+s19+$0x0], $0xffff  }
0xe7: {  	v49 =	vld.idx.msk [tilespmem:v35+s20+$0x0], $0xffff;
	vm1 =	veq.f32 v5, v1  }
0xe8: {  	v50 =	vld [tilespmem:$0x107B0];
	vm5 =	vlt.s32 v6, v3;
	vm2 =	veq.f32 v60, v7;
	vm3 =	vlt.s32 v61, v59  }
0xe9: {  	v51 =	vld.idx.msk [tilespmem:v36+s19+$0x0], $0xffff;
	vm0 =	vlt.f32 v5, v1;
	vm1 =	vmand vm1, vm5;
	vm2 =	vmand vm2, vm3  }
0xea: {  	v52 =	vld.idx.msk [tilespmem:v36+s20+$0x0], $0xffff;
	vm5 =	vnez.u8 v44;
	vm0 =	vmor vm0, vm1;
	vm1 =	vlt.f32 v60, v7  }
0xeb: {  	vm0 =	vmxor vm0, vm5;
	vm1 =	vmor vm1, vm2  }
0xec: {  	v1 =	vsel vm0, v5, v1;
	v3 =	vsel vm0, v6, v3;
	vm0 =	vmxor vm1, vm5  }
0xed: {  	vm2 =	vlt.s32 v49, v63;
	vm1 =	veq.f32 v48, v62;
	v5 =	vsel vm0, v60, v7  }
0xee: {  	v6 =	vsel vm0, v61, v59;
	vm0 =	vlt.f32 v48, v62;
	vm1 =	vmand vm1, vm2;
	[tilespmem:$0x10780] =	vst v1  }
0xef: {  	vm2 =	vlt.s32 v52, v2;
	[tilespmem:$0x10B00] =	vst v3;
	vm0 =	vmor vm0, vm1;
	vm1 =	veq.f32 v51, v50  }
0xf0: {  	vm3 =	vlt.f32 v51, v50;
	[tilespmem:$0x10790] =	vst v5;
	vm0 =	vmxor vm0, vm5;
	vm1 =	vmand vm1, vm2  }
0xf1: {  	[tilespmem:$0x10B10] =	vst v6;
	v7 =	vld [tilespmem:$0x10790];
	v1 =	vsel vm0, v48, v62;
	vm1 =	vmor vm3, vm1  }
0xf2: {  	v53 =	vld [tilespmem:$0x10B10];
	v3 =	vsel vm0, v49, v63;
	vm5 =	vmxor vm1, vm5;
	[tilespmem:$0x107A0] =	vst v1  }
0xf3: {  	v63 =	vld [tilespmem:$0x1FFD0];
	[tilespmem:$0x10B20] =	vst v3;
	v1 =	vsel vm5, v51, v50  }
0xf4: {  	v3 =	vld [tilespmem:$0x10B00];
	v2 =	vsel vm5, v52, v2;
	[tilespmem:$0x107B0] =	vst v1  }
0xf5: {  	v1 =	vld [tilespmem:$0x10780];
	[tilespmem:$0x10B30] =	vst v2  }
0xf6: {  	v5 =	vld.idx.msk [tilespmem:v18+s19+$0x0], $0xffff  }
0xf7: {  	v6 =	vld.idx.msk [tilespmem:v18+s20+$0x0], $0xffff  }
0xf8: {  	v54 =	vld.idx.msk [tilespmem:v19+s19+$0x0], $0xffff  }
0xf9: {  	v55 =	vld.idx.msk [tilespmem:v19+s20+$0x0], $0xffff  }
0xfa: {  	v56 =	vld [tilespmem:$0x107A0]  }
0xfb: {  	v57 =	vld [tilespmem:$0x10B20]  }
0xfc: {  	v58 =	vld.idx.msk [tilespmem:v20+s19+$0x0], $0xffff  }
0xfd: {  	v59 =	vld.idx.msk [tilespmem:v20+s20+$0x0], $0xffff;
	vm1 =	veq.f32 v5, v1  }
0xfe: {  	v60 =	vld [tilespmem:$0x107B0];
	vm5 =	vlt.s32 v6, v3;
	vm2 =	veq.f32 v54, v7;
	vm3 =	vlt.s32 v55, v53  }
0xff: {  	v61 =	vld.idx.msk [tilespmem:v4+s19+$0x0], $0xffff;
	vm0 =	vlt.f32 v5, v1;
	vm1 =	vmand vm1, vm5;
	vm2 =	vmand vm2, vm3  }
0x100: {  	v62 =	vld.idx.msk [tilespmem:v4+s20+$0x0], $0xffff;
	vm5 =	vnez.u8 v63;
	vm0 =	vmor vm0, vm1;
	vm1 =	vlt.f32 v54, v7  }
0x101: {  	v47 =	vsel vm4, v33, v34;
	vm0 =	vmxor vm0, vm5;
	vm1 =	vmor vm1, vm2  }
0x102: {  	v1 =	vsel vm0, v5, v1;
	v3 =	vsel vm0, v6, v3;
	vm0 =	vmxor vm1, vm5  }
0x103: {  	vm2 =	vlt.s32 v59, v57;
	vm1 =	veq.f32 v58, v56;
	v5 =	vsel vm0, v54, v7  }
0x104: {  	v6 =	vsel vm0, v55, v53;
	vm0 =	vlt.f32 v58, v56;
	vm1 =	vmand vm1, vm2;
	[tilespmem:$0x10780] =	vst v1  }
0x105: {  	v44 =	vld [tilespmem:$0x1FFE0];
	vm3 =	vlt.f32 v61, v60;
	vm2 =	vlt.s32 v62, v2;
	[tilespmem:$0x10B00] =	vst v3;
	vm0 =	vmor vm0, vm1  }
0x106: {  	v7 =	vsel vm4, v38, v39;
	vm1 =	veq.f32 v61, v60;
	[tilespmem:$0x10790] =	vst v5;
	vm0 =	vmxor vm0, vm5  }
0x107: {  	[tilespmem:$0x10B10] =	vst v6;
	v5 =	vsel vm4, v29, v30;
	vm1 =	vmand vm1, vm2;
	v3 =	vsel vm0, v59, v57  }
0x108: {  	v48 =	vld [tilespmem:$0x10790];
	v1 =	vsel vm0, v58, v56;
	vm1 =	vmor vm3, vm1;
	[tilespmem:$0x10B20] =	vst v3;
	v3 =	vsel vm4, v31, v32  }
0x109: {  	vm5 =	vmxor vm1, vm5;
	v31 =	vcombine.low v47, v7;
	v7 =	vld [tilespmem:$0x10B10];
	v30 =	vcombine.low v5, v3  }
0x10a: {  	[tilespmem:$0x107A0] =	vst v1;
	v1 =	vsel vm5, v61, v60;
	v3 =	vld [tilespmem:$0x10B00]  }
0x10b: {  	v2 =	vsel vm5, v62, v2;
	v53 =	vld [tilespmem:$0x107A0];
	[tilespmem:$0x107B0] =	vst v1  }
0x10c: {  	v1 =	vld [tilespmem:$0x10780];
	[tilespmem:$0x10B30] =	vst v2  }
0x10d: {  	v5 =	vld.idx.msk [tilespmem:v44+s19+$0x0], $0xffff  }
0x10e: {  	v50 =	vsel vm4, v42, v43;
	v51 =	vsel vm4, v40, v41;
	v6 =	vld.idx.msk [tilespmem:v44+s20+$0x0], $0xffff  }
0x10f: {  	v29 =	vcombine.low v51, v50;
	v49 =	vld.idx.msk [tilespmem:v30+s19+$0x0], $0xffff  }
0x110: {  	v52 =	vld.idx.msk [tilespmem:v30+s20+$0x0], $0xffff  }
0x111: {  	v54 =	vld [tilespmem:$0x10B20]  }
0x112: {  	v57 =	vld [tilespmem:$0x107B0]  }
0x113: {  	vm9 =	vcmask $0x3F20;
	v55 =	vld.idx.msk [tilespmem:v31+s19+$0x0], $0xffff  }
0x114: {  	v56 =	vld.idx.msk [tilespmem:v31+s20+$0x0], $0xffff;
	vm0 =	vlt.f32 v5, v1;
	vm5 =	veq.f32 v5, v1;
	vm4 =	vlt.s32 v6, v3  }
0x115: {  	v58 =	vld.idx.msk [tilespmem:v29+s19+$0x0], $0xffff;
	vm1 =	vmand vm5, vm4;
	vm2 =	veq.f32 v49, v48;
	vm3 =	vlt.s32 v52, v7  }
0x116: {  	v59 =	vld.idx.msk [tilespmem:v29+s20+$0x0], $0xffff;
	vm0 =	vmor vm0, vm1;
	vm5 =	vlt.f32 v49, v48;
	vm2 =	vmand vm2, vm3  }
0x117: {  	vm14 =	vmmov $0xff;
	vm0 =	vmxor vm0, vm9;
	vm1 =	vmor vm5, vm2  }
0x118: {  	v1 =	vsel vm0, v5, v1;
	v3 =	vsel vm0, v6, v3;
	vm4 =	vmxor vm1, vm14  }
0x119: {  	vm5 =	vlt.s32 v56, v54;
	vm1 =	veq.f32 v55, v53;
	v5 =	vsel vm4, v49, v48  }
0x11a: {  	[tilespmem:$0x10780] =	vst v1;
	v6 =	vsel vm4, v52, v7;
	vm4 =	vlt.f32 v55, v53;
	vm1 =	vmand vm1, vm5  }
0x11b: {  	[tilespmem:$0x10B00] =	vst v3;
	vm2 =	vlt.s32 v59, v2;
	vm0 =	vmor vm4, vm1;
	vm1 =	veq.f32 v58, v57  }
0x11c: {  	vm3 =	vlt.f32 v58, v57;
	[tilespmem:$0x10790] =	vst v5;
	vm0 =	vmxor vm0, vm9;
	vm1 =	vmand vm1, vm2  }
0x11d: {  	[tilespmem:$0x10B10] =	vst v6;
	v1 =	vsel vm0, v55, v53;
	vm1 =	vmor vm3, vm1  }
0x11e: {  	v3 =	vsel vm0, v56, v54;
	vm5 =	vmxor vm1, vm14;
	[tilespmem:$0x107A0] =	vst v1  }
0x11f: {  	[tilespmem:$0x10B20] =	vst v3;
	v1 =	vsel vm5, v58, v57  }
0x120: {  	v3 =	vld [tilespmem:$0x10B00];
	v2 =	vsel vm5, v59, v2;
	[tilespmem:$0x107B0] =	vst v1  }
0x121: {  	v1 =	vld [tilespmem:$0x10780];
	[tilespmem:$0x10B30] =	vst v2  }
0x122: {  	v5 =	vld.idx.msk [tilespmem:v37+s19+$0x0], $0xffff  }
0x123: {  	v6 =	vld.idx.msk [tilespmem:v37+s20+$0x0], $0xffff;
	_ =	sdelay $0x1  }
0x124: {  	v7 =	vld [tilespmem:$0x10790]  }
0x125: {  	v60 =	vld [tilespmem:$0x10B10]  }
0x126: {  	v63 =	vld [tilespmem:$0x107A0]  }
0x127: {  	v32 =	vld [tilespmem:$0x10B20];
	vm4 =	veq.f32 v5, v1;
	vm5 =	vlt.s32 v6, v3  }
0x128: {  	v61 =	vld.idx.msk [tilespmem:v27+s19+$0x0], $0xffff;
	vm0 =	vlt.f32 v5, v1;
	vm1 =	vmand vm4, vm5  }
0x129: {  	v62 =	vld.idx.msk [tilespmem:v27+s20+$0x0], $0xffff;
	vm0 =	vmor vm0, vm1  }
0x12a: {  	v33 =	vld.idx.msk [tilespmem:v28+s19+$0x0], $0xffff;
	vm0 =	vmxor vm0, vm13  }
0x12b: {  	v1 =	vsel vm0, v5, v1;
	v5 =	vld [tilespmem:$0x1FEC0]  }
0x12c: {  	v34 =	vld.idx.msk [tilespmem:v28+s20+$0x0], $0xffff  }
0x12d: {  	v38 =	vld [tilespmem:$0x107B0]  }
0x12e: {  	v39 =	vld.idx.msk [tilespmem:v26+s19+$0x0], $0xffff;
	vm2 =	veq.f32 v61, v7;
	vm3 =	vlt.s32 v62, v60  }
0x12f: {  	v40 =	vld.idx.msk [tilespmem:v26+s20+$0x0], $0xffff;
	vm4 =	vlt.f32 v61, v7;
	vm2 =	vmand vm2, vm3  }
0x130: {  	vm1 =	vmor vm4, vm2;
	vm4 =	vnez.u8 v5  }
0x131: {  	vm2 =	vlt.s32 v34, v32;
	vm5 =	vmxor vm1, vm4  }
0x132: {  	v3 =	vsel vm0, v6, v3;
	vm1 =	veq.f32 v33, v63;
	v5 =	vsel vm5, v61, v7  }
0x133: {  	[tilespmem:$0x10780] =	vst v1;
	v6 =	vsel vm5, v62, v60;
	vm5 =	vlt.f32 v33, v63;
	vm1 =	vmand vm1, vm2  }
0x134: {  	[tilespmem:$0x10B00] =	vst v3;
	vm2 =	vlt.s32 v40, v2;
	vm0 =	vmor vm5, vm1;
	vm1 =	veq.f32 v39, v38  }
0x135: {  	vm3 =	vlt.f32 v39, v38;
	[tilespmem:$0x10790] =	vst v5;
	vm0 =	vmxor vm0, vm13;
	vm1 =	vmand vm1, vm2  }
0x136: {  	[tilespmem:$0x10B10] =	vst v6;
	v1 =	vsel vm0, v33, v63;
	vm1 =	vmor vm3, vm1  }
0x137: {  	v3 =	vsel vm0, v34, v32;
	vm5 =	vmxor vm1, vm4;
	[tilespmem:$0x107A0] =	vst v1  }
0x138: {  	[tilespmem:$0x10B20] =	vst v3;
	v1 =	vsel vm5, v39, v38  }
0x139: {  	v3 =	vld [tilespmem:$0x10B00];
	v2 =	vsel vm5, v40, v2;
	[tilespmem:$0x107B0] =	vst v1  }
0x13a: {  	v1 =	vld [tilespmem:$0x10780];
	[tilespmem:$0x10B30] =	vst v2  }
0x13b: {  	v5 =	vld.idx.msk [tilespmem:v21+s19+$0x0], $0xffff  }
0x13c: {  	v6 =	vld.idx.msk [tilespmem:v21+s20+$0x0], $0xffff  }
0x13d: {  	v52 =	vld [tilespmem:$0x1FED0]  }
0x13e: {  	v7 =	vld [tilespmem:$0x10790]  }
0x13f: {  	v41 =	vld [tilespmem:$0x10B10]  }
0x140: {  	v45 =	vld [tilespmem:$0x107A0]  }
0x141: {  	v46 =	vld [tilespmem:$0x10B20];
	vm1 =	veq.f32 v5, v1;
	vm5 =	vlt.s32 v6, v3  }
0x142: {  	v42 =	vld.idx.msk [tilespmem:v22+s19+$0x0], $0xffff;
	vm0 =	vlt.f32 v5, v1;
	vm1 =	vmand vm1, vm5  }
0x143: {  	v43 =	vld.idx.msk [tilespmem:v22+s20+$0x0], $0xffff;
	vm5 =	vnez.u8 v52;
	vm0 =	vmor vm0, vm1  }
0x144: {  	v47 =	vld.idx.msk [tilespmem:v35+s19+$0x0], $0xffff;
	vm0 =	vmxor vm0, vm5  }
0x145: {  	v1 =	vsel vm0, v5, v1;
	v5 =	vld [tilespmem:$0x1FEF0]  }
0x146: {  	v48 =	vld.idx.msk [tilespmem:v35+s20+$0x0], $0xffff  }
0x147: {  	v49 =	vld [tilespmem:$0x107B0]  }
0x148: {  	v50 =	vld.idx.msk [tilespmem:v36+s19+$0x0], $0xffff;
	vm2 =	veq.f32 v42, v7;
	vm3 =	vlt.s32 v43, v41  }
0x149: {  	v51 =	vld.idx.msk [tilespmem:v36+s20+$0x0], $0xffff;
	vm2 =	vmand vm2, vm3;
	vm1 =	vlt.f32 v42, v7  }
0x14a: {  	vm1 =	vmor vm1, vm2;
	vm6 =	vnez.u8 v5  }
0x14b: {  	v3 =	vsel vm0, v6, v3;
	vm0 =	vmxor vm1, vm6  }
0x14c: {  	vm2 =	vlt.s32 v48, v46;
	vm1 =	veq.f32 v47, v45;
	v5 =	vsel vm0, v42, v7  }
0x14d: {  	[tilespmem:$0x10780] =	vst v1;
	v6 =	vsel vm0, v43, v41;
	vm0 =	vlt.f32 v47, v45;
	vm1 =	vmand vm1, vm2  }
0x14e: {  	[tilespmem:$0x10B00] =	vst v3;
	vm2 =	vlt.s32 v51, v2;
	vm0 =	vmor vm0, vm1;
	vm1 =	veq.f32 v50, v49  }
0x14f: {  	vm3 =	vlt.f32 v50, v49;
	[tilespmem:$0x10790] =	vst v5;
	vm0 =	vmxor vm0, vm5;
	vm1 =	vmand vm1, vm2  }
0x150: {  	[tilespmem:$0x10B10] =	vst v6;
	v1 =	vsel vm0, v47, v45;
	vm1 =	vmor vm3, vm1  }
0x151: {  	v3 =	vsel vm0, v48, v46;
	vm0 =	vmxor vm1, vm6;
	[tilespmem:$0x107A0] =	vst v1  }
0x152: {  	[tilespmem:$0x10B20] =	vst v3;
	v1 =	vsel vm0, v50, v49  }
0x153: {  	v3 =	vld [tilespmem:$0x10B00];
	v2 =	vsel vm0, v51, v2;
	[tilespmem:$0x107B0] =	vst v1  }
0x154: {  	v1 =	vld [tilespmem:$0x10780];
	[tilespmem:$0x10B30] =	vst v2  }
0x155: {  	v5 =	vld.idx.msk [tilespmem:v18+s19+$0x0], $0xffff  }
0x156: {  	v6 =	vld.idx.msk [tilespmem:v18+s20+$0x0], $0xffff;
	_ =	sdelay $0x1  }
0x157: {  	v7 =	vld [tilespmem:$0x10790]  }
0x158: {  	v53 =	vld [tilespmem:$0x10B10]  }
0x159: {  	v56 =	vld [tilespmem:$0x107A0]  }
0x15a: {  	v57 =	vld [tilespmem:$0x10B20];
	vm1 =	veq.f32 v5, v1;
	vm2 =	vlt.s32 v6, v3  }
0x15b: {  	v54 =	vld.idx.msk [tilespmem:v19+s19+$0x0], $0xffff;
	vm0 =	vlt.f32 v5, v1;
	vm1 =	vmand vm1, vm2  }
0x15c: {  	v55 =	vld.idx.msk [tilespmem:v19+s20+$0x0], $0xffff;
	vm0 =	vmor vm0, vm1  }
0x15d: {  	v58 =	vld.idx.msk [tilespmem:v20+s19+$0x0], $0xffff;
	vm0 =	vmxor vm0, vm8  }
0x15e: {  	v1 =	vsel vm0, v5, v1;
	v5 =	vld [tilespmem:$0x1FFF0]  }
0x15f: {  	v59 =	vld.idx.msk [tilespmem:v20+s20+$0x0], $0xffff  }
0x160: {  	v60 =	vld [tilespmem:$0x107B0]  }
0x161: {  	v61 =	vld.idx.msk [tilespmem:v4+s19+$0x0], $0xffff;
	vm3 =	vlt.s32 v55, v53;
	vm2 =	veq.f32 v54, v7  }
0x162: {  	v62 =	vld.idx.msk [tilespmem:v4+s20+$0x0], $0xffff;
	vm1 =	vlt.f32 v54, v7;
	vm2 =	vmand vm2, vm3  }
0x163: {  	vm1 =	vmor vm1, vm2;
	vm7 =	vnez.u8 v5  }
0x164: {  	v3 =	vsel vm0, v6, v3;
	vm0 =	vmxor vm1, vm7  }
0x165: {  	vm2 =	vlt.s32 v59, v57;
	vm1 =	veq.f32 v58, v56;
	v5 =	vsel vm0, v54, v7  }
0x166: {  	[tilespmem:$0x10780] =	vst v1;
	v6 =	vsel vm0, v55, v53;
	vm0 =	vlt.f32 v58, v56;
	vm1 =	vmand vm1, vm2  }
0x167: {  	[tilespmem:$0x10B00] =	vst v3;
	vm2 =	vlt.s32 v62, v2;
	vm0 =	vmor vm0, vm1;
	vm1 =	veq.f32 v61, v60  }
0x168: {  	vm3 =	vlt.f32 v61, v60;
	[tilespmem:$0x10790] =	vst v5;
	vm0 =	vmxor vm0, vm8;
	vm1 =	vmand vm1, vm2  }
0x169: {  	v32 =	vor.u32 $0x10, v0;
	[tilespmem:$0x10B10] =	vst v6;
	v7 =	vld [tilespmem:$0x10790];
	v1 =	vsel vm0, v58, v56;
	vm1 =	vmor vm3, vm1  }
0x16a: {  	v63 =	vld [tilespmem:$0x10B10];
	v3 =	vsel vm0, v59, v57;
	vm0 =	vmxor vm1, vm7;
	[tilespmem:$0x107A0] =	vst v1  }
0x16b: {  	[tilespmem:$0x10B20] =	vst v3;
	v3 =	vld [tilespmem:$0x10B00];
	v1 =	vsel vm0, v61, v60  }
0x16c: {  	v2 =	vsel vm0, v62, v2;
	v40 =	vld [tilespmem:$0x107A0];
	[tilespmem:$0x107B0] =	vst v1  }
0x16d: {  	v1 =	vld [tilespmem:$0x10780];
	[tilespmem:$0x10B30] =	vst v2  }
0x16e: {  	v34 =	vor.u32 $0x30, v0;
	v5 =	vld.idx.msk [tilespmem:v32+s19+$0x0], $0xffff  }
0x16f: {  	v6 =	vld.idx.msk [tilespmem:v32+s20+$0x0], $0xffff  }
0x170: {  	v38 =	vld.idx.msk [tilespmem:v0+s19+$0x0], $0xffff  }
0x171: {  	v33 =	vor.u32 $0x20, v0;
	v39 =	vld.idx.msk [tilespmem:v0+s20+$0x0], $0xffff  }
0x172: {  	v41 =	vld [tilespmem:$0x10B20]  }
0x173: {  	v43 =	vld.idx.msk [tilespmem:v34+s20+$0x0], $0xffff  }
0x174: {  	v42 =	vld.idx.msk [tilespmem:v34+s19+$0x0], $0xffff  }
0x175: {  	v45 =	vld [tilespmem:$0x107B0];
	vm0 =	veq.f32 v5, v1;
	vm1 =	vlt.s32 v6, v3  }
0x176: {  	v46 =	vld.idx.msk [tilespmem:v33+s19+$0x0], $0xffff;
	vm2 =	vne.f32 v38, v7;
	vm3 =	vge.s32 v39, v63;
	vm0 =	vmand vm0, vm1  }
0x177: {  	v47 =	vld.idx.msk [tilespmem:v33+s20+$0x0], $0xffff;
	vm1 =	vlt.f32 v38, v7;
	vm2 =	vmor vm2, vm3;
	vm3 =	vlt.f32 v5, v1  }
0x178: {  	vm1 =	vmneg vm1;
	vm0 =	vmor vm3, vm0;
	vm3 =	vge.s32 v43, v41  }
0x179: {  	vm1 =	vmand vm1, vm2;
	v1 =	vsel vm0, v5, v1;
	v3 =	vsel vm0, v6, v3  }
0x17a: {  	vm0 =	vlt.f32 v42, v40;
	vm2 =	vne.f32 v42, v40;
	v5 =	vsel vm1, v38, v7;
	[tilespmem:$0x10780] =	vst v1  }
0x17b: {  	v1 =	vsel vm1, v39, v63;
	vm0 =	vmneg vm0;
	vm1 =	vmor vm2, vm3;
	[tilespmem:$0x10B00] =	vst v3  }
0x17c: {  	vm2 =	vlt.s32 v47, v2;
	vm0 =	vmand vm0, vm1;
	vm1 =	veq.f32 v46, v45;
	[tilespmem:$0x10790] =	vst v5  }
0x17d: {  	vm3 =	vlt.f32 v46, v45;
	[tilespmem:$0x10B10] =	vst v1;
	v3 =	vsel vm0, v42, v40;
	vm1 =	vmand vm1, vm2;
	v7 =	vld [tilespmem:$0x10790]  }
0x17e: {  	v1 =	vsel vm0, v43, v41;
	v48 =	vld [tilespmem:$0x10B10];
	vm0 =	vmor vm3, vm1;
	[tilespmem:$0x107A0] =	vst v3  }
0x17f: {  	[tilespmem:$0x10B20] =	vst v1;
	v3 =	vsel vm0, v46, v45;
	v1 =	vsel vm0, v47, v2;
	v2 =	vld [tilespmem:$0x10780]  }
0x180: {  	v51 =	vld [tilespmem:$0x107A0];
	[tilespmem:$0x107B0] =	vst v3  }
0x181: {  	[tilespmem:$0x10B30] =	vst v1;
	v3 =	vld [tilespmem:$0x10B00]  }
0x182: {  	v5 =	vld.idx.msk [tilespmem:v44+s19+$0x0], $0xffff  }
0x183: {  	v6 =	vld.idx.msk [tilespmem:v44+s20+$0x0], $0xffff  }
0x184: {  	v49 =	vld.idx.msk [tilespmem:v30+s19+$0x0], $0xffff  }
0x185: {  	v50 =	vld.idx.msk [tilespmem:v30+s20+$0x0], $0xffff  }
0x186: {  	v52 =	vld [tilespmem:$0x10B20]  }
0x187: {  	v53 =	vld.idx.msk [tilespmem:v31+s19+$0x0], $0xffff  }
0x188: {  	v54 =	vld.idx.msk [tilespmem:v31+s20+$0x0], $0xffff  }
0x189: {  	v55 =	vld [tilespmem:$0x107B0];
	vm0 =	vlt.f32 v5, v2;
	vm1 =	veq.f32 v5, v2;
	vm2 =	vlt.s32 v6, v3  }
0x18a: {  	v56 =	vld.idx.msk [tilespmem:v29+s19+$0x0], $0xffff;
	vm3 =	vlt.s32 v50, v48;
	vm1 =	vmand vm1, vm2;
	vm2 =	veq.f32 v49, v7  }
0x18b: {  	v57 =	vld.idx.msk [tilespmem:v29+s20+$0x0], $0xffff;
	vm0 =	vmor vm0, vm1;
	vm1 =	vlt.f32 v49, v7;
	vm2 =	vmand vm2, vm3  }
0x18c: {  	vm1 =	vmor vm1, vm2;
	vm0 =	vmxor vm0, vm9  }
0x18d: {  	v2 =	vsel vm0, v5, v2;
	v3 =	vsel vm0, v6, v3;
	vm0 =	vmxor vm1, vm9  }
0x18e: {  	vm2 =	vlt.s32 v54, v52;
	vm1 =	veq.f32 v53, v51;
	v5 =	vsel vm0, v49, v7  }
0x18f: {  	v6 =	vsel vm0, v50, v48;
	vm0 =	vlt.f32 v53, v51;
	vm1 =	vmand vm1, vm2;
	[tilespmem:$0x10780] =	vst v2  }
0x190: {  	vm2 =	vlt.s32 v57, v1;
	[tilespmem:$0x10B00] =	vst v3;
	vm0 =	vmor vm0, vm1;
	vm1 =	veq.f32 v56, v55  }
0x191: {  	vm3 =	vlt.f32 v56, v55;
	[tilespmem:$0x10790] =	vst v5;
	vm0 =	vmxor vm0, vm14;
	vm1 =	vmand vm1, vm2  }
0x192: {  	[tilespmem:$0x10B10] =	vst v6;
	v7 =	vld [tilespmem:$0x10790];
	v2 =	vsel vm0, v53, v51;
	vm1 =	vmor vm3, vm1  }
0x193: {  	v58 =	vld [tilespmem:$0x10B10];
	v3 =	vsel vm0, v54, v52;
	vm0 =	vmxor vm1, vm14;
	[tilespmem:$0x107A0] =	vst v2  }
0x194: {  	[tilespmem:$0x10B20] =	vst v3;
	v3 =	vld [tilespmem:$0x10B00];
	v2 =	vsel vm0, v56, v55  }
0x195: {  	v1 =	vsel vm0, v57, v1;
	v61 =	vld [tilespmem:$0x107A0];
	[tilespmem:$0x107B0] =	vst v2  }
0x196: {  	v2 =	vld [tilespmem:$0x10780];
	[tilespmem:$0x10B30] =	vst v1  }
0x197: {  	v5 =	vld.idx.msk [tilespmem:v37+s19+$0x0], $0xffff  }
0x198: {  	v6 =	vld.idx.msk [tilespmem:v37+s20+$0x0], $0xffff  }
0x199: {  	v59 =	vld.idx.msk [tilespmem:v27+s19+$0x0], $0xffff  }
0x19a: {  	v60 =	vld.idx.msk [tilespmem:v27+s20+$0x0], $0xffff  }
0x19b: {  	v62 =	vld [tilespmem:$0x10B20]  }
0x19c: {  	v63 =	vld.idx.msk [tilespmem:v28+s19+$0x0], $0xffff  }
0x19d: {  	v38 =	vld.idx.msk [tilespmem:v28+s20+$0x0], $0xffff  }
0x19e: {  	v39 =	vld [tilespmem:$0x107B0];
	vm0 =	vlt.f32 v5, v2;
	vm1 =	veq.f32 v5, v2;
	vm2 =	vlt.s32 v6, v3  }
0x19f: {  	v40 =	vld.idx.msk [tilespmem:v26+s19+$0x0], $0xffff;
	vm3 =	vlt.s32 v60, v58;
	vm1 =	vmand vm1, vm2;
	vm2 =	veq.f32 v59, v7  }
0x1a0: {  	v41 =	vld.idx.msk [tilespmem:v26+s20+$0x0], $0xffff;
	vm0 =	vmor vm0, vm1;
	vm1 =	vlt.f32 v59, v7;
	vm2 =	vmand vm2, vm3  }
0x1a1: {  	vm0 =	vmxor vm0, vm13;
	vm1 =	vmor vm1, vm2  }
0x1a2: {  	v2 =	vsel vm0, v5, v2;
	v3 =	vsel vm0, v6, v3;
	vm0 =	vmxor vm1, vm13  }
0x1a3: {  	vm2 =	vlt.s32 v38, v62;
	vm1 =	veq.f32 v63, v61;
	v5 =	vsel vm0, v59, v7  }
0x1a4: {  	v6 =	vsel vm0, v60, v58;
	vm0 =	vlt.f32 v63, v61;
	vm1 =	vmand vm1, vm2;
	[tilespmem:$0x10780] =	vst v2  }
0x1a5: {  	vm2 =	vlt.s32 v41, v1;
	[tilespmem:$0x10B00] =	vst v3;
	vm0 =	vmor vm0, vm1;
	vm1 =	veq.f32 v40, v39  }
0x1a6: {  	vm3 =	vlt.f32 v40, v39;
	[tilespmem:$0x10790] =	vst v5;
	vm0 =	vmxor vm0, vm4;
	vm1 =	vmand vm1, vm2  }
0x1a7: {  	[tilespmem:$0x10B10] =	vst v6;
	v7 =	vld [tilespmem:$0x10790];
	v2 =	vsel vm0, v63, v61;
	vm1 =	vmor vm3, vm1  }
0x1a8: {  	v42 =	vld [tilespmem:$0x10B10];
	v3 =	vsel vm0, v38, v62;
	vm4 =	vmxor vm1, vm4;
	[tilespmem:$0x107A0] =	vst v2  }
0x1a9: {  	[tilespmem:$0x10B20] =	vst v3;
	v3 =	vld [tilespmem:$0x10B00];
	v2 =	vsel vm4, v40, v39  }
0x1aa: {  	v1 =	vsel vm4, v41, v1;
	v46 =	vld [tilespmem:$0x107A0];
	[tilespmem:$0x107B0] =	vst v2  }
0x1ab: {  	v2 =	vld [tilespmem:$0x10780];
	[tilespmem:$0x10B30] =	vst v1  }
0x1ac: {  	v5 =	vld.idx.msk [tilespmem:v21+s19+$0x0], $0xffff  }
0x1ad: {  	v6 =	vld.idx.msk [tilespmem:v21+s20+$0x0], $0xffff  }
0x1ae: {  	v43 =	vld.idx.msk [tilespmem:v22+s19+$0x0], $0xffff  }
0x1af: {  	v45 =	vld.idx.msk [tilespmem:v22+s20+$0x0], $0xffff  }
0x1b0: {  	v47 =	vld [tilespmem:$0x10B20]  }
0x1b1: {  	v49 =	vld.idx.msk [tilespmem:v35+s20+$0x0], $0xffff  }
0x1b2: {  	v48 =	vld.idx.msk [tilespmem:v35+s19+$0x0], $0xffff  }
0x1b3: {  	v50 =	vld [tilespmem:$0x107B0];
	vm0 =	vlt.f32 v5, v2;
	vm1 =	veq.f32 v5, v2  }
0x1b4: {  	v51 =	vld.idx.msk [tilespmem:v36+s19+$0x0], $0xffff;
	vm4 =	vlt.s32 v6, v3;
	vm2 =	veq.f32 v43, v7;
	vm3 =	vlt.s32 v45, v42  }
0x1b5: {  	v52 =	vld.idx.msk [tilespmem:v36+s20+$0x0], $0xffff;
	vm1 =	vmand vm1, vm4;
	vm4 =	vlt.f32 v43, v7;
	vm2 =	vmand vm2, vm3  }
0x1b6: {  	vm0 =	vmor vm0, vm1;
	vm1 =	vmor vm4, vm2;
	vm2 =	vlt.s32 v49, v47  }
0x1b7: {  	vm0 =	vmxor vm0, vm5;
	vm4 =	vmxor vm1, vm5;
	vm1 =	veq.f32 v48, v46  }
0x1b8: {  	v2 =	vsel vm0, v5, v2;
	v3 =	vsel vm0, v6, v3;
	v5 =	vsel vm4, v43, v7  }
0x1b9: {  	v6 =	vsel vm4, v45, v42;
	vm4 =	vlt.f32 v48, v46;
	vm1 =	vmand vm1, vm2;
	[tilespmem:$0x10780] =	vst v2  }
0x1ba: {  	vm2 =	vlt.s32 v52, v1;
	vm0 =	vmor vm4, vm1;
	vm1 =	veq.f32 v51, v50;
	[tilespmem:$0x10B00] =	vst v3  }
0x1bb: {  	vm3 =	vlt.f32 v51, v50;
	[tilespmem:$0x10790] =	vst v5;
	vm0 =	vmxor vm0, vm6;
	vm1 =	vmand vm1, vm2  }
0x1bc: {  	[tilespmem:$0x10B10] =	vst v6;
	v7 =	vld [tilespmem:$0x10790];
	v2 =	vsel vm0, v48, v46;
	vm1 =	vmor vm3, vm1  }
0x1bd: {  	v53 =	vld [tilespmem:$0x10B10];
	v3 =	vsel vm0, v49, v47;
	vm4 =	vmxor vm1, vm6;
	[tilespmem:$0x107A0] =	vst v2  }
0x1be: {  	[tilespmem:$0x10B20] =	vst v3;
	v3 =	vld [tilespmem:$0x10B00];
	v2 =	vsel vm4, v51, v50  }
0x1bf: {  	v1 =	vsel vm4, v52, v1;
	v56 =	vld [tilespmem:$0x107A0];
	[tilespmem:$0x107B0] =	vst v2  }
0x1c0: {  	v2 =	vld [tilespmem:$0x10780];
	[tilespmem:$0x10B30] =	vst v1  }
0x1c1: {  	v5 =	vld.idx.msk [tilespmem:v18+s19+$0x0], $0xffff  }
0x1c2: {  	v6 =	vld.idx.msk [tilespmem:v18+s20+$0x0], $0xffff  }
0x1c3: {  	v54 =	vld.idx.msk [tilespmem:v19+s19+$0x0], $0xffff  }
0x1c4: {  	v55 =	vld.idx.msk [tilespmem:v19+s20+$0x0], $0xffff  }
0x1c5: {  	v57 =	vld [tilespmem:$0x10B20]  }
0x1c6: {  	v59 =	vld.idx.msk [tilespmem:v20+s20+$0x0], $0xffff  }
0x1c7: {  	v58 =	vld.idx.msk [tilespmem:v20+s19+$0x0], $0xffff  }
0x1c8: {  	vm0 =	vlt.f32 v5, v2;
	vm1 =	veq.f32 v5, v2  }
0x1c9: {  	v60 =	vld [tilespmem:$0x107B0];
	vm4 =	vlt.s32 v6, v3;
	vm2 =	veq.f32 v54, v7;
	vm3 =	vlt.s32 v55, v53  }
0x1ca: {  	v61 =	vld.idx.msk [tilespmem:v4+s19+$0x0], $0xffff;
	vm1 =	vmand vm1, vm4;
	vm4 =	vlt.f32 v54, v7;
	vm2 =	vmand vm2, vm3  }
0x1cb: {  	v62 =	vld.idx.msk [tilespmem:v4+s20+$0x0], $0xffff;
	vm0 =	vmor vm0, vm1;
	vm1 =	vmor vm4, vm2;
	vm2 =	vlt.s32 v59, v57  }
0x1cc: {  	vm0 =	vmxor vm0, vm8;
	vm4 =	vmxor vm1, vm8;
	vm1 =	veq.f32 v58, v56  }
0x1cd: {  	v2 =	vsel vm0, v5, v2;
	v3 =	vsel vm0, v6, v3;
	v5 =	vsel vm4, v54, v7  }
0x1ce: {  	v6 =	vsel vm4, v55, v53;
	vm4 =	vlt.f32 v58, v56;
	vm1 =	vmand vm1, vm2;
	[tilespmem:$0x10780] =	vst v2  }
0x1cf: {  	vm0 =	vmor vm4, vm1;
	[tilespmem:$0x10B00] =	vst v3  }
0x1d0: {  	vm2 =	vlt.s32 v62, v1;
	vm1 =	veq.f32 v61, v60;
	[tilespmem:$0x10790] =	vst v5;
	vm0 =	vmxor vm0, vm7  }
0x1d1: {  	vm3 =	vlt.f32 v61, v60;
	[tilespmem:$0x10B10] =	vst v6;
	vm1 =	vmand vm1, vm2;
	v7 =	vld [tilespmem:$0x10790];
	v2 =	vsel vm0, v58, v56  }
0x1d2: {  	v63 =	vld [tilespmem:$0x10B10];
	vm1 =	vmor vm3, vm1;
	v3 =	vsel vm0, v59, v57;
	[tilespmem:$0x107A0] =	vst v2  }
0x1d3: {  	vm4 =	vmxor vm1, vm7;
	[tilespmem:$0x10B20] =	vst v3;
	v3 =	vld [tilespmem:$0x10B00]  }
0x1d4: {  	v2 =	vsel vm4, v61, v60;
	v40 =	vld [tilespmem:$0x107A0]  }
0x1d5: {  	v1 =	vsel vm4, v62, v1;
	v41 =	vld [tilespmem:$0x10B20];
	[tilespmem:$0x107B0] =	vst v2  }
0x1d6: {  	v2 =	vld [tilespmem:$0x10780];
	[tilespmem:$0x10B30] =	vst v1  }
0x1d7: {  	v5 =	vld.idx.msk [tilespmem:v33+s19+$0x0], $0xffff  }
0x1d8: {  	v6 =	vld.idx.msk [tilespmem:v33+s20+$0x0], $0xffff  }
0x1d9: {  	v42 =	vld.idx.msk [tilespmem:v0+s19+$0x0], $0xffff  }
0x1da: {  	v38 =	vld.idx.msk [tilespmem:v34+s19+$0x0], $0xffff  }
0x1db: {  	v39 =	vld.idx.msk [tilespmem:v34+s20+$0x0], $0xffff  }
0x1dc: {  	v43 =	vld.idx.msk [tilespmem:v0+s20+$0x0], $0xffff  }
0x1dd: {  	vm0 =	veq.f32 v5, v2;
	vm1 =	vlt.s32 v6, v3  }
0x1de: {  	v45 =	vld [tilespmem:$0x107B0];
	vm4 =	vlt.f32 v5, v2;
	vm2 =	vlt.f32 v42, v40;
	vm0 =	vmand vm0, vm1  }
0x1df: {  	v46 =	vld.idx.msk [tilespmem:v32+s19+$0x0], $0xffff;
	vm3 =	vne.f32 v42, v40;
	vm1 =	veq.f32 v38, v7;
	vm0 =	vmor vm4, vm0  }
0x1e0: {  	vm4 =	vlt.s32 v39, v63;
	v2 =	vsel vm0, v5, v2;
	v5 =	vld.idx.msk [tilespmem:v32+s20+$0x0], $0xffff;
	v3 =	vsel vm0, v6, v3  }
0x1e1: {  	vm0 =	vlt.f32 v38, v7;
	vm1 =	vmand vm1, vm4;
	vm4 =	vge.s32 v43, v41  }
0x1e2: {  	vm2 =	vmneg vm2;
	vm0 =	vmor vm0, vm1;
	[tilespmem:$0x10780] =	vst v2;
	vm4 =	vmor vm3, vm4  }
0x1e3: {  	[tilespmem:$0x10B00] =	vst v3;
	v2 =	vsel vm0, v38, v7;
	v6 =	vsel vm0, v39, v63;
	vm0 =	vmand vm2, vm4  }
0x1e4: {  	[tilespmem:$0x10790] =	vst v2;
	v3 =	vsel vm0, v43, v41  }
0x1e5: {  	vm1 =	vlt.f32 v46, v45;
	vm2 =	vne.f32 v46, v45;
	[tilespmem:$0x10B20] =	vst v3;
	v3 =	vld [tilespmem:$0x10B00];
	vm3 =	vge.s32 v5, v1  }
0x1e6: {  	vm1 =	vmneg vm1;
	v2 =	vsel vm0, v42, v40;
	[tilespmem:$0x10B10] =	vst v6;
	v7 =	vld [tilespmem:$0x10790];
	vm2 =	vmor vm2, vm3  }
0x1e7: {  	[tilespmem:$0x107A0] =	vst v2;
	v47 =	vld [tilespmem:$0x10B10];
	vm4 =	vmand vm1, vm2  }
0x1e8: {  	v50 =	vld [tilespmem:$0x107A0];
	v2 =	vsel vm4, v46, v45  }
0x1e9: {  	v51 =	vld [tilespmem:$0x10B20];
	v1 =	vsel vm4, v5, v1;
	[tilespmem:$0x107B0] =	vst v2  }
0x1ea: {  	v2 =	vld [tilespmem:$0x10780];
	[tilespmem:$0x10B30] =	vst v1  }
0x1eb: {  	v5 =	vld.idx.msk [tilespmem:v32+s19+$0x0], $0xffff  }
0x1ec: {  	v6 =	vld.idx.msk [tilespmem:v32+s20+$0x0], $0xffff  }
0x1ed: {  	v52 =	vld.idx.msk [tilespmem:v34+s19+$0x0], $0xffff  }
0x1ee: {  	v53 =	vld.idx.msk [tilespmem:v34+s20+$0x0], $0xffff  }
0x1ef: {  	v48 =	vld.idx.msk [tilespmem:v0+s19+$0x0], $0xffff  }
0x1f0: {  	v49 =	vld.idx.msk [tilespmem:v0+s20+$0x0], $0xffff  }
0x1f1: {  	v54 =	vld [tilespmem:$0x107B0];
	vm0 =	veq.f32 v5, v2;
	vm1 =	vlt.s32 v6, v3  }
0x1f2: {  	v55 =	vld.idx.msk [tilespmem:v33+s19+$0x0], $0xffff;
	vm4 =	vlt.f32 v5, v2;
	vm0 =	vmand vm0, vm1  }
0x1f3: {  	vm2 =	veq.f32 v52, v50;
	vm3 =	vlt.s32 v53, v51;
	vm0 =	vmor vm4, vm0  }
0x1f4: {  	vm1 =	vne.f32 v48, v7;
	vm4 =	vlt.f32 v48, v7;
	v2 =	vsel vm0, v5, v2;
	v5 =	vld.idx.msk [tilespmem:v33+s20+$0x0], $0xffff  }
0x1f5: {  	v3 =	vsel vm0, v6, v3;
	vm0 =	vmneg vm4;
	vm4 =	vge.s32 v49, v47  }
0x1f6: {  	vm2 =	vmand vm2, vm3;
	vm1 =	vmor vm1, vm4  }
0x1f7: {  	[tilespmem:$0x10780] =	vst v2;
	vm4 =	vlt.f32 v52, v50;
	vm0 =	vmand vm0, vm1;
	vm1 =	vlt.f32 v55, v54  }
0x1f8: {  	[tilespmem:$0x10B00] =	vst v3;
	v2 =	vsel vm0, v48, v7;
	v6 =	vsel vm0, v49, v47;
	vm0 =	vmor vm4, vm2  }
0x1f9: {  	vm2 =	vne.f32 v55, v54;
	[tilespmem:$0x10790] =	vst v2;
	v3 =	vsel vm0, v53, v51;
	vm3 =	vge.s32 v5, v1  }
0x1fa: {  	vm1 =	vmneg vm1;
	[tilespmem:$0x10B20] =	vst v3;
	v3 =	vld [tilespmem:$0x10B00];
	vm2 =	vmor vm2, vm3  }
0x1fb: {  	v2 =	vsel vm0, v52, v50;
	[tilespmem:$0x10B10] =	vst v6;
	v7 =	vld [tilespmem:$0x10790];
	vm4 =	vmand vm1, vm2  }
0x1fc: {  	[tilespmem:$0x107A0] =	vst v2;
	v56 =	vld [tilespmem:$0x10B10];
	v2 =	vsel vm4, v55, v54  }
0x1fd: {  	v59 =	vld [tilespmem:$0x107A0];
	v1 =	vsel vm4, v5, v1;
	[tilespmem:$0x107B0] =	vst v2  }
0x1fe: {  	v2 =	vld [tilespmem:$0x10780];
	[tilespmem:$0x10B30] =	vst v1  }
0x1ff: {  	v5 =	vld.idx.msk [tilespmem:v44+s19+$0x0], $0xffff  }
0x200: {  	v6 =	vld.idx.msk [tilespmem:v44+s20+$0x0], $0xffff  }
0x201: {  	v57 =	vld.idx.msk [tilespmem:v30+s19+$0x0], $0xffff  }
0x202: {  	v58 =	vld.idx.msk [tilespmem:v30+s20+$0x0], $0xffff  }
0x203: {  	v60 =	vld [tilespmem:$0x10B20]  }
0x204: {  	v62 =	vld.idx.msk [tilespmem:v31+s20+$0x0], $0xffff  }
0x205: {  	v61 =	vld.idx.msk [tilespmem:v31+s19+$0x0], $0xffff  }
0x206: {  	v63 =	vld [tilespmem:$0x107B0];
	vm0 =	vlt.f32 v5, v2;
	vm1 =	veq.f32 v5, v2  }
0x207: {  	v30 =	vld.idx.msk [tilespmem:v29+s19+$0x0], $0xffff;
	vm4 =	vlt.s32 v6, v3;
	vm2 =	veq.f32 v57, v7;
	vm3 =	vlt.s32 v58, v56  }
0x208: {  	v31 =	vld.idx.msk [tilespmem:v29+s20+$0x0], $0xffff;
	vm1 =	vmand vm1, vm4;
	vm4 =	vlt.f32 v57, v7;
	vm2 =	vmand vm2, vm3  }
0x209: {  	vm0 =	vmor vm0, vm1;
	vm1 =	vmor vm4, vm2;
	vm2 =	vlt.s32 v62, v60  }
0x20a: {  	vm0 =	vmxor vm0, vm9;
	vm4 =	vmxor vm1, vm9;
	vm1 =	veq.f32 v61, v59  }
0x20b: {  	v2 =	vsel vm0, v5, v2;
	v3 =	vsel vm0, v6, v3;
	v5 =	vsel vm4, v57, v7  }
0x20c: {  	v6 =	vsel vm4, v58, v56;
	vm4 =	vlt.f32 v61, v59;
	vm1 =	vmand vm1, vm2;
	[tilespmem:$0x10780] =	vst v2  }
0x20d: {  	vm2 =	vlt.s32 v31, v1;
	vm0 =	vmor vm4, vm1;
	vm1 =	veq.f32 v30, v63;
	[tilespmem:$0x10B00] =	vst v3  }
0x20e: {  	vm3 =	vlt.f32 v30, v63;
	[tilespmem:$0x10790] =	vst v5;
	vm0 =	vmxor vm0, vm9;
	vm1 =	vmand vm1, vm2  }
0x20f: {  	[tilespmem:$0x10B10] =	vst v6;
	v7 =	vld [tilespmem:$0x10790];
	v2 =	vsel vm0, v61, v59;
	vm1 =	vmor vm3, vm1  }
0x210: {  	v32 =	vld [tilespmem:$0x10B10];
	v3 =	vsel vm0, v62, v60;
	vm4 =	vmxor vm1, vm9;
	[tilespmem:$0x107A0] =	vst v2  }
0x211: {  	[tilespmem:$0x10B20] =	vst v3;
	v3 =	vld [tilespmem:$0x10B00];
	v2 =	vsel vm4, v30, v63  }
0x212: {  	v1 =	vsel vm4, v31, v1;
	v38 =	vld [tilespmem:$0x10B20];
	[tilespmem:$0x107B0] =	vst v2  }
0x213: {  	v2 =	vld [tilespmem:$0x10780];
	[tilespmem:$0x10B30] =	vst v1  }
0x214: {  	v5 =	vld.idx.msk [tilespmem:v37+s19+$0x0], $0xffff  }
0x215: {  	v6 =	vld.idx.msk [tilespmem:v37+s20+$0x0], $0xffff  }
0x216: {  	v33 =	vld.idx.msk [tilespmem:v27+s19+$0x0], $0xffff  }
0x217: {  	v34 =	vld.idx.msk [tilespmem:v27+s20+$0x0], $0xffff  }
0x218: {  	v37 =	vld [tilespmem:$0x107A0]  }
0x219: {  	v40 =	vld.idx.msk [tilespmem:v28+s20+$0x0], $0xffff  }
0x21a: {  	v39 =	vld.idx.msk [tilespmem:v28+s19+$0x0], $0xffff  }
0x21b: {  	v41 =	vld [tilespmem:$0x107B0];
	vm0 =	vlt.f32 v5, v2;
	vm1 =	veq.f32 v5, v2  }
0x21c: {  	v42 =	vld.idx.msk [tilespmem:v26+s19+$0x0], $0xffff;
	vm4 =	vlt.s32 v6, v3;
	vm2 =	veq.f32 v33, v7;
	vm3 =	vlt.s32 v34, v32  }
0x21d: {  	v43 =	vld.idx.msk [tilespmem:v26+s20+$0x0], $0xffff;
	vm1 =	vmand vm1, vm4;
	vm4 =	vlt.f32 v33, v7;
	vm2 =	vmand vm2, vm3  }
0x21e: {  	vm0 =	vmor vm0, vm1;
	vm1 =	vmor vm4, vm2;
	vm2 =	vlt.s32 v40, v38  }
0x21f: {  	vm0 =	vmxor vm0, vm13;
	vm4 =	vmxor vm1, vm13;
	vm1 =	veq.f32 v39, v37  }
0x220: {  	v2 =	vsel vm0, v5, v2;
	v3 =	vsel vm0, v6, v3;
	v5 =	vsel vm4, v33, v7  }
0x221: {  	v6 =	vsel vm4, v34, v32;
	vm4 =	vlt.f32 v39, v37;
	vm1 =	vmand vm1, vm2;
	[tilespmem:$0x10780] =	vst v2  }
0x222: {  	vm2 =	vlt.s32 v43, v1;
	vm0 =	vmor vm4, vm1;
	vm1 =	veq.f32 v42, v41;
	[tilespmem:$0x10B00] =	vst v3  }
0x223: {  	vm3 =	vlt.f32 v42, v41;
	[tilespmem:$0x10790] =	vst v5;
	vm0 =	vmxor vm0, vm13;
	vm1 =	vmand vm1, vm2  }
0x224: {  	[tilespmem:$0x10B10] =	vst v6;
	v7 =	vld [tilespmem:$0x10790];
	v2 =	vsel vm0, v39, v37;
	vm1 =	vmor vm3, vm1  }
0x225: {  	v44 =	vld [tilespmem:$0x10B10];
	v3 =	vsel vm0, v40, v38;
	vm4 =	vmxor vm1, vm13;
	[tilespmem:$0x107A0] =	vst v2  }
0x226: {  	[tilespmem:$0x10B20] =	vst v3;
	v3 =	vld [tilespmem:$0x10B00];
	v2 =	vsel vm4, v42, v41  }
0x227: {  	v1 =	vsel vm4, v43, v1;
	v47 =	vld [tilespmem:$0x107A0];
	[tilespmem:$0x107B0] =	vst v2  }
0x228: {  	v2 =	vld [tilespmem:$0x10780];
	[tilespmem:$0x10B30] =	vst v1  }
0x229: {  	v5 =	vld.idx.msk [tilespmem:v21+s19+$0x0], $0xffff  }
0x22a: {  	v6 =	vld.idx.msk [tilespmem:v21+s20+$0x0], $0xffff  }
0x22b: {  	v45 =	vld.idx.msk [tilespmem:v22+s19+$0x0], $0xffff  }
0x22c: {  	v46 =	vld.idx.msk [tilespmem:v22+s20+$0x0], $0xffff  }
0x22d: {  	v48 =	vld [tilespmem:$0x10B20]  }
0x22e: {  	v50 =	vld.idx.msk [tilespmem:v35+s20+$0x0], $0xffff  }
0x22f: {  	v49 =	vld.idx.msk [tilespmem:v35+s19+$0x0], $0xffff  }
0x230: {  	v51 =	vld [tilespmem:$0x107B0];
	vm0 =	vlt.f32 v5, v2;
	vm1 =	veq.f32 v5, v2  }
0x231: {  	v52 =	vld.idx.msk [tilespmem:v36+s19+$0x0], $0xffff;
	vm4 =	vlt.s32 v6, v3;
	vm2 =	veq.f32 v45, v7;
	vm3 =	vlt.s32 v46, v44  }
0x232: {  	v53 =	vld.idx.msk [tilespmem:v36+s20+$0x0], $0xffff;
	vm1 =	vmand vm1, vm4;
	vm4 =	vlt.f32 v45, v7;
	vm2 =	vmand vm2, vm3  }
0x233: {  	vm0 =	vmor vm0, vm1;
	vm1 =	vmor vm4, vm2;
	vm2 =	vlt.s32 v50, v48  }
0x234: {  	vm0 =	vmxor vm0, vm5;
	vm4 =	vmxor vm1, vm5;
	vm1 =	veq.f32 v49, v47  }
0x235: {  	v2 =	vsel vm0, v5, v2;
	v3 =	vsel vm0, v6, v3;
	v5 =	vsel vm4, v45, v7  }
0x236: {  	v6 =	vsel vm4, v46, v44;
	vm4 =	vlt.f32 v49, v47;
	vm1 =	vmand vm1, vm2;
	[tilespmem:$0x10780] =	vst v2  }
0x237: {  	vm2 =	vlt.s32 v53, v1;
	vm0 =	vmor vm4, vm1;
	vm1 =	veq.f32 v52, v51;
	[tilespmem:$0x10B00] =	vst v3  }
0x238: {  	vm3 =	vlt.f32 v52, v51;
	[tilespmem:$0x10790] =	vst v5;
	vm0 =	vmxor vm0, vm5;
	vm1 =	vmand vm1, vm2  }
0x239: {  	[tilespmem:$0x10B10] =	vst v6;
	v7 =	vld [tilespmem:$0x10790];
	v2 =	vsel vm0, v49, v47;
	vm1 =	vmor vm3, vm1  }
0x23a: {  	v54 =	vld [tilespmem:$0x10B10];
	v3 =	vsel vm0, v50, v48;
	vm4 =	vmxor vm1, vm5;
	[tilespmem:$0x107A0] =	vst v2  }
0x23b: {  	[tilespmem:$0x10B20] =	vst v3;
	v3 =	vld [tilespmem:$0x10B00];
	v2 =	vsel vm4, v52, v51  }
0x23c: {  	v1 =	vsel vm4, v53, v1;
	v57 =	vld [tilespmem:$0x107A0];
	[tilespmem:$0x107B0] =	vst v2  }
0x23d: {  	v2 =	vld [tilespmem:$0x10780];
	[tilespmem:$0x10B30] =	vst v1  }
0x23e: {  	v5 =	vld.idx.msk [tilespmem:v18+s19+$0x0], $0xffff  }
0x23f: {  	v6 =	vld.idx.msk [tilespmem:v18+s20+$0x0], $0xffff  }
0x240: {  	v55 =	vld.idx.msk [tilespmem:v19+s19+$0x0], $0xffff  }
0x241: {  	v56 =	vld.idx.msk [tilespmem:v19+s20+$0x0], $0xffff  }
0x242: {  	v58 =	vld [tilespmem:$0x10B20]  }
0x243: {  	v60 =	vld.idx.msk [tilespmem:v20+s20+$0x0], $0xffff  }
0x244: {  	v59 =	vld.idx.msk [tilespmem:v20+s19+$0x0], $0xffff  }
0x245: {  	v61 =	vld [tilespmem:$0x107B0];
	vm0 =	vlt.f32 v5, v2;
	vm5 =	veq.f32 v5, v2  }
0x246: {  	v62 =	vld.idx.msk [tilespmem:v4+s19+$0x0], $0xffff;
	vm4 =	vlt.s32 v6, v3;
	vm2 =	veq.f32 v55, v7;
	vm3 =	vlt.s32 v56, v54  }
0x247: {  	v63 =	vld.idx.msk [tilespmem:v4+s20+$0x0], $0xffff;
	vm1 =	vmand vm5, vm4;
	vm5 =	vmand vm2, vm3;
	vm4 =	vlt.f32 v55, v7  }
0x248: {  	vm0 =	vmor vm0, vm1;
	vm1 =	vmor vm4, vm5;
	vm4 =	vlt.s32 v60, v58  }
0x249: {  	vm0 =	vmxor vm0, vm8;
	vm5 =	vmxor vm1, vm8;
	vm1 =	veq.f32 v59, v57  }
0x24a: {  	v2 =	vsel vm0, v5, v2;
	v3 =	vsel vm0, v6, v3;
	v5 =	vsel vm5, v55, v7  }
0x24b: {  	v6 =	vsel vm5, v56, v54;
	vm5 =	vlt.f32 v59, v57;
	vm1 =	vmand vm1, vm4;
	[tilespmem:$0x10780] =	vst v2  }
0x24c: {  	vm4 =	veq.f32 v62, v61;
	vm0 =	vmor vm5, vm1;
	vm5 =	vlt.s32 v63, v1;
	[tilespmem:$0x10B00] =	vst v3  }
0x24d: {  	[tilespmem:$0x10790] =	vst v5;
	vm0 =	vmxor vm0, vm8;
	vm1 =	vmand vm4, vm5;
	vm4 =	vlt.f32 v62, v61  }
0x24e: {  	[tilespmem:$0x10B10] =	vst v6;
	vm1 =	vmor vm4, vm1;
	v2 =	vsel vm0, v59, v57  }
0x24f: {  	v3 =	vsel vm0, v60, v58;
	vm5 =	vmxor vm1, vm8;
	[tilespmem:$0x107A0] =	vst v2  }
0x250: {  	s22 =	sadd.s32 $0x1, s22;
	[tilespmem:$0x10B20] =	vst v3;
	v2 =	vsel vm5, v62, v61  }
0x251: {  	s2 =	sshll.u32 s23, $0x3;
	p0 =	sne.s32 s22, $0x4;
	v1 =	vsel vm5, v63, v1;
	[tilespmem:$0x107B0] =	vst v2  }
.Ltmp3:
0x252: {  	s2 =	sadd.s32 s3, s2;
	[tilespmem:$0x10B30] =	vst v1;
	(pc) =	sbr.rel @!p0 .LBB2_43-.Ltmp3, $4  }
0x253: {  	[hbm4b:s2+s4] =	stream.linear.scatter [tilespmem:s20], [sflag:$0x1], $0x40, $0x38;
	[tilespmem:$0x10E80] =	vst v63  }
0x254: {  	_ =	swait.ge [sflag:s13], $0x40  }
0x255: {  	[sflag:s13] =	ssyncset.done $0x0  }
0x256: {  	[sflag:s13] =	ssyncadd.s32 $0xFFFFFFC0  }
.LBB2_2:
0x257: {  	s23 =	sadd.s32 s9, s22  }
0x258: {  	s2 =	sshll.u32 s23, $0x4  }
0x259: {  	s2 =	sand.u32 $0x70, s2  }
0x25a: {  	s2 =	sor.u32 s10, s2  }
0x25b: {  	s25 =	simm.s32 $0x0;
	s6 =	sadd.s32 s0, s2  }
0x25c: {  	[tilespmem:s25], [sflag:$0x1] =	stream.strided.gather [hbm4b:s6+s16], $0x8000, s17, s16, $0x38;
	[tilespmem:$0x10E80] =	vst v63  }
0x25d: {  	_ =	swait.ge [sflag:s13], $0x8000  }
0x25e: {  	[sflag:s13] =	ssyncset.done $0x0  }
.Ltmp4:
0x25f: {  	s2 =	sadd.s32 s1, s2;
	[sflag:s13] =	ssyncadd.s32 $0xFFFF8000;
	(pc) =	sbr.rel .LBB2_3-.Ltmp4, $4  }
0x260: {  	[tilespmem:s18], [sflag:$0x1] =	stream.strided.gather [hbm4b:s2+s16], $0x8000, s17, s16, $0x38;
	[tilespmem:$0x10E80] =	vst v63  }
0x261: {  	_ =	swait.ge [sflag:s13], $0x8000  }
0x262: {  	[sflag:s13] =	ssyncset.done $0x0  }
0x263: {  	v26 =	vimm.f32 $+Inf;
	s24 =	simm.s32 $0x0;
	[sflag:s13] =	ssyncadd.s32 $0xFFFF8000  }
.LBB2_17:
0x264: {  	s6 =	simm.s32 $0x0;
	s2 =	simm.s32 $0x10480;
	s28 =	smov.u32 s31  }
.LBB2_21:
0x265: {  	s6 =	sadd.s32 @p0 $0x10, s6  }
0x266: {  	s29 =	smov.u32 @p0 s6  }
0x267: {  	v1 =	vor.u32 s29, v0  }
0x268: {  	vm1 =	veq.f32 v28, v26;
	vm0 =	vlt.s32 v1, v27  }
0x269: {  	vm0 =	vmand vm0, vm1  }
0x26a: {  	v1 =	vmpcnt.ones.xlane vm0;
	_ =	sdelay $0x1  }
0x26b: {  	(v2sf) =	vpush v1, $0x0;
	_ =	sdelay $0x7  }
0x26c: {  	s2 =	sadd.s32 @p0 $0x10, s2  }
0x26d: {  	s26 =	smov.u32 @p0 s2  }
0x26e: {  	v1 =	vld [tilespmem:s26+$0x0]  }
0x26f: {  	s2 =	spop @p0 (v2sf)  }
0x270: {  	s2 =	sadd.s32 @p0 s28, s2  }
0x271: {  	s31 =	smov.u32 @p0 s2  }
0x272: {  	[tilespmem:s31+$0x10780] =	vst.msk vm0, v28  }
0x273: {  	[tilespmem:s31+$0x10B00] =	vst.msk vm0, v1;
	s31 =	spop (v2sf)  }
.LBB2_22:
0x274: {  	v1 =	vld [tilespmem:$0x10780]  }
0x275: {  	v2 =	vld [tilespmem:$0x10B00]  }
0x276: {  	v3 =	vld [tilespmem:$0x10790]  }
0x277: {  	v5 =	vld [tilespmem:$0x10B10]  }
0x278: {  	v6 =	vld [tilespmem:$0x107A0]  }
0x279: {  	[tilespmem:$0x10180] =	vst v1;
	v1 =	vld [tilespmem:$0x10B20]  }
0x27a: {  	[tilespmem:$0x10480] =	vst v2;
	v2 =	vld [tilespmem:$0x107B0]  }
0x27b: {  	[tilespmem:$0x10190] =	vst v3;
	v3 =	vld [tilespmem:$0x10B30]  }
0x27c: {  	[tilespmem:$0x10490] =	vst v5  }
0x27d: {  	[tilespmem:$0x101A0] =	vst v6  }
0x27e: {  	[tilespmem:$0x104A0] =	vst v1  }
0x27f: {  	[tilespmem:$0x101B0] =	vst v2  }
0x280: {  	[tilespmem:$0x104B0] =	vst v3  }
.LBB2_23:
0x281: {  	s24 =	sadd.s32 $0x1, s24  }
0x282: {  	p1 =	seq.s32 s24, $0x40  }
.Ltmp5:
0x283: {  	_ = 	snop;
	(pc) =	sbr.rel @p1 .LBB2_24-.Ltmp5, $3  }
0x284: {  	_ =	sdelay $0x1  }
0x285: {  	p0 =	sgt.s32 s25, $0x100  }
0x286: {  	s25 =	simm.s32 @p0 $0x40  }
.LBB2_3:
0x287: {  	s26 =	sshll.u32 s24, $0x9  }
0x288: {  	v27 =	vld [tilespmem:s26+$0x0]  }
0x289: {  	v28 =	vld [tilespmem:s26+$0x8000]  }
0x28a: {  	v29 =	vld [tilespmem:s26+$0x10]  }
0x28b: {  	v30 =	vld [tilespmem:s26+$0x8010]  }
0x28c: {  	v31 =	vld [tilespmem:s26+$0x20]  }
0x28d: {  	v32 =	vld [tilespmem:s26+$0x8020]  }
0x28e: {  	v33 =	vld [tilespmem:s26+$0x30]  }
0x28f: {  	v34 =	vld [tilespmem:s26+$0x8030]  }
0x290: {  	v35 =	vld [tilespmem:s26+$0x40]  }
0x291: {  	v36 =	vld [tilespmem:s26+$0x8040]  }
0x292: {  	v37 =	vld [tilespmem:s26+$0x50]  }
0x293: {  	v38 =	vld [tilespmem:s26+$0x8050]  }
0x294: {  	v39 =	vld [tilespmem:s26+$0x60]  }
0x295: {  	v41 =	vld [tilespmem:s26+$0x8060]  }
0x296: {  	v42 =	vld [tilespmem:s26+$0x70]  }
0x297: {  	v43 =	vld [tilespmem:s26+$0x8070]  }
0x298: {  	v45 =	vld [tilespmem:s26+$0x80]  }
0x299: {  	v46 =	vld [tilespmem:s26+$0x8080]  }
0x29a: {  	v47 =	vld [tilespmem:s26+$0x90]  }
0x29b: {  	v48 =	vld [tilespmem:s26+$0x8090]  }
0x29c: {  	v50 =	vld [tilespmem:s26+$0xA0]  }
0x29d: {  	v49 =	vld [tilespmem:s26+$0x80A0]  }
0x29e: {  	v51 =	vld [tilespmem:s26+$0xB0]  }
0x29f: {  	v54 =	vld [tilespmem:s26+$0x80B0]  }
0x2a0: {  	v10 =	vld [tilespmem:s26+$0xC0]  }
0x2a1: {  	v55 =	vld [tilespmem:s26+$0x80C0]  }
0x2a2: {  	v11 =	vld [tilespmem:s26+$0xD0]  }
0x2a3: {  	v56 =	vld [tilespmem:s26+$0x80D0]  }
0x2a4: {  	v12 =	vld [tilespmem:s26+$0xE0]  }
0x2a5: {  	v13 =	vld [tilespmem:s26+$0x80E0]  }
0x2a6: {  	v14 =	vld [tilespmem:s26+$0xF0]  }
0x2a7: {  	v15 =	vld [tilespmem:s26+$0x80F0]  }
0x2a8: {  	v16 =	vld [tilespmem:s26+$0x100]  }
0x2a9: {  	v17 =	vld [tilespmem:s26+$0x8100]  }
0x2aa: {  	v18 =	vld [tilespmem:s26+$0x110]  }
0x2ab: {  	v19 =	vld [tilespmem:s26+$0x8110]  }
0x2ac: {  	v20 =	vld [tilespmem:s26+$0x120];
	vm0 =	veq.s32 v28, v23;
	vm1 =	veq.s32 v30, v23;
	vm5 =	veq.s32 v32, v23  }
0x2ad: {  	v21 =	vld [tilespmem:s26+$0x8120];
	vm4 =	veq.s32 v34, v23;
	vm3 =	veq.s32 v43, v23;
	vm7 =	veq.s32 v48, v23  }
0x2ae: {  	v44 =	vld [tilespmem:s26+$0x130];
	vm9 =	veq.s32 v54, v23;
	v28 =	vsel vm0, v24, v25;
	v30 =	vsel vm1, v24, v25  }
0x2af: {  	v5 =	vld [tilespmem:s26+$0x8130];
	v22 =	vadd.f32 v28, v27;
	v9 =	vadd.f32 v30, v29;
	v27 =	vsel vm5, v24, v25  }
0x2b0: {  	v63 =	vld [tilespmem:s26+$0x140];
	vm5 =	veq.s32 v36, v23;
	v6 =	vadd.f32 v27, v31;
	v27 =	vsel vm4, v24, v25  }
0x2b1: {  	v8 =	vld [tilespmem:s26+$0x8140];
	vm1 =	veq.s32 v38, v23;
	v40 =	vsel vm5, v24, v25;
	v7 =	vadd.f32 v27, v33  }
0x2b2: {  	v1 =	vld [tilespmem:s26+$0x8150];
	v59 =	vadd.f32 v40, v35;
	vm5 =	vlt.f32 v22, v26;
	vm0 =	vlt.f32 v9, v26  }
0x2b3: {  	v2 =	vld [tilespmem:s26+$0x8160];
	v27 =	vsel vm1, v24, v25;
	vm1 =	veq.s32 v41, v23;
	v41 =	vsel vm3, v24, v25  }
0x2b4: {  	v3 =	vld [tilespmem:s26+$0x8170];
	vm6 =	vlt.f32 v6, v26;
	v61 =	vadd.f32 v27, v37;
	v27 =	vsel vm1, v24, v25  }
0x2b5: {  	v62 =	vld [tilespmem:s26+$0x8180];
	v53 =	vadd.f32 v41, v42;
	vm1 =	veq.s32 v46, v23;
	v43 =	vmpcnt.ones.xlane vm5  }
0x2b6: {  	v60 =	vld [tilespmem:s26+$0x8190];
	v41 =	vsel vm9, v24, v25;
	vm9 =	veq.s32 v56, v23;
	vm4 =	vlt.f32 v7, v26  }
0x2b7: {  	v58 =	vld [tilespmem:s26+$0x81A0];
	vm2 =	vlt.f32 v59, v26;
	v57 =	vadd.f32 v27, v39;
	v27 =	vsel vm1, v24, v25  }
0x2b8: {  	v34 =	vld [tilespmem:s26+$0x190];
	v52 =	vadd.f32 v27, v45;
	(v2sf) =	vpush v43, $0x0;
	v27 =	vmpcnt.ones.xlane vm0  }
0x2b9: {  	v38 =	vld [tilespmem:s26+$0x160];
	v36 =	vsel vm9, v24, v25;
	v54 =	vadd.f32 v41, v51;
	vm3 =	vlt.f32 v61, v26  }
0x2ba: {  	v30 =	vld [tilespmem:s26+$0x1C0];
	vm15 =	vlt.f32 v53, v26;
	(v2sf) =	vpush v27, $0x0;
	v27 =	vmpcnt.ones.xlane vm6  }
0x2bb: {  	v28 =	vld [tilespmem:s26+$0x1D0];
	v45 =	vsel vm7, v24, v25;
	vm7 =	veq.s32 v49, v23;
	v43 =	vmpcnt.ones.xlane vm2  }
0x2bc: {  	v29 =	vld [tilespmem:s26+$0x1E0];
	vm1 =	vlt.f32 v57, v26;
	(v2sf) =	vpush v27, $0x0;
	v27 =	vmpcnt.ones.xlane vm4  }
0x2bd: {  	v31 =	vld [tilespmem:s26+$0x1B0];
	v46 =	vsel vm7, v24, v25;
	vm7 =	veq.s32 v55, v23;
	v56 =	vadd.f32 v45, v47  }
0x2be: {  	v40 =	vld [tilespmem:s26+$0x150];
	v45 =	vmpcnt.ones.xlane vm3;
	v39 =	vmpcnt.ones.xlane vm15;
	(v2sf) =	vpush v27, $0x0  }
0x2bf: {  	v35 =	vld [tilespmem:s26+$0x180];
	vm12 =	vlt.f32 v54, v26;
	v42 =	vsel vm7, v24, v25;
	vm7 =	veq.s32 v13, v23  }
0x2c0: {  	v33 =	vld [tilespmem:s26+$0x1A0];
	v27 =	vsel vm7, v24, v25;
	vm7 =	veq.s32 v15, v23;
	(v2sf) =	vpush v43, $0x0  }
0x2c1: {  	v37 =	vld [tilespmem:s26+$0x170];
	vm14 =	vlt.f32 v52, v26;
	v55 =	vadd.f32 v46, v50;
	v47 =	vsel vm7, v24, v25  }
0x2c2: {  	v41 =	vld [tilespmem:s26+$0x81D0];
	vm7 =	veq.s32 v17, v23;
	v17 =	vmpcnt.ones.xlane vm1;
	(v2sf) =	vpush v45, $0x0  }
0x2c3: {  	v49 =	vld [tilespmem:s26+$0x81B0];
	v50 =	vadd.f32 v36, v11;
	vm9 =	vlt.f32 v56, v26;
	v51 =	vadd.f32 v42, v10  }
0x2c4: {  	v46 =	vld [tilespmem:s26+$0x81C0];
	v48 =	vadd.f32 v27, v12;
	v32 =	vsel vm7, v24, v25;
	(v2sf) =	vpush v17, $0x0  }
0x2c5: {  	v36 =	vld [tilespmem:s26+$0x81E0];
	vm7 =	veq.s32 v19, v23;
	v47 =	vadd.f32 v47, v14;
	v19 =	vmpcnt.ones.xlane vm14  }
0x2c6: {  	v27 =	vld [tilespmem:s26+$0x1F0];
	v45 =	vor.u32 s26, v0;
	v14 =	vmpcnt.ones.xlane vm9;
	(v2sf) =	vpush v39, $0x0  }
0x2c7: {  	v43 =	vadd.f32 v32, v16;
	v17 =	vsel vm7, v24, v25;
	vm7 =	veq.s32 v21, v23;
	v32 =	vld [tilespmem:s26+$0x81F0];
	[tilespmem:s25+$0x10180] =	vst.msk vm5, v22;
	s2 =	spop (v2sf)  }
0x2c8: {  	s6 =	sor.u32 $0x10, s26;
	vm10 =	vlt.f32 v48, v26;
	v39 =	vsel vm7, v24, v25;
	[tilespmem:s25+$0x10480] =	vst.msk vm5, v45;
	(v2sf) =	vpush v19, $0x0;
	s2 =	sadd.s32 s25, s2  }
0x2c9: {  	vm5 =	veq.s32 v5, v23;
	vm7 =	vlt.f32 v55, v26;
	v5 =	vor.u32 s6, v0;
	s12 =	spop (v2sf);
	[tilespmem:s2+$0x10180] =	vst.msk vm0, v9  }
0x2ca: {  	s28 =	sor.u32 $0x20, s26;
	v42 =	vadd.f32 v17, v18;
	(v2sf) =	vpush v14, $0x0;
	[tilespmem:s2+$0x10480] =	vst.msk vm0, v5;
	v5 =	vmpcnt.ones.xlane vm7;
	s2 =	sadd.s32 s12, s2  }
0x2cb: {  	v39 =	vadd.f32 v39, v20;
	v15 =	vsel vm5, v24, v25;
	s29 =	spop (v2sf);
	[tilespmem:s2+$0x10180] =	vst.msk vm6, v6;
	v6 =	vor.u32 s28, v0  }
0x2cc: {  	s30 =	sor.u32 $0x30, s26;
	vm5 =	vlt.f32 v47, v26;
	[tilespmem:s2+$0x10480] =	vst.msk vm6, v6;
	(v2sf) =	vpush v5, $0x0;
	v5 =	vmpcnt.ones.xlane vm12;
	s2 =	sadd.s32 s29, s2  }
0x2cd: {  	vm0 =	veq.s32 v8, v23;
	vm6 =	vlt.f32 v51, v26;
	s31 =	spop (v2sf);
	[tilespmem:s2+$0x10180] =	vst.msk vm4, v7;
	v7 =	vor.u32 s30, v0  }
0x2ce: {  	s14 =	sor.u32 $0x40, s26;
	v6 =	vsel vm0, v24, v25;
	(v2sf) =	vpush v5, $0x0;
	[tilespmem:s2+$0x10480] =	vst.msk vm4, v7;
	v5 =	vmpcnt.ones.xlane vm6;
	s2 =	sadd.s32 s31, s2  }
0x2cf: {  	vm0 =	vlt.f32 v50, v26;
	vm4 =	veq.s32 v1, v23;
	s15 =	spop (v2sf);
	v1 =	vor.u32 s14, v0;
	[tilespmem:s2+$0x10180] =	vst.msk vm2, v59  }
0x2d0: {  	vm11 =	vlt.f32 v43, v26;
	s25 =	sor.u32 $0x50, s26;
	[tilespmem:s2+$0x10480] =	vst.msk vm2, v1;
	(v2sf) =	vpush v5, $0x0;
	v1 =	vmpcnt.ones.xlane vm0;
	s2 =	sadd.s32 s15, s2  }
0x2d1: {  	v45 =	vadd.f32 v15, v44;
	v16 =	vadd.f32 v6, v63;
	s31 =	sor.u32 $0x70, s26;
	s28 =	spop (v2sf);
	v5 =	vor.u32 s25, v0;
	[tilespmem:s2+$0x10180] =	vst.msk vm3, v61  }
0x2d2: {  	s29 =	sor.u32 $0x60, s26;
	v6 =	vor.u32 s31, v0;
	[tilespmem:s2+$0x10480] =	vst.msk vm3, v5;
	(v2sf) =	vpush v1, $0x0;
	v1 =	vmpcnt.ones.xlane vm10;
	s2 =	sadd.s32 s28, s2  }
0x2d3: {  	vm2 =	veq.s32 v2, v23;
	v2 =	vsel vm4, v24, v25;
	s30 =	spop (v2sf);
	v5 =	vor.u32 s29, v0;
	[tilespmem:s2+$0x10180] =	vst.msk vm1, v57  }
0x2d4: {  	s15 =	sor.u32 $0x80, s26;
	vm4 =	veq.s32 v60, v23;
	[tilespmem:s2+$0x10480] =	vst.msk vm1, v5;
	(v2sf) =	vpush v1, $0x0;
	v1 =	vmpcnt.ones.xlane vm5;
	s2 =	sadd.s32 s30, s2  }
0x2d5: {  	s14 =	spop (v2sf);
	v7 =	vor.u32 s15, v0;
	v2 =	vadd.f32 v2, v40;
	vm3 =	veq.s32 v3, v23;
	[tilespmem:s2+$0x10180] =	vst.msk vm15, v53  }
0x2d6: {  	v3 =	vsel vm2, v24, v25;
	s28 =	sor.u32 $0x90, s26;
	[tilespmem:s2+$0x10480] =	vst.msk vm15, v6;
	(v2sf) =	vpush v1, $0x0;
	v1 =	vmpcnt.ones.xlane vm11;
	s2 =	sadd.s32 s14, s2  }
0x2d7: {  	vm2 =	vlt.f32 v16, v26;
	v17 =	vor.u32 s28, v0;
	vm15 =	vlt.f32 v42, v26;
	s25 =	spop (v2sf);
	[tilespmem:s2+$0x10180] =	vst.msk vm14, v52  }
0x2d8: {  	v3 =	vadd.f32 v3, v38;
	[tilespmem:s2+$0x10480] =	vst.msk vm14, v7;
	(v2sf) =	vpush v1, $0x0;
	v1 =	vmpcnt.ones.xlane vm15;
	s2 =	sadd.s32 s25, s2  }
0x2d9: {  	vm1 =	veq.s32 v62, v23;
	v5 =	vsel vm3, v24, v25;
	s29 =	spop (v2sf);
	vm14 =	vlt.f32 v39, v26;
	[tilespmem:s2+$0x10180] =	vst.msk vm9, v56  }
0x2da: {  	s30 =	sor.u32 $0xA0, s26;
	vm3 =	vlt.f32 v45, v26;
	[tilespmem:s2+$0x10480] =	vst.msk vm9, v17;
	(v2sf) =	vpush v1, $0x0;
	v1 =	vmpcnt.ones.xlane vm14;
	s2 =	sadd.s32 s29, s2  }
0x2db: {  	v19 =	vor.u32 s30, v0;
	v5 =	vadd.f32 v5, v37;
	v6 =	vsel vm1, v24, v25;
	s31 =	spop (v2sf);
	[tilespmem:s2+$0x10180] =	vst.msk vm7, v55  }
0x2dc: {  	vm1 =	veq.s32 v58, v23;
	s14 =	sor.u32 $0xB0, s26;
	(v2sf) =	vpush v1, $0x0;
	v1 =	vmpcnt.ones.xlane vm3;
	s12 =	sadd.s32 s31, s2;
	[tilespmem:s2+$0x10480] =	vst.msk vm7, v19  }
0x2dd: {  	v18 =	vsel vm1, v24, v25;
	vm1 =	vlt.f32 v2, v26;
	v38 =	vor.u32 s14, v0;
	s15 =	spop (v2sf);
	[tilespmem:s12+$0x10180] =	vst.msk vm12, v54  }
0x2de: {  	v6 =	vadd.f32 v6, v35;
	s25 =	sor.u32 $0xC0, s26;
	[tilespmem:s12+$0x10480] =	vst.msk vm12, v38;
	(v2sf) =	vpush v1, $0x0;
	v1 =	vmpcnt.ones.xlane vm2;
	s2 =	sadd.s32 s15, s12  }
0x2df: {  	v7 =	vsel vm4, v24, v25;
	vm4 =	veq.s32 v49, v23;
	v49 =	vor.u32 s25, v0;
	s28 =	spop (v2sf);
	[tilespmem:s2+$0x10180] =	vst.msk vm6, v51  }
0x2e0: {  	v8 =	vadd.f32 v18, v33;
	s29 =	sor.u32 $0xD0, s26;
	(v2sf) =	vpush v1, $0x0;
	v1 =	vmpcnt.ones.xlane vm1;
	s12 =	sadd.s32 s28, s2;
	[tilespmem:s2+$0x10480] =	vst.msk vm6, v49  }
0x2e1: {  	v40 =	vsel vm4, v24, v25;
	vm7 =	vlt.f32 v3, v26;
	s30 =	spop (v2sf);
	[tilespmem:s12+$0x10180] =	vst.msk vm0, v50;
	v50 =	vor.u32 s29, v0  }
0x2e2: {  	vm4 =	vlt.f32 v5, v26;
	s31 =	sor.u32 $0xE0, s26;
	[tilespmem:s12+$0x10480] =	vst.msk vm0, v50;
	(v2sf) =	vpush v1, $0x0;
	v1 =	vmpcnt.ones.xlane vm7;
	s2 =	sadd.s32 s30, s12  }
0x2e3: {  	v7 =	vadd.f32 v7, v34;
	v9 =	vadd.f32 v40, v31;
	v52 =	vor.u32 s31, v0;
	s14 =	spop (v2sf);
	[tilespmem:s2+$0x10180] =	vst.msk vm10, v48  }
0x2e4: {  	vm9 =	vlt.f32 v8, v26;
	s15 =	sor.u32 $0xF0, s26;
	s28 =	sor.u32 $0x100, s26;
	(v2sf) =	vpush v1, $0x0;
	v1 =	vmpcnt.ones.xlane vm4;
	s12 =	sadd.s32 s14, s2;
	[tilespmem:s2+$0x10480] =	vst.msk vm10, v52  }
0x2e5: {  	v53 =	vor.u32 s15, v0;
	vm6 =	vlt.f32 v6, v26;
	v55 =	vor.u32 s28, v0;
	s25 =	spop (v2sf);
	[tilespmem:s12+$0x10180] =	vst.msk vm5, v47  }
0x2e6: {  	vm0 =	veq.s32 v46, v23;
	s30 =	sor.u32 $0x110, s26;
	[tilespmem:s12+$0x10480] =	vst.msk vm5, v53;
	(v2sf) =	vpush v1, $0x0;
	v1 =	vmpcnt.ones.xlane vm6;
	s2 =	sadd.s32 s25, s12  }
0x2e7: {  	v51 =	vsel vm0, v24, v25;
	vm0 =	vlt.f32 v7, v26;
	v56 =	vor.u32 s30, v0;
	s29 =	spop (v2sf);
	[tilespmem:s2+$0x10180] =	vst.msk vm11, v43  }
0x2e8: {  	s14 =	sor.u32 $0x120, s26;
	vm10 =	veq.s32 v36, v23;
	(v2sf) =	vpush v1, $0x0;
	v1 =	vmpcnt.ones.xlane vm0;
	s12 =	sadd.s32 s29, s2;
	[tilespmem:s2+$0x10480] =	vst.msk vm11, v55  }
0x2e9: {  	v10 =	vadd.f32 v51, v30;
	v57 =	vsel vm10, v24, v25;
	v58 =	vor.u32 s14, v0;
	s31 =	spop (v2sf);
	[tilespmem:s12+$0x10180] =	vst.msk vm15, v42  }
0x2ea: {  	vm5 =	veq.s32 v41, v23;
	[tilespmem:s12+$0x10480] =	vst.msk vm15, v56;
	(v2sf) =	vpush v1, $0x0;
	v1 =	vmpcnt.ones.xlane vm9;
	s2 =	sadd.s32 s31, s12  }
0x2eb: {  	vm10 =	vlt.f32 v10, v26;
	v54 =	vsel vm5, v24, v25;
	vm5 =	vlt.f32 v9, v26;
	s15 =	spop (v2sf);
	[tilespmem:s2+$0x10180] =	vst.msk vm14, v39  }
0x2ec: {  	s25 =	sor.u32 $0x130, s26;
	v12 =	vadd.f32 v57, v29;
	(v2sf) =	vpush v1, $0x0;
	v1 =	vmpcnt.ones.xlane vm5;
	s12 =	sadd.s32 s15, s2;
	[tilespmem:s2+$0x10480] =	vst.msk vm14, v58  }
0x2ed: {  	v59 =	vor.u32 s25, v0;
	v11 =	vadd.f32 v54, v28;
	vm11 =	veq.s32 v32, v23;
	s28 =	spop (v2sf);
	[tilespmem:s12+$0x10180] =	vst.msk vm3, v45  }
0x2ee: {  	s29 =	sor.u32 $0x140, s26;
	v60 =	vsel vm11, v24, v25;
	(v2sf) =	vpush v1, $0x0;
	v1 =	vmpcnt.ones.xlane vm10;
	s2 =	sadd.s32 s28, s12;
	[tilespmem:s12+$0x10480] =	vst.msk vm3, v59  }
0x2ef: {  	v62 =	vor.u32 s29, v0;
	vm11 =	vlt.f32 v11, v26;
	v61 =	vadd.f32 v60, v27;
	s30 =	spop (v2sf);
	[tilespmem:s2+$0x10180] =	vst.msk vm2, v16  }
0x2f0: {  	s31 =	sor.u32 $0x150, s26;
	vm3 =	vlt.f32 v12, v26;
	(v2sf) =	vpush v1, $0x0;
	v1 =	vmpcnt.ones.xlane vm11;
	s12 =	sadd.s32 s30, s2;
	[tilespmem:s2+$0x10480] =	vst.msk vm2, v62  }
0x2f1: {  	v63 =	vmpcnt.ones.xlane vm3;
	vm2 =	vlt.f32 v61, v26;
	s14 =	spop (v2sf);
	[tilespmem:s12+$0x10180] =	vst.msk vm1, v2;
	v2 =	vor.u32 s31, v0  }
0x2f2: {  	s15 =	sor.u32 $0x160, s26;
	[tilespmem:s12+$0x10480] =	vst.msk vm1, v2;
	(v2sf) =	vpush v1, $0x0;
	v1 =	vmpcnt.ones.xlane vm2;
	s2 =	sadd.s32 s14, s12  }
0x2f3: {  	v2 =	vor.u32 s15, v0;
	s25 =	spop (v2sf);
	(v2sf) =	vpush v63, $0x0;
	[tilespmem:s2+$0x10180] =	vst.msk vm7, v3  }
0x2f4: {  	s28 =	sor.u32 $0x170, s26;
	[tilespmem:s2+$0x10480] =	vst.msk vm7, v2;
	(v2sf) =	vpush v1, $0x0;
	s2 =	sadd.s32 s25, s2  }
0x2f5: {  	v1 =	vor.u32 s28, v0;
	s29 =	spop (v2sf);
	[tilespmem:s2+$0x10180] =	vst.msk vm4, v5  }
0x2f6: {  	s30 =	sor.u32 $0x180, s26;
	[tilespmem:s2+$0x10480] =	vst.msk vm4, v1;
	s2 =	sadd.s32 s29, s2  }
0x2f7: {  	v1 =	vor.u32 s30, v0;
	s31 =	spop (v2sf);
	[tilespmem:s2+$0x10180] =	vst.msk vm6, v6  }
0x2f8: {  	s14 =	sor.u32 $0x190, s26;
	[tilespmem:s2+$0x10480] =	vst.msk vm6, v1;
	s2 =	sadd.s32 s31, s2  }
0x2f9: {  	v1 =	vor.u32 s14, v0;
	s15 =	spop (v2sf);
	[tilespmem:s2+$0x10180] =	vst.msk vm0, v7  }
0x2fa: {  	s25 =	sor.u32 $0x1A0, s26;
	[tilespmem:s2+$0x10480] =	vst.msk vm0, v1;
	s2 =	sadd.s32 s15, s2  }
0x2fb: {  	v1 =	vor.u32 s25, v0;
	s28 =	spop (v2sf);
	[tilespmem:s2+$0x10180] =	vst.msk vm9, v8  }
0x2fc: {  	s29 =	sor.u32 $0x1B0, s26;
	[tilespmem:s2+$0x10480] =	vst.msk vm9, v1;
	s2 =	sadd.s32 s28, s2  }
0x2fd: {  	v1 =	vor.u32 s29, v0;
	s30 =	spop (v2sf);
	[tilespmem:s2+$0x10180] =	vst.msk vm5, v9  }
0x2fe: {  	s31 =	sor.u32 $0x1C0, s26;
	[tilespmem:s2+$0x10480] =	vst.msk vm5, v1;
	s2 =	sadd.s32 s30, s2  }
0x2ff: {  	v1 =	vor.u32 s31, v0;
	s14 =	spop (v2sf);
	[tilespmem:s2+$0x10180] =	vst.msk vm10, v10  }
0x300: {  	s15 =	sor.u32 $0x1D0, s26;
	[tilespmem:s2+$0x10480] =	vst.msk vm10, v1;
	s2 =	sadd.s32 s14, s2  }
0x301: {  	v1 =	vor.u32 s15, v0;
	s25 =	spop (v2sf);
	[tilespmem:s2+$0x10180] =	vst.msk vm11, v11  }
0x302: {  	[tilespmem:s2+$0x10480] =	vst.msk vm11, v1;
	s28 =	spop (v2sf);
	s2 =	sadd.s32 s25, s2  }
0x303: {  	s30 =	spop (v2sf);
	s6 =	sadd.s32 s28, s2  }
0x304: {  	s25 =	sadd.s32 s30, s6  }
0x305: {  	p0 =	slt.s32 s25, $0x101  }
.Ltmp6:
0x306: {  	s29 =	sor.u32 $0x1E0, s26;
	(pc) =	sbr.rel @p0 .LBB2_23-.Ltmp6, $4  }
0x307: {  	v1 =	vor.u32 s29, v0;
	[tilespmem:s2+$0x10180] =	vst.msk vm3, v12  }
0x308: {  	s31 =	sor.u32 $0x1F0, s26;
	[tilespmem:s2+$0x10480] =	vst.msk vm3, v1  }
0x309: {  	v1 =	vor.u32 s31, v0;
	[tilespmem:s6+$0x10180] =	vst.msk vm2, v61  }
0x30a: {  	[tilespmem:s6+$0x10480] =	vst.msk vm2, v1  }
0x30b: {  	s2 =	sadd.s32 $0xF, s25  }
0x30c: {  	s6 =	sand.u32 $0xF, s2  }
0x30d: {  	s12 =	sshra.s32 s2, $0x1F;
	p0 =	slt.s32 s2, $0x0;
	p1 =	sne.s32 s6, $0x0  }
.Ltmp7:
0x30e: {  	s26 =	sshrl.u32 s12, $0x1C;
	p0 =	por !p0, !p1;
	(pc) =	sbr.rel .LBB2_5-.Ltmp7, $4  }
0x30f: {  	s6 =	simm.s32 $0x1;
	s2 =	sadd.s32 s26, s2;
	p0 =	por !p0, !p0  }
0x310: {  	s2 =	sshra.s32 s2, $0x4;
	s6 =	simm.s32 @!p0 $0x0  }
0x311: {  	s30 =	simm.s32 $0x800000;
	s29 =	simm.s32 $0xFF7FFFFF;
	s28 =	ssub.s32 s2, s6  }
0x312: {  	v27 =	vmov s25;
	s31 =	simm.s32 $0x0;
	s26 =	simm.s32 $0x0;
	p0 =	slt.s32 s28, $0x1  }
.LBB2_8:
0x313: {  	vm0 =	vmand vm0, vm1  }
0x314: {  	v1 =	vmpcnt.ones.xlane vm0;
	_ =	sdelay $0x1  }
0x315: {  	v26 =	vadd.s32 v26, v1  }
.LBB2_9:
0x316: {  	(v2sf) =	vpush v26, $0x0;
	_ =	sdelay $0xb  }
0x317: {  	s31 =	sadd.s32 $0x1, s31  }
0x318: {  	p2 =	sne.s32 s31, $0x20  }
.Ltmp8:
0x319: {  	_ = 	snop;
	(pc) =	sbr.rel @!p2 .LBB2_10-.Ltmp8, $4  }
0x31a: {  	s6 =	spop (v2sf)  }
0x31b: {  	p1 =	sgt.s32 s6, $0x3F;
	s6 =	sadd.s32 $0x1, s2  }
0x31c: {  	s6 =	smov.u32 @p1 s30  }
0x31d: {  	s29 =	smov.u32 @p1 s2;
	s30 =	smov.u32 s6  }
.LBB2_5:
.Ltmp9:
0x31e: {  	(pc) =	sbr.rel @p0 .LBB2_9-.Ltmp9, $4  }
0x31f: {  	_ = 	snop  }
0x320: {  	s2 =	ssub.s32 s29, s30  }
0x321: {  	s2 =	sshrl.u32 s2, $0x1  }
0x322: {  	v26 =	vimm.s32 $0x0;
	s2 =	sadd.s32 s30, s2  }
0x323: {  	s6 =	simm.s32 $0x10180  }
0x324: {  	p1 =	sne.s32 s28, $0x1;
	v1 =	vld [tilespmem:s6+$0x0]  }
.Ltmp10:
0x325: {  	_ = 	snop;
	(pc) =	sbr.rel @!p1 .LBB2_8-.Ltmp10, $4  }
0x326: {  	v2 =	vmov s2  }
0x327: {  	vm0 =	vlt.s32 v2, $0x0;
	v3 =	vand.u32 $0x7FFFFFFF, v2;
	v2 =	vxor.u32 $0xFFFFFFFF, v2  }
0x328: {  	v28 =	vsel vm0, v3, v2;
	v2 =	vor.u32 s26, v0  }
0x329: {  	s12 =	simm.s32 $0x10190;
	s14 =	simm.s32 $0x0;
	s6 =	sadd.s32 $0xFFFFFFFF, s28;
	vm0 =	vlt.s32 v2, v27;
	vm1 =	vlt.f32 v1, v28  }
.LBB2_7:
0x32a: {  	v1 =	vld [tilespmem:s12+$0x0];
	p1 =	sne.s32 s6, $0x1;
	s6 =	sadd.s32 $0xFFFFFFFF, s6;
	vm0 =	vmand vm0, vm1  }
.Ltmp11:
0x32b: {  	v2 =	vmpcnt.ones.xlane vm0;
	(pc) =	sbr.rel @p1 .LBB2_7-.Ltmp11, $4  }
0x32c: {  	_ = 	snop  }
0x32d: {  	s14 =	sadd.s32 $0x10, s14;
	v26 =	vadd.s32 v26, v2  }
0x32e: {  	v2 =	vor.u32 s14, v0  }
0x32f: {  	s12 =	sadd.s32 $0x10, s12;
	vm0 =	vlt.s32 v2, v27;
	vm1 =	vlt.f32 v1, v28  }
.Ltmp12:
0x330: {  	_ = 	snop;
	(pc) =	sbr.rel .LBB2_8-.Ltmp12, $1  }
0x331: {  	_ =	sdelay $0x3  }
.LBB2_10:
.Ltmp13:
0x332: {  	(pc) =	sbr.rel @p0 .LBB2_22-.Ltmp13, $4  }
0x333: {  	s2 =	sadd.s32 $0xFFFFFFFF, s6  }
0x334: {  	v1 =	vmov s2  }
0x335: {  	vm0 =	vlt.s32 v1, $0x0;
	v2 =	vand.u32 $0x7FFFFFFF, v1;
	v1 =	vxor.u32 $0xFFFFFFFF, v1  }
0x336: {  	s30 =	simm.s32 $0x10180;
	s26 =	simm.s32 $0x10480;
	s29 =	simm.s32 $0x0;
	v26 =	vsel vm0, v2, v1  }
0x337: {  	p1 =	sne.s32 s28, $0x1  }
.Ltmp14:
0x338: {  	_ = 	snop;
	(pc) =	sbr.rel @!p1 .LBB2_12-.Ltmp14, $2  }
0x339: {  	_ =	sdelay $0x2  }
0x33a: {  	v28 =	vld [tilespmem:s30+$0x0];
	s2 =	sadd.s32 $0xFFFFFFFF, s28;
	p0 =	por $0x0, $0x0  }
0x33b: {  	_ =	sdelay $0x2  }
0x33c: {  	v2 =	vor.u32 s29, v0  }
0x33d: {  	vm0 =	vlt.s32 v2, v27;
	vm1 =	vlt.f32 v28, v26  }
0x33e: {  	vm0 =	vmand vm0, vm1  }
0x33f: {  	v2 =	vmpcnt.ones.xlane vm0;
	_ =	sdelay $0x1  }
0x340: {  	(v2sf) =	vpush v2, $0x0  }
0x341: {  	v1 =	vld [tilespmem:s26+$0x0]  }
0x342: {  	p2 =	sne.s32 s2, $0x1  }
.Ltmp15:
0x343: {  	_ = 	snop;
	(pc) =	sbr.rel @!p2 .LBB2_14-.Ltmp15, $4  }
0x344: {  	_ = 	snop  }
0x345: {  	[tilespmem:s29+$0x10780] =	vst.msk vm0, v28  }
0x346: {  	s12 =	sadd.s32 $0x10, s30;
	s14 =	sadd.s32 $0xFFFFFFFF, s2;
	p1 =	por $0x1, $0x1;
	[tilespmem:s29+$0x10B00] =	vst.msk vm0, v1  }
0x347: {  	s6 =	simm.s32 $0x0;
	s2 =	simm.s32 $0x10480;
	s31 =	simm.s32 $0x0;
	v28 =	vld [tilespmem:s12+$0x0]  }
.LBB2_15:
0x348: {  	p2 =	sne.s32 s14, $0x1;
	_ =	sdelay $0x1  }
0x349: {  	s6 =	sadd.s32 $0x10, s6  }
0x34a: {  	v1 =	vor.u32 s6, v0  }
0x34b: {  	s2 =	sadd.s32 $0x10, s2;
	vm0 =	vlt.s32 v1, v27;
	vm1 =	vlt.f32 v28, v26  }
0x34c: {  	v1 =	vld [tilespmem:s2+$0x0];
	vm0 =	vmand vm0, vm1  }
0x34d: {  	v2 =	vmpcnt.ones.xlane vm0  }
0x34e: {  	s15 =	spop (v2sf)  }
0x34f: {  	(v2sf) =	vpush v2, $0x0;
	s31 =	sadd.s32 s31, s15  }
0x350: {  	[tilespmem:s31+$0x10780] =	vst.msk vm0, v28  }
0x351: {  	[tilespmem:s31+$0x10B00] =	vst.msk vm0, v1  }
.Ltmp16:
0x352: {  	(pc) =	sbr.rel @p2 .LBB2_15-.Ltmp16, $3  }
0x353: {  	_ =	sdelay $0x1  }
0x354: {  	s12 =	sadd.s32 $0x10, s12  }
0x355: {  	s14 =	sadd.s32 $0xFFFFFFFF, s14;
	v28 =	vld [tilespmem:s12+$0x0]  }
.LBB2_16:
0x356: {  	_ = 	snop  }
0x357: {  	s6 =	sadd.s32 @p1 $0x10, s6;
	s12 =	simm.s32 $0x0  }
0x358: {  	s12 =	smov.u32 @p1 s6  }
0x359: {  	v1 =	vor.u32 s12, v0  }
0x35a: {  	vm0 =	vlt.s32 v1, v27;
	vm1 =	vlt.f32 v28, v26  }
0x35b: {  	vm0 =	vmand vm0, vm1  }
0x35c: {  	v1 =	vmpcnt.ones.xlane vm0;
	_ =	sdelay $0x1  }
0x35d: {  	(v2sf) =	vpush v1, $0x0;
	_ =	sdelay $0x6  }
0x35e: {  	s2 =	sadd.s32 @p1 $0x10, s2;
	s6 =	simm.s32 $0x10480  }
0x35f: {  	s6 =	smov.u32 @p1 s2  }
0x360: {  	s2 =	spop @p1 (v2sf);
	v1 =	vld [tilespmem:s6+$0x0]  }
0x361: {  	s2 =	sadd.s32 @p1 s31, s2;
	s6 =	simm.s32 $0x0  }
0x362: {  	s6 =	smov.u32 @p1 s2;
	p1 =	sne.s32 s28, $0x1  }
.Ltmp17:
0x363: {  	_ = 	snop;
	(pc) =	sbr.rel @!p1 .LBB2_17-.Ltmp17, $4  }
0x364: {  	[tilespmem:s6+$0x10780] =	vst.msk vm0, v28  }
0x365: {  	[tilespmem:s6+$0x10B00] =	vst.msk vm0, v1  }
0x366: {  	v28 =	vld [tilespmem:s30+$0x0];
	s15 =	spop (v2sf)  }
0x367: {  	s2 =	sadd.s32 $0xFFFFFFFF, s28;
	s31 =	sadd.s32 s6, s15  }
0x368: {  	_ =	sdelay $0x1  }
0x369: {  	v2 =	vor.u32 s29, v0  }
0x36a: {  	vm0 =	vlt.s32 v2, v27;
	vm1 =	veq.f32 v28, v26  }
0x36b: {  	vm0 =	vmand vm0, vm1  }
0x36c: {  	v2 =	vmpcnt.ones.xlane vm0;
	_ =	sdelay $0x1  }
0x36d: {  	v1 =	vld [tilespmem:s26+$0x0];
	(v2sf) =	vpush v2, $0x0;
	_ =	sdelay $0x1  }
0x36e: {  	p1 =	sne.s32 s2, $0x1  }
.Ltmp18:
0x36f: {  	_ = 	snop;
	(pc) =	sbr.rel @!p1 .LBB2_19-.Ltmp18, $4  }
0x370: {  	[tilespmem:s31+$0x10780] =	vst.msk vm0, v28  }
0x371: {  	s12 =	simm.s32 $0x10190;
	[tilespmem:s31+$0x10B00] =	vst.msk vm0, v1  }
0x372: {  	s14 =	sadd.s32 $0xFFFFFFFF, s2;
	p0 =	por $0x1, $0x1;
	v28 =	vld [tilespmem:s12+$0x0]  }
0x373: {  	s6 =	simm.s32 $0x0;
	s2 =	simm.s32 $0x10480;
	s28 =	smov.u32 s31  }
.LBB2_20:
0x374: {  	p1 =	sne.s32 s14, $0x1;
	_ =	sdelay $0x1  }
0x375: {  	s6 =	sadd.s32 $0x10, s6  }
0x376: {  	v1 =	vor.u32 s6, v0  }
0x377: {  	vm1 =	veq.f32 v28, v26;
	s2 =	sadd.s32 $0x10, s2;
	vm0 =	vlt.s32 v1, v27  }
0x378: {  	vm0 =	vmand vm0, vm1;
	v1 =	vld [tilespmem:s2+$0x0]  }
0x379: {  	v2 =	vmpcnt.ones.xlane vm0  }
0x37a: {  	s15 =	spop (v2sf)  }
0x37b: {  	(v2sf) =	vpush v2, $0x0;
	s28 =	sadd.s32 s28, s15  }
0x37c: {  	[tilespmem:s28+$0x10780] =	vst.msk vm0, v28  }
0x37d: {  	[tilespmem:s28+$0x10B00] =	vst.msk vm0, v1  }
.Ltmp19:
0x37e: {  	(pc) =	sbr.rel @p1 .LBB2_20-.Ltmp19, $3  }
0x37f: {  	_ =	sdelay $0x1  }
0x380: {  	s12 =	sadd.s32 $0x10, s12  }
0x381: {  	s14 =	sadd.s32 $0xFFFFFFFF, s14;
	v28 =	vld [tilespmem:s12+$0x0]  }
.Ltmp20:
0x382: {  	_ = 	snop;
	(pc) =	sbr.rel .LBB2_21-.Ltmp20, $1  }
0x383: {  	_ =	sdelay $0x3  }
.LBB2_12:
.Ltmp21:
0x384: {  	(pc) =	sbr.rel .LBB2_16-.Ltmp21, $3  }
0x385: {  	_ =	sdelay $0x1  }
0x386: {  	s6 =	simm.s32 $0x0  }
0x387: {  	s2 =	simm.s32 $0x10480;
	s31 =	simm.s32 $0x0;
	p1 =	por $0x0, $0x0  }
.LBB2_14:
.Ltmp22:
0x388: {  	(pc) =	sbr.rel .LBB2_16-.Ltmp22, $2  }
0x389: {  	_ =	sdelay $0x2  }
0x38a: {  	s6 =	simm.s32 $0x0;
	s2 =	simm.s32 $0x10480;
	s31 =	simm.s32 $0x0  }
.LBB2_19:
.Ltmp23:
0x38b: {  	(pc) =	sbr.rel .LBB2_21-.Ltmp23, $2  }
0x38c: {  	_ =	sdelay $0x2  }
0x38d: {  	s6 =	simm.s32 $0x0;
	s2 =	simm.s32 $0x10480;
	s28 =	smov.u32 s31  }
.LBB2_24:
0x38e: {  	s2 =	sadd.s32 $0xF, s25  }
0x38f: {  	s6 =	sand.u32 $0xF, s2  }
0x390: {  	s12 =	sshra.s32 s2, $0x1F;
	p0 =	slt.s32 s2, $0x1;
	p1 =	sne.s32 s6, $0x0  }
.Ltmp24:
0x391: {  	s31 =	sshrl.u32 s12, $0x1C;
	p0 =	por !p0, !p1;
	(pc) =	sbr.rel .LBB2_25-.Ltmp24, $4  }
0x392: {  	s6 =	simm.s32 $0x1;
	s2 =	sadd.s32 s31, s2;
	p0 =	por !p0, !p0  }
0x393: {  	s2 =	sshra.s32 s2, $0x4;
	s6 =	simm.s32 @!p0 $0x0  }
0x394: {  	s24 =	simm.s32 $0x0;
	s28 =	simm.s32 $0x800000;
	s26 =	ssub.s32 s2, s6  }
0x395: {  	v26 =	vmov s25;
	s25 =	simm.s32 $0xFF7FFFFF;
	s29 =	simm.s32 $0x0;
	p0 =	slt.s32 s26, $0x1  }
.LBB2_28:
0x396: {  	vm0 =	vmand vm0, vm1  }
0x397: {  	v1 =	vmpcnt.ones.xlane vm0;
	_ =	sdelay $0x1  }
0x398: {  	v27 =	vadd.s32 v27, v1  }
.LBB2_29:
0x399: {  	(v2sf) =	vpush v27, $0x0;
	_ =	sdelay $0xb  }
0x39a: {  	s29 =	sadd.s32 $0x1, s29  }
0x39b: {  	p2 =	sne.s32 s29, $0x20  }
.Ltmp25:
0x39c: {  	_ = 	snop;
	(pc) =	sbr.rel @!p2 .LBB2_30-.Ltmp25, $4  }
0x39d: {  	s6 =	spop (v2sf)  }
0x39e: {  	p1 =	sgt.s32 s6, $0x3F;
	s6 =	sadd.s32 $0x1, s2  }
0x39f: {  	s6 =	smov.u32 @p1 s28  }
0x3a0: {  	s25 =	smov.u32 @p1 s2;
	s28 =	smov.u32 s6  }
.LBB2_25:
.Ltmp26:
0x3a1: {  	(pc) =	sbr.rel @p0 .LBB2_29-.Ltmp26, $4  }
0x3a2: {  	_ = 	snop  }
0x3a3: {  	s2 =	ssub.s32 s25, s28  }
0x3a4: {  	s2 =	sshrl.u32 s2, $0x1  }
0x3a5: {  	v27 =	vimm.s32 $0x0;
	s2 =	sadd.s32 s28, s2  }
0x3a6: {  	s6 =	simm.s32 $0x10180  }
0x3a7: {  	p1 =	sne.s32 s26, $0x1;
	v1 =	vld [tilespmem:s6+$0x0]  }
.Ltmp27:
0x3a8: {  	_ = 	snop;
	(pc) =	sbr.rel @!p1 .LBB2_28-.Ltmp27, $4  }
0x3a9: {  	v2 =	vmov s2  }
0x3aa: {  	vm0 =	vlt.s32 v2, $0x0;
	v3 =	vand.u32 $0x7FFFFFFF, v2;
	v2 =	vxor.u32 $0xFFFFFFFF, v2  }
0x3ab: {  	v28 =	vsel vm0, v3, v2;
	v2 =	vor.u32 s24, v0  }
0x3ac: {  	s12 =	simm.s32 $0x10190;
	s14 =	simm.s32 $0x0;
	s6 =	sadd.s32 $0xFFFFFFFF, s26;
	vm0 =	vlt.s32 v2, v26;
	vm1 =	vlt.f32 v1, v28  }
.LBB2_27:
0x3ad: {  	v1 =	vld [tilespmem:s12+$0x0];
	p1 =	sne.s32 s6, $0x1;
	s6 =	sadd.s32 $0xFFFFFFFF, s6;
	vm0 =	vmand vm0, vm1  }
.Ltmp28:
0x3ae: {  	v2 =	vmpcnt.ones.xlane vm0;
	(pc) =	sbr.rel @p1 .LBB2_27-.Ltmp28, $4  }
0x3af: {  	_ = 	snop  }
0x3b0: {  	s14 =	sadd.s32 $0x10, s14;
	v27 =	vadd.s32 v27, v2  }
0x3b1: {  	v2 =	vor.u32 s14, v0  }
0x3b2: {  	s12 =	sadd.s32 $0x10, s12;
	vm0 =	vlt.s32 v2, v26;
	vm1 =	vlt.f32 v1, v28  }
.Ltmp29:
0x3b3: {  	_ = 	snop;
	(pc) =	sbr.rel .LBB2_28-.Ltmp29, $1  }
0x3b4: {  	_ =	sdelay $0x3  }
.LBB2_30:
.Ltmp30:
0x3b5: {  	(pc) =	sbr.rel @p0 .LBB2_42-.Ltmp30, $1  }
0x3b6: {  	_ =	sdelay $0x3  }
0x3b7: {  	p1 =	sne.s32 s26, $0x1  }
.Ltmp31:
0x3b8: {  	_ = 	snop;
	(pc) =	sbr.rel @!p1 .LBB2_32-.Ltmp31, $4  }
0x3b9: {  	s2 =	sadd.s32 $0xFFFFFFFF, s6  }
0x3ba: {  	v1 =	vmov s2  }
0x3bb: {  	s28 =	simm.s32 $0x10180;
	s25 =	simm.s32 $0x0;
	vm0 =	vlt.s32 v1, $0x0;
	v2 =	vand.u32 $0x7FFFFFFF, v1;
	v1 =	vxor.u32 $0xFFFFFFFF, v1  }
0x3bc: {  	s24 =	simm.s32 $0x10480;
	s26 =	sadd.s32 $0xFFFFFFFF, s26;
	p0 =	por $0x0, $0x0;
	v29 =	vld [tilespmem:s28+$0x0];
	v28 =	vor.u32 s25, v0;
	v27 =	vsel vm0, v2, v1  }
0x3bd: {  	_ =	sdelay $0x3  }
0x3be: {  	vm0 =	vlt.s32 v28, v26;
	vm1 =	vlt.f32 v29, v27  }
0x3bf: {  	vm0 =	vmand vm0, vm1  }
0x3c0: {  	v2 =	vmpcnt.ones.xlane vm0;
	_ =	sdelay $0x1  }
0x3c1: {  	(v2sf) =	vpush v2, $0x0  }
0x3c2: {  	v1 =	vld [tilespmem:s24+$0x0]  }
0x3c3: {  	p3 =	sne.s32 s26, $0x1  }
.Ltmp32:
0x3c4: {  	_ = 	snop;
	(pc) =	sbr.rel @!p3 .LBB2_34-.Ltmp32, $4  }
0x3c5: {  	_ = 	snop  }
0x3c6: {  	[tilespmem:s25+$0x10780] =	vst.msk vm0, v29  }
0x3c7: {  	s12 =	simm.s32 $0x10190;
	s14 =	sadd.s32 $0xFFFFFFFF, s26;
	p2 =	por $0x1, $0x1;
	[tilespmem:s25+$0x10B00] =	vst.msk vm0, v1  }
0x3c8: {  	s6 =	simm.s32 $0x0;
	s2 =	simm.s32 $0x10480;
	s29 =	simm.s32 $0x0;
	v29 =	vld [tilespmem:s12+$0x0]  }
.LBB2_35:
0x3c9: {  	p3 =	sne.s32 s14, $0x1;
	_ =	sdelay $0x1  }
0x3ca: {  	s6 =	sadd.s32 $0x10, s6  }
0x3cb: {  	v1 =	vor.u32 s6, v0  }
0x3cc: {  	s2 =	sadd.s32 $0x10, s2;
	vm0 =	vlt.s32 v1, v26;
	vm1 =	vlt.f32 v29, v27  }
0x3cd: {  	v1 =	vld [tilespmem:s2+$0x0];
	vm0 =	vmand vm0, vm1  }
0x3ce: {  	v2 =	vmpcnt.ones.xlane vm0  }
0x3cf: {  	s15 =	spop (v2sf)  }
0x3d0: {  	(v2sf) =	vpush v2, $0x0;
	s29 =	sadd.s32 s29, s15  }
0x3d1: {  	[tilespmem:s29+$0x10780] =	vst.msk vm0, v29  }
0x3d2: {  	[tilespmem:s29+$0x10B00] =	vst.msk vm0, v1  }
.Ltmp33:
0x3d3: {  	(pc) =	sbr.rel @p3 .LBB2_35-.Ltmp33, $3  }
0x3d4: {  	_ =	sdelay $0x1  }
0x3d5: {  	s12 =	sadd.s32 $0x10, s12  }
0x3d6: {  	s14 =	sadd.s32 $0xFFFFFFFF, s14;
	v29 =	vld [tilespmem:s12+$0x0]  }
.LBB2_36:
0x3d7: {  	_ = 	snop  }
0x3d8: {  	s6 =	sadd.s32 @p2 $0x10, s6;
	s12 =	simm.s32 $0x0  }
0x3d9: {  	s12 =	smov.u32 @p2 s6  }
0x3da: {  	v1 =	vor.u32 s12, v0  }
0x3db: {  	vm0 =	vlt.s32 v1, v26;
	vm1 =	vlt.f32 v29, v27  }
0x3dc: {  	vm0 =	vmand vm0, vm1  }
0x3dd: {  	v1 =	vmpcnt.ones.xlane vm0;
	_ =	sdelay $0x1  }
0x3de: {  	(v2sf) =	vpush v1, $0x0;
	_ =	sdelay $0x6  }
0x3df: {  	s2 =	sadd.s32 @p2 $0x10, s2;
	s6 =	simm.s32 $0x10480  }
0x3e0: {  	s6 =	smov.u32 @p2 s2  }
0x3e1: {  	v1 =	vld [tilespmem:s6+$0x0]  }
0x3e2: {  	s2 =	spop @p2 (v2sf)  }
0x3e3: {  	s2 =	sadd.s32 @p2 s29, s2;
	s6 =	simm.s32 $0x0  }
.Ltmp34:
0x3e4: {  	s6 =	smov.u32 @p2 s2;
	(pc) =	sbr.rel @!p1 .LBB2_37-.Ltmp34, $4  }
0x3e5: {  	[tilespmem:s6+$0x10780] =	vst.msk vm0, v29  }
0x3e6: {  	[tilespmem:s6+$0x10B00] =	vst.msk vm0, v1  }
0x3e7: {  	v29 =	vld [tilespmem:s28+$0x0];
	s31 =	spop (v2sf)  }
0x3e8: {  	s29 =	sadd.s32 s6, s31  }
0x3e9: {  	_ =	sdelay $0x2  }
0x3ea: {  	vm0 =	vlt.s32 v28, v26;
	vm1 =	veq.f32 v29, v27  }
0x3eb: {  	vm0 =	vmand vm0, vm1  }
0x3ec: {  	v2 =	vmpcnt.ones.xlane vm0;
	_ =	sdelay $0x1  }
0x3ed: {  	v1 =	vld [tilespmem:s24+$0x0];
	(v2sf) =	vpush v2, $0x0;
	_ =	sdelay $0x1  }
0x3ee: {  	p1 =	sne.s32 s26, $0x1  }
.Ltmp35:
0x3ef: {  	_ = 	snop;
	(pc) =	sbr.rel @!p1 .LBB2_39-.Ltmp35, $4  }
0x3f0: {  	[tilespmem:s29+$0x10780] =	vst.msk vm0, v29  }
0x3f1: {  	s12 =	simm.s32 $0x10190;
	[tilespmem:s29+$0x10B00] =	vst.msk vm0, v1  }
0x3f2: {  	s14 =	sadd.s32 $0xFFFFFFFF, s26;
	p0 =	por $0x1, $0x1;
	v29 =	vld [tilespmem:s12+$0x0]  }
0x3f3: {  	s6 =	simm.s32 $0x0;
	s2 =	simm.s32 $0x10480;
	s26 =	smov.u32 s29  }
.LBB2_40:
0x3f4: {  	p1 =	sne.s32 s14, $0x1;
	_ =	sdelay $0x1  }
0x3f5: {  	s6 =	sadd.s32 $0x10, s6  }
0x3f6: {  	v1 =	vor.u32 s6, v0  }
0x3f7: {  	vm1 =	veq.f32 v29, v27;
	s2 =	sadd.s32 $0x10, s2;
	vm0 =	vlt.s32 v1, v26  }
0x3f8: {  	vm0 =	vmand vm0, vm1;
	v1 =	vld [tilespmem:s2+$0x0]  }
0x3f9: {  	v2 =	vmpcnt.ones.xlane vm0  }
0x3fa: {  	s15 =	spop (v2sf)  }
0x3fb: {  	(v2sf) =	vpush v2, $0x0;
	s26 =	sadd.s32 s26, s15  }
0x3fc: {  	[tilespmem:s26+$0x10780] =	vst.msk vm0, v29  }
0x3fd: {  	[tilespmem:s26+$0x10B00] =	vst.msk vm0, v1  }
.Ltmp36:
0x3fe: {  	(pc) =	sbr.rel @p1 .LBB2_40-.Ltmp36, $3  }
0x3ff: {  	_ =	sdelay $0x1  }
0x400: {  	s12 =	sadd.s32 $0x10, s12  }
0x401: {  	s14 =	sadd.s32 $0xFFFFFFFF, s14;
	v29 =	vld [tilespmem:s12+$0x0]  }
.Ltmp37:
0x402: {  	_ = 	snop;
	(pc) =	sbr.rel .LBB2_41-.Ltmp37, $1  }
0x403: {  	_ =	sdelay $0x3  }
.LBB2_32:
.Ltmp38:
0x404: {  	(pc) =	sbr.rel .LBB2_36-.Ltmp38, $3  }
0x405: {  	_ =	sdelay $0x1  }
0x406: {  	s6 =	simm.s32 $0x0  }
0x407: {  	s2 =	simm.s32 $0x10480;
	s29 =	simm.s32 $0x0;
	p2 =	por $0x0, $0x0  }
.LBB2_34:
.Ltmp39:
0x408: {  	(pc) =	sbr.rel .LBB2_36-.Ltmp39, $2  }
0x409: {  	_ =	sdelay $0x2  }
0x40a: {  	s6 =	simm.s32 $0x0;
	s2 =	simm.s32 $0x10480;
	s29 =	simm.s32 $0x0  }
.LBB2_39:
.Ltmp40:
0x40b: {  	(pc) =	sbr.rel .LBB2_41-.Ltmp40, $2  }
0x40c: {  	_ =	sdelay $0x2  }
0x40d: {  	s6 =	simm.s32 $0x0;
	s2 =	simm.s32 $0x10480;
	s26 =	smov.u32 s29  }
.LBB2_44:
0x40e: {  	_ =	sfence.sel $0x180000  }
0x40f: {  	[bflag:$0x0] =	sbarrier.arrive $0xFFFF  }
0x410: {  	_ =	strace $0x90000047  }
0x411: {  	s0 =	stileid.u32;
	[bflag:$0x2] =	sbarrier.arrive $0xFFFF  }
0x412: {  	p0 =	sne.s32 s0, $0x0;
	s0 =	rddreg [dreg:$0x4]  }
0x413: {  	s0 =	sadd.s32 @!p0 $0x100000, s0  }
0x414: {  	[sflag:s0] =	ssyncadd.tile.s32 @!p0 $0x1;
	_ =	shalt  }
.Lfunc_end2:
_tile_overlayer_lowered:
.L_overlay_start_2:
0x415: {  	(tag) =	ssettag $0x2  }
0x416: {  	s0 =	rddreg [dreg:$0x0];
	s2 =	stileid.u32  }
0x417: {  	s1 =	rddreg [dreg:$0x1];
	p0 =	sne.s32 s2, $0x0  }
0x418: {  	s3 =	rddreg [dreg:$0x2];
	[bflag:$0x3] =	sbarrier.arrive $0xFFFF;
	s2 =	simm.s32 @!p0 $0x1C01  }
0x419: {  	[timem:s3], [sflag:s2] =	dma.local @!p0 [hbm:s0], s1  }
0x41a: {  	s0 =	simm.s32 @!p0 $0x1  }
0x41b: {  	_ =	swait.ge @!p0 [sflag:s0], s1  }
0x41c: {  	s1 =	ssub.s32 @!p0 $0x0, s1;
	[sflag:s0] =	ssyncset.done @!p0 $0x0  }
0x41d: {  	[sflag:s0] =	ssyncadd.s32 @!p0 s1  }
0x41e: {  	[bflag:$0x3] =	sbarrier.arrive $0xFFFF  }
0x41f: {  	_ =	shalt  }

</sc_bundles>
